<compile_context>
chip_gen: v7x
topology: tpu7x:2x2x1
jax: 0.10.2.dev20260603
libtpu: 0.0.44.dev20260713+nightly
codegen_flags: <defaults>
</compile_context>

<pallas_src>
import functools

import numpy as np
import jax
import jax.numpy as jnp
from jax import lax
from jax.experimental import pallas as pl
from jax.experimental.pallas import tpu as pltpu
from jax.experimental.pallas import tpu_sc as plsc

_L = 10
_DIM = 4
_T = 1 << 16
_BASE_RES = 16
_FINEST = 16 * 2 ** 10
_N = 524288
_HIDDEN = 64
_OUT = 13
_SCALE_MULTI = 0.5
_PER_LEVEL_SCALE = 2.0

_bg = np.exp((np.log(_FINEST) - np.log(_BASE_RES)) / (_L - 1))
_RES = [int(np.floor(_BASE_RES * _bg ** l)) for l in range(_L)]
_P1 = -1640531535
_P2 = 805459861

_NSUB = 16
_LPC = _L // 2
_HALF = _LPC * _T * 2
_PTS_PER_TILE = _N // _NSUB
_C = 1024
_G = _C // 16
_NCHUNK = _PTS_PER_TILE // _C

_SELU_LAM = 1.0507009873554805
_SELU_ALPHA = 1.6732632423543772


_PLANE = _LPC * _T
_TBPL = _T // 128
_STG_NBLK = _LPC * _TBPL // _NSUB
_LVL_WORDS = _T * _DIM


def _sc_encode(xc0, xc1, xc2, tab4):
    mesh = plsc.VectorSubcoreMesh(core_axis_name="c", subcore_axis_name="s")

    @functools.partial(
        pl.kernel,
        out_type=(
            jax.ShapeDtypeStruct((_LPC * _DIM, _N), jnp.float32),
            jax.ShapeDtypeStruct((_LPC * _DIM, _N), jnp.float32),
        ),
        mesh=mesh,
        scratch_types=[
            pltpu.VMEM((3 * _C,), jnp.float32),
            pltpu.VMEM((_LPC * _DIM, 2 * _C), jnp.float32),
            pltpu.VMEM((_LPC, 128), jnp.int32),
            pltpu.VMEM((_LPC * 2, 128), jnp.int32),
            pltpu.VMEM((512,), jnp.float32),
            pltpu.VMEM((128,), jnp.int32),
            pltpu.VMEM((128,), jnp.int32),
            pltpu.VMEM_SHARED((_PLANE,), jnp.int32),
            pltpu.VMEM_SHARED((_PLANE,), jnp.int32),
            pltpu.SemaphoreType.DMA,
            pltpu.SemaphoreType.DMA,
        ],
    )
    def enc(x0_hbm, x1_hbm, x2_hbm, tab_hbm, outA_hbm, outB_hbm,
            x_v, f_v, idx_v, rows_v, tin_v, tp0_v, tp1_v, sp0, sp1, gsem, ssem):
        cc = lax.axis_index("c")
        sid = lax.axis_index("s")
        ccz = cc == 0

        coreoff = cc * (_LPC * _LVL_WORDS)

        def _rne(u):
            return lax.shift_right_logical(
                u + 32767 + (lax.shift_right_logical(u, 16) & 1), 16
            )

        def stage_body(blk, scarry):
            b = sid * _STG_NBLK + blk
            ll = b // _TBPL
            tb = b % _TBPL
            pltpu.sync_copy(
                tab_hbm.at[pl.ds(coreoff + b * 512, 512)], tin_v
            )
            for a in range(8):
                d0 = lax.bitcast_convert_type(
                    tin_v[pl.ds(a * 16, 16)], jnp.int32)
                d1 = lax.bitcast_convert_type(
                    tin_v[pl.ds(128 + a * 16, 16)], jnp.int32)
                d2 = lax.bitcast_convert_type(
                    tin_v[pl.ds(256 + a * 16, 16)], jnp.int32)
                d3 = lax.bitcast_convert_type(
                    tin_v[pl.ds(384 + a * 16, 16)], jnp.int32)
                tp0_v[pl.ds(a * 16, 16)] = _rne(d0) | (_rne(d1) << 16)
                tp1_v[pl.ds(a * 16, 16)] = _rne(d2) | (_rne(d3) << 16)
            dst0 = ll * _T + tb * 128
            pltpu.sync_copy(tp0_v, sp0.at[pl.ds(dst0, 128)])
            pltpu.sync_copy(tp1_v, sp1.at[pl.ds(dst0, 128)])
            return scarry

        lax.fori_loop(0, _STG_NBLK, stage_body, 0)
        plsc.subcore_barrier()

        tile_base = sid * _PTS_PER_TILE

        def chunk_body(ch, carry):
            base = tile_base + ch * _C
            fb = (ch & 1) * _C
            @pl.when(ch >= 2)
            def _():
                pltpu.make_async_copy(
                    f_v.at[:, pl.ds(0, _C)],
                    outA_hbm.at[:, pl.ds(0, _C)],
                    ssem,
                ).wait()
            pltpu.sync_copy(x0_hbm.at[pl.ds(base, _C)], x_v.at[pl.ds(0, _C)])
            pltpu.sync_copy(x1_hbm.at[pl.ds(base, _C)], x_v.at[pl.ds(_C, _C)])
            pltpu.sync_copy(x2_hbm.at[pl.ds(base, _C)], x_v.at[pl.ds(2 * _C, _C)])

            def group_body(g, gcarry):
                off = g * 16
                xr = x_v[pl.ds(off, 16)]
                yr = x_v[pl.ds(_C + off, 16)]
                zr = x_v[pl.ds(2 * _C + off, 16)]

                handles = []
                sxs = []
                for ll in range(_LPC):
                    resf = jnp.where(ccz, float(_RES[ll]), float(_RES[ll + _LPC]))
                    sx = xr * resf
                    sy = yr * resf
                    sz = zr * resf
                    sxs.append((sx, sy, sz))
                    bx = sx.astype(jnp.int32)
                    by = sy.astype(jnp.int32)
                    bz = sz.astype(jnp.int32)
                    hy0 = by * _P1
                    hy1 = hy0 + _P1
                    hz0 = bz * _P2
                    hz1 = hz0 + _P2
                    bx1 = bx + 1
                    lbase = ll * _T
                    cnum = 0
                    for i in (0, 1):
                        hx = bx1 if i else bx
                        for j in (0, 1):
                            hy = hy1 if j else hy0
                            for k in (0, 1):
                                hz = hz1 if k else hz0
                                e = ((hx ^ hy ^ hz) & (_T - 1)) | lbase
                                idx_v[ll, pl.ds(cnum * 16, 16)] = e
                                cnum += 1
                    handles.append(
                        pltpu.async_copy(sp0.at[idx_v.at[ll]], rows_v.at[ll * 2], gsem)
                    )
                    handles.append(
                        pltpu.async_copy(sp1.at[idx_v.at[ll]], rows_v.at[ll * 2 + 1], gsem)
                    )
                for hd in handles:
                    hd.wait()

                for ll in range(_LPC):
                    sx, sy, sz = sxs[ll]
                    fx = sx - sx.astype(jnp.int32).astype(jnp.float32)
                    fy = sy - sy.astype(jnp.int32).astype(jnp.float32)
                    fz = sz - sz.astype(jnp.int32).astype(jnp.float32)
                    wxs = (1.0 - fx, fx)
                    wys = (1.0 - fy, fy)
                    wzs = (1.0 - fz, fz)
                    acc = [None] * _DIM
                    cnum = 0
                    for i in (0, 1):
                        for j in (0, 1):
                            wxy = wxs[i] * wys[j]
                            for k in (0, 1):
                                w = wxy * wzs[k]
                                for dp in range(2):
                                    rv = rows_v[ll * 2 + dp, pl.ds(cnum * 16, 16)]
                                    flo = lax.bitcast_convert_type(
                                        rv << 16, jnp.float32
                                    )
                                    fhi = lax.bitcast_convert_type(
                                        rv & jnp.int32(-65536), jnp.float32
                                    )
                                    d0 = dp * 2
                                    acc[d0] = (
                                        w * flo if acc[d0] is None
                                        else acc[d0] + w * flo
                                    )
                                    acc[d0 + 1] = (
                                        w * fhi if acc[d0 + 1] is None
                                        else acc[d0 + 1] + w * fhi
                                    )
                                cnum += 1
                    for d in range(_DIM):
                        f_v[ll * _DIM + d, pl.ds(fb + off, 16)] = acc[d]
                return gcarry

            lax.fori_loop(0, _G, group_body, 0)

            fsrc = f_v.at[:, pl.ds(fb, _C)]

            @pl.when(ccz)
            def _():
                pltpu.async_copy(fsrc, outA_hbm.at[:, pl.ds(base, _C)], ssem)

            @pl.when(jnp.logical_not(ccz))
            def _():
                pltpu.async_copy(fsrc, outB_hbm.at[:, pl.ds(base, _C)], ssem)

            return carry

        lax.fori_loop(0, _NCHUNK, chunk_body, 0)
        for _i in range(2):
            pltpu.make_async_copy(
                f_v.at[:, pl.ds(0, _C)],
                outA_hbm.at[:, pl.ds(0, _C)],
                ssem,
            ).wait()

    return enc(xc0, xc1, xc2, tab4)


def _selu(h):
    return _SELU_LAM * jnp.where(h > 0, h, _SELU_ALPHA * (jnp.exp(h) - 1.0))


def _mlp(fA, fB, cr2, W1, b1, W2, b2, W3, b3):
    B = 2048
    grid = (_N // B,)
    HR = _LPC * _DIM

    def body(fA_ref, fB_ref, cr_ref, w1_ref, b1_ref, w2_ref, b2_ref, w3_ref,
             b3_ref, o_ref):
        crv = cr_ref[...]
        nrow = lax.broadcasted_iota(jnp.int32, (HR, B), 0)
        nmod = (nrow % _L).astype(jnp.float32)
        crf = crv * _SCALE_MULTI
        inner = (_PER_LEVEL_SCALE * 4.0 * nmod) * crf
        denom = jnp.sqrt(jnp.maximum(inner, 1e-12))
        erf_x = 1.0 / jnp.maximum(denom, 1e-12)
        scaling = lax.erf(erf_x)
        w1 = w1_ref[...]
        dn = (((0,), (0,)), ((), ()))
        h = (
            lax.dot_general(fA_ref[...] * scaling, w1[:HR],
                            dn, preferred_element_type=jnp.float32)
            + lax.dot_general(fB_ref[...] * scaling, w1[HR:],
                              dn, preferred_element_type=jnp.float32)
            + b1_ref[...]
        )
        h = _selu(h)
        h = jnp.dot(h, w2_ref[...], preferred_element_type=jnp.float32) + b2_ref[...]
        h = _selu(h)
        o_ref[...] = (
            lax.dot_general(w3_ref[...], h, (((0,), (1,)), ((), ())),
                            preferred_element_type=jnp.float32)
            + b3_ref[...].reshape(_OUT, 1)
        )

    return pl.pallas_call(
        body,
        grid=grid,
        in_specs=[
            pl.BlockSpec((HR, B), lambda i: (0, i)),
            pl.BlockSpec((HR, B), lambda i: (0, i)),
            pl.BlockSpec((1, B), lambda i: (0, i)),
            pl.BlockSpec((_L * _DIM, _HIDDEN), lambda i: (0, 0)),
            pl.BlockSpec((1, _HIDDEN), lambda i: (0, 0)),
            pl.BlockSpec((_HIDDEN, _HIDDEN), lambda i: (0, 0)),
            pl.BlockSpec((1, _HIDDEN), lambda i: (0, 0)),
            pl.BlockSpec((_HIDDEN, _OUT), lambda i: (0, 0)),
            pl.BlockSpec((1, _OUT), lambda i: (0, 0)),
        ],
        out_specs=pl.BlockSpec((_OUT, B), lambda i: (0, i)),
        out_shape=jax.ShapeDtypeStruct((_OUT, _N), jnp.float32),
    )(fA, fB, cr2, W1, b1, W2, b2, W3, b3)


def kernel(x, cr, tables, W1, b1, W2, b2, W3, b3):
    xc0, xc1, xc2 = x[:, 0], x[:, 1], x[:, 2]
    tab4 = tables.reshape(_L, _T // 128, 128, _DIM).transpose(0, 1, 3, 2).reshape(-1)
    fA, fB = _sc_encode(xc0, xc1, xc2, tab4)
    outT = _mlp(
        fA,
        fB,
        cr.reshape(1, -1),
        W1,
        b1.reshape(1, -1),
        W2,
        b2.reshape(1, -1),
        W3,
        b3.reshape(1, -1),
    )
    return outT.T

# --- scband reference (transcript-rebuilt; emitter-appended) ---
"""Pipeline reference for scband-i-ngpdw-77747497992552 (READ-ONLY COPY).

The authoritative reference and input builder live on the scoring server;
editing this copy changes nothing except your own understanding.
"""

import jax, jax.numpy as jnp
import numpy as np

L = 10
DIM = 4
LOG2_T = 16
T = 1 << LOG2_T
BASE_RES = 16
PER_LEVEL_SCALE = 2.0
FINEST_RES = 16 * 2 ** 10
SCALE_MULTI = 0.5
HIDDEN = 64
OUT_DIM = 13
N = 524288

_b = np.exp((np.log(FINEST_RES) - np.log(BASE_RES)) / (L - 1))
RESOLUTIONS = [int(np.floor(BASE_RES * _b ** l)) for l in range(L)]
_PRIMES = np.array([1, 2654435761, 805459861], dtype=np.uint32)
_OFFSETS = np.array([[i, j, k] for i in (0, 1) for j in (0, 1) for k in (0, 1)], dtype=np.uint32)


def _xavier(key, fan_in, fan_out, gain):
    a = gain * np.sqrt(6.0 / (fan_in + fan_out))
    return jax.random.uniform(key, (fan_in, fan_out), jnp.float32, -a, a)


def setup_inputs(seed: int = 0):
    key = jax.random.key(seed)
    ks = jax.random.split(key, 8)
    gain = float(np.sqrt(2.0))
    return {
        "x": jax.random.uniform(ks[0], (N, 3), jnp.float32),
        "cr": jax.random.uniform(ks[1], (N,), jnp.float32),
        "tables": jax.random.uniform(ks[2], (L, T, DIM), jnp.float32, -1e-4, 1e-4),
        "W1": _xavier(ks[3], L * DIM, HIDDEN, gain),
        "b1": jnp.zeros((HIDDEN,), jnp.float32),
        "W2": _xavier(ks[4], HIDDEN, HIDDEN, gain),
        "b2": jnp.zeros((HIDDEN,), jnp.float32),
        "W3": _xavier(ks[5], HIDDEN, OUT_DIM, gain),
        "b3": jnp.zeros((OUT_DIM,), jnp.float32),
    }


def _hash_encode(x, tables):
    # multiresolution hash grid with trilinear interpolation (instant-NGP style)
    offs = jnp.asarray(_OFFSETS)                     # [8, 3] uint32
    primes = jnp.asarray(_PRIMES)                    # [3] uint32
    feats = []
    for l in range(L):
        res = float(RESOLUTIONS[l])
        scaled = x * res
        gmin = jnp.floor(scaled)
        frac = scaled - gmin                         # [N, 3]
        base = gmin.astype(jnp.uint32)               # [N, 3]
        corners = base[:, None, :] + offs[None, :, :]  # [N, 8, 3]
        h = (corners[..., 0] * primes[0]) ^ (corners[..., 1] * primes[1]) ^ (corners[..., 2] * primes[2])
        idx = (h & jnp.uint32(T - 1)).astype(jnp.int32)  # [N, 8]
        emb = jnp.take(tables[l], idx, axis=0)       # [N, 8, DIM]
        w = jnp.where(offs[None, :, :] == 1, frac[:, None, :], 1.0 - frac[:, None, :])
        w = jnp.prod(w, axis=-1)                     # [N, 8]
        feats.append(jnp.sum(emb * w[..., None], axis=1))  # [N, DIM]
    return jnp.concatenate(feats, axis=-1)           # [N, L*DIM]


def _forward(x, cr, tables, W1, b1, W2, b2, W3, b3):
    x = jax.lax.stop_gradient(x)  # x.detach() in original
    out = _hash_encode(x, tables).astype(jnp.float32)
    out = out.reshape(-1, DIM, L)
    crf = cr.astype(jnp.float32) * SCALE_MULTI
    n = jnp.arange(L, dtype=jnp.float32).reshape(1, 1, -1)
    inner = PER_LEVEL_SCALE * 4.0 * n * crf.reshape(-1, 1, 1)
    denom = jnp.sqrt(jnp.maximum(inner, 1e-12))      # safe_sqrt
    erf_x = 1.0 / jnp.maximum(denom, 1e-12)          # safe_div
    scaling = jax.lax.erf(erf_x)
    out = out * scaling
    out = out.reshape(-1, L * DIM)
    h = jax.nn.selu(out @ W1 + b1)
    h = jax.nn.selu(h @ W2 + b2)
    return h @ W3 + b3


def reference(x, cr, tables, W1, b1, W2, b2, W3, b3):
    return _forward(x, cr, tables, W1, b1, W2, b2, W3, b3)

if __name__ == "__main__":
    import jax
    _d = setup_inputs()
    print(jax.jit(kernel)(*tuple(_d.values())))

</pallas_src>

<mosaic_0001>
#map = affine_map<(d0, d1) -> (0)>
#map1 = affine_map<(d0, d1) -> (0, 0)>
module attributes {stable_mosaic.version = 14 : i64} {
  func.func @enc(%arg0: i32, %arg1: i32, %arg2: memref<524288xf32, #tpu.memory_space<hbm>>, %arg3: memref<524288xf32, #tpu.memory_space<hbm>>, %arg4: memref<524288xf32, #tpu.memory_space<hbm>>, %arg5: memref<2621440xf32, #tpu.memory_space<hbm>>, %arg6: memref<20x524288xf32, #tpu.memory_space<hbm>>, %arg7: memref<20x524288xf32, #tpu.memory_space<hbm>>, %arg8: memref<3072xf32, #tpu.memory_space<vmem>>, %arg9: memref<20x2048xf32, #tpu.memory_space<vmem>>, %arg10: memref<5x128xi32, #tpu.memory_space<vmem>>, %arg11: memref<10x128xi32, #tpu.memory_space<vmem>>, %arg12: memref<512xf32, #tpu.memory_space<vmem>>, %arg13: memref<128xi32, #tpu.memory_space<vmem>>, %arg14: memref<128xi32, #tpu.memory_space<vmem>>, %arg15: memref<327680xi32, #tpu.memory_space<vmem_shared>>, %arg16: memref<327680xi32, #tpu.memory_space<vmem_shared>>, %arg17: memref<!tpu.dma_semaphore, #tpu.memory_space<semaphore_mem>>, %arg18: memref<!tpu.dma_semaphore, #tpu.memory_space<semaphore_mem>>) attributes {dimension_semantics = [#tpu.dimension_semantics<core_parallel>, #tpu.dimension_semantics<subcore_parallel>], iteration_bounds = array<i64: 2, 16>, scalar_prefetch = 0 : i64, scratch_operands = 11 : i64, tpu.core_type = #tpu.core_type<sc_vector_subcore>, window_params = [{transform_indices = #map}, {transform_indices = #map}, {transform_indices = #map}, {transform_indices = #map}, {transform_indices = #map1}, {transform_indices = #map1}]} {
    %eq3A = arith.constant 0 : i32
    %eq3A_0 = arith.cmpi eq, %arg0, %eq3A : i32
    %mul3A = arith.constant 1310720 : i32
    %mul3A_1 = arith.muli %arg0, %mul3A : i32
    %scan3A = arith.constant 0 : i32
    %scan3A_2 = arith.constant 0 : i32
    %scan3A_3 = arith.constant 160 : i32
    %scan3A_4 = arith.addi %scan3A_2, %scan3A_3 : i32
    %scan3A_5 = arith.constant 1 : i32
    scf.for %scan3A_38 = %scan3A_2 to %scan3A_4 step %scan3A_5  : i32 {
      %mul3A_39 = arith.constant 160 : i32
      %mul3A_40 = arith.muli %arg1, %mul3A_39 : i32
      %add3A = arith.addi %mul3A_40, %scan3A_38 : i32
      %jit3A = arith.constant 512 : i32
      %div3A = arith.divsi %add3A, %jit3A : i32
      %sign3A = arith.constant 0 : i32
      %sign3A_41 = arith.cmpi sgt, %add3A, %sign3A : i32
      %sign3A_42 = arith.extui %sign3A_41 : i1 to i32
      %sign3A_43 = arith.constant 0 : i32
      %sign3A_44 = arith.cmpi slt, %add3A, %sign3A_43 : i32
      %sign3A_45 = arith.extui %sign3A_44 : i1 to i32
      %sign3A_46 = arith.subi %sign3A_42, %sign3A_45 : i32
      %sign3A_47 = arith.constant 0 : i32
      %sign3A_48 = arith.cmpi sgt, %jit3A, %sign3A_47 : i32
      %sign3A_49 = arith.extui %sign3A_48 : i1 to i32
      %sign3A_50 = arith.constant 0 : i32
      %sign3A_51 = arith.cmpi slt, %jit3A, %sign3A_50 : i32
      %sign3A_52 = arith.extui %sign3A_51 : i1 to i32
      %sign3A_53 = arith.subi %sign3A_49, %sign3A_52 : i32
      %ne3A = arith.cmpi ne, %sign3A_46, %sign3A_53 : i32
      %rem3A = arith.remsi %add3A, %jit3A : i32
      %ne3A_54 = arith.constant 0 : i32
      %ne3A_55 = arith.cmpi ne, %rem3A, %ne3A_54 : i32
      %and3A = arith.andi %ne3A, %ne3A_55 : i1
      %sub3A = arith.constant 1 : i32
      %sub3A_56 = arith.subi %div3A, %sub3A : i32
      %select_n3A = arith.select %and3A, %sub3A_56, %div3A : i32
      %jit3A_57 = arith.constant 512 : i32
      %eq3A_58 = arith.constant 0 : i32
      %eq3A_59 = arith.cmpi eq, %jit3A_57, %eq3A_58 : i32
      %jit3A_60 = arith.constant 1 : i32
      %select_n3A_61 = arith.select %eq3A_59, %jit3A_60, %jit3A_57 : i32
      %rem3A_62 = arith.remsi %add3A, %select_n3A_61 : i32
      %ne3A_63 = arith.constant 0 : i32
      %ne3A_64 = arith.cmpi ne, %rem3A_62, %ne3A_63 : i32
      %lt3A = arith.constant 0 : i32
      %lt3A_65 = arith.cmpi slt, %rem3A_62, %lt3A : i32
      %lt3A_66 = arith.constant 0 : i32
      %lt3A_67 = arith.cmpi slt, %select_n3A_61, %lt3A_66 : i32
      %ne3A_68 = arith.xori %lt3A_65, %lt3A_67 : i1
      %and3A_69 = arith.andi %ne3A_68, %ne3A_64 : i1
      %add3A_70 = arith.addi %rem3A_62, %select_n3A_61 : i32
      %select_n3A_71 = arith.select %and3A_69, %add3A_70, %rem3A_62 : i32
      %mul3A_72 = arith.constant 512 : i32
      %mul3A_73 = arith.muli %add3A, %mul3A_72 : i32
      %add3A_74 = arith.addi %mul3A_1, %mul3A_73 : i32
      "tpu.region"() ({
        %run_scoped3A = tpu.sem_alloc : memref<!tpu.dma_semaphore, #tpu.memory_space<semaphore_mem>>
        %dma_start3A = tpu.memref_slice %arg5[%add3A_74] : memref<2621440xf32, #tpu.memory_space<hbm>> -> memref<512xf32, #tpu.memory_space<hbm>>
        %dma_start3A_746 = tpu.memref_slice %arg5[%add3A_74] : memref<2621440xf32, #tpu.memory_space<hbm>> -> memref<512xf32, #tpu.memory_space<hbm>>
        tpu.enqueue_dma source(%dma_start3A_746 : memref<512xf32, #tpu.memory_space<hbm>>) target(%arg12 : memref<512xf32, #tpu.memory_space<vmem>>) target_semaphore(%run_scoped3A : memref<!tpu.dma_semaphore, #tpu.memory_space<semaphore_mem>>)
        %dma_wait3A_747 = tpu.memref_slice %arg5[%add3A_74] : memref<2621440xf32, #tpu.memory_space<hbm>> -> memref<512xf32, #tpu.memory_space<hbm>>
        %dma_wait3A_748 = tpu.memref_slice %arg5[%add3A_74] : memref<2621440xf32, #tpu.memory_space<hbm>> -> memref<512xf32, #tpu.memory_space<hbm>>
        tpu.wait_dma2 semaphore(%run_scoped3A : memref<!tpu.dma_semaphore, #tpu.memory_space<semaphore_mem>>) src(%dma_wait3A_748 : memref<512xf32, #tpu.memory_space<hbm>>) dst(%arg12 : memref<512xf32, #tpu.memory_space<vmem>>)
        tpu.yield
      }) : () -> ()
      %get3A = arith.constant 0 : index
      %get3A_75 = tpu.vector_load %arg12[%get3A] {strides = array<i32>} : memref<512xf32, #tpu.memory_space<vmem>>, vector<16xf32>,
      %get3A_76 = vector.shape_cast %get3A_75 : vector<16xf32> to vector<16xf32>
      %bitcast_convert_type3A = tpu.bitcast %get3A_76 : vector<16xf32> -> vector<16xi32>
      %get3A_77 = arith.constant 128 : index
      %get3A_78 = tpu.vector_load %arg12[%get3A_77] {strides = array<i32>} : memref<512xf32, #tpu.memory_space<vmem>>, vector<16xf32>,
      %get3A_79 = vector.shape_cast %get3A_78 : vector<16xf32> to vector<16xf32>
      %bitcast_convert_type3A_80 = tpu.bitcast %get3A_79 : vector<16xf32> -> vector<16xi32>
      %get3A_81 = arith.constant 256 : index
      %get3A_82 = tpu.vector_load %arg12[%get3A_81] {strides = array<i32>} : memref<512xf32, #tpu.memory_space<vmem>>, vector<16xf32>,
      %get3A_83 = vector.shape_cast %get3A_82 : vector<16xf32> to vector<16xf32>
      %bitcast_convert_type3A_84 = tpu.bitcast %get3A_83 : vector<16xf32> -> vector<16xi32>
      %get3A_85 = arith.constant 384 : index
      %get3A_86 = tpu.vector_load %arg12[%get3A_85] {strides = array<i32>} : memref<512xf32, #tpu.memory_space<vmem>>, vector<16xf32>,
      %get3A_87 = vector.shape_cast %get3A_86 : vector<16xf32> to vector<16xf32>
      %bitcast_convert_type3A_88 = tpu.bitcast %get3A_87 : vector<16xf32> -> vector<16xi32>
      %add3A_89 = arith.constant 32767 : i32
      %add3A_90 = vector.broadcast %add3A_89 : i32 to vector<16xi32>
      %add3A_91 = arith.addi %bitcast_convert_type3A, %add3A_90 : vector<16xi32>
      %shift_right_logical3A = arith.constant 16 : i32
      %shift_right_logical3A_92 = vector.broadcast %shift_right_logical3A : i32 to vector<16xi32>
      %shift_right_logical3A_93 = arith.shrui %bitcast_convert_type3A, %shift_right_logical3A_92 : vector<16xi32>
      %and3A_94 = arith.constant 1 : i32
      %and3A_95 = vector.broadcast %and3A_94 : i32 to vector<16xi32>
      %and3A_96 = arith.andi %shift_right_logical3A_93, %and3A_95 : vector<16xi32>
      %add3A_97 = arith.addi %add3A_91, %and3A_96 : vector<16xi32>
      %shift_right_logical3A_98 = arith.constant 16 : i32
      %shift_right_logical3A_99 = vector.broadcast %shift_right_logical3A_98 : i32 to vector<16xi32>
      %shift_right_logical3A_100 = arith.shrui %add3A_97, %shift_right_logical3A_99 : vector<16xi32>
      %add3A_101 = arith.constant 32767 : i32
      %add3A_102 = vector.broadcast %add3A_101 : i32 to vector<16xi32>
      %add3A_103 = arith.addi %bitcast_convert_type3A_80, %add3A_102 : vector<16xi32>
      %shift_right_logical3A_104 = arith.constant 16 : i32
      %shift_right_logical3A_105 = vector.broadcast %shift_right_logical3A_104 : i32 to vector<16xi32>
      %shift_right_logical3A_106 = arith.shrui %bitcast_convert_type3A_80, %shift_right_logical3A_105 : vector<16xi32>
      %and3A_107 = arith.constant 1 : i32
      %and3A_108 = vector.broadcast %and3A_107 : i32 to vector<16xi32>
      %and3A_109 = arith.andi %shift_right_logical3A_106, %and3A_108 : vector<16xi32>
      %add3A_110 = arith.addi %add3A_103, %and3A_109 : vector<16xi32>
      %shift_right_logical3A_111 = arith.constant 16 : i32
      %shift_right_logical3A_112 = vector.broadcast %shift_right_logical3A_111 : i32 to vector<16xi32>
      %shift_right_logical3A_113 = arith.shrui %add3A_110, %shift_right_logical3A_112 : vector<16xi32>
      %shift_left3A = arith.constant 16 : i32
      %shift_left3A_114 = vector.broadcast %shift_left3A : i32 to vector<16xi32>
      %shift_left3A_115 = arith.shli %shift_right_logical3A_113, %shift_left3A_114 : vector<16xi32>
      %or3A = arith.ori %shift_right_logical3A_100, %shift_left3A_115 : vector<16xi32>
      %swap3A = arith.constant 0 : index
      %swap3A_116 = tpu.vector_load %arg13[%swap3A] {strides = array<i32>} : memref<128xi32, #tpu.memory_space<vmem>>, vector<16xi32>,
      %swap3A_117 = vector.shape_cast %swap3A_116 : vector<16xi32> to vector<16xi32>
      %swap3A_118 = vector.shape_cast %or3A : vector<16xi32> to vector<16xi32>
      tpu.vector_store %arg13[%swap3A], %swap3A_118 {strides = array<i32>} : memref<128xi32, #tpu.memory_space<vmem>>, vector<16xi32>,
      %add3A_119 = arith.constant 32767 : i32
      %add3A_120 = vector.broadcast %add3A_119 : i32 to vector<16xi32>
      %add3A_121 = arith.addi %bitcast_convert_type3A_84, %add3A_120 : vector<16xi32>
      %shift_right_logical3A_122 = arith.constant 16 : i32
      %shift_right_logical3A_123 = vector.broadcast %shift_right_logical3A_122 : i32 to vector<16xi32>
      %shift_right_logical3A_124 = arith.shrui %bitcast_convert_type3A_84, %shift_right_logical3A_123 : vector<16xi32>
      %and3A_125 = arith.constant 1 : i32
      %and3A_126 = vector.broadcast %and3A_125 : i32 to vector<16xi32>
      %and3A_127 = arith.andi %shift_right_logical3A_124, %and3A_126 : vector<16xi32>
      %add3A_128 = arith.addi %add3A_121, %and3A_127 : vector<16xi32>
      %shift_right_logical3A_129 = arith.constant 16 : i32
      %shift_right_logical3A_130 = vector.broadcast %shift_right_logical3A_129 : i32 to vector<16xi32>
      %shift_right_logical3A_131 = arith.shrui %add3A_128, %shift_right_logical3A_130 : vector<16xi32>
      %add3A_132 = arith.constant 32767 : i32
      %add3A_133 = vector.broadcast %add3A_132 : i32 to vector<16xi32>
      %add3A_134 = arith.addi %bitcast_convert_type3A_88, %add3A_133 : vector<16xi32>
      %shift_right_logical3A_135 = arith.constant 16 : i32
      %shift_right_logical3A_136 = vector.broadcast %shift_right_logical3A_135 : i32 to vector<16xi32>
      %shift_right_logical3A_137 = arith.shrui %bitcast_convert_type3A_88, %shift_right_logical3A_136 : vector<16xi32>
      %and3A_138 = arith.constant 1 : i32
      %and3A_139 = vector.broadcast %and3A_138 : i32 to vector<16xi32>
      %and3A_140 = arith.andi %shift_right_logical3A_137, %and3A_139 : vector<16xi32>
      %add3A_141 = arith.addi %add3A_134, %and3A_140 : vector<16xi32>
      %shift_right_logical3A_142 = arith.constant 16 : i32
      %shift_right_logical3A_143 = vector.broadcast %shift_right_logical3A_142 : i32 to vector<16xi32>
      %shift_right_logical3A_144 = arith.shrui %add3A_141, %shift_right_logical3A_143 : vector<16xi32>
      %shift_left3A_145 = arith.constant 16 : i32
      %shift_left3A_146 = vector.broadcast %shift_left3A_145 : i32 to vector<16xi32>
      %shift_left3A_147 = arith.shli %shift_right_logical3A_144, %shift_left3A_146 : vector<16xi32>
      %or3A_148 = arith.ori %shift_right_logical3A_131, %shift_left3A_147 : vector<16xi32>
      %swap3A_149 = arith.constant 0 : index
      %swap3A_150 = tpu.vector_load %arg14[%swap3A_149] {strides = array<i32>} : memref<128xi32, #tpu.memory_space<vmem>>, vector<16xi32>,
      %swap3A_151 = vector.shape_cast %swap3A_150 : vector<16xi32> to vector<16xi32>
      %swap3A_152 = vector.shape_cast %or3A_148 : vector<16xi32> to vector<16xi32>
      tpu.vector_store %arg14[%swap3A_149], %swap3A_152 {strides = array<i32>} : memref<128xi32, #tpu.memory_space<vmem>>, vector<16xi32>,
      %get3A_153 = arith.constant 16 : index
      %get3A_154 = tpu.vector_load %arg12[%get3A_153] {strides = array<i32>} : memref<512xf32, #tpu.memory_space<vmem>>, vector<16xf32>,
      %get3A_155 = vector.shape_cast %get3A_154 : vector<16xf32> to vector<16xf32>
      %bitcast_convert_type3A_156 = tpu.bitcast %get3A_155 : vector<16xf32> -> vector<16xi32>
      %get3A_157 = arith.constant 144 : index
      %get3A_158 = tpu.vector_load %arg12[%get3A_157] {strides = array<i32>} : memref<512xf32, #tpu.memory_space<vmem>>, vector<16xf32>,
      %get3A_159 = vector.shape_cast %get3A_158 : vector<16xf32> to vector<16xf32>
      %bitcast_convert_type3A_160 = tpu.bitcast %get3A_159 : vector<16xf32> -> vector<16xi32>
      %get3A_161 = arith.constant 272 : index
      %get3A_162 = tpu.vector_load %arg12[%get3A_161] {strides = array<i32>} : memref<512xf32, #tpu.memory_space<vmem>>, vector<16xf32>,
      %get3A_163 = vector.shape_cast %get3A_162 : vector<16xf32> to vector<16xf32>
      %bitcast_convert_type3A_164 = tpu.bitcast %get3A_163 : vector<16xf32> -> vector<16xi32>
      %get3A_165 = arith.constant 400 : index
      %get3A_166 = tpu.vector_load %arg12[%get3A_165] {strides = array<i32>} : memref<512xf32, #tpu.memory_space<vmem>>, vector<16xf32>,
      %get3A_167 = vector.shape_cast %get3A_166 : vector<16xf32> to vector<16xf32>
      %bitcast_convert_type3A_168 = tpu.bitcast %get3A_167 : vector<16xf32> -> vector<16xi32>
      %add3A_169 = arith.constant 32767 : i32
      %add3A_170 = vector.broadcast %add3A_169 : i32 to vector<16xi32>
      %add3A_171 = arith.addi %bitcast_convert_type3A_156, %add3A_170 : vector<16xi32>
      %shift_right_logical3A_172 = arith.constant 16 : i32
      %shift_right_logical3A_173 = vector.broadcast %shift_right_logical3A_172 : i32 to vector<16xi32>
      %shift_right_logical3A_174 = arith.shrui %bitcast_convert_type3A_156, %shift_right_logical3A_173 : vector<16xi32>
      %and3A_175 = arith.constant 1 : i32
      %and3A_176 = vector.broadcast %and3A_175 : i32 to vector<16xi32>
      %and3A_177 = arith.andi %shift_right_logical3A_174, %and3A_176 : vector<16xi32>
      %add3A_178 = arith.addi %add3A_171, %and3A_177 : vector<16xi32>
      %shift_right_logical3A_179 = arith.constant 16 : i32
      %shift_right_logical3A_180 = vector.broadcast %shift_right_logical3A_179 : i32 to vector<16xi32>
      %shift_right_logical3A_181 = arith.shrui %add3A_178, %shift_right_logical3A_180 : vector<16xi32>
      %add3A_182 = arith.constant 32767 : i32
      %add3A_183 = vector.broadcast %add3A_182 : i32 to vector<16xi32>
      %add3A_184 = arith.addi %bitcast_convert_type3A_160, %add3A_183 : vector<16xi32>
      %shift_right_logical3A_185 = arith.constant 16 : i32
      %shift_right_logical3A_186 = vector.broadcast %shift_right_logical3A_185 : i32 to vector<16xi32>
      %shift_right_logical3A_187 = arith.shrui %bitcast_convert_type3A_160, %shift_right_logical3A_186 : vector<16xi32>
      %and3A_188 = arith.constant 1 : i32
      %and3A_189 = vector.broadcast %and3A_188 : i32 to vector<16xi32>
      %and3A_190 = arith.andi %shift_right_logical3A_187, %and3A_189 : vector<16xi32>
      %add3A_191 = arith.addi %add3A_184, %and3A_190 : vector<16xi32>
      %shift_right_logical3A_192 = arith.constant 16 : i32
      %shift_right_logical3A_193 = vector.broadcast %shift_right_logical3A_192 : i32 to vector<16xi32>
      %shift_right_logical3A_194 = arith.shrui %add3A_191, %shift_right_logical3A_193 : vector<16xi32>
      %shift_left3A_195 = arith.constant 16 : i32
      %shift_left3A_196 = vector.broadcast %shift_left3A_195 : i32 to vector<16xi32>
      %shift_left3A_197 = arith.shli %shift_right_logical3A_194, %shift_left3A_196 : vector<16xi32>
      %or3A_198 = arith.ori %shift_right_logical3A_181, %shift_left3A_197 : vector<16xi32>
      %swap3A_199 = arith.constant 16 : index
      %swap3A_200 = tpu.vector_load %arg13[%swap3A_199] {strides = array<i32>} : memref<128xi32, #tpu.memory_space<vmem>>, vector<16xi32>,
      %swap3A_201 = vector.shape_cast %swap3A_200 : vector<16xi32> to vector<16xi32>
      %swap3A_202 = vector.shape_cast %or3A_198 : vector<16xi32> to vector<16xi32>
      tpu.vector_store %arg13[%swap3A_199], %swap3A_202 {strides = array<i32>} : memref<128xi32, #tpu.memory_space<vmem>>, vector<16xi32>,
      %add3A_203 = arith.constant 32767 : i32
      %add3A_204 = vector.broadcast %add3A_203 : i32 to vector<16xi32>
      %add3A_205 = arith.addi %bitcast_convert_type3A_164, %add3A_204 : vector<16xi32>
      %shift_right_logical3A_206 = arith.constant 16 : i32
      %shift_right_logical3A_207 = vector.broadcast %shift_right_logical3A_206 : i32 to vector<16xi32>
      %shift_right_logical3A_208 = arith.shrui %bitcast_convert_type3A_164, %shift_right_logical3A_207 : vector<16xi32>
      %and3A_209 = arith.constant 1 : i32
      %and3A_210 = vector.broadcast %and3A_209 : i32 to vector<16xi32>
      %and3A_211 = arith.andi %shift_right_logical3A_208, %and3A_210 : vector<16xi32>
      %add3A_212 = arith.addi %add3A_205, %and3A_211 : vector<16xi32>
      %shift_right_logical3A_213 = arith.constant 16 : i32
      %shift_right_logical3A_214 = vector.broadcast %shift_right_logical3A_213 : i32 to vector<16xi32>
      %shift_right_logical3A_215 = arith.shrui %add3A_212, %shift_right_logical3A_214 : vector<16xi32>
      %add3A_216 = arith.constant 32767 : i32
      %add3A_217 = vector.broadcast %add3A_216 : i32 to vector<16xi32>
      %add3A_218 = arith.addi %bitcast_convert_type3A_168, %add3A_217 : vector<16xi32>
      %shift_right_logical3A_219 = arith.constant 16 : i32
      %shift_right_logical3A_220 = vector.broadcast %shift_right_logical3A_219 : i32 to vector<16xi32>
      %shift_right_logical3A_221 = arith.shrui %bitcast_convert_type3A_168, %shift_right_logical3A_220 : vector<16xi32>
      %and3A_222 = arith.constant 1 : i32
      %and3A_223 = vector.broadcast %and3A_222 : i32 to vector<16xi32>
      %and3A_224 = arith.andi %shift_right_logical3A_221, %and3A_223 : vector<16xi32>
      %add3A_225 = arith.addi %add3A_218, %and3A_224 : vector<16xi32>
      %shift_right_logical3A_226 = arith.constant 16 : i32
      %shift_right_logical3A_227 = vector.broadcast %shift_right_logical3A_226 : i32 to vector<16xi32>
      %shift_right_logical3A_228 = arith.shrui %add3A_225, %shift_right_logical3A_227 : vector<16xi32>
      %shift_left3A_229 = arith.constant 16 : i32
      %shift_left3A_230 = vector.broadcast %shift_left3A_229 : i32 to vector<16xi32>
      %shift_left3A_231 = arith.shli %shift_right_logical3A_228, %shift_left3A_230 : vector<16xi32>
      %or3A_232 = arith.ori %shift_right_logical3A_215, %shift_left3A_231 : vector<16xi32>
      %swap3A_233 = arith.constant 16 : index
      %swap3A_234 = tpu.vector_load %arg14[%swap3A_233] {strides = array<i32>} : memref<128xi32, #tpu.memory_space<vmem>>, vector<16xi32>,
      %swap3A_235 = vector.shape_cast %swap3A_234 : vector<16xi32> to vector<16xi32>
      %swap3A_236 = vector.shape_cast %or3A_232 : vector<16xi32> to vector<16xi32>
      tpu.vector_store %arg14[%swap3A_233], %swap3A_236 {strides = array<i32>} : memref<128xi32, #tpu.memory_space<vmem>>, vector<16xi32>,
      %get3A_237 = arith.constant 32 : index
      %get3A_238 = tpu.vector_load %arg12[%get3A_237] {strides = array<i32>} : memref<512xf32, #tpu.memory_space<vmem>>, vector<16xf32>,
      %get3A_239 = vector.shape_cast %get3A_238 : vector<16xf32> to vector<16xf32>
      %bitcast_convert_type3A_240 = tpu.bitcast %get3A_239 : vector<16xf32> -> vector<16xi32>
      %get3A_241 = arith.constant 160 : index
      %get3A_242 = tpu.vector_load %arg12[%get3A_241] {strides = array<i32>} : memref<512xf32, #tpu.memory_space<vmem>>, vector<16xf32>,
      %get3A_243 = vector.shape_cast %get3A_242 : vector<16xf32> to vector<16xf32>
      %bitcast_convert_type3A_244 = tpu.bitcast %get3A_243 : vector<16xf32> -> vector<16xi32>
      %get3A_245 = arith.constant 288 : index
      %get3A_246 = tpu.vector_load %arg12[%get3A_245] {strides = array<i32>} : memref<512xf32, #tpu.memory_space<vmem>>, vector<16xf32>,
      %get3A_247 = vector.shape_cast %get3A_246 : vector<16xf32> to vector<16xf32>
      %bitcast_convert_type3A_248 = tpu.bitcast %get3A_247 : vector<16xf32> -> vector<16xi32>
      %get3A_249 = arith.constant 416 : index
      %get3A_250 = tpu.vector_load %arg12[%get3A_249] {strides = array<i32>} : memref<512xf32, #tpu.memory_space<vmem>>, vector<16xf32>,
      %get3A_251 = vector.shape_cast %get3A_250 : vector<16xf32> to vector<16xf32>
      %bitcast_convert_type3A_252 = tpu.bitcast %get3A_251 : vector<16xf32> -> vector<16xi32>
      %add3A_253 = arith.constant 32767 : i32
      %add3A_254 = vector.broadcast %add3A_253 : i32 to vector<16xi32>
      %add3A_255 = arith.addi %bitcast_convert_type3A_240, %add3A_254 : vector<16xi32>
      %shift_right_logical3A_256 = arith.constant 16 : i32
      %shift_right_logical3A_257 = vector.broadcast %shift_right_logical3A_256 : i32 to vector<16xi32>
      %shift_right_logical3A_258 = arith.shrui %bitcast_convert_type3A_240, %shift_right_logical3A_257 : vector<16xi32>
      %and3A_259 = arith.constant 1 : i32
      %and3A_260 = vector.broadcast %and3A_259 : i32 to vector<16xi32>
      %and3A_261 = arith.andi %shift_right_logical3A_258, %and3A_260 : vector<16xi32>
      %add3A_262 = arith.addi %add3A_255, %and3A_261 : vector<16xi32>
      %shift_right_logical3A_263 = arith.constant 16 : i32
      %shift_right_logical3A_264 = vector.broadcast %shift_right_logical3A_263 : i32 to vector<16xi32>
      %shift_right_logical3A_265 = arith.shrui %add3A_262, %shift_right_logical3A_264 : vector<16xi32>
      %add3A_266 = arith.constant 32767 : i32
      %add3A_267 = vector.broadcast %add3A_266 : i32 to vector<16xi32>
      %add3A_268 = arith.addi %bitcast_convert_type3A_244, %add3A_267 : vector<16xi32>
      %shift_right_logical3A_269 = arith.constant 16 : i32
      %shift_right_logical3A_270 = vector.broadcast %shift_right_logical3A_269 : i32 to vector<16xi32>
      %shift_right_logical3A_271 = arith.shrui %bitcast_convert_type3A_244, %shift_right_logical3A_270 : vector<16xi32>
      %and3A_272 = arith.constant 1 : i32
      %and3A_273 = vector.broadcast %and3A_272 : i32 to vector<16xi32>
      %and3A_274 = arith.andi %shift_right_logical3A_271, %and3A_273 : vector<16xi32>
      %add3A_275 = arith.addi %add3A_268, %and3A_274 : vector<16xi32>
      %shift_right_logical3A_276 = arith.constant 16 : i32
      %shift_right_logical3A_277 = vector.broadcast %shift_right_logical3A_276 : i32 to vector<16xi32>
      %shift_right_logical3A_278 = arith.shrui %add3A_275, %shift_right_logical3A_277 : vector<16xi32>
      %shift_left3A_279 = arith.constant 16 : i32
      %shift_left3A_280 = vector.broadcast %shift_left3A_279 : i32 to vector<16xi32>
      %shift_left3A_281 = arith.shli %shift_right_logical3A_278, %shift_left3A_280 : vector<16xi32>
      %or3A_282 = arith.ori %shift_right_logical3A_265, %shift_left3A_281 : vector<16xi32>
      %swap3A_283 = arith.constant 32 : index
      %swap3A_284 = tpu.vector_load %arg13[%swap3A_283] {strides = array<i32>} : memref<128xi32, #tpu.memory_space<vmem>>, vector<16xi32>,
      %swap3A_285 = vector.shape_cast %swap3A_284 : vector<16xi32> to vector<16xi32>
      %swap3A_286 = vector.shape_cast %or3A_282 : vector<16xi32> to vector<16xi32>
      tpu.vector_store %arg13[%swap3A_283], %swap3A_286 {strides = array<i32>} : memref<128xi32, #tpu.memory_space<vmem>>, vector<16xi32>,
      %add3A_287 = arith.constant 32767 : i32
      %add3A_288 = vector.broadcast %add3A_287 : i32 to vector<16xi32>
      %add3A_289 = arith.addi %bitcast_convert_type3A_248, %add3A_288 : vector<16xi32>
      %shift_right_logical3A_290 = arith.constant 16 : i32
      %shift_right_logical3A_291 = vector.broadcast %shift_right_logical3A_290 : i32 to vector<16xi32>
      %shift_right_logical3A_292 = arith.shrui %bitcast_convert_type3A_248, %shift_right_logical3A_291 : vector<16xi32>
      %and3A_293 = arith.constant 1 : i32
      %and3A_294 = vector.broadcast %and3A_293 : i32 to vector<16xi32>
      %and3A_295 = arith.andi %shift_right_logical3A_292, %and3A_294 : vector<16xi32>
      %add3A_296 = arith.addi %add3A_289, %and3A_295 : vector<16xi32>
      %shift_right_logical3A_297 = arith.constant 16 : i32
      %shift_right_logical3A_298 = vector.broadcast %shift_right_logical3A_297 : i32 to vector<16xi32>
      %shift_right_logical3A_299 = arith.shrui %add3A_296, %shift_right_logical3A_298 : vector<16xi32>
      %add3A_300 = arith.constant 32767 : i32
      %add3A_301 = vector.broadcast %add3A_300 : i32 to vector<16xi32>
      %add3A_302 = arith.addi %bitcast_convert_type3A_252, %add3A_301 : vector<16xi32>
      %shift_right_logical3A_303 = arith.constant 16 : i32
      %shift_right_logical3A_304 = vector.broadcast %shift_right_logical3A_303 : i32 to vector<16xi32>
      %shift_right_logical3A_305 = arith.shrui %bitcast_convert_type3A_252, %shift_right_logical3A_304 : vector<16xi32>
      %and3A_306 = arith.constant 1 : i32
      %and3A_307 = vector.broadcast %and3A_306 : i32 to vector<16xi32>
      %and3A_308 = arith.andi %shift_right_logical3A_305, %and3A_307 : vector<16xi32>
      %add3A_309 = arith.addi %add3A_302, %and3A_308 : vector<16xi32>
      %shift_right_logical3A_310 = arith.constant 16 : i32
      %shift_right_logical3A_311 = vector.broadcast %shift_right_logical3A_310 : i32 to vector<16xi32>
      %shift_right_logical3A_312 = arith.shrui %add3A_309, %shift_right_logical3A_311 : vector<16xi32>
      %shift_left3A_313 = arith.constant 16 : i32
      %shift_left3A_314 = vector.broadcast %shift_left3A_313 : i32 to vector<16xi32>
      %shift_left3A_315 = arith.shli %shift_right_logical3A_312, %shift_left3A_314 : vector<16xi32>
      %or3A_316 = arith.ori %shift_right_logical3A_299, %shift_left3A_315 : vector<16xi32>
      %swap3A_317 = arith.constant 32 : index
      %swap3A_318 = tpu.vector_load %arg14[%swap3A_317] {strides = array<i32>} : memref<128xi32, #tpu.memory_space<vmem>>, vector<16xi32>,
      %swap3A_319 = vector.shape_cast %swap3A_318 : vector<16xi32> to vector<16xi32>
      %swap3A_320 = vector.shape_cast %or3A_316 : vector<16xi32> to vector<16xi32>
      tpu.vector_store %arg14[%swap3A_317], %swap3A_320 {strides = array<i32>} : memref<128xi32, #tpu.memory_space<vmem>>, vector<16xi32>,
      %get3A_321 = arith.constant 48 : index
      %get3A_322 = tpu.vector_load %arg12[%get3A_321] {strides = array<i32>} : memref<512xf32, #tpu.memory_space<vmem>>, vector<16xf32>,
      %get3A_323 = vector.shape_cast %get3A_322 : vector<16xf32> to vector<16xf32>
      %bitcast_convert_type3A_324 = tpu.bitcast %get3A_323 : vector<16xf32> -> vector<16xi32>
      %get3A_325 = arith.constant 176 : index
      %get3A_326 = tpu.vector_load %arg12[%get3A_325] {strides = array<i32>} : memref<512xf32, #tpu.memory_space<vmem>>, vector<16xf32>,
      %get3A_327 = vector.shape_cast %get3A_326 : vector<16xf32> to vector<16xf32>
      %bitcast_convert_type3A_328 = tpu.bitcast %get3A_327 : vector<16xf32> -> vector<16xi32>
      %get3A_329 = arith.constant 304 : index
      %get3A_330 = tpu.vector_load %arg12[%get3A_329] {strides = array<i32>} : memref<512xf32, #tpu.memory_space<vmem>>, vector<16xf32>,
      %get3A_331 = vector.shape_cast %get3A_330 : vector<16xf32> to vector<16xf32>
      %bitcast_convert_type3A_332 = tpu.bitcast %get3A_331 : vector<16xf32> -> vector<16xi32>
      %get3A_333 = arith.constant 432 : index
      %get3A_334 = tpu.vector_load %arg12[%get3A_333] {strides = array<i32>} : memref<512xf32, #tpu.memory_space<vmem>>, vector<16xf32>,
      %get3A_335 = vector.shape_cast %get3A_334 : vector<16xf32> to vector<16xf32>
      %bitcast_convert_type3A_336 = tpu.bitcast %get3A_335 : vector<16xf32> -> vector<16xi32>
      %add3A_337 = arith.constant 32767 : i32
      %add3A_338 = vector.broadcast %add3A_337 : i32 to vector<16xi32>
      %add3A_339 = arith.addi %bitcast_convert_type3A_324, %add3A_338 : vector<16xi32>
      %shift_right_logical3A_340 = arith.constant 16 : i32
      %shift_right_logical3A_341 = vector.broadcast %shift_right_logical3A_340 : i32 to vector<16xi32>
      %shift_right_logical3A_342 = arith.shrui %bitcast_convert_type3A_324, %shift_right_logical3A_341 : vector<16xi32>
      %and3A_343 = arith.constant 1 : i32
      %and3A_344 = vector.broadcast %and3A_343 : i32 to vector<16xi32>
      %and3A_345 = arith.andi %shift_right_logical3A_342, %and3A_344 : vector<16xi32>
      %add3A_346 = arith.addi %add3A_339, %and3A_345 : vector<16xi32>
      %shift_right_logical3A_347 = arith.constant 16 : i32
      %shift_right_logical3A_348 = vector.broadcast %shift_right_logical3A_347 : i32 to vector<16xi32>
      %shift_right_logical3A_349 = arith.shrui %add3A_346, %shift_right_logical3A_348 : vector<16xi32>
      %add3A_350 = arith.constant 32767 : i32
      %add3A_351 = vector.broadcast %add3A_350 : i32 to vector<16xi32>
      %add3A_352 = arith.addi %bitcast_convert_type3A_328, %add3A_351 : vector<16xi32>
      %shift_right_logical3A_353 = arith.constant 16 : i32
      %shift_right_logical3A_354 = vector.broadcast %shift_right_logical3A_353 : i32 to vector<16xi32>
      %shift_right_logical3A_355 = arith.shrui %bitcast_convert_type3A_328, %shift_right_logical3A_354 : vector<16xi32>
      %and3A_356 = arith.constant 1 : i32
      %and3A_357 = vector.broadcast %and3A_356 : i32 to vector<16xi32>
      %and3A_358 = arith.andi %shift_right_logical3A_355, %and3A_357 : vector<16xi32>
      %add3A_359 = arith.addi %add3A_352, %and3A_358 : vector<16xi32>
      %shift_right_logical3A_360 = arith.constant 16 : i32
      %shift_right_logical3A_361 = vector.broadcast %shift_right_logical3A_360 : i32 to vector<16xi32>
      %shift_right_logical3A_362 = arith.shrui %add3A_359, %shift_right_logical3A_361 : vector<16xi32>
      %shift_left3A_363 = arith.constant 16 : i32
      %shift_left3A_364 = vector.broadcast %shift_left3A_363 : i32 to vector<16xi32>
      %shift_left3A_365 = arith.shli %shift_right_logical3A_362, %shift_left3A_364 : vector<16xi32>
      %or3A_366 = arith.ori %shift_right_logical3A_349, %shift_left3A_365 : vector<16xi32>
      %swap3A_367 = arith.constant 48 : index
      %swap3A_368 = tpu.vector_load %arg13[%swap3A_367] {strides = array<i32>} : memref<128xi32, #tpu.memory_space<vmem>>, vector<16xi32>,
      %swap3A_369 = vector.shape_cast %swap3A_368 : vector<16xi32> to vector<16xi32>
      %swap3A_370 = vector.shape_cast %or3A_366 : vector<16xi32> to vector<16xi32>
      tpu.vector_store %arg13[%swap3A_367], %swap3A_370 {strides = array<i32>} : memref<128xi32, #tpu.memory_space<vmem>>, vector<16xi32>,
      %add3A_371 = arith.constant 32767 : i32
      %add3A_372 = vector.broadcast %add3A_371 : i32 to vector<16xi32>
      %add3A_373 = arith.addi %bitcast_convert_type3A_332, %add3A_372 : vector<16xi32>
      %shift_right_logical3A_374 = arith.constant 16 : i32
      %shift_right_logical3A_375 = vector.broadcast %shift_right_logical3A_374 : i32 to vector<16xi32>
      %shift_right_logical3A_376 = arith.shrui %bitcast_convert_type3A_332, %shift_right_logical3A_375 : vector<16xi32>
      %and3A_377 = arith.constant 1 : i32
      %and3A_378 = vector.broadcast %and3A_377 : i32 to vector<16xi32>
      %and3A_379 = arith.andi %shift_right_logical3A_376, %and3A_378 : vector<16xi32>
      %add3A_380 = arith.addi %add3A_373, %and3A_379 : vector<16xi32>
      %shift_right_logical3A_381 = arith.constant 16 : i32
      %shift_right_logical3A_382 = vector.broadcast %shift_right_logical3A_381 : i32 to vector<16xi32>
      %shift_right_logical3A_383 = arith.shrui %add3A_380, %shift_right_logical3A_382 : vector<16xi32>
      %add3A_384 = arith.constant 32767 : i32
      %add3A_385 = vector.broadcast %add3A_384 : i32 to vector<16xi32>
      %add3A_386 = arith.addi %bitcast_convert_type3A_336, %add3A_385 : vector<16xi32>
      %shift_right_logical3A_387 = arith.constant 16 : i32
      %shift_right_logical3A_388 = vector.broadcast %shift_right_logical3A_387 : i32 to vector<16xi32>
      %shift_right_logical3A_389 = arith.shrui %bitcast_convert_type3A_336, %shift_right_logical3A_388 : vector<16xi32>
      %and3A_390 = arith.constant 1 : i32
      %and3A_391 = vector.broadcast %and3A_390 : i32 to vector<16xi32>
      %and3A_392 = arith.andi %shift_right_logical3A_389, %and3A_391 : vector<16xi32>
      %add3A_393 = arith.addi %add3A_386, %and3A_392 : vector<16xi32>
      %shift_right_logical3A_394 = arith.constant 16 : i32
      %shift_right_logical3A_395 = vector.broadcast %shift_right_logical3A_394 : i32 to vector<16xi32>
      %shift_right_logical3A_396 = arith.shrui %add3A_393, %shift_right_logical3A_395 : vector<16xi32>
      %shift_left3A_397 = arith.constant 16 : i32
      %shift_left3A_398 = vector.broadcast %shift_left3A_397 : i32 to vector<16xi32>
      %shift_left3A_399 = arith.shli %shift_right_logical3A_396, %shift_left3A_398 : vector<16xi32>
      %or3A_400 = arith.ori %shift_right_logical3A_383, %shift_left3A_399 : vector<16xi32>
      %swap3A_401 = arith.constant 48 : index
      %swap3A_402 = tpu.vector_load %arg14[%swap3A_401] {strides = array<i32>} : memref<128xi32, #tpu.memory_space<vmem>>, vector<16xi32>,
      %swap3A_403 = vector.shape_cast %swap3A_402 : vector<16xi32> to vector<16xi32>
      %swap3A_404 = vector.shape_cast %or3A_400 : vector<16xi32> to vector<16xi32>
      tpu.vector_store %arg14[%swap3A_401], %swap3A_404 {strides = array<i32>} : memref<128xi32, #tpu.memory_space<vmem>>, vector<16xi32>,
      %get3A_405 = arith.constant 64 : index
      %get3A_406 = tpu.vector_load %arg12[%get3A_405] {strides = array<i32>} : memref<512xf32, #tpu.memory_space<vmem>>, vector<16xf32>,
      %get3A_407 = vector.shape_cast %get3A_406 : vector<16xf32> to vector<16xf32>
      %bitcast_convert_type3A_408 = tpu.bitcast %get3A_407 : vector<16xf32> -> vector<16xi32>
      %get3A_409 = arith.constant 192 : index
      %get3A_410 = tpu.vector_load %arg12[%get3A_409] {strides = array<i32>} : memref<512xf32, #tpu.memory_space<vmem>>, vector<16xf32>,
      %get3A_411 = vector.shape_cast %get3A_410 : vector<16xf32> to vector<16xf32>
      %bitcast_convert_type3A_412 = tpu.bitcast %get3A_411 : vector<16xf32> -> vector<16xi32>
      %get3A_413 = arith.constant 320 : index
      %get3A_414 = tpu.vector_load %arg12[%get3A_413] {strides = array<i32>} : memref<512xf32, #tpu.memory_space<vmem>>, vector<16xf32>,
      %get3A_415 = vector.shape_cast %get3A_414 : vector<16xf32> to vector<16xf32>
      %bitcast_convert_type3A_416 = tpu.bitcast %get3A_415 : vector<16xf32> -> vector<16xi32>
      %get3A_417 = arith.constant 448 : index
      %get3A_418 = tpu.vector_load %arg12[%get3A_417] {strides = array<i32>} : memref<512xf32, #tpu.memory_space<vmem>>, vector<16xf32>,
      %get3A_419 = vector.shape_cast %get3A_418 : vector<16xf32> to vector<16xf32>
      %bitcast_convert_type3A_420 = tpu.bitcast %get3A_419 : vector<16xf32> -> vector<16xi32>
      %add3A_421 = arith.constant 32767 : i32
      %add3A_422 = vector.broadcast %add3A_421 : i32 to vector<16xi32>
      %add3A_423 = arith.addi %bitcast_convert_type3A_408, %add3A_422 : vector<16xi32>
      %shift_right_logical3A_424 = arith.constant 16 : i32
      %shift_right_logical3A_425 = vector.broadcast %shift_right_logical3A_424 : i32 to vector<16xi32>
      %shift_right_logical3A_426 = arith.shrui %bitcast_convert_type3A_408, %shift_right_logical3A_425 : vector<16xi32>
      %and3A_427 = arith.constant 1 : i32
      %and3A_428 = vector.broadcast %and3A_427 : i32 to vector<16xi32>
      %and3A_429 = arith.andi %shift_right_logical3A_426, %and3A_428 : vector<16xi32>
      %add3A_430 = arith.addi %add3A_423, %and3A_429 : vector<16xi32>
      %shift_right_logical3A_431 = arith.constant 16 : i32
      %shift_right_logical3A_432 = vector.broadcast %shift_right_logical3A_431 : i32 to vector<16xi32>
      %shift_right_logical3A_433 = arith.shrui %add3A_430, %shift_right_logical3A_432 : vector<16xi32>
      %add3A_434 = arith.constant 32767 : i32
      %add3A_435 = vector.broadcast %add3A_434 : i32 to vector<16xi32>
      %add3A_436 = arith.addi %bitcast_convert_type3A_412, %add3A_435 : vector<16xi32>
      %shift_right_logical3A_437 = arith.constant 16 : i32
      %shift_right_logical3A_438 = vector.broadcast %shift_right_logical3A_437 : i32 to vector<16xi32>
      %shift_right_logical3A_439 = arith.shrui %bitcast_convert_type3A_412, %shift_right_logical3A_438 : vector<16xi32>
      %and3A_440 = arith.constant 1 : i32
      %and3A_441 = vector.broadcast %and3A_440 : i32 to vector<16xi32>
      %and3A_442 = arith.andi %shift_right_logical3A_439, %and3A_441 : vector<16xi32>
      %add3A_443 = arith.addi %add3A_436, %and3A_442 : vector<16xi32>
      %shift_right_logical3A_444 = arith.constant 16 : i32
      %shift_right_logical3A_445 = vector.broadcast %shift_right_logical3A_444 : i32 to vector<16xi32>
      %shift_right_logical3A_446 = arith.shrui %add3A_443, %shift_right_logical3A_445 : vector<16xi32>
      %shift_left3A_447 = arith.constant 16 : i32
      %shift_left3A_448 = vector.broadcast %shift_left3A_447 : i32 to vector<16xi32>
      %shift_left3A_449 = arith.shli %shift_right_logical3A_446, %shift_left3A_448 : vector<16xi32>
      %or3A_450 = arith.ori %shift_right_logical3A_433, %shift_left3A_449 : vector<16xi32>
      %swap3A_451 = arith.constant 64 : index
      %swap3A_452 = tpu.vector_load %arg13[%swap3A_451] {strides = array<i32>} : memref<128xi32, #tpu.memory_space<vmem>>, vector<16xi32>,
      %swap3A_453 = vector.shape_cast %swap3A_452 : vector<16xi32> to vector<16xi32>
      %swap3A_454 = vector.shape_cast %or3A_450 : vector<16xi32> to vector<16xi32>
      tpu.vector_store %arg13[%swap3A_451], %swap3A_454 {strides = array<i32>} : memref<128xi32, #tpu.memory_space<vmem>>, vector<16xi32>,
      %add3A_455 = arith.constant 32767 : i32
      %add3A_456 = vector.broadcast %add3A_455 : i32 to vector<16xi32>
      %add3A_457 = arith.addi %bitcast_convert_type3A_416, %add3A_456 : vector<16xi32>
      %shift_right_logical3A_458 = arith.constant 16 : i32
      %shift_right_logical3A_459 = vector.broadcast %shift_right_logical3A_458 : i32 to vector<16xi32>
      %shift_right_logical3A_460 = arith.shrui %bitcast_convert_type3A_416, %shift_right_logical3A_459 : vector<16xi32>
      %and3A_461 = arith.constant 1 : i32
      %and3A_462 = vector.broadcast %and3A_461 : i32 to vector<16xi32>
      %and3A_463 = arith.andi %shift_right_logical3A_460, %and3A_462 : vector<16xi32>
      %add3A_464 = arith.addi %add3A_457, %and3A_463 : vector<16xi32>
      %shift_right_logical3A_465 = arith.constant 16 : i32
      %shift_right_logical3A_466 = vector.broadcast %shift_right_logical3A_465 : i32 to vector<16xi32>
      %shift_right_logical3A_467 = arith.shrui %add3A_464, %shift_right_logical3A_466 : vector<16xi32>
      %add3A_468 = arith.constant 32767 : i32
      %add3A_469 = vector.broadcast %add3A_468 : i32 to vector<16xi32>
      %add3A_470 = arith.addi %bitcast_convert_type3A_420, %add3A_469 : vector<16xi32>
      %shift_right_logical3A_471 = arith.constant 16 : i32
      %shift_right_logical3A_472 = vector.broadcast %shift_right_logical3A_471 : i32 to vector<16xi32>
      %shift_right_logical3A_473 = arith.shrui %bitcast_convert_type3A_420, %shift_right_logical3A_472 : vector<16xi32>
      %and3A_474 = arith.constant 1 : i32
      %and3A_475 = vector.broadcast %and3A_474 : i32 to vector<16xi32>
      %and3A_476 = arith.andi %shift_right_logical3A_473, %and3A_475 : vector<16xi32>
      %add3A_477 = arith.addi %add3A_470, %and3A_476 : vector<16xi32>
      %shift_right_logical3A_478 = arith.constant 16 : i32
      %shift_right_logical3A_479 = vector.broadcast %shift_right_logical3A_478 : i32 to vector<16xi32>
      %shift_right_logical3A_480 = arith.shrui %add3A_477, %shift_right_logical3A_479 : vector<16xi32>
      %shift_left3A_481 = arith.constant 16 : i32
      %shift_left3A_482 = vector.broadcast %shift_left3A_481 : i32 to vector<16xi32>
      %shift_left3A_483 = arith.shli %shift_right_logical3A_480, %shift_left3A_482 : vector<16xi32>
      %or3A_484 = arith.ori %shift_right_logical3A_467, %shift_left3A_483 : vector<16xi32>
      %swap3A_485 = arith.constant 64 : index
      %swap3A_486 = tpu.vector_load %arg14[%swap3A_485] {strides = array<i32>} : memref<128xi32, #tpu.memory_space<vmem>>, vector<16xi32>,
      %swap3A_487 = vector.shape_cast %swap3A_486 : vector<16xi32> to vector<16xi32>
      %swap3A_488 = vector.shape_cast %or3A_484 : vector<16xi32> to vector<16xi32>
      tpu.vector_store %arg14[%swap3A_485], %swap3A_488 {strides = array<i32>} : memref<128xi32, #tpu.memory_space<vmem>>, vector<16xi32>,
      %get3A_489 = arith.constant 80 : index
      %get3A_490 = tpu.vector_load %arg12[%get3A_489] {strides = array<i32>} : memref<512xf32, #tpu.memory_space<vmem>>, vector<16xf32>,
      %get3A_491 = vector.shape_cast %get3A_490 : vector<16xf32> to vector<16xf32>
      %bitcast_convert_type3A_492 = tpu.bitcast %get3A_491 : vector<16xf32> -> vector<16xi32>
      %get3A_493 = arith.constant 208 : index
      %get3A_494 = tpu.vector_load %arg12[%get3A_493] {strides = array<i32>} : memref<512xf32, #tpu.memory_space<vmem>>, vector<16xf32>,
      %get3A_495 = vector.shape_cast %get3A_494 : vector<16xf32> to vector<16xf32>
      %bitcast_convert_type3A_496 = tpu.bitcast %get3A_495 : vector<16xf32> -> vector<16xi32>
      %get3A_497 = arith.constant 336 : index
      %get3A_498 = tpu.vector_load %arg12[%get3A_497] {strides = array<i32>} : memref<512xf32, #tpu.memory_space<vmem>>, vector<16xf32>,
      %get3A_499 = vector.shape_cast %get3A_498 : vector<16xf32> to vector<16xf32>
      %bitcast_convert_type3A_500 = tpu.bitcast %get3A_499 : vector<16xf32> -> vector<16xi32>
      %get3A_501 = arith.constant 464 : index
      %get3A_502 = tpu.vector_load %arg12[%get3A_501] {strides = array<i32>} : memref<512xf32, #tpu.memory_space<vmem>>, vector<16xf32>,
      %get3A_503 = vector.shape_cast %get3A_502 : vector<16xf32> to vector<16xf32>
      %bitcast_convert_type3A_504 = tpu.bitcast %get3A_503 : vector<16xf32> -> vector<16xi32>
      %add3A_505 = arith.constant 32767 : i32
      %add3A_506 = vector.broadcast %add3A_505 : i32 to vector<16xi32>
      %add3A_507 = arith.addi %bitcast_convert_type3A_492, %add3A_506 : vector<16xi32>
      %shift_right_logical3A_508 = arith.constant 16 : i32
      %shift_right_logical3A_509 = vector.broadcast %shift_right_logical3A_508 : i32 to vector<16xi32>
      %shift_right_logical3A_510 = arith.shrui %bitcast_convert_type3A_492, %shift_right_logical3A_509 : vector<16xi32>
      %and3A_511 = arith.constant 1 : i32
      %and3A_512 = vector.broadcast %and3A_511 : i32 to vector<16xi32>
      %and3A_513 = arith.andi %shift_right_logical3A_510, %and3A_512 : vector<16xi32>
      %add3A_514 = arith.addi %add3A_507, %and3A_513 : vector<16xi32>
      %shift_right_logical3A_515 = arith.constant 16 : i32
      %shift_right_logical3A_516 = vector.broadcast %shift_right_logical3A_515 : i32 to vector<16xi32>
      %shift_right_logical3A_517 = arith.shrui %add3A_514, %shift_right_logical3A_516 : vector<16xi32>
      %add3A_518 = arith.constant 32767 : i32
      %add3A_519 = vector.broadcast %add3A_518 : i32 to vector<16xi32>
      %add3A_520 = arith.addi %bitcast_convert_type3A_496, %add3A_519 : vector<16xi32>
      %shift_right_logical3A_521 = arith.constant 16 : i32
      %shift_right_logical3A_522 = vector.broadcast %shift_right_logical3A_521 : i32 to vector<16xi32>
      %shift_right_logical3A_523 = arith.shrui %bitcast_convert_type3A_496, %shift_right_logical3A_522 : vector<16xi32>
      %and3A_524 = arith.constant 1 : i32
      %and3A_525 = vector.broadcast %and3A_524 : i32 to vector<16xi32>
      %and3A_526 = arith.andi %shift_right_logical3A_523, %and3A_525 : vector<16xi32>
      %add3A_527 = arith.addi %add3A_520, %and3A_526 : vector<16xi32>
      %shift_right_logical3A_528 = arith.constant 16 : i32
      %shift_right_logical3A_529 = vector.broadcast %shift_right_logical3A_528 : i32 to vector<16xi32>
      %shift_right_logical3A_530 = arith.shrui %add3A_527, %shift_right_logical3A_529 : vector<16xi32>
      %shift_left3A_531 = arith.constant 16 : i32
      %shift_left3A_532 = vector.broadcast %shift_left3A_531 : i32 to vector<16xi32>
      %shift_left3A_533 = arith.shli %shift_right_logical3A_530, %shift_left3A_532 : vector<16xi32>
      %or3A_534 = arith.ori %shift_right_logical3A_517, %shift_left3A_533 : vector<16xi32>
      %swap3A_535 = arith.constant 80 : index
      %swap3A_536 = tpu.vector_load %arg13[%swap3A_535] {strides = array<i32>} : memref<128xi32, #tpu.memory_space<vmem>>, vector<16xi32>,
      %swap3A_537 = vector.shape_cast %swap3A_536 : vector<16xi32> to vector<16xi32>
      %swap3A_538 = vector.shape_cast %or3A_534 : vector<16xi32> to vector<16xi32>
      tpu.vector_store %arg13[%swap3A_535], %swap3A_538 {strides = array<i32>} : memref<128xi32, #tpu.memory_space<vmem>>, vector<16xi32>,
      %add3A_539 = arith.constant 32767 : i32
      %add3A_540 = vector.broadcast %add3A_539 : i32 to vector<16xi32>
      %add3A_541 = arith.addi %bitcast_convert_type3A_500, %add3A_540 : vector<16xi32>
      %shift_right_logical3A_542 = arith.constant 16 : i32
      %shift_right_logical3A_543 = vector.broadcast %shift_right_logical3A_542 : i32 to vector<16xi32>
      %shift_right_logical3A_544 = arith.shrui %bitcast_convert_type3A_500, %shift_right_logical3A_543 : vector<16xi32>
      %and3A_545 = arith.constant 1 : i32
      %and3A_546 = vector.broadcast %and3A_545 : i32 to vector<16xi32>
      %and3A_547 = arith.andi %shift_right_logical3A_544, %and3A_546 : vector<16xi32>
      %add3A_548 = arith.addi %add3A_541, %and3A_547 : vector<16xi32>
      %shift_right_logical3A_549 = arith.constant 16 : i32
      %shift_right_logical3A_550 = vector.broadcast %shift_right_logical3A_549 : i32 to vector<16xi32>
      %shift_right_logical3A_551 = arith.shrui %add3A_548, %shift_right_logical3A_550 : vector<16xi32>
      %add3A_552 = arith.constant 32767 : i32
      %add3A_553 = vector.broadcast %add3A_552 : i32 to vector<16xi32>
      %add3A_554 = arith.addi %bitcast_convert_type3A_504, %add3A_553 : vector<16xi32>
      %shift_right_logical3A_555 = arith.constant 16 : i32
      %shift_right_logical3A_556 = vector.broadcast %shift_right_logical3A_555 : i32 to vector<16xi32>
      %shift_right_logical3A_557 = arith.shrui %bitcast_convert_type3A_504, %shift_right_logical3A_556 : vector<16xi32>
      %and3A_558 = arith.constant 1 : i32
      %and3A_559 = vector.broadcast %and3A_558 : i32 to vector<16xi32>
      %and3A_560 = arith.andi %shift_right_logical3A_557, %and3A_559 : vector<16xi32>
      %add3A_561 = arith.addi %add3A_554, %and3A_560 : vector<16xi32>
      %shift_right_logical3A_562 = arith.constant 16 : i32
      %shift_right_logical3A_563 = vector.broadcast %shift_right_logical3A_562 : i32 to vector<16xi32>
      %shift_right_logical3A_564 = arith.shrui %add3A_561, %shift_right_logical3A_563 : vector<16xi32>
      %shift_left3A_565 = arith.constant 16 : i32
      %shift_left3A_566 = vector.broadcast %shift_left3A_565 : i32 to vector<16xi32>
      %shift_left3A_567 = arith.shli %shift_right_logical3A_564, %shift_left3A_566 : vector<16xi32>
      %or3A_568 = arith.ori %shift_right_logical3A_551, %shift_left3A_567 : vector<16xi32>
      %swap3A_569 = arith.constant 80 : index
      %swap3A_570 = tpu.vector_load %arg14[%swap3A_569] {strides = array<i32>} : memref<128xi32, #tpu.memory_space<vmem>>, vector<16xi32>,
      %swap3A_571 = vector.shape_cast %swap3A_570 : vector<16xi32> to vector<16xi32>
      %swap3A_572 = vector.shape_cast %or3A_568 : vector<16xi32> to vector<16xi32>
      tpu.vector_store %arg14[%swap3A_569], %swap3A_572 {strides = array<i32>} : memref<128xi32, #tpu.memory_space<vmem>>, vector<16xi32>,
      %get3A_573 = arith.constant 96 : index
      %get3A_574 = tpu.vector_load %arg12[%get3A_573] {strides = array<i32>} : memref<512xf32, #tpu.memory_space<vmem>>, vector<16xf32>,
      %get3A_575 = vector.shape_cast %get3A_574 : vector<16xf32> to vector<16xf32>
      %bitcast_convert_type3A_576 = tpu.bitcast %get3A_575 : vector<16xf32> -> vector<16xi32>
      %get3A_577 = arith.constant 224 : index
      %get3A_578 = tpu.vector_load %arg12[%get3A_577] {strides = array<i32>} : memref<512xf32, #tpu.memory_space<vmem>>, vector<16xf32>,
      %get3A_579 = vector.shape_cast %get3A_578 : vector<16xf32> to vector<16xf32>
      %bitcast_convert_type3A_580 = tpu.bitcast %get3A_579 : vector<16xf32> -> vector<16xi32>
      %get3A_581 = arith.constant 352 : index
      %get3A_582 = tpu.vector_load %arg12[%get3A_581] {strides = array<i32>} : memref<512xf32, #tpu.memory_space<vmem>>, vector<16xf32>,
      %get3A_583 = vector.shape_cast %get3A_582 : vector<16xf32> to vector<16xf32>
      %bitcast_convert_type3A_584 = tpu.bitcast %get3A_583 : vector<16xf32> -> vector<16xi32>
      %get3A_585 = arith.constant 480 : index
      %get3A_586 = tpu.vector_load %arg12[%get3A_585] {strides = array<i32>} : memref<512xf32, #tpu.memory_space<vmem>>, vector<16xf32>,
      %get3A_587 = vector.shape_cast %get3A_586 : vector<16xf32> to vector<16xf32>
      %bitcast_convert_type3A_588 = tpu.bitcast %get3A_587 : vector<16xf32> -> vector<16xi32>
      %add3A_589 = arith.constant 32767 : i32
      %add3A_590 = vector.broadcast %add3A_589 : i32 to vector<16xi32>
      %add3A_591 = arith.addi %bitcast_convert_type3A_576, %add3A_590 : vector<16xi32>
      %shift_right_logical3A_592 = arith.constant 16 : i32
      %shift_right_logical3A_593 = vector.broadcast %shift_right_logical3A_592 : i32 to vector<16xi32>
      %shift_right_logical3A_594 = arith.shrui %bitcast_convert_type3A_576, %shift_right_logical3A_593 : vector<16xi32>
      %and3A_595 = arith.constant 1 : i32
      %and3A_596 = vector.broadcast %and3A_595 : i32 to vector<16xi32>
      %and3A_597 = arith.andi %shift_right_logical3A_594, %and3A_596 : vector<16xi32>
      %add3A_598 = arith.addi %add3A_591, %and3A_597 : vector<16xi32>
      %shift_right_logical3A_599 = arith.constant 16 : i32
      %shift_right_logical3A_600 = vector.broadcast %shift_right_logical3A_599 : i32 to vector<16xi32>
      %shift_right_logical3A_601 = arith.shrui %add3A_598, %shift_right_logical3A_600 : vector<16xi32>
      %add3A_602 = arith.constant 32767 : i32
      %add3A_603 = vector.broadcast %add3A_602 : i32 to vector<16xi32>
      %add3A_604 = arith.addi %bitcast_convert_type3A_580, %add3A_603 : vector<16xi32>
      %shift_right_logical3A_605 = arith.constant 16 : i32
      %shift_right_logical3A_606 = vector.broadcast %shift_right_logical3A_605 : i32 to vector<16xi32>
      %shift_right_logical3A_607 = arith.shrui %bitcast_convert_type3A_580, %shift_right_logical3A_606 : vector<16xi32>
      %and3A_608 = arith.constant 1 : i32
      %and3A_609 = vector.broadcast %and3A_608 : i32 to vector<16xi32>
      %and3A_610 = arith.andi %shift_right_logical3A_607, %and3A_609 : vector<16xi32>
      %add3A_611 = arith.addi %add3A_604, %and3A_610 : vector<16xi32>
      %shift_right_logical3A_612 = arith.constant 16 : i32
      %shift_right_logical3A_613 = vector.broadcast %shift_right_logical3A_612 : i32 to vector<16xi32>
      %shift_right_logical3A_614 = arith.shrui %add3A_611, %shift_right_logical3A_613 : vector<16xi32>
      %shift_left3A_615 = arith.constant 16 : i32
      %shift_left3A_616 = vector.broadcast %shift_left3A_615 : i32 to vector<16xi32>
      %shift_left3A_617 = arith.shli %shift_right_logical3A_614, %shift_left3A_616 : vector<16xi32>
      %or3A_618 = arith.ori %shift_right_logical3A_601, %shift_left3A_617 : vector<16xi32>
      %swap3A_619 = arith.constant 96 : index
      %swap3A_620 = tpu.vector_load %arg13[%swap3A_619] {strides = array<i32>} : memref<128xi32, #tpu.memory_space<vmem>>, vector<16xi32>,
      %swap3A_621 = vector.shape_cast %swap3A_620 : vector<16xi32> to vector<16xi32>
      %swap3A_622 = vector.shape_cast %or3A_618 : vector<16xi32> to vector<16xi32>
      tpu.vector_store %arg13[%swap3A_619], %swap3A_622 {strides = array<i32>} : memref<128xi32, #tpu.memory_space<vmem>>, vector<16xi32>,
      %add3A_623 = arith.constant 32767 : i32
      %add3A_624 = vector.broadcast %add3A_623 : i32 to vector<16xi32>
      %add3A_625 = arith.addi %bitcast_convert_type3A_584, %add3A_624 : vector<16xi32>
      %shift_right_logical3A_626 = arith.constant 16 : i32
      %shift_right_logical3A_627 = vector.broadcast %shift_right_logical3A_626 : i32 to vector<16xi32>
      %shift_right_logical3A_628 = arith.shrui %bitcast_convert_type3A_584, %shift_right_logical3A_627 : vector<16xi32>
      %and3A_629 = arith.constant 1 : i32
      %and3A_630 = vector.broadcast %and3A_629 : i32 to vector<16xi32>
      %and3A_631 = arith.andi %shift_right_logical3A_628, %and3A_630 : vector<16xi32>
      %add3A_632 = arith.addi %add3A_625, %and3A_631 : vector<16xi32>
      %shift_right_logical3A_633 = arith.constant 16 : i32
      %shift_right_logical3A_634 = vector.broadcast %shift_right_logical3A_633 : i32 to vector<16xi32>
      %shift_right_logical3A_635 = arith.shrui %add3A_632, %shift_right_logical3A_634 : vector<16xi32>
      %add3A_636 = arith.constant 32767 : i32
      %add3A_637 = vector.broadcast %add3A_636 : i32 to vector<16xi32>
      %add3A_638 = arith.addi %bitcast_convert_type3A_588, %add3A_637 : vector<16xi32>
      %shift_right_logical3A_639 = arith.constant 16 : i32
      %shift_right_logical3A_640 = vector.broadcast %shift_right_logical3A_639 : i32 to vector<16xi32>
      %shift_right_logical3A_641 = arith.shrui %bitcast_convert_type3A_588, %shift_right_logical3A_640 : vector<16xi32>
      %and3A_642 = arith.constant 1 : i32
      %and3A_643 = vector.broadcast %and3A_642 : i32 to vector<16xi32>
      %and3A_644 = arith.andi %shift_right_logical3A_641, %and3A_643 : vector<16xi32>
      %add3A_645 = arith.addi %add3A_638, %and3A_644 : vector<16xi32>
      %shift_right_logical3A_646 = arith.constant 16 : i32
      %shift_right_logical3A_647 = vector.broadcast %shift_right_logical3A_646 : i32 to vector<16xi32>
      %shift_right_logical3A_648 = arith.shrui %add3A_645, %shift_right_logical3A_647 : vector<16xi32>
      %shift_left3A_649 = arith.constant 16 : i32
      %shift_left3A_650 = vector.broadcast %shift_left3A_649 : i32 to vector<16xi32>
      %shift_left3A_651 = arith.shli %shift_right_logical3A_648, %shift_left3A_650 : vector<16xi32>
      %or3A_652 = arith.ori %shift_right_logical3A_635, %shift_left3A_651 : vector<16xi32>
      %swap3A_653 = arith.constant 96 : index
      %swap3A_654 = tpu.vector_load %arg14[%swap3A_653] {strides = array<i32>} : memref<128xi32, #tpu.memory_space<vmem>>, vector<16xi32>,
      %swap3A_655 = vector.shape_cast %swap3A_654 : vector<16xi32> to vector<16xi32>
      %swap3A_656 = vector.shape_cast %or3A_652 : vector<16xi32> to vector<16xi32>
      tpu.vector_store %arg14[%swap3A_653], %swap3A_656 {strides = array<i32>} : memref<128xi32, #tpu.memory_space<vmem>>, vector<16xi32>,
      %get3A_657 = arith.constant 112 : index
      %get3A_658 = tpu.vector_load %arg12[%get3A_657] {strides = array<i32>} : memref<512xf32, #tpu.memory_space<vmem>>, vector<16xf32>,
      %get3A_659 = vector.shape_cast %get3A_658 : vector<16xf32> to vector<16xf32>
      %bitcast_convert_type3A_660 = tpu.bitcast %get3A_659 : vector<16xf32> -> vector<16xi32>
      %get3A_661 = arith.constant 240 : index
      %get3A_662 = tpu.vector_load %arg12[%get3A_661] {strides = array<i32>} : memref<512xf32, #tpu.memory_space<vmem>>, vector<16xf32>,
      %get3A_663 = vector.shape_cast %get3A_662 : vector<16xf32> to vector<16xf32>
      %bitcast_convert_type3A_664 = tpu.bitcast %get3A_663 : vector<16xf32> -> vector<16xi32>
      %get3A_665 = arith.constant 368 : index
      %get3A_666 = tpu.vector_load %arg12[%get3A_665] {strides = array<i32>} : memref<512xf32, #tpu.memory_space<vmem>>, vector<16xf32>,
      %get3A_667 = vector.shape_cast %get3A_666 : vector<16xf32> to vector<16xf32>
      %bitcast_convert_type3A_668 = tpu.bitcast %get3A_667 : vector<16xf32> -> vector<16xi32>
      %get3A_669 = arith.constant 496 : index
      %get3A_670 = tpu.vector_load %arg12[%get3A_669] {strides = array<i32>} : memref<512xf32, #tpu.memory_space<vmem>>, vector<16xf32>,
      %get3A_671 = vector.shape_cast %get3A_670 : vector<16xf32> to vector<16xf32>
      %bitcast_convert_type3A_672 = tpu.bitcast %get3A_671 : vector<16xf32> -> vector<16xi32>
      %add3A_673 = arith.constant 32767 : i32
      %add3A_674 = vector.broadcast %add3A_673 : i32 to vector<16xi32>
      %add3A_675 = arith.addi %bitcast_convert_type3A_660, %add3A_674 : vector<16xi32>
      %shift_right_logical3A_676 = arith.constant 16 : i32
      %shift_right_logical3A_677 = vector.broadcast %shift_right_logical3A_676 : i32 to vector<16xi32>
      %shift_right_logical3A_678 = arith.shrui %bitcast_convert_type3A_660, %shift_right_logical3A_677 : vector<16xi32>
      %and3A_679 = arith.constant 1 : i32
      %and3A_680 = vector.broadcast %and3A_679 : i32 to vector<16xi32>
      %and3A_681 = arith.andi %shift_right_logical3A_678, %and3A_680 : vector<16xi32>
      %add3A_682 = arith.addi %add3A_675, %and3A_681 : vector<16xi32>
      %shift_right_logical3A_683 = arith.constant 16 : i32
      %shift_right_logical3A_684 = vector.broadcast %shift_right_logical3A_683 : i32 to vector<16xi32>
      %shift_right_logical3A_685 = arith.shrui %add3A_682, %shift_right_logical3A_684 : vector<16xi32>
      %add3A_686 = arith.constant 32767 : i32
      %add3A_687 = vector.broadcast %add3A_686 : i32 to vector<16xi32>
      %add3A_688 = arith.addi %bitcast_convert_type3A_664, %add3A_687 : vector<16xi32>
      %shift_right_logical3A_689 = arith.constant 16 : i32
      %shift_right_logical3A_690 = vector.broadcast %shift_right_logical3A_689 : i32 to vector<16xi32>
      %shift_right_logical3A_691 = arith.shrui %bitcast_convert_type3A_664, %shift_right_logical3A_690 : vector<16xi32>
      %and3A_692 = arith.constant 1 : i32
      %and3A_693 = vector.broadcast %and3A_692 : i32 to vector<16xi32>
      %and3A_694 = arith.andi %shift_right_logical3A_691, %and3A_693 : vector<16xi32>
      %add3A_695 = arith.addi %add3A_688, %and3A_694 : vector<16xi32>
      %shift_right_logical3A_696 = arith.constant 16 : i32
      %shift_right_logical3A_697 = vector.broadcast %shift_right_logical3A_696 : i32 to vector<16xi32>
      %shift_right_logical3A_698 = arith.shrui %add3A_695, %shift_right_logical3A_697 : vector<16xi32>
      %shift_left3A_699 = arith.constant 16 : i32
      %shift_left3A_700 = vector.broadcast %shift_left3A_699 : i32 to vector<16xi32>
      %shift_left3A_701 = arith.shli %shift_right_logical3A_698, %shift_left3A_700 : vector<16xi32>
      %or3A_702 = arith.ori %shift_right_logical3A_685, %shift_left3A_701 : vector<16xi32>
      %swap3A_703 = arith.constant 112 : index
      %swap3A_704 = tpu.vector_load %arg13[%swap3A_703] {strides = array<i32>} : memref<128xi32, #tpu.memory_space<vmem>>, vector<16xi32>,
      %swap3A_705 = vector.shape_cast %swap3A_704 : vector<16xi32> to vector<16xi32>
      %swap3A_706 = vector.shape_cast %or3A_702 : vector<16xi32> to vector<16xi32>
      tpu.vector_store %arg13[%swap3A_703], %swap3A_706 {strides = array<i32>} : memref<128xi32, #tpu.memory_space<vmem>>, vector<16xi32>,
      %add3A_707 = arith.constant 32767 : i32
      %add3A_708 = vector.broadcast %add3A_707 : i32 to vector<16xi32>
      %add3A_709 = arith.addi %bitcast_convert_type3A_668, %add3A_708 : vector<16xi32>
      %shift_right_logical3A_710 = arith.constant 16 : i32
      %shift_right_logical3A_711 = vector.broadcast %shift_right_logical3A_710 : i32 to vector<16xi32>
      %shift_right_logical3A_712 = arith.shrui %bitcast_convert_type3A_668, %shift_right_logical3A_711 : vector<16xi32>
      %and3A_713 = arith.constant 1 : i32
      %and3A_714 = vector.broadcast %and3A_713 : i32 to vector<16xi32>
      %and3A_715 = arith.andi %shift_right_logical3A_712, %and3A_714 : vector<16xi32>
      %add3A_716 = arith.addi %add3A_709, %and3A_715 : vector<16xi32>
      %shift_right_logical3A_717 = arith.constant 16 : i32
      %shift_right_logical3A_718 = vector.broadcast %shift_right_logical3A_717 : i32 to vector<16xi32>
      %shift_right_logical3A_719 = arith.shrui %add3A_716, %shift_right_logical3A_718 : vector<16xi32>
      %add3A_720 = arith.constant 32767 : i32
      %add3A_721 = vector.broadcast %add3A_720 : i32 to vector<16xi32>
      %add3A_722 = arith.addi %bitcast_convert_type3A_672, %add3A_721 : vector<16xi32>
      %shift_right_logical3A_723 = arith.constant 16 : i32
      %shift_right_logical3A_724 = vector.broadcast %shift_right_logical3A_723 : i32 to vector<16xi32>
      %shift_right_logical3A_725 = arith.shrui %bitcast_convert_type3A_672, %shift_right_logical3A_724 : vector<16xi32>
      %and3A_726 = arith.constant 1 : i32
      %and3A_727 = vector.broadcast %and3A_726 : i32 to vector<16xi32>
      %and3A_728 = arith.andi %shift_right_logical3A_725, %and3A_727 : vector<16xi32>
      %add3A_729 = arith.addi %add3A_722, %and3A_728 : vector<16xi32>
      %shift_right_logical3A_730 = arith.constant 16 : i32
      %shift_right_logical3A_731 = vector.broadcast %shift_right_logical3A_730 : i32 to vector<16xi32>
      %shift_right_logical3A_732 = arith.shrui %add3A_729, %shift_right_logical3A_731 : vector<16xi32>
      %shift_left3A_733 = arith.constant 16 : i32
      %shift_left3A_734 = vector.broadcast %shift_left3A_733 : i32 to vector<16xi32>
      %shift_left3A_735 = arith.shli %shift_right_logical3A_732, %shift_left3A_734 : vector<16xi32>
      %or3A_736 = arith.ori %shift_right_logical3A_719, %shift_left3A_735 : vector<16xi32>
      %swap3A_737 = arith.constant 112 : index
      %swap3A_738 = tpu.vector_load %arg14[%swap3A_737] {strides = array<i32>} : memref<128xi32, #tpu.memory_space<vmem>>, vector<16xi32>,
      %swap3A_739 = vector.shape_cast %swap3A_738 : vector<16xi32> to vector<16xi32>
      %swap3A_740 = vector.shape_cast %or3A_736 : vector<16xi32> to vector<16xi32>
      tpu.vector_store %arg14[%swap3A_737], %swap3A_740 {strides = array<i32>} : memref<128xi32, #tpu.memory_space<vmem>>, vector<16xi32>,
      %mul3A_741 = arith.constant 65536 : i32
      %mul3A_742 = arith.muli %select_n3A, %mul3A_741 : i32
      %mul3A_743 = arith.constant 128 : i32
      %mul3A_744 = arith.muli %select_n3A_71, %mul3A_743 : i32
      %add3A_745 = arith.addi %mul3A_742, %mul3A_744 : i32
      "tpu.region"() ({
        %run_scoped3A = tpu.sem_alloc : memref<!tpu.dma_semaphore, #tpu.memory_space<semaphore_mem>>
        %dma_start3A = tpu.memref_slice %arg15[%add3A_745] : memref<327680xi32, #tpu.memory_space<vmem_shared>> -> memref<128xi32, #tpu.memory_space<vmem_shared>>
        %dma_start3A_746 = tpu.memref_slice %arg15[%add3A_745] : memref<327680xi32, #tpu.memory_space<vmem_shared>> -> memref<128xi32, #tpu.memory_space<vmem_shared>>
        tpu.enqueue_dma source(%arg13 : memref<128xi32, #tpu.memory_space<vmem>>) target(%dma_start3A_746 : memref<128xi32, #tpu.memory_space<vmem_shared>>) target_semaphore(%run_scoped3A : memref<!tpu.dma_semaphore, #tpu.memory_space<semaphore_mem>>)
        %dma_wait3A_747 = tpu.memref_slice %arg15[%add3A_745] : memref<327680xi32, #tpu.memory_space<vmem_shared>> -> memref<128xi32, #tpu.memory_space<vmem_shared>>
        %dma_wait3A_748 = tpu.memref_slice %arg15[%add3A_745] : memref<327680xi32, #tpu.memory_space<vmem_shared>> -> memref<128xi32, #tpu.memory_space<vmem_shared>>
        tpu.wait_dma2 semaphore(%run_scoped3A : memref<!tpu.dma_semaphore, #tpu.memory_space<semaphore_mem>>) src(%arg13 : memref<128xi32, #tpu.memory_space<vmem>>) dst(%dma_wait3A_748 : memref<128xi32, #tpu.memory_space<vmem_shared>>)
        tpu.yield
      }) : () -> ()
      "tpu.region"() ({
        %run_scoped3A = tpu.sem_alloc : memref<!tpu.dma_semaphore, #tpu.memory_space<semaphore_mem>>
        %dma_start3A = tpu.memref_slice %arg16[%add3A_745] : memref<327680xi32, #tpu.memory_space<vmem_shared>> -> memref<128xi32, #tpu.memory_space<vmem_shared>>
        %dma_start3A_746 = tpu.memref_slice %arg16[%add3A_745] : memref<327680xi32, #tpu.memory_space<vmem_shared>> -> memref<128xi32, #tpu.memory_space<vmem_shared>>
        tpu.enqueue_dma source(%arg14 : memref<128xi32, #tpu.memory_space<vmem>>) target(%dma_start3A_746 : memref<128xi32, #tpu.memory_space<vmem_shared>>) target_semaphore(%run_scoped3A : memref<!tpu.dma_semaphore, #tpu.memory_space<semaphore_mem>>)
        %dma_wait3A_747 = tpu.memref_slice %arg16[%add3A_745] : memref<327680xi32, #tpu.memory_space<vmem_shared>> -> memref<128xi32, #tpu.memory_space<vmem_shared>>
        %dma_wait3A_748 = tpu.memref_slice %arg16[%add3A_745] : memref<327680xi32, #tpu.memory_space<vmem_shared>> -> memref<128xi32, #tpu.memory_space<vmem_shared>>
        tpu.wait_dma2 semaphore(%run_scoped3A : memref<!tpu.dma_semaphore, #tpu.memory_space<semaphore_mem>>) src(%arg14 : memref<128xi32, #tpu.memory_space<vmem>>) dst(%dma_wait3A_748 : memref<128xi32, #tpu.memory_space<vmem_shared>>)
        tpu.yield
      }) : () -> ()
    }
    %scan3A_6 = arith.constant 160 : i32
    %barrier3A = arith.constant 0 : index
    tpu.barrier barrier_id(%barrier3A)
    %mul3A_7 = arith.constant 32768 : i32
    %mul3A_8 = arith.muli %arg1, %mul3A_7 : i32
    %scan3A_9 = arith.constant 0 : i32
    %scan3A_10 = arith.constant 0 : i32
    %scan3A_11 = arith.constant 32 : i32
    %scan3A_12 = arith.addi %scan3A_10, %scan3A_11 : i32
    %scan3A_13 = arith.constant 1 : i32
    scf.for %scan3A_38 = %scan3A_10 to %scan3A_12 step %scan3A_13  : i32 {
      %mul3A_39 = arith.constant 1024 : i32
      %mul3A_40 = arith.muli %scan3A_38, %mul3A_39 : i32
      %add3A = arith.addi %mul3A_8, %mul3A_40 : i32
      %and3A = arith.constant 1 : i32
      %and3A_41 = arith.andi %scan3A_38, %and3A : i32
      %mul3A_42 = arith.constant 1024 : i32
      %mul3A_43 = arith.muli %and3A_41, %mul3A_42 : i32
      %ge3A = arith.constant 2 : i32
      %ge3A_44 = arith.cmpi sge, %scan3A_38, %ge3A : i32
      %convert_element_type3A = arith.extui %ge3A_44 : i1 to i32
      %cond3A = arith.constant 0 : i32
      %cond3A_45 = arith.cmpi ne, %convert_element_type3A, %cond3A : i32
      scf.if %cond3A_45 {
        %dma_wait3A_59 = arith.constant 0 : i32
        %dma_wait3A_60 = arith.constant 0 : i32
        %dma_wait3A_61 = tpu.memref_slice %arg9[%dma_wait3A_59, %dma_wait3A_60] : memref<20x2048xf32, #tpu.memory_space<vmem>> -> memref<20x1024xf32, #tpu.memory_space<vmem>>
        %dma_wait3A_62 = arith.constant 0 : i32
        %dma_wait3A_63 = arith.constant 0 : i32
        %dma_wait3A_64 = tpu.memref_slice %arg6[%dma_wait3A_62, %dma_wait3A_63] : memref<20x524288xf32, #tpu.memory_space<hbm>> -> memref<20x1024xf32, #tpu.memory_space<hbm>>
        %dma_wait3A_65 = arith.constant 0 : i32
        %dma_wait3A_66 = arith.constant 0 : i32
        %dma_wait3A_67 = tpu.memref_slice %arg6[%dma_wait3A_65, %dma_wait3A_66] : memref<20x524288xf32, #tpu.memory_space<hbm>> -> memref<20x1024xf32, #tpu.memory_space<hbm>>
        %dma_wait3A_68 = arith.constant 0 : i32
        %dma_wait3A_69 = arith.constant 0 : i32
        %dma_wait3A_70 = tpu.memref_slice %arg9[%dma_wait3A_68, %dma_wait3A_69] : memref<20x2048xf32, #tpu.memory_space<vmem>> -> memref<20x1024xf32, #tpu.memory_space<vmem>>
        tpu.wait_dma2 semaphore(%arg18 : memref<!tpu.dma_semaphore, #tpu.memory_space<semaphore_mem>>) src(%dma_wait3A_70 : memref<20x1024xf32, #tpu.memory_space<vmem>>) dst(%dma_wait3A_67 : memref<20x1024xf32, #tpu.memory_space<hbm>>)
      } else {
      }
      "tpu.region"() ({
        %run_scoped3A = tpu.sem_alloc : memref<!tpu.dma_semaphore, #tpu.memory_space<semaphore_mem>>
        %dma_start3A = arith.constant 0 : i32
        %dma_start3A_59 = tpu.memref_slice %arg8[%dma_start3A] : memref<3072xf32, #tpu.memory_space<vmem>> -> memref<1024xf32, #tpu.memory_space<vmem>>
        %dma_start3A_60 = tpu.memref_slice %arg2[%add3A] : memref<524288xf32, #tpu.memory_space<hbm>> -> memref<1024xf32, #tpu.memory_space<hbm>>
        %dma_start3A_61 = arith.constant 0 : i32
        %dma_start3A_62 = tpu.memref_slice %arg8[%dma_start3A_61] : memref<3072xf32, #tpu.memory_space<vmem>> -> memref<1024xf32, #tpu.memory_space<vmem>>
        %dma_start3A_63 = tpu.memref_slice %arg2[%add3A] : memref<524288xf32, #tpu.memory_space<hbm>> -> memref<1024xf32, #tpu.memory_space<hbm>>
        tpu.enqueue_dma source(%dma_start3A_63 : memref<1024xf32, #tpu.memory_space<hbm>>) target(%dma_start3A_62 : memref<1024xf32, #tpu.memory_space<vmem>>) target_semaphore(%run_scoped3A : memref<!tpu.dma_semaphore, #tpu.memory_space<semaphore_mem>>)
        %dma_wait3A_64 = arith.constant 0 : i32
        %dma_wait3A_65 = tpu.memref_slice %arg8[%dma_wait3A_64] : memref<3072xf32, #tpu.memory_space<vmem>> -> memref<1024xf32, #tpu.memory_space<vmem>>
        %dma_wait3A_66 = tpu.memref_slice %arg2[%add3A] : memref<524288xf32, #tpu.memory_space<hbm>> -> memref<1024xf32, #tpu.memory_space<hbm>>
        %dma_wait3A_67 = arith.constant 0 : i32
        %dma_wait3A_68 = tpu.memref_slice %arg8[%dma_wait3A_67] : memref<3072xf32, #tpu.memory_space<vmem>> -> memref<1024xf32, #tpu.memory_space<vmem>>
        %dma_wait3A_69 = tpu.memref_slice %arg2[%add3A] : memref<524288xf32, #tpu.memory_space<hbm>> -> memref<1024xf32, #tpu.memory_space<hbm>>
        tpu.wait_dma2 semaphore(%run_scoped3A : memref<!tpu.dma_semaphore, #tpu.memory_space<semaphore_mem>>) src(%dma_wait3A_69 : memref<1024xf32, #tpu.memory_space<hbm>>) dst(%dma_wait3A_68 : memref<1024xf32, #tpu.memory_space<vmem>>)
        tpu.yield
      }) : () -> ()
      "tpu.region"() ({
        %run_scoped3A = tpu.sem_alloc : memref<!tpu.dma_semaphore, #tpu.memory_space<semaphore_mem>>
        %dma_start3A = arith.constant 1024 : i32
        %dma_start3A_59 = tpu.memref_slice %arg8[%dma_start3A] : memref<3072xf32, #tpu.memory_space<vmem>> -> memref<1024xf32, #tpu.memory_space<vmem>>
        %dma_start3A_60 = tpu.memref_slice %arg3[%add3A] : memref<524288xf32, #tpu.memory_space<hbm>> -> memref<1024xf32, #tpu.memory_space<hbm>>
        %dma_start3A_61 = arith.constant 1024 : i32
        %dma_start3A_62 = tpu.memref_slice %arg8[%dma_start3A_61] : memref<3072xf32, #tpu.memory_space<vmem>> -> memref<1024xf32, #tpu.memory_space<vmem>>
        %dma_start3A_63 = tpu.memref_slice %arg3[%add3A] : memref<524288xf32, #tpu.memory_space<hbm>> -> memref<1024xf32, #tpu.memory_space<hbm>>
        tpu.enqueue_dma source(%dma_start3A_63 : memref<1024xf32, #tpu.memory_space<hbm>>) target(%dma_start3A_62 : memref<1024xf32, #tpu.memory_space<vmem>>) target_semaphore(%run_scoped3A : memref<!tpu.dma_semaphore, #tpu.memory_space<semaphore_mem>>)
        %dma_wait3A_64 = arith.constant 1024 : i32
        %dma_wait3A_65 = tpu.memref_slice %arg8[%dma_wait3A_64] : memref<3072xf32, #tpu.memory_space<vmem>> -> memref<1024xf32, #tpu.memory_space<vmem>>
        %dma_wait3A_66 = tpu.memref_slice %arg3[%add3A] : memref<524288xf32, #tpu.memory_space<hbm>> -> memref<1024xf32, #tpu.memory_space<hbm>>
        %dma_wait3A_67 = arith.constant 1024 : i32
        %dma_wait3A_68 = tpu.memref_slice %arg8[%dma_wait3A_67] : memref<3072xf32, #tpu.memory_space<vmem>> -> memref<1024xf32, #tpu.memory_space<vmem>>
        %dma_wait3A_69 = tpu.memref_slice %arg3[%add3A] : memref<524288xf32, #tpu.memory_space<hbm>> -> memref<1024xf32, #tpu.memory_space<hbm>>
        tpu.wait_dma2 semaphore(%run_scoped3A : memref<!tpu.dma_semaphore, #tpu.memory_space<semaphore_mem>>) src(%dma_wait3A_69 : memref<1024xf32, #tpu.memory_space<hbm>>) dst(%dma_wait3A_68 : memref<1024xf32, #tpu.memory_space<vmem>>)
        tpu.yield
      }) : () -> ()
      "tpu.region"() ({
        %run_scoped3A = tpu.sem_alloc : memref<!tpu.dma_semaphore, #tpu.memory_space<semaphore_mem>>
        %dma_start3A = arith.constant 2048 : i32
        %dma_start3A_59 = tpu.memref_slice %arg8[%dma_start3A] : memref<3072xf32, #tpu.memory_space<vmem>> -> memref<1024xf32, #tpu.memory_space<vmem>>
        %dma_start3A_60 = tpu.memref_slice %arg4[%add3A] : memref<524288xf32, #tpu.memory_space<hbm>> -> memref<1024xf32, #tpu.memory_space<hbm>>
        %dma_start3A_61 = arith.constant 2048 : i32
        %dma_start3A_62 = tpu.memref_slice %arg8[%dma_start3A_61] : memref<3072xf32, #tpu.memory_space<vmem>> -> memref<1024xf32, #tpu.memory_space<vmem>>
        %dma_start3A_63 = tpu.memref_slice %arg4[%add3A] : memref<524288xf32, #tpu.memory_space<hbm>> -> memref<1024xf32, #tpu.memory_space<hbm>>
        tpu.enqueue_dma source(%dma_start3A_63 : memref<1024xf32, #tpu.memory_space<hbm>>) target(%dma_start3A_62 : memref<1024xf32, #tpu.memory_space<vmem>>) target_semaphore(%run_scoped3A : memref<!tpu.dma_semaphore, #tpu.memory_space<semaphore_mem>>)
        %dma_wait3A_64 = arith.constant 2048 : i32
        %dma_wait3A_65 = tpu.memref_slice %arg8[%dma_wait3A_64] : memref<3072xf32, #tpu.memory_space<vmem>> -> memref<1024xf32, #tpu.memory_space<vmem>>
        %dma_wait3A_66 = tpu.memref_slice %arg4[%add3A] : memref<524288xf32, #tpu.memory_space<hbm>> -> memref<1024xf32, #tpu.memory_space<hbm>>
        %dma_wait3A_67 = arith.constant 2048 : i32
        %dma_wait3A_68 = tpu.memref_slice %arg8[%dma_wait3A_67] : memref<3072xf32, #tpu.memory_space<vmem>> -> memref<1024xf32, #tpu.memory_space<vmem>>
        %dma_wait3A_69 = tpu.memref_slice %arg4[%add3A] : memref<524288xf32, #tpu.memory_space<hbm>> -> memref<1024xf32, #tpu.memory_space<hbm>>
        tpu.wait_dma2 semaphore(%run_scoped3A : memref<!tpu.dma_semaphore, #tpu.memory_space<semaphore_mem>>) src(%dma_wait3A_69 : memref<1024xf32, #tpu.memory_space<hbm>>) dst(%dma_wait3A_68 : memref<1024xf32, #tpu.memory_space<vmem>>)
        tpu.yield
      }) : () -> ()
      %scan3A_46 = arith.constant 0 : i32
      %scan3A_47 = arith.constant 0 : i32
      %scan3A_48 = arith.constant 64 : i32
      %scan3A_49 = arith.addi %scan3A_47, %scan3A_48 : i32
      %scan3A_50 = arith.constant 1 : i32
      scf.for %scan3A_59 = %scan3A_47 to %scan3A_49 step %scan3A_50  : i32 {
        %mul3A_60 = arith.constant 16 : i32
        %mul3A_61 = arith.muli %scan3A_59, %mul3A_60 : i32
        %get3A = arith.index_cast %mul3A_61 : i32 to index
        %get3A_62 = tpu.vector_load %arg8[%get3A] {strides = array<i32>} : memref<3072xf32, #tpu.memory_space<vmem>>, vector<16xf32>,
        %get3A_63 = vector.shape_cast %get3A_62 : vector<16xf32> to vector<16xf32>
        %add3A_64 = arith.constant 1024 : i32
        %add3A_65 = arith.addi %add3A_64, %mul3A_61 : i32
        %get3A_66 = arith.index_cast %add3A_65 : i32 to index
        %get3A_67 = tpu.vector_load %arg8[%get3A_66] {strides = array<i32>} : memref<3072xf32, #tpu.memory_space<vmem>>, vector<16xf32>,
        %get3A_68 = vector.shape_cast %get3A_67 : vector<16xf32> to vector<16xf32>
        %add3A_69 = arith.constant 2048 : i32
        %add3A_70 = arith.addi %add3A_69, %mul3A_61 : i32
        %get3A_71 = arith.index_cast %add3A_70 : i32 to index
        %get3A_72 = tpu.vector_load %arg8[%get3A_71] {strides = array<i32>} : memref<3072xf32, #tpu.memory_space<vmem>>, vector<16xf32>,
        %get3A_73 = vector.shape_cast %get3A_72 : vector<16xf32> to vector<16xf32>
        %jit3A = arith.constant 1.600000e+01 : f32
        %jit3A_74 = arith.constant 7.520000e+02 : f32
        %select_n3A = arith.select %eq3A_0, %jit3A, %jit3A_74 : f32
        %mul3A_75 = vector.broadcast %select_n3A : f32 to vector<16xf32>
        %mul3A_76 = arith.mulf %get3A_63, %mul3A_75 : vector<16xf32>
        %mul3A_77 = vector.broadcast %select_n3A : f32 to vector<16xf32>
        %mul3A_78 = arith.mulf %get3A_68, %mul3A_77 : vector<16xf32>
        %mul3A_79 = vector.broadcast %select_n3A : f32 to vector<16xf32>
        %mul3A_80 = arith.mulf %get3A_73, %mul3A_79 : vector<16xf32>
        %convert_element_type3A_81 = arith.fptosi %mul3A_76 : vector<16xf32> to vector<16xi32>
        %convert_element_type3A_82 = arith.fptosi %mul3A_78 : vector<16xf32> to vector<16xi32>
        %convert_element_type3A_83 = arith.fptosi %mul3A_80 : vector<16xf32> to vector<16xi32>
        %mul3A_84 = arith.constant -1640531535 : i32
        %mul3A_85 = vector.broadcast %mul3A_84 : i32 to vector<16xi32>
        %mul3A_86 = arith.muli %convert_element_type3A_82, %mul3A_85 : vector<16xi32>
        %add3A_87 = arith.constant -1640531535 : i32
        %add3A_88 = vector.broadcast %add3A_87 : i32 to vector<16xi32>
        %add3A_89 = arith.addi %mul3A_86, %add3A_88 : vector<16xi32>
        %mul3A_90 = arith.constant 805459861 : i32
        %mul3A_91 = vector.broadcast %mul3A_90 : i32 to vector<16xi32>
        %mul3A_92 = arith.muli %convert_element_type3A_83, %mul3A_91 : vector<16xi32>
        %add3A_93 = arith.constant 805459861 : i32
        %add3A_94 = vector.broadcast %add3A_93 : i32 to vector<16xi32>
        %add3A_95 = arith.addi %mul3A_92, %add3A_94 : vector<16xi32>
        %add3A_96 = arith.constant 1 : i32
        %add3A_97 = vector.broadcast %add3A_96 : i32 to vector<16xi32>
        %add3A_98 = arith.addi %convert_element_type3A_81, %add3A_97 : vector<16xi32>
        %xor3A = arith.xori %convert_element_type3A_81, %mul3A_86 : vector<16xi32>
        %xor3A_99 = arith.xori %xor3A, %mul3A_92 : vector<16xi32>
        %and3A_100 = arith.constant 65535 : i32
        %and3A_101 = vector.broadcast %and3A_100 : i32 to vector<16xi32>
        %and3A_102 = arith.andi %xor3A_99, %and3A_101 : vector<16xi32>
        %or3A = arith.constant 0 : i32
        %or3A_103 = vector.broadcast %or3A : i32 to vector<16xi32>
        %or3A_104 = arith.ori %and3A_102, %or3A_103 : vector<16xi32>
        %swap3A = arith.constant 0 : i32
        %swap3A_105 = arith.index_cast %swap3A : i32 to index
        %swap3A_106 = arith.constant 0 : index
        %swap3A_107 = tpu.vector_load %arg10[%swap3A_105, %swap3A_106] {strides = array<i32>} : memref<5x128xi32, #tpu.memory_space<vmem>>, vector<1x16xi32>,
        %swap3A_108 = vector.shape_cast %swap3A_107 : vector<1x16xi32> to vector<16xi32>
        %swap3A_109 = vector.shape_cast %or3A_104 : vector<16xi32> to vector<1x16xi32>
        tpu.vector_store %arg10[%swap3A_105, %swap3A_106], %swap3A_109 {strides = array<i32>} : memref<5x128xi32, #tpu.memory_space<vmem>>, vector<1x16xi32>,
        %xor3A_110 = arith.xori %convert_element_type3A_81, %mul3A_86 : vector<16xi32>
        %xor3A_111 = arith.xori %xor3A_110, %add3A_95 : vector<16xi32>
        %and3A_112 = arith.constant 65535 : i32
        %and3A_113 = vector.broadcast %and3A_112 : i32 to vector<16xi32>
        %and3A_114 = arith.andi %xor3A_111, %and3A_113 : vector<16xi32>
        %or3A_115 = arith.constant 0 : i32
        %or3A_116 = vector.broadcast %or3A_115 : i32 to vector<16xi32>
        %or3A_117 = arith.ori %and3A_114, %or3A_116 : vector<16xi32>
        %swap3A_118 = arith.constant 0 : i32
        %swap3A_119 = arith.index_cast %swap3A_118 : i32 to index
        %swap3A_120 = arith.constant 16 : index
        %swap3A_121 = tpu.vector_load %arg10[%swap3A_119, %swap3A_120] {strides = array<i32>} : memref<5x128xi32, #tpu.memory_space<vmem>>, vector<1x16xi32>,
        %swap3A_122 = vector.shape_cast %swap3A_121 : vector<1x16xi32> to vector<16xi32>
        %swap3A_123 = vector.shape_cast %or3A_117 : vector<16xi32> to vector<1x16xi32>
        tpu.vector_store %arg10[%swap3A_119, %swap3A_120], %swap3A_123 {strides = array<i32>} : memref<5x128xi32, #tpu.memory_space<vmem>>, vector<1x16xi32>,
        %xor3A_124 = arith.xori %convert_element_type3A_81, %add3A_89 : vector<16xi32>
        %xor3A_125 = arith.xori %xor3A_124, %mul3A_92 : vector<16xi32>
        %and3A_126 = arith.constant 65535 : i32
        %and3A_127 = vector.broadcast %and3A_126 : i32 to vector<16xi32>
        %and3A_128 = arith.andi %xor3A_125, %and3A_127 : vector<16xi32>
        %or3A_129 = arith.constant 0 : i32
        %or3A_130 = vector.broadcast %or3A_129 : i32 to vector<16xi32>
        %or3A_131 = arith.ori %and3A_128, %or3A_130 : vector<16xi32>
        %swap3A_132 = arith.constant 0 : i32
        %swap3A_133 = arith.index_cast %swap3A_132 : i32 to index
        %swap3A_134 = arith.constant 32 : index
        %swap3A_135 = tpu.vector_load %arg10[%swap3A_133, %swap3A_134] {strides = array<i32>} : memref<5x128xi32, #tpu.memory_space<vmem>>, vector<1x16xi32>,
        %swap3A_136 = vector.shape_cast %swap3A_135 : vector<1x16xi32> to vector<16xi32>
        %swap3A_137 = vector.shape_cast %or3A_131 : vector<16xi32> to vector<1x16xi32>
        tpu.vector_store %arg10[%swap3A_133, %swap3A_134], %swap3A_137 {strides = array<i32>} : memref<5x128xi32, #tpu.memory_space<vmem>>, vector<1x16xi32>,
        %xor3A_138 = arith.xori %convert_element_type3A_81, %add3A_89 : vector<16xi32>
        %xor3A_139 = arith.xori %xor3A_138, %add3A_95 : vector<16xi32>
        %and3A_140 = arith.constant 65535 : i32
        %and3A_141 = vector.broadcast %and3A_140 : i32 to vector<16xi32>
        %and3A_142 = arith.andi %xor3A_139, %and3A_141 : vector<16xi32>
        %or3A_143 = arith.constant 0 : i32
        %or3A_144 = vector.broadcast %or3A_143 : i32 to vector<16xi32>
        %or3A_145 = arith.ori %and3A_142, %or3A_144 : vector<16xi32>
        %swap3A_146 = arith.constant 0 : i32
        %swap3A_147 = arith.index_cast %swap3A_146 : i32 to index
        %swap3A_148 = arith.constant 48 : index
        %swap3A_149 = tpu.vector_load %arg10[%swap3A_147, %swap3A_148] {strides = array<i32>} : memref<5x128xi32, #tpu.memory_space<vmem>>, vector<1x16xi32>,
        %swap3A_150 = vector.shape_cast %swap3A_149 : vector<1x16xi32> to vector<16xi32>
        %swap3A_151 = vector.shape_cast %or3A_145 : vector<16xi32> to vector<1x16xi32>
        tpu.vector_store %arg10[%swap3A_147, %swap3A_148], %swap3A_151 {strides = array<i32>} : memref<5x128xi32, #tpu.memory_space<vmem>>, vector<1x16xi32>,
        %xor3A_152 = arith.xori %add3A_98, %mul3A_86 : vector<16xi32>
        %xor3A_153 = arith.xori %xor3A_152, %mul3A_92 : vector<16xi32>
        %and3A_154 = arith.constant 65535 : i32
        %and3A_155 = vector.broadcast %and3A_154 : i32 to vector<16xi32>
        %and3A_156 = arith.andi %xor3A_153, %and3A_155 : vector<16xi32>
        %or3A_157 = arith.constant 0 : i32
        %or3A_158 = vector.broadcast %or3A_157 : i32 to vector<16xi32>
        %or3A_159 = arith.ori %and3A_156, %or3A_158 : vector<16xi32>
        %swap3A_160 = arith.constant 0 : i32
        %swap3A_161 = arith.index_cast %swap3A_160 : i32 to index
        %swap3A_162 = arith.constant 64 : index
        %swap3A_163 = tpu.vector_load %arg10[%swap3A_161, %swap3A_162] {strides = array<i32>} : memref<5x128xi32, #tpu.memory_space<vmem>>, vector<1x16xi32>,
        %swap3A_164 = vector.shape_cast %swap3A_163 : vector<1x16xi32> to vector<16xi32>
        %swap3A_165 = vector.shape_cast %or3A_159 : vector<16xi32> to vector<1x16xi32>
        tpu.vector_store %arg10[%swap3A_161, %swap3A_162], %swap3A_165 {strides = array<i32>} : memref<5x128xi32, #tpu.memory_space<vmem>>, vector<1x16xi32>,
        %xor3A_166 = arith.xori %add3A_98, %mul3A_86 : vector<16xi32>
        %xor3A_167 = arith.xori %xor3A_166, %add3A_95 : vector<16xi32>
        %and3A_168 = arith.constant 65535 : i32
        %and3A_169 = vector.broadcast %and3A_168 : i32 to vector<16xi32>
        %and3A_170 = arith.andi %xor3A_167, %and3A_169 : vector<16xi32>
        %or3A_171 = arith.constant 0 : i32
        %or3A_172 = vector.broadcast %or3A_171 : i32 to vector<16xi32>
        %or3A_173 = arith.ori %and3A_170, %or3A_172 : vector<16xi32>
        %swap3A_174 = arith.constant 0 : i32
        %swap3A_175 = arith.index_cast %swap3A_174 : i32 to index
        %swap3A_176 = arith.constant 80 : index
        %swap3A_177 = tpu.vector_load %arg10[%swap3A_175, %swap3A_176] {strides = array<i32>} : memref<5x128xi32, #tpu.memory_space<vmem>>, vector<1x16xi32>,
        %swap3A_178 = vector.shape_cast %swap3A_177 : vector<1x16xi32> to vector<16xi32>
        %swap3A_179 = vector.shape_cast %or3A_173 : vector<16xi32> to vector<1x16xi32>
        tpu.vector_store %arg10[%swap3A_175, %swap3A_176], %swap3A_179 {strides = array<i32>} : memref<5x128xi32, #tpu.memory_space<vmem>>, vector<1x16xi32>,
        %xor3A_180 = arith.xori %add3A_98, %add3A_89 : vector<16xi32>
        %xor3A_181 = arith.xori %xor3A_180, %mul3A_92 : vector<16xi32>
        %and3A_182 = arith.constant 65535 : i32
        %and3A_183 = vector.broadcast %and3A_182 : i32 to vector<16xi32>
        %and3A_184 = arith.andi %xor3A_181, %and3A_183 : vector<16xi32>
        %or3A_185 = arith.constant 0 : i32
        %or3A_186 = vector.broadcast %or3A_185 : i32 to vector<16xi32>
        %or3A_187 = arith.ori %and3A_184, %or3A_186 : vector<16xi32>
        %swap3A_188 = arith.constant 0 : i32
        %swap3A_189 = arith.index_cast %swap3A_188 : i32 to index
        %swap3A_190 = arith.constant 96 : index
        %swap3A_191 = tpu.vector_load %arg10[%swap3A_189, %swap3A_190] {strides = array<i32>} : memref<5x128xi32, #tpu.memory_space<vmem>>, vector<1x16xi32>,
        %swap3A_192 = vector.shape_cast %swap3A_191 : vector<1x16xi32> to vector<16xi32>
        %swap3A_193 = vector.shape_cast %or3A_187 : vector<16xi32> to vector<1x16xi32>
        tpu.vector_store %arg10[%swap3A_189, %swap3A_190], %swap3A_193 {strides = array<i32>} : memref<5x128xi32, #tpu.memory_space<vmem>>, vector<1x16xi32>,
        %xor3A_194 = arith.xori %add3A_98, %add3A_89 : vector<16xi32>
        %xor3A_195 = arith.xori %xor3A_194, %add3A_95 : vector<16xi32>
        %and3A_196 = arith.constant 65535 : i32
        %and3A_197 = vector.broadcast %and3A_196 : i32 to vector<16xi32>
        %and3A_198 = arith.andi %xor3A_195, %and3A_197 : vector<16xi32>
        %or3A_199 = arith.constant 0 : i32
        %or3A_200 = vector.broadcast %or3A_199 : i32 to vector<16xi32>
        %or3A_201 = arith.ori %and3A_198, %or3A_200 : vector<16xi32>
        %swap3A_202 = arith.constant 0 : i32
        %swap3A_203 = arith.index_cast %swap3A_202 : i32 to index
        %swap3A_204 = arith.constant 112 : index
        %swap3A_205 = tpu.vector_load %arg10[%swap3A_203, %swap3A_204] {strides = array<i32>} : memref<5x128xi32, #tpu.memory_space<vmem>>, vector<1x16xi32>,
        %swap3A_206 = vector.shape_cast %swap3A_205 : vector<1x16xi32> to vector<16xi32>
        %swap3A_207 = vector.shape_cast %or3A_201 : vector<16xi32> to vector<1x16xi32>
        tpu.vector_store %arg10[%swap3A_203, %swap3A_204], %swap3A_207 {strides = array<i32>} : memref<5x128xi32, #tpu.memory_space<vmem>>, vector<1x16xi32>,
        %dma_start3A = arith.constant 0 : i32
        %dma_start3A_208 = arith.constant 0 : i32
        %dma_start3A_209 = arith.constant 0 : i32
        %dma_start3A_210 = tpu.memref_slice %arg11[%dma_start3A_208, %dma_start3A_209] : memref<10x128xi32, #tpu.memory_space<vmem>> -> memref<1x128xi32, #tpu.memory_space<vmem>>
        %dma_start3A_211 = tpu.memref_squeeze %dma_start3A_210 : memref<1x128xi32, #tpu.memory_space<vmem>> -> memref<128xi32, #tpu.memory_space<vmem>>
        %dma_start3A_212 = arith.constant 0 : i32
        %dma_start3A_213 = tpu.memref_slice %arg10[%dma_start3A, %dma_start3A_212] : memref<5x128xi32, #tpu.memory_space<vmem>> -> memref<1x128xi32, #tpu.memory_space<vmem>>
        %dma_start3A_214 = tpu.memref_squeeze %dma_start3A_213 : memref<1x128xi32, #tpu.memory_space<vmem>> -> memref<128xi32, #tpu.memory_space<vmem>>
        %dma_start3A_215 = arith.constant 0 : i32
        %dma_start3A_216 = tpu.memref_slice %arg15[%dma_start3A_215] : memref<327680xi32, #tpu.memory_space<vmem_shared>> -> memref<327680xi32, #tpu.memory_space<vmem_shared>>
        tpu.enqueue_indirect_dma source(%dma_start3A_216 : memref<327680xi32, #tpu.memory_space<vmem_shared>>) target(%dma_start3A_211 : memref<128xi32, #tpu.memory_space<vmem>>) offsets(%dma_start3A_214 : memref<128xi32, #tpu.memory_space<vmem>>) semaphore(%arg17 : memref<!tpu.dma_semaphore, #tpu.memory_space<semaphore_mem>>)
        %dma_start3A_217 = arith.constant 0 : i32
        %dma_start3A_218 = arith.constant 1 : i32
        %dma_start3A_219 = arith.constant 0 : i32
        %dma_start3A_220 = tpu.memref_slice %arg11[%dma_start3A_218, %dma_start3A_219] : memref<10x128xi32, #tpu.memory_space<vmem>> -> memref<1x128xi32, #tpu.memory_space<vmem>>
        %dma_start3A_221 = tpu.memref_squeeze %dma_start3A_220 : memref<1x128xi32, #tpu.memory_space<vmem>> -> memref<128xi32, #tpu.memory_space<vmem>>
        %dma_start3A_222 = arith.constant 0 : i32
        %dma_start3A_223 = tpu.memref_slice %arg10[%dma_start3A_217, %dma_start3A_222] : memref<5x128xi32, #tpu.memory_space<vmem>> -> memref<1x128xi32, #tpu.memory_space<vmem>>
        %dma_start3A_224 = tpu.memref_squeeze %dma_start3A_223 : memref<1x128xi32, #tpu.memory_space<vmem>> -> memref<128xi32, #tpu.memory_space<vmem>>
        %dma_start3A_225 = arith.constant 0 : i32
        %dma_start3A_226 = tpu.memref_slice %arg16[%dma_start3A_225] : memref<327680xi32, #tpu.memory_space<vmem_shared>> -> memref<327680xi32, #tpu.memory_space<vmem_shared>>
        tpu.enqueue_indirect_dma source(%dma_start3A_226 : memref<327680xi32, #tpu.memory_space<vmem_shared>>) target(%dma_start3A_221 : memref<128xi32, #tpu.memory_space<vmem>>) offsets(%dma_start3A_224 : memref<128xi32, #tpu.memory_space<vmem>>) semaphore(%arg17 : memref<!tpu.dma_semaphore, #tpu.memory_space<semaphore_mem>>)
        %jit3A_227 = arith.constant 3.400000e+01 : f32
        %jit3A_228 = arith.constant 1.625000e+03 : f32
        %select_n3A_229 = arith.select %eq3A_0, %jit3A_227, %jit3A_228 : f32
        %mul3A_230 = vector.broadcast %select_n3A_229 : f32 to vector<16xf32>
        %mul3A_231 = arith.mulf %get3A_63, %mul3A_230 : vector<16xf32>
        %mul3A_232 = vector.broadcast %select_n3A_229 : f32 to vector<16xf32>
        %mul3A_233 = arith.mulf %get3A_68, %mul3A_232 : vector<16xf32>
        %mul3A_234 = vector.broadcast %select_n3A_229 : f32 to vector<16xf32>
        %mul3A_235 = arith.mulf %get3A_73, %mul3A_234 : vector<16xf32>
        %convert_element_type3A_236 = arith.fptosi %mul3A_231 : vector<16xf32> to vector<16xi32>
        %convert_element_type3A_237 = arith.fptosi %mul3A_233 : vector<16xf32> to vector<16xi32>
        %convert_element_type3A_238 = arith.fptosi %mul3A_235 : vector<16xf32> to vector<16xi32>
        %mul3A_239 = arith.constant -1640531535 : i32
        %mul3A_240 = vector.broadcast %mul3A_239 : i32 to vector<16xi32>
        %mul3A_241 = arith.muli %convert_element_type3A_237, %mul3A_240 : vector<16xi32>
        %add3A_242 = arith.constant -1640531535 : i32
        %add3A_243 = vector.broadcast %add3A_242 : i32 to vector<16xi32>
        %add3A_244 = arith.addi %mul3A_241, %add3A_243 : vector<16xi32>
        %mul3A_245 = arith.constant 805459861 : i32
        %mul3A_246 = vector.broadcast %mul3A_245 : i32 to vector<16xi32>
        %mul3A_247 = arith.muli %convert_element_type3A_238, %mul3A_246 : vector<16xi32>
        %add3A_248 = arith.constant 805459861 : i32
        %add3A_249 = vector.broadcast %add3A_248 : i32 to vector<16xi32>
        %add3A_250 = arith.addi %mul3A_247, %add3A_249 : vector<16xi32>
        %add3A_251 = arith.constant 1 : i32
        %add3A_252 = vector.broadcast %add3A_251 : i32 to vector<16xi32>
        %add3A_253 = arith.addi %convert_element_type3A_236, %add3A_252 : vector<16xi32>
        %xor3A_254 = arith.xori %convert_element_type3A_236, %mul3A_241 : vector<16xi32>
        %xor3A_255 = arith.xori %xor3A_254, %mul3A_247 : vector<16xi32>
        %and3A_256 = arith.constant 65535 : i32
        %and3A_257 = vector.broadcast %and3A_256 : i32 to vector<16xi32>
        %and3A_258 = arith.andi %xor3A_255, %and3A_257 : vector<16xi32>
        %or3A_259 = arith.constant 65536 : i32
        %or3A_260 = vector.broadcast %or3A_259 : i32 to vector<16xi32>
        %or3A_261 = arith.ori %and3A_258, %or3A_260 : vector<16xi32>
        %swap3A_262 = arith.constant 1 : i32
        %swap3A_263 = arith.index_cast %swap3A_262 : i32 to index
        %swap3A_264 = arith.constant 0 : index
        %swap3A_265 = tpu.vector_load %arg10[%swap3A_263, %swap3A_264] {strides = array<i32>} : memref<5x128xi32, #tpu.memory_space<vmem>>, vector<1x16xi32>,
        %swap3A_266 = vector.shape_cast %swap3A_265 : vector<1x16xi32> to vector<16xi32>
        %swap3A_267 = vector.shape_cast %or3A_261 : vector<16xi32> to vector<1x16xi32>
        tpu.vector_store %arg10[%swap3A_263, %swap3A_264], %swap3A_267 {strides = array<i32>} : memref<5x128xi32, #tpu.memory_space<vmem>>, vector<1x16xi32>,
        %xor3A_268 = arith.xori %convert_element_type3A_236, %mul3A_241 : vector<16xi32>
        %xor3A_269 = arith.xori %xor3A_268, %add3A_250 : vector<16xi32>
        %and3A_270 = arith.constant 65535 : i32
        %and3A_271 = vector.broadcast %and3A_270 : i32 to vector<16xi32>
        %and3A_272 = arith.andi %xor3A_269, %and3A_271 : vector<16xi32>
        %or3A_273 = arith.constant 65536 : i32
        %or3A_274 = vector.broadcast %or3A_273 : i32 to vector<16xi32>
        %or3A_275 = arith.ori %and3A_272, %or3A_274 : vector<16xi32>
        %swap3A_276 = arith.constant 1 : i32
        %swap3A_277 = arith.index_cast %swap3A_276 : i32 to index
        %swap3A_278 = arith.constant 16 : index
        %swap3A_279 = tpu.vector_load %arg10[%swap3A_277, %swap3A_278] {strides = array<i32>} : memref<5x128xi32, #tpu.memory_space<vmem>>, vector<1x16xi32>,
        %swap3A_280 = vector.shape_cast %swap3A_279 : vector<1x16xi32> to vector<16xi32>
        %swap3A_281 = vector.shape_cast %or3A_275 : vector<16xi32> to vector<1x16xi32>
        tpu.vector_store %arg10[%swap3A_277, %swap3A_278], %swap3A_281 {strides = array<i32>} : memref<5x128xi32, #tpu.memory_space<vmem>>, vector<1x16xi32>,
        %xor3A_282 = arith.xori %convert_element_type3A_236, %add3A_244 : vector<16xi32>
        %xor3A_283 = arith.xori %xor3A_282, %mul3A_247 : vector<16xi32>
        %and3A_284 = arith.constant 65535 : i32
        %and3A_285 = vector.broadcast %and3A_284 : i32 to vector<16xi32>
        %and3A_286 = arith.andi %xor3A_283, %and3A_285 : vector<16xi32>
        %or3A_287 = arith.constant 65536 : i32
        %or3A_288 = vector.broadcast %or3A_287 : i32 to vector<16xi32>
        %or3A_289 = arith.ori %and3A_286, %or3A_288 : vector<16xi32>
        %swap3A_290 = arith.constant 1 : i32
        %swap3A_291 = arith.index_cast %swap3A_290 : i32 to index
        %swap3A_292 = arith.constant 32 : index
        %swap3A_293 = tpu.vector_load %arg10[%swap3A_291, %swap3A_292] {strides = array<i32>} : memref<5x128xi32, #tpu.memory_space<vmem>>, vector<1x16xi32>,
        %swap3A_294 = vector.shape_cast %swap3A_293 : vector<1x16xi32> to vector<16xi32>
        %swap3A_295 = vector.shape_cast %or3A_289 : vector<16xi32> to vector<1x16xi32>
        tpu.vector_store %arg10[%swap3A_291, %swap3A_292], %swap3A_295 {strides = array<i32>} : memref<5x128xi32, #tpu.memory_space<vmem>>, vector<1x16xi32>,
        %xor3A_296 = arith.xori %convert_element_type3A_236, %add3A_244 : vector<16xi32>
        %xor3A_297 = arith.xori %xor3A_296, %add3A_250 : vector<16xi32>
        %and3A_298 = arith.constant 65535 : i32
        %and3A_299 = vector.broadcast %and3A_298 : i32 to vector<16xi32>
        %and3A_300 = arith.andi %xor3A_297, %and3A_299 : vector<16xi32>
        %or3A_301 = arith.constant 65536 : i32
        %or3A_302 = vector.broadcast %or3A_301 : i32 to vector<16xi32>
        %or3A_303 = arith.ori %and3A_300, %or3A_302 : vector<16xi32>
        %swap3A_304 = arith.constant 1 : i32
        %swap3A_305 = arith.index_cast %swap3A_304 : i32 to index
        %swap3A_306 = arith.constant 48 : index
        %swap3A_307 = tpu.vector_load %arg10[%swap3A_305, %swap3A_306] {strides = array<i32>} : memref<5x128xi32, #tpu.memory_space<vmem>>, vector<1x16xi32>,
        %swap3A_308 = vector.shape_cast %swap3A_307 : vector<1x16xi32> to vector<16xi32>
        %swap3A_309 = vector.shape_cast %or3A_303 : vector<16xi32> to vector<1x16xi32>
        tpu.vector_store %arg10[%swap3A_305, %swap3A_306], %swap3A_309 {strides = array<i32>} : memref<5x128xi32, #tpu.memory_space<vmem>>, vector<1x16xi32>,
        %xor3A_310 = arith.xori %add3A_253, %mul3A_241 : vector<16xi32>
        %xor3A_311 = arith.xori %xor3A_310, %mul3A_247 : vector<16xi32>
        %and3A_312 = arith.constant 65535 : i32
        %and3A_313 = vector.broadcast %and3A_312 : i32 to vector<16xi32>
        %and3A_314 = arith.andi %xor3A_311, %and3A_313 : vector<16xi32>
        %or3A_315 = arith.constant 65536 : i32
        %or3A_316 = vector.broadcast %or3A_315 : i32 to vector<16xi32>
        %or3A_317 = arith.ori %and3A_314, %or3A_316 : vector<16xi32>
        %swap3A_318 = arith.constant 1 : i32
        %swap3A_319 = arith.index_cast %swap3A_318 : i32 to index
        %swap3A_320 = arith.constant 64 : index
        %swap3A_321 = tpu.vector_load %arg10[%swap3A_319, %swap3A_320] {strides = array<i32>} : memref<5x128xi32, #tpu.memory_space<vmem>>, vector<1x16xi32>,
        %swap3A_322 = vector.shape_cast %swap3A_321 : vector<1x16xi32> to vector<16xi32>
        %swap3A_323 = vector.shape_cast %or3A_317 : vector<16xi32> to vector<1x16xi32>
        tpu.vector_store %arg10[%swap3A_319, %swap3A_320], %swap3A_323 {strides = array<i32>} : memref<5x128xi32, #tpu.memory_space<vmem>>, vector<1x16xi32>,
        %xor3A_324 = arith.xori %add3A_253, %mul3A_241 : vector<16xi32>
        %xor3A_325 = arith.xori %xor3A_324, %add3A_250 : vector<16xi32>
        %and3A_326 = arith.constant 65535 : i32
        %and3A_327 = vector.broadcast %and3A_326 : i32 to vector<16xi32>
        %and3A_328 = arith.andi %xor3A_325, %and3A_327 : vector<16xi32>
        %or3A_329 = arith.constant 65536 : i32
        %or3A_330 = vector.broadcast %or3A_329 : i32 to vector<16xi32>
        %or3A_331 = arith.ori %and3A_328, %or3A_330 : vector<16xi32>
        %swap3A_332 = arith.constant 1 : i32
        %swap3A_333 = arith.index_cast %swap3A_332 : i32 to index
        %swap3A_334 = arith.constant 80 : index
        %swap3A_335 = tpu.vector_load %arg10[%swap3A_333, %swap3A_334] {strides = array<i32>} : memref<5x128xi32, #tpu.memory_space<vmem>>, vector<1x16xi32>,
        %swap3A_336 = vector.shape_cast %swap3A_335 : vector<1x16xi32> to vector<16xi32>
        %swap3A_337 = vector.shape_cast %or3A_331 : vector<16xi32> to vector<1x16xi32>
        tpu.vector_store %arg10[%swap3A_333, %swap3A_334], %swap3A_337 {strides = array<i32>} : memref<5x128xi32, #tpu.memory_space<vmem>>, vector<1x16xi32>,
        %xor3A_338 = arith.xori %add3A_253, %add3A_244 : vector<16xi32>
        %xor3A_339 = arith.xori %xor3A_338, %mul3A_247 : vector<16xi32>
        %and3A_340 = arith.constant 65535 : i32
        %and3A_341 = vector.broadcast %and3A_340 : i32 to vector<16xi32>
        %and3A_342 = arith.andi %xor3A_339, %and3A_341 : vector<16xi32>
        %or3A_343 = arith.constant 65536 : i32
        %or3A_344 = vector.broadcast %or3A_343 : i32 to vector<16xi32>
        %or3A_345 = arith.ori %and3A_342, %or3A_344 : vector<16xi32>
        %swap3A_346 = arith.constant 1 : i32
        %swap3A_347 = arith.index_cast %swap3A_346 : i32 to index
        %swap3A_348 = arith.constant 96 : index
        %swap3A_349 = tpu.vector_load %arg10[%swap3A_347, %swap3A_348] {strides = array<i32>} : memref<5x128xi32, #tpu.memory_space<vmem>>, vector<1x16xi32>,
        %swap3A_350 = vector.shape_cast %swap3A_349 : vector<1x16xi32> to vector<16xi32>
        %swap3A_351 = vector.shape_cast %or3A_345 : vector<16xi32> to vector<1x16xi32>
        tpu.vector_store %arg10[%swap3A_347, %swap3A_348], %swap3A_351 {strides = array<i32>} : memref<5x128xi32, #tpu.memory_space<vmem>>, vector<1x16xi32>,
        %xor3A_352 = arith.xori %add3A_253, %add3A_244 : vector<16xi32>
        %xor3A_353 = arith.xori %xor3A_352, %add3A_250 : vector<16xi32>
        %and3A_354 = arith.constant 65535 : i32
        %and3A_355 = vector.broadcast %and3A_354 : i32 to vector<16xi32>
        %and3A_356 = arith.andi %xor3A_353, %and3A_355 : vector<16xi32>
        %or3A_357 = arith.constant 65536 : i32
        %or3A_358 = vector.broadcast %or3A_357 : i32 to vector<16xi32>
        %or3A_359 = arith.ori %and3A_356, %or3A_358 : vector<16xi32>
        %swap3A_360 = arith.constant 1 : i32
        %swap3A_361 = arith.index_cast %swap3A_360 : i32 to index
        %swap3A_362 = arith.constant 112 : index
        %swap3A_363 = tpu.vector_load %arg10[%swap3A_361, %swap3A_362] {strides = array<i32>} : memref<5x128xi32, #tpu.memory_space<vmem>>, vector<1x16xi32>,
        %swap3A_364 = vector.shape_cast %swap3A_363 : vector<1x16xi32> to vector<16xi32>
        %swap3A_365 = vector.shape_cast %or3A_359 : vector<16xi32> to vector<1x16xi32>
        tpu.vector_store %arg10[%swap3A_361, %swap3A_362], %swap3A_365 {strides = array<i32>} : memref<5x128xi32, #tpu.memory_space<vmem>>, vector<1x16xi32>,
        %dma_start3A_366 = arith.constant 1 : i32
        %dma_start3A_367 = arith.constant 2 : i32
        %dma_start3A_368 = arith.constant 0 : i32
        %dma_start3A_369 = tpu.memref_slice %arg11[%dma_start3A_367, %dma_start3A_368] : memref<10x128xi32, #tpu.memory_space<vmem>> -> memref<1x128xi32, #tpu.memory_space<vmem>>
        %dma_start3A_370 = tpu.memref_squeeze %dma_start3A_369 : memref<1x128xi32, #tpu.memory_space<vmem>> -> memref<128xi32, #tpu.memory_space<vmem>>
        %dma_start3A_371 = arith.constant 0 : i32
        %dma_start3A_372 = tpu.memref_slice %arg10[%dma_start3A_366, %dma_start3A_371] : memref<5x128xi32, #tpu.memory_space<vmem>> -> memref<1x128xi32, #tpu.memory_space<vmem>>
        %dma_start3A_373 = tpu.memref_squeeze %dma_start3A_372 : memref<1x128xi32, #tpu.memory_space<vmem>> -> memref<128xi32, #tpu.memory_space<vmem>>
        %dma_start3A_374 = arith.constant 0 : i32
        %dma_start3A_375 = tpu.memref_slice %arg15[%dma_start3A_374] : memref<327680xi32, #tpu.memory_space<vmem_shared>> -> memref<327680xi32, #tpu.memory_space<vmem_shared>>
        tpu.enqueue_indirect_dma source(%dma_start3A_375 : memref<327680xi32, #tpu.memory_space<vmem_shared>>) target(%dma_start3A_370 : memref<128xi32, #tpu.memory_space<vmem>>) offsets(%dma_start3A_373 : memref<128xi32, #tpu.memory_space<vmem>>) semaphore(%arg17 : memref<!tpu.dma_semaphore, #tpu.memory_space<semaphore_mem>>)
        %dma_start3A_376 = arith.constant 1 : i32
        %dma_start3A_377 = arith.constant 3 : i32
        %dma_start3A_378 = arith.constant 0 : i32
        %dma_start3A_379 = tpu.memref_slice %arg11[%dma_start3A_377, %dma_start3A_378] : memref<10x128xi32, #tpu.memory_space<vmem>> -> memref<1x128xi32, #tpu.memory_space<vmem>>
        %dma_start3A_380 = tpu.memref_squeeze %dma_start3A_379 : memref<1x128xi32, #tpu.memory_space<vmem>> -> memref<128xi32, #tpu.memory_space<vmem>>
        %dma_start3A_381 = arith.constant 0 : i32
        %dma_start3A_382 = tpu.memref_slice %arg10[%dma_start3A_376, %dma_start3A_381] : memref<5x128xi32, #tpu.memory_space<vmem>> -> memref<1x128xi32, #tpu.memory_space<vmem>>
        %dma_start3A_383 = tpu.memref_squeeze %dma_start3A_382 : memref<1x128xi32, #tpu.memory_space<vmem>> -> memref<128xi32, #tpu.memory_space<vmem>>
        %dma_start3A_384 = arith.constant 0 : i32
        %dma_start3A_385 = tpu.memref_slice %arg16[%dma_start3A_384] : memref<327680xi32, #tpu.memory_space<vmem_shared>> -> memref<327680xi32, #tpu.memory_space<vmem_shared>>
        tpu.enqueue_indirect_dma source(%dma_start3A_385 : memref<327680xi32, #tpu.memory_space<vmem_shared>>) target(%dma_start3A_380 : memref<128xi32, #tpu.memory_space<vmem>>) offsets(%dma_start3A_383 : memref<128xi32, #tpu.memory_space<vmem>>) semaphore(%arg17 : memref<!tpu.dma_semaphore, #tpu.memory_space<semaphore_mem>>)
        %jit3A_386 = arith.constant 7.400000e+01 : f32
        %jit3A_387 = arith.constant 3.511000e+03 : f32
        %select_n3A_388 = arith.select %eq3A_0, %jit3A_386, %jit3A_387 : f32
        %mul3A_389 = vector.broadcast %select_n3A_388 : f32 to vector<16xf32>
        %mul3A_390 = arith.mulf %get3A_63, %mul3A_389 : vector<16xf32>
        %mul3A_391 = vector.broadcast %select_n3A_388 : f32 to vector<16xf32>
        %mul3A_392 = arith.mulf %get3A_68, %mul3A_391 : vector<16xf32>
        %mul3A_393 = vector.broadcast %select_n3A_388 : f32 to vector<16xf32>
        %mul3A_394 = arith.mulf %get3A_73, %mul3A_393 : vector<16xf32>
        %convert_element_type3A_395 = arith.fptosi %mul3A_390 : vector<16xf32> to vector<16xi32>
        %convert_element_type3A_396 = arith.fptosi %mul3A_392 : vector<16xf32> to vector<16xi32>
        %convert_element_type3A_397 = arith.fptosi %mul3A_394 : vector<16xf32> to vector<16xi32>
        %mul3A_398 = arith.constant -1640531535 : i32
        %mul3A_399 = vector.broadcast %mul3A_398 : i32 to vector<16xi32>
        %mul3A_400 = arith.muli %convert_element_type3A_396, %mul3A_399 : vector<16xi32>
        %add3A_401 = arith.constant -1640531535 : i32
        %add3A_402 = vector.broadcast %add3A_401 : i32 to vector<16xi32>
        %add3A_403 = arith.addi %mul3A_400, %add3A_402 : vector<16xi32>
        %mul3A_404 = arith.constant 805459861 : i32
        %mul3A_405 = vector.broadcast %mul3A_404 : i32 to vector<16xi32>
        %mul3A_406 = arith.muli %convert_element_type3A_397, %mul3A_405 : vector<16xi32>
        %add3A_407 = arith.constant 805459861 : i32
        %add3A_408 = vector.broadcast %add3A_407 : i32 to vector<16xi32>
        %add3A_409 = arith.addi %mul3A_406, %add3A_408 : vector<16xi32>
        %add3A_410 = arith.constant 1 : i32
        %add3A_411 = vector.broadcast %add3A_410 : i32 to vector<16xi32>
        %add3A_412 = arith.addi %convert_element_type3A_395, %add3A_411 : vector<16xi32>
        %xor3A_413 = arith.xori %convert_element_type3A_395, %mul3A_400 : vector<16xi32>
        %xor3A_414 = arith.xori %xor3A_413, %mul3A_406 : vector<16xi32>
        %and3A_415 = arith.constant 65535 : i32
        %and3A_416 = vector.broadcast %and3A_415 : i32 to vector<16xi32>
        %and3A_417 = arith.andi %xor3A_414, %and3A_416 : vector<16xi32>
        %or3A_418 = arith.constant 131072 : i32
        %or3A_419 = vector.broadcast %or3A_418 : i32 to vector<16xi32>
        %or3A_420 = arith.ori %and3A_417, %or3A_419 : vector<16xi32>
        %swap3A_421 = arith.constant 2 : i32
        %swap3A_422 = arith.index_cast %swap3A_421 : i32 to index
        %swap3A_423 = arith.constant 0 : index
        %swap3A_424 = tpu.vector_load %arg10[%swap3A_422, %swap3A_423] {strides = array<i32>} : memref<5x128xi32, #tpu.memory_space<vmem>>, vector<1x16xi32>,
        %swap3A_425 = vector.shape_cast %swap3A_424 : vector<1x16xi32> to vector<16xi32>
        %swap3A_426 = vector.shape_cast %or3A_420 : vector<16xi32> to vector<1x16xi32>
        tpu.vector_store %arg10[%swap3A_422, %swap3A_423], %swap3A_426 {strides = array<i32>} : memref<5x128xi32, #tpu.memory_space<vmem>>, vector<1x16xi32>,
        %xor3A_427 = arith.xori %convert_element_type3A_395, %mul3A_400 : vector<16xi32>
        %xor3A_428 = arith.xori %xor3A_427, %add3A_409 : vector<16xi32>
        %and3A_429 = arith.constant 65535 : i32
        %and3A_430 = vector.broadcast %and3A_429 : i32 to vector<16xi32>
        %and3A_431 = arith.andi %xor3A_428, %and3A_430 : vector<16xi32>
        %or3A_432 = arith.constant 131072 : i32
        %or3A_433 = vector.broadcast %or3A_432 : i32 to vector<16xi32>
        %or3A_434 = arith.ori %and3A_431, %or3A_433 : vector<16xi32>
        %swap3A_435 = arith.constant 2 : i32
        %swap3A_436 = arith.index_cast %swap3A_435 : i32 to index
        %swap3A_437 = arith.constant 16 : index
        %swap3A_438 = tpu.vector_load %arg10[%swap3A_436, %swap3A_437] {strides = array<i32>} : memref<5x128xi32, #tpu.memory_space<vmem>>, vector<1x16xi32>,
        %swap3A_439 = vector.shape_cast %swap3A_438 : vector<1x16xi32> to vector<16xi32>
        %swap3A_440 = vector.shape_cast %or3A_434 : vector<16xi32> to vector<1x16xi32>
        tpu.vector_store %arg10[%swap3A_436, %swap3A_437], %swap3A_440 {strides = array<i32>} : memref<5x128xi32, #tpu.memory_space<vmem>>, vector<1x16xi32>,
        %xor3A_441 = arith.xori %convert_element_type3A_395, %add3A_403 : vector<16xi32>
        %xor3A_442 = arith.xori %xor3A_441, %mul3A_406 : vector<16xi32>
        %and3A_443 = arith.constant 65535 : i32
        %and3A_444 = vector.broadcast %and3A_443 : i32 to vector<16xi32>
        %and3A_445 = arith.andi %xor3A_442, %and3A_444 : vector<16xi32>
        %or3A_446 = arith.constant 131072 : i32
        %or3A_447 = vector.broadcast %or3A_446 : i32 to vector<16xi32>
        %or3A_448 = arith.ori %and3A_445, %or3A_447 : vector<16xi32>
        %swap3A_449 = arith.constant 2 : i32
        %swap3A_450 = arith.index_cast %swap3A_449 : i32 to index
        %swap3A_451 = arith.constant 32 : index
        %swap3A_452 = tpu.vector_load %arg10[%swap3A_450, %swap3A_451] {strides = array<i32>} : memref<5x128xi32, #tpu.memory_space<vmem>>, vector<1x16xi32>,
        %swap3A_453 = vector.shape_cast %swap3A_452 : vector<1x16xi32> to vector<16xi32>
        %swap3A_454 = vector.shape_cast %or3A_448 : vector<16xi32> to vector<1x16xi32>
        tpu.vector_store %arg10[%swap3A_450, %swap3A_451], %swap3A_454 {strides = array<i32>} : memref<5x128xi32, #tpu.memory_space<vmem>>, vector<1x16xi32>,
        %xor3A_455 = arith.xori %convert_element_type3A_395, %add3A_403 : vector<16xi32>
        %xor3A_456 = arith.xori %xor3A_455, %add3A_409 : vector<16xi32>
        %and3A_457 = arith.constant 65535 : i32
        %and3A_458 = vector.broadcast %and3A_457 : i32 to vector<16xi32>
        %and3A_459 = arith.andi %xor3A_456, %and3A_458 : vector<16xi32>
        %or3A_460 = arith.constant 131072 : i32
        %or3A_461 = vector.broadcast %or3A_460 : i32 to vector<16xi32>
        %or3A_462 = arith.ori %and3A_459, %or3A_461 : vector<16xi32>
        %swap3A_463 = arith.constant 2 : i32
        %swap3A_464 = arith.index_cast %swap3A_463 : i32 to index
        %swap3A_465 = arith.constant 48 : index
        %swap3A_466 = tpu.vector_load %arg10[%swap3A_464, %swap3A_465] {strides = array<i32>} : memref<5x128xi32, #tpu.memory_space<vmem>>, vector<1x16xi32>,
        %swap3A_467 = vector.shape_cast %swap3A_466 : vector<1x16xi32> to vector<16xi32>
        %swap3A_468 = vector.shape_cast %or3A_462 : vector<16xi32> to vector<1x16xi32>
        tpu.vector_store %arg10[%swap3A_464, %swap3A_465], %swap3A_468 {strides = array<i32>} : memref<5x128xi32, #tpu.memory_space<vmem>>, vector<1x16xi32>,
        %xor3A_469 = arith.xori %add3A_412, %mul3A_400 : vector<16xi32>
        %xor3A_470 = arith.xori %xor3A_469, %mul3A_406 : vector<16xi32>
        %and3A_471 = arith.constant 65535 : i32
        %and3A_472 = vector.broadcast %and3A_471 : i32 to vector<16xi32>
        %and3A_473 = arith.andi %xor3A_470, %and3A_472 : vector<16xi32>
        %or3A_474 = arith.constant 131072 : i32
        %or3A_475 = vector.broadcast %or3A_474 : i32 to vector<16xi32>
        %or3A_476 = arith.ori %and3A_473, %or3A_475 : vector<16xi32>
        %swap3A_477 = arith.constant 2 : i32
        %swap3A_478 = arith.index_cast %swap3A_477 : i32 to index
        %swap3A_479 = arith.constant 64 : index
        %swap3A_480 = tpu.vector_load %arg10[%swap3A_478, %swap3A_479] {strides = array<i32>} : memref<5x128xi32, #tpu.memory_space<vmem>>, vector<1x16xi32>,
        %swap3A_481 = vector.shape_cast %swap3A_480 : vector<1x16xi32> to vector<16xi32>
        %swap3A_482 = vector.shape_cast %or3A_476 : vector<16xi32> to vector<1x16xi32>
        tpu.vector_store %arg10[%swap3A_478, %swap3A_479], %swap3A_482 {strides = array<i32>} : memref<5x128xi32, #tpu.memory_space<vmem>>, vector<1x16xi32>,
        %xor3A_483 = arith.xori %add3A_412, %mul3A_400 : vector<16xi32>
        %xor3A_484 = arith.xori %xor3A_483, %add3A_409 : vector<16xi32>
        %and3A_485 = arith.constant 65535 : i32
        %and3A_486 = vector.broadcast %and3A_485 : i32 to vector<16xi32>
        %and3A_487 = arith.andi %xor3A_484, %and3A_486 : vector<16xi32>
        %or3A_488 = arith.constant 131072 : i32
        %or3A_489 = vector.broadcast %or3A_488 : i32 to vector<16xi32>
        %or3A_490 = arith.ori %and3A_487, %or3A_489 : vector<16xi32>
        %swap3A_491 = arith.constant 2 : i32
        %swap3A_492 = arith.index_cast %swap3A_491 : i32 to index
        %swap3A_493 = arith.constant 80 : index
        %swap3A_494 = tpu.vector_load %arg10[%swap3A_492, %swap3A_493] {strides = array<i32>} : memref<5x128xi32, #tpu.memory_space<vmem>>, vector<1x16xi32>,
        %swap3A_495 = vector.shape_cast %swap3A_494 : vector<1x16xi32> to vector<16xi32>
        %swap3A_496 = vector.shape_cast %or3A_490 : vector<16xi32> to vector<1x16xi32>
        tpu.vector_store %arg10[%swap3A_492, %swap3A_493], %swap3A_496 {strides = array<i32>} : memref<5x128xi32, #tpu.memory_space<vmem>>, vector<1x16xi32>,
        %xor3A_497 = arith.xori %add3A_412, %add3A_403 : vector<16xi32>
        %xor3A_498 = arith.xori %xor3A_497, %mul3A_406 : vector<16xi32>
        %and3A_499 = arith.constant 65535 : i32
        %and3A_500 = vector.broadcast %and3A_499 : i32 to vector<16xi32>
        %and3A_501 = arith.andi %xor3A_498, %and3A_500 : vector<16xi32>
        %or3A_502 = arith.constant 131072 : i32
        %or3A_503 = vector.broadcast %or3A_502 : i32 to vector<16xi32>
        %or3A_504 = arith.ori %and3A_501, %or3A_503 : vector<16xi32>
        %swap3A_505 = arith.constant 2 : i32
        %swap3A_506 = arith.index_cast %swap3A_505 : i32 to index
        %swap3A_507 = arith.constant 96 : index
        %swap3A_508 = tpu.vector_load %arg10[%swap3A_506, %swap3A_507] {strides = array<i32>} : memref<5x128xi32, #tpu.memory_space<vmem>>, vector<1x16xi32>,
        %swap3A_509 = vector.shape_cast %swap3A_508 : vector<1x16xi32> to vector<16xi32>
        %swap3A_510 = vector.shape_cast %or3A_504 : vector<16xi32> to vector<1x16xi32>
        tpu.vector_store %arg10[%swap3A_506, %swap3A_507], %swap3A_510 {strides = array<i32>} : memref<5x128xi32, #tpu.memory_space<vmem>>, vector<1x16xi32>,
        %xor3A_511 = arith.xori %add3A_412, %add3A_403 : vector<16xi32>
        %xor3A_512 = arith.xori %xor3A_511, %add3A_409 : vector<16xi32>
        %and3A_513 = arith.constant 65535 : i32
        %and3A_514 = vector.broadcast %and3A_513 : i32 to vector<16xi32>
        %and3A_515 = arith.andi %xor3A_512, %and3A_514 : vector<16xi32>
        %or3A_516 = arith.constant 131072 : i32
        %or3A_517 = vector.broadcast %or3A_516 : i32 to vector<16xi32>
        %or3A_518 = arith.ori %and3A_515, %or3A_517 : vector<16xi32>
        %swap3A_519 = arith.constant 2 : i32
        %swap3A_520 = arith.index_cast %swap3A_519 : i32 to index
        %swap3A_521 = arith.constant 112 : index
        %swap3A_522 = tpu.vector_load %arg10[%swap3A_520, %swap3A_521] {strides = array<i32>} : memref<5x128xi32, #tpu.memory_space<vmem>>, vector<1x16xi32>,
        %swap3A_523 = vector.shape_cast %swap3A_522 : vector<1x16xi32> to vector<16xi32>
        %swap3A_524 = vector.shape_cast %or3A_518 : vector<16xi32> to vector<1x16xi32>
        tpu.vector_store %arg10[%swap3A_520, %swap3A_521], %swap3A_524 {strides = array<i32>} : memref<5x128xi32, #tpu.memory_space<vmem>>, vector<1x16xi32>,
        %dma_start3A_525 = arith.constant 2 : i32
        %dma_start3A_526 = arith.constant 4 : i32
        %dma_start3A_527 = arith.constant 0 : i32
        %dma_start3A_528 = tpu.memref_slice %arg11[%dma_start3A_526, %dma_start3A_527] : memref<10x128xi32, #tpu.memory_space<vmem>> -> memref<1x128xi32, #tpu.memory_space<vmem>>
        %dma_start3A_529 = tpu.memref_squeeze %dma_start3A_528 : memref<1x128xi32, #tpu.memory_space<vmem>> -> memref<128xi32, #tpu.memory_space<vmem>>
        %dma_start3A_530 = arith.constant 0 : i32
        %dma_start3A_531 = tpu.memref_slice %arg10[%dma_start3A_525, %dma_start3A_530] : memref<5x128xi32, #tpu.memory_space<vmem>> -> memref<1x128xi32, #tpu.memory_space<vmem>>
        %dma_start3A_532 = tpu.memref_squeeze %dma_start3A_531 : memref<1x128xi32, #tpu.memory_space<vmem>> -> memref<128xi32, #tpu.memory_space<vmem>>
        %dma_start3A_533 = arith.constant 0 : i32
        %dma_start3A_534 = tpu.memref_slice %arg15[%dma_start3A_533] : memref<327680xi32, #tpu.memory_space<vmem_shared>> -> memref<327680xi32, #tpu.memory_space<vmem_shared>>
        tpu.enqueue_indirect_dma source(%dma_start3A_534 : memref<327680xi32, #tpu.memory_space<vmem_shared>>) target(%dma_start3A_529 : memref<128xi32, #tpu.memory_space<vmem>>) offsets(%dma_start3A_532 : memref<128xi32, #tpu.memory_space<vmem>>) semaphore(%arg17 : memref<!tpu.dma_semaphore, #tpu.memory_space<semaphore_mem>>)
        %dma_start3A_535 = arith.constant 2 : i32
        %dma_start3A_536 = arith.constant 5 : i32
        %dma_start3A_537 = arith.constant 0 : i32
        %dma_start3A_538 = tpu.memref_slice %arg11[%dma_start3A_536, %dma_start3A_537] : memref<10x128xi32, #tpu.memory_space<vmem>> -> memref<1x128xi32, #tpu.memory_space<vmem>>
        %dma_start3A_539 = tpu.memref_squeeze %dma_start3A_538 : memref<1x128xi32, #tpu.memory_space<vmem>> -> memref<128xi32, #tpu.memory_space<vmem>>
        %dma_start3A_540 = arith.constant 0 : i32
        %dma_start3A_541 = tpu.memref_slice %arg10[%dma_start3A_535, %dma_start3A_540] : memref<5x128xi32, #tpu.memory_space<vmem>> -> memref<1x128xi32, #tpu.memory_space<vmem>>
        %dma_start3A_542 = tpu.memref_squeeze %dma_start3A_541 : memref<1x128xi32, #tpu.memory_space<vmem>> -> memref<128xi32, #tpu.memory_space<vmem>>
        %dma_start3A_543 = arith.constant 0 : i32
        %dma_start3A_544 = tpu.memref_slice %arg16[%dma_start3A_543] : memref<327680xi32, #tpu.memory_space<vmem_shared>> -> memref<327680xi32, #tpu.memory_space<vmem_shared>>
        tpu.enqueue_indirect_dma source(%dma_start3A_544 : memref<327680xi32, #tpu.memory_space<vmem_shared>>) target(%dma_start3A_539 : memref<128xi32, #tpu.memory_space<vmem>>) offsets(%dma_start3A_542 : memref<128xi32, #tpu.memory_space<vmem>>) semaphore(%arg17 : memref<!tpu.dma_semaphore, #tpu.memory_space<semaphore_mem>>)
        %jit3A_545 = arith.constant 1.610000e+02 : f32
        %jit3A_546 = arith.constant 7.584000e+03 : f32
        %select_n3A_547 = arith.select %eq3A_0, %jit3A_545, %jit3A_546 : f32
        %mul3A_548 = vector.broadcast %select_n3A_547 : f32 to vector<16xf32>
        %mul3A_549 = arith.mulf %get3A_63, %mul3A_548 : vector<16xf32>
        %mul3A_550 = vector.broadcast %select_n3A_547 : f32 to vector<16xf32>
        %mul3A_551 = arith.mulf %get3A_68, %mul3A_550 : vector<16xf32>
        %mul3A_552 = vector.broadcast %select_n3A_547 : f32 to vector<16xf32>
        %mul3A_553 = arith.mulf %get3A_73, %mul3A_552 : vector<16xf32>
        %convert_element_type3A_554 = arith.fptosi %mul3A_549 : vector<16xf32> to vector<16xi32>
        %convert_element_type3A_555 = arith.fptosi %mul3A_551 : vector<16xf32> to vector<16xi32>
        %convert_element_type3A_556 = arith.fptosi %mul3A_553 : vector<16xf32> to vector<16xi32>
        %mul3A_557 = arith.constant -1640531535 : i32
        %mul3A_558 = vector.broadcast %mul3A_557 : i32 to vector<16xi32>
        %mul3A_559 = arith.muli %convert_element_type3A_555, %mul3A_558 : vector<16xi32>
        %add3A_560 = arith.constant -1640531535 : i32
        %add3A_561 = vector.broadcast %add3A_560 : i32 to vector<16xi32>
        %add3A_562 = arith.addi %mul3A_559, %add3A_561 : vector<16xi32>
        %mul3A_563 = arith.constant 805459861 : i32
        %mul3A_564 = vector.broadcast %mul3A_563 : i32 to vector<16xi32>
        %mul3A_565 = arith.muli %convert_element_type3A_556, %mul3A_564 : vector<16xi32>
        %add3A_566 = arith.constant 805459861 : i32
        %add3A_567 = vector.broadcast %add3A_566 : i32 to vector<16xi32>
        %add3A_568 = arith.addi %mul3A_565, %add3A_567 : vector<16xi32>
        %add3A_569 = arith.constant 1 : i32
        %add3A_570 = vector.broadcast %add3A_569 : i32 to vector<16xi32>
        %add3A_571 = arith.addi %convert_element_type3A_554, %add3A_570 : vector<16xi32>
        %xor3A_572 = arith.xori %convert_element_type3A_554, %mul3A_559 : vector<16xi32>
        %xor3A_573 = arith.xori %xor3A_572, %mul3A_565 : vector<16xi32>
        %and3A_574 = arith.constant 65535 : i32
        %and3A_575 = vector.broadcast %and3A_574 : i32 to vector<16xi32>
        %and3A_576 = arith.andi %xor3A_573, %and3A_575 : vector<16xi32>
        %or3A_577 = arith.constant 196608 : i32
        %or3A_578 = vector.broadcast %or3A_577 : i32 to vector<16xi32>
        %or3A_579 = arith.ori %and3A_576, %or3A_578 : vector<16xi32>
        %swap3A_580 = arith.constant 3 : i32
        %swap3A_581 = arith.index_cast %swap3A_580 : i32 to index
        %swap3A_582 = arith.constant 0 : index
        %swap3A_583 = tpu.vector_load %arg10[%swap3A_581, %swap3A_582] {strides = array<i32>} : memref<5x128xi32, #tpu.memory_space<vmem>>, vector<1x16xi32>,
        %swap3A_584 = vector.shape_cast %swap3A_583 : vector<1x16xi32> to vector<16xi32>
        %swap3A_585 = vector.shape_cast %or3A_579 : vector<16xi32> to vector<1x16xi32>
        tpu.vector_store %arg10[%swap3A_581, %swap3A_582], %swap3A_585 {strides = array<i32>} : memref<5x128xi32, #tpu.memory_space<vmem>>, vector<1x16xi32>,
        %xor3A_586 = arith.xori %convert_element_type3A_554, %mul3A_559 : vector<16xi32>
        %xor3A_587 = arith.xori %xor3A_586, %add3A_568 : vector<16xi32>
        %and3A_588 = arith.constant 65535 : i32
        %and3A_589 = vector.broadcast %and3A_588 : i32 to vector<16xi32>
        %and3A_590 = arith.andi %xor3A_587, %and3A_589 : vector<16xi32>
        %or3A_591 = arith.constant 196608 : i32
        %or3A_592 = vector.broadcast %or3A_591 : i32 to vector<16xi32>
        %or3A_593 = arith.ori %and3A_590, %or3A_592 : vector<16xi32>
        %swap3A_594 = arith.constant 3 : i32
        %swap3A_595 = arith.index_cast %swap3A_594 : i32 to index
        %swap3A_596 = arith.constant 16 : index
        %swap3A_597 = tpu.vector_load %arg10[%swap3A_595, %swap3A_596] {strides = array<i32>} : memref<5x128xi32, #tpu.memory_space<vmem>>, vector<1x16xi32>,
        %swap3A_598 = vector.shape_cast %swap3A_597 : vector<1x16xi32> to vector<16xi32>
        %swap3A_599 = vector.shape_cast %or3A_593 : vector<16xi32> to vector<1x16xi32>
        tpu.vector_store %arg10[%swap3A_595, %swap3A_596], %swap3A_599 {strides = array<i32>} : memref<5x128xi32, #tpu.memory_space<vmem>>, vector<1x16xi32>,
        %xor3A_600 = arith.xori %convert_element_type3A_554, %add3A_562 : vector<16xi32>
        %xor3A_601 = arith.xori %xor3A_600, %mul3A_565 : vector<16xi32>
        %and3A_602 = arith.constant 65535 : i32
        %and3A_603 = vector.broadcast %and3A_602 : i32 to vector<16xi32>
        %and3A_604 = arith.andi %xor3A_601, %and3A_603 : vector<16xi32>
        %or3A_605 = arith.constant 196608 : i32
        %or3A_606 = vector.broadcast %or3A_605 : i32 to vector<16xi32>
        %or3A_607 = arith.ori %and3A_604, %or3A_606 : vector<16xi32>
        %swap3A_608 = arith.constant 3 : i32
        %swap3A_609 = arith.index_cast %swap3A_608 : i32 to index
        %swap3A_610 = arith.constant 32 : index
        %swap3A_611 = tpu.vector_load %arg10[%swap3A_609, %swap3A_610] {strides = array<i32>} : memref<5x128xi32, #tpu.memory_space<vmem>>, vector<1x16xi32>,
        %swap3A_612 = vector.shape_cast %swap3A_611 : vector<1x16xi32> to vector<16xi32>
        %swap3A_613 = vector.shape_cast %or3A_607 : vector<16xi32> to vector<1x16xi32>
        tpu.vector_store %arg10[%swap3A_609, %swap3A_610], %swap3A_613 {strides = array<i32>} : memref<5x128xi32, #tpu.memory_space<vmem>>, vector<1x16xi32>,
        %xor3A_614 = arith.xori %convert_element_type3A_554, %add3A_562 : vector<16xi32>
        %xor3A_615 = arith.xori %xor3A_614, %add3A_568 : vector<16xi32>
        %and3A_616 = arith.constant 65535 : i32
        %and3A_617 = vector.broadcast %and3A_616 : i32 to vector<16xi32>
        %and3A_618 = arith.andi %xor3A_615, %and3A_617 : vector<16xi32>
        %or3A_619 = arith.constant 196608 : i32
        %or3A_620 = vector.broadcast %or3A_619 : i32 to vector<16xi32>
        %or3A_621 = arith.ori %and3A_618, %or3A_620 : vector<16xi32>
        %swap3A_622 = arith.constant 3 : i32
        %swap3A_623 = arith.index_cast %swap3A_622 : i32 to index
        %swap3A_624 = arith.constant 48 : index
        %swap3A_625 = tpu.vector_load %arg10[%swap3A_623, %swap3A_624] {strides = array<i32>} : memref<5x128xi32, #tpu.memory_space<vmem>>, vector<1x16xi32>,
        %swap3A_626 = vector.shape_cast %swap3A_625 : vector<1x16xi32> to vector<16xi32>
        %swap3A_627 = vector.shape_cast %or3A_621 : vector<16xi32> to vector<1x16xi32>
        tpu.vector_store %arg10[%swap3A_623, %swap3A_624], %swap3A_627 {strides = array<i32>} : memref<5x128xi32, #tpu.memory_space<vmem>>, vector<1x16xi32>,
        %xor3A_628 = arith.xori %add3A_571, %mul3A_559 : vector<16xi32>
        %xor3A_629 = arith.xori %xor3A_628, %mul3A_565 : vector<16xi32>
        %and3A_630 = arith.constant 65535 : i32
        %and3A_631 = vector.broadcast %and3A_630 : i32 to vector<16xi32>
        %and3A_632 = arith.andi %xor3A_629, %and3A_631 : vector<16xi32>
        %or3A_633 = arith.constant 196608 : i32
        %or3A_634 = vector.broadcast %or3A_633 : i32 to vector<16xi32>
        %or3A_635 = arith.ori %and3A_632, %or3A_634 : vector<16xi32>
        %swap3A_636 = arith.constant 3 : i32
        %swap3A_637 = arith.index_cast %swap3A_636 : i32 to index
        %swap3A_638 = arith.constant 64 : index
        %swap3A_639 = tpu.vector_load %arg10[%swap3A_637, %swap3A_638] {strides = array<i32>} : memref<5x128xi32, #tpu.memory_space<vmem>>, vector<1x16xi32>,
        %swap3A_640 = vector.shape_cast %swap3A_639 : vector<1x16xi32> to vector<16xi32>
        %swap3A_641 = vector.shape_cast %or3A_635 : vector<16xi32> to vector<1x16xi32>
        tpu.vector_store %arg10[%swap3A_637, %swap3A_638], %swap3A_641 {strides = array<i32>} : memref<5x128xi32, #tpu.memory_space<vmem>>, vector<1x16xi32>,
        %xor3A_642 = arith.xori %add3A_571, %mul3A_559 : vector<16xi32>
        %xor3A_643 = arith.xori %xor3A_642, %add3A_568 : vector<16xi32>
        %and3A_644 = arith.constant 65535 : i32
        %and3A_645 = vector.broadcast %and3A_644 : i32 to vector<16xi32>
        %and3A_646 = arith.andi %xor3A_643, %and3A_645 : vector<16xi32>
        %or3A_647 = arith.constant 196608 : i32
        %or3A_648 = vector.broadcast %or3A_647 : i32 to vector<16xi32>
        %or3A_649 = arith.ori %and3A_646, %or3A_648 : vector<16xi32>
        %swap3A_650 = arith.constant 3 : i32
        %swap3A_651 = arith.index_cast %swap3A_650 : i32 to index
        %swap3A_652 = arith.constant 80 : index
        %swap3A_653 = tpu.vector_load %arg10[%swap3A_651, %swap3A_652] {strides = array<i32>} : memref<5x128xi32, #tpu.memory_space<vmem>>, vector<1x16xi32>,
        %swap3A_654 = vector.shape_cast %swap3A_653 : vector<1x16xi32> to vector<16xi32>
        %swap3A_655 = vector.shape_cast %or3A_649 : vector<16xi32> to vector<1x16xi32>
        tpu.vector_store %arg10[%swap3A_651, %swap3A_652], %swap3A_655 {strides = array<i32>} : memref<5x128xi32, #tpu.memory_space<vmem>>, vector<1x16xi32>,
        %xor3A_656 = arith.xori %add3A_571, %add3A_562 : vector<16xi32>
        %xor3A_657 = arith.xori %xor3A_656, %mul3A_565 : vector<16xi32>
        %and3A_658 = arith.constant 65535 : i32
        %and3A_659 = vector.broadcast %and3A_658 : i32 to vector<16xi32>
        %and3A_660 = arith.andi %xor3A_657, %and3A_659 : vector<16xi32>
        %or3A_661 = arith.constant 196608 : i32
        %or3A_662 = vector.broadcast %or3A_661 : i32 to vector<16xi32>
        %or3A_663 = arith.ori %and3A_660, %or3A_662 : vector<16xi32>
        %swap3A_664 = arith.constant 3 : i32
        %swap3A_665 = arith.index_cast %swap3A_664 : i32 to index
        %swap3A_666 = arith.constant 96 : index
        %swap3A_667 = tpu.vector_load %arg10[%swap3A_665, %swap3A_666] {strides = array<i32>} : memref<5x128xi32, #tpu.memory_space<vmem>>, vector<1x16xi32>,
        %swap3A_668 = vector.shape_cast %swap3A_667 : vector<1x16xi32> to vector<16xi32>
        %swap3A_669 = vector.shape_cast %or3A_663 : vector<16xi32> to vector<1x16xi32>
        tpu.vector_store %arg10[%swap3A_665, %swap3A_666], %swap3A_669 {strides = array<i32>} : memref<5x128xi32, #tpu.memory_space<vmem>>, vector<1x16xi32>,
        %xor3A_670 = arith.xori %add3A_571, %add3A_562 : vector<16xi32>
        %xor3A_671 = arith.xori %xor3A_670, %add3A_568 : vector<16xi32>
        %and3A_672 = arith.constant 65535 : i32
        %and3A_673 = vector.broadcast %and3A_672 : i32 to vector<16xi32>
        %and3A_674 = arith.andi %xor3A_671, %and3A_673 : vector<16xi32>
        %or3A_675 = arith.constant 196608 : i32
        %or3A_676 = vector.broadcast %or3A_675 : i32 to vector<16xi32>
        %or3A_677 = arith.ori %and3A_674, %or3A_676 : vector<16xi32>
        %swap3A_678 = arith.constant 3 : i32
        %swap3A_679 = arith.index_cast %swap3A_678 : i32 to index
        %swap3A_680 = arith.constant 112 : index
        %swap3A_681 = tpu.vector_load %arg10[%swap3A_679, %swap3A_680] {strides = array<i32>} : memref<5x128xi32, #tpu.memory_space<vmem>>, vector<1x16xi32>,
        %swap3A_682 = vector.shape_cast %swap3A_681 : vector<1x16xi32> to vector<16xi32>
        %swap3A_683 = vector.shape_cast %or3A_677 : vector<16xi32> to vector<1x16xi32>
        tpu.vector_store %arg10[%swap3A_679, %swap3A_680], %swap3A_683 {strides = array<i32>} : memref<5x128xi32, #tpu.memory_space<vmem>>, vector<1x16xi32>,
        %dma_start3A_684 = arith.constant 3 : i32
        %dma_start3A_685 = arith.constant 6 : i32
        %dma_start3A_686 = arith.constant 0 : i32
        %dma_start3A_687 = tpu.memref_slice %arg11[%dma_start3A_685, %dma_start3A_686] : memref<10x128xi32, #tpu.memory_space<vmem>> -> memref<1x128xi32, #tpu.memory_space<vmem>>
        %dma_start3A_688 = tpu.memref_squeeze %dma_start3A_687 : memref<1x128xi32, #tpu.memory_space<vmem>> -> memref<128xi32, #tpu.memory_space<vmem>>
        %dma_start3A_689 = arith.constant 0 : i32
        %dma_start3A_690 = tpu.memref_slice %arg10[%dma_start3A_684, %dma_start3A_689] : memref<5x128xi32, #tpu.memory_space<vmem>> -> memref<1x128xi32, #tpu.memory_space<vmem>>
        %dma_start3A_691 = tpu.memref_squeeze %dma_start3A_690 : memref<1x128xi32, #tpu.memory_space<vmem>> -> memref<128xi32, #tpu.memory_space<vmem>>
        %dma_start3A_692 = arith.constant 0 : i32
        %dma_start3A_693 = tpu.memref_slice %arg15[%dma_start3A_692] : memref<327680xi32, #tpu.memory_space<vmem_shared>> -> memref<327680xi32, #tpu.memory_space<vmem_shared>>
        tpu.enqueue_indirect_dma source(%dma_start3A_693 : memref<327680xi32, #tpu.memory_space<vmem_shared>>) target(%dma_start3A_688 : memref<128xi32, #tpu.memory_space<vmem>>) offsets(%dma_start3A_691 : memref<128xi32, #tpu.memory_space<vmem>>) semaphore(%arg17 : memref<!tpu.dma_semaphore, #tpu.memory_space<semaphore_mem>>)
        %dma_start3A_694 = arith.constant 3 : i32
        %dma_start3A_695 = arith.constant 7 : i32
        %dma_start3A_696 = arith.constant 0 : i32
        %dma_start3A_697 = tpu.memref_slice %arg11[%dma_start3A_695, %dma_start3A_696] : memref<10x128xi32, #tpu.memory_space<vmem>> -> memref<1x128xi32, #tpu.memory_space<vmem>>
        %dma_start3A_698 = tpu.memref_squeeze %dma_start3A_697 : memref<1x128xi32, #tpu.memory_space<vmem>> -> memref<128xi32, #tpu.memory_space<vmem>>
        %dma_start3A_699 = arith.constant 0 : i32
        %dma_start3A_700 = tpu.memref_slice %arg10[%dma_start3A_694, %dma_start3A_699] : memref<5x128xi32, #tpu.memory_space<vmem>> -> memref<1x128xi32, #tpu.memory_space<vmem>>
        %dma_start3A_701 = tpu.memref_squeeze %dma_start3A_700 : memref<1x128xi32, #tpu.memory_space<vmem>> -> memref<128xi32, #tpu.memory_space<vmem>>
        %dma_start3A_702 = arith.constant 0 : i32
        %dma_start3A_703 = tpu.memref_slice %arg16[%dma_start3A_702] : memref<327680xi32, #tpu.memory_space<vmem_shared>> -> memref<327680xi32, #tpu.memory_space<vmem_shared>>
        tpu.enqueue_indirect_dma source(%dma_start3A_703 : memref<327680xi32, #tpu.memory_space<vmem_shared>>) target(%dma_start3A_698 : memref<128xi32, #tpu.memory_space<vmem>>) offsets(%dma_start3A_701 : memref<128xi32, #tpu.memory_space<vmem>>) semaphore(%arg17 : memref<!tpu.dma_semaphore, #tpu.memory_space<semaphore_mem>>)
        %jit3A_704 = arith.constant 3.480000e+02 : f32
        %jit3A_705 = arith.constant 1.638300e+04 : f32
        %select_n3A_706 = arith.select %eq3A_0, %jit3A_704, %jit3A_705 : f32
        %mul3A_707 = vector.broadcast %select_n3A_706 : f32 to vector<16xf32>
        %mul3A_708 = arith.mulf %get3A_63, %mul3A_707 : vector<16xf32>
        %mul3A_709 = vector.broadcast %select_n3A_706 : f32 to vector<16xf32>
        %mul3A_710 = arith.mulf %get3A_68, %mul3A_709 : vector<16xf32>
        %mul3A_711 = vector.broadcast %select_n3A_706 : f32 to vector<16xf32>
        %mul3A_712 = arith.mulf %get3A_73, %mul3A_711 : vector<16xf32>
        %convert_element_type3A_713 = arith.fptosi %mul3A_708 : vector<16xf32> to vector<16xi32>
        %convert_element_type3A_714 = arith.fptosi %mul3A_710 : vector<16xf32> to vector<16xi32>
        %convert_element_type3A_715 = arith.fptosi %mul3A_712 : vector<16xf32> to vector<16xi32>
        %mul3A_716 = arith.constant -1640531535 : i32
        %mul3A_717 = vector.broadcast %mul3A_716 : i32 to vector<16xi32>
        %mul3A_718 = arith.muli %convert_element_type3A_714, %mul3A_717 : vector<16xi32>
        %add3A_719 = arith.constant -1640531535 : i32
        %add3A_720 = vector.broadcast %add3A_719 : i32 to vector<16xi32>
        %add3A_721 = arith.addi %mul3A_718, %add3A_720 : vector<16xi32>
        %mul3A_722 = arith.constant 805459861 : i32
        %mul3A_723 = vector.broadcast %mul3A_722 : i32 to vector<16xi32>
        %mul3A_724 = arith.muli %convert_element_type3A_715, %mul3A_723 : vector<16xi32>
        %add3A_725 = arith.constant 805459861 : i32
        %add3A_726 = vector.broadcast %add3A_725 : i32 to vector<16xi32>
        %add3A_727 = arith.addi %mul3A_724, %add3A_726 : vector<16xi32>
        %add3A_728 = arith.constant 1 : i32
        %add3A_729 = vector.broadcast %add3A_728 : i32 to vector<16xi32>
        %add3A_730 = arith.addi %convert_element_type3A_713, %add3A_729 : vector<16xi32>
        %xor3A_731 = arith.xori %convert_element_type3A_713, %mul3A_718 : vector<16xi32>
        %xor3A_732 = arith.xori %xor3A_731, %mul3A_724 : vector<16xi32>
        %and3A_733 = arith.constant 65535 : i32
        %and3A_734 = vector.broadcast %and3A_733 : i32 to vector<16xi32>
        %and3A_735 = arith.andi %xor3A_732, %and3A_734 : vector<16xi32>
        %or3A_736 = arith.constant 262144 : i32
        %or3A_737 = vector.broadcast %or3A_736 : i32 to vector<16xi32>
        %or3A_738 = arith.ori %and3A_735, %or3A_737 : vector<16xi32>
        %swap3A_739 = arith.constant 4 : i32
        %swap3A_740 = arith.index_cast %swap3A_739 : i32 to index
        %swap3A_741 = arith.constant 0 : index
        %swap3A_742 = tpu.vector_load %arg10[%swap3A_740, %swap3A_741] {strides = array<i32>} : memref<5x128xi32, #tpu.memory_space<vmem>>, vector<1x16xi32>,
        %swap3A_743 = vector.shape_cast %swap3A_742 : vector<1x16xi32> to vector<16xi32>
        %swap3A_744 = vector.shape_cast %or3A_738 : vector<16xi32> to vector<1x16xi32>
        tpu.vector_store %arg10[%swap3A_740, %swap3A_741], %swap3A_744 {strides = array<i32>} : memref<5x128xi32, #tpu.memory_space<vmem>>, vector<1x16xi32>,
        %xor3A_745 = arith.xori %convert_element_type3A_713, %mul3A_718 : vector<16xi32>
        %xor3A_746 = arith.xori %xor3A_745, %add3A_727 : vector<16xi32>
        %and3A_747 = arith.constant 65535 : i32
        %and3A_748 = vector.broadcast %and3A_747 : i32 to vector<16xi32>
        %and3A_749 = arith.andi %xor3A_746, %and3A_748 : vector<16xi32>
        %or3A_750 = arith.constant 262144 : i32
        %or3A_751 = vector.broadcast %or3A_750 : i32 to vector<16xi32>
        %or3A_752 = arith.ori %and3A_749, %or3A_751 : vector<16xi32>
        %swap3A_753 = arith.constant 4 : i32
        %swap3A_754 = arith.index_cast %swap3A_753 : i32 to index
        %swap3A_755 = arith.constant 16 : index
        %swap3A_756 = tpu.vector_load %arg10[%swap3A_754, %swap3A_755] {strides = array<i32>} : memref<5x128xi32, #tpu.memory_space<vmem>>, vector<1x16xi32>,
        %swap3A_757 = vector.shape_cast %swap3A_756 : vector<1x16xi32> to vector<16xi32>
        %swap3A_758 = vector.shape_cast %or3A_752 : vector<16xi32> to vector<1x16xi32>
        tpu.vector_store %arg10[%swap3A_754, %swap3A_755], %swap3A_758 {strides = array<i32>} : memref<5x128xi32, #tpu.memory_space<vmem>>, vector<1x16xi32>,
        %xor3A_759 = arith.xori %convert_element_type3A_713, %add3A_721 : vector<16xi32>
        %xor3A_760 = arith.xori %xor3A_759, %mul3A_724 : vector<16xi32>
        %and3A_761 = arith.constant 65535 : i32
        %and3A_762 = vector.broadcast %and3A_761 : i32 to vector<16xi32>
        %and3A_763 = arith.andi %xor3A_760, %and3A_762 : vector<16xi32>
        %or3A_764 = arith.constant 262144 : i32
        %or3A_765 = vector.broadcast %or3A_764 : i32 to vector<16xi32>
        %or3A_766 = arith.ori %and3A_763, %or3A_765 : vector<16xi32>
        %swap3A_767 = arith.constant 4 : i32
        %swap3A_768 = arith.index_cast %swap3A_767 : i32 to index
        %swap3A_769 = arith.constant 32 : index
        %swap3A_770 = tpu.vector_load %arg10[%swap3A_768, %swap3A_769] {strides = array<i32>} : memref<5x128xi32, #tpu.memory_space<vmem>>, vector<1x16xi32>,
        %swap3A_771 = vector.shape_cast %swap3A_770 : vector<1x16xi32> to vector<16xi32>
        %swap3A_772 = vector.shape_cast %or3A_766 : vector<16xi32> to vector<1x16xi32>
        tpu.vector_store %arg10[%swap3A_768, %swap3A_769], %swap3A_772 {strides = array<i32>} : memref<5x128xi32, #tpu.memory_space<vmem>>, vector<1x16xi32>,
        %xor3A_773 = arith.xori %convert_element_type3A_713, %add3A_721 : vector<16xi32>
        %xor3A_774 = arith.xori %xor3A_773, %add3A_727 : vector<16xi32>
        %and3A_775 = arith.constant 65535 : i32
        %and3A_776 = vector.broadcast %and3A_775 : i32 to vector<16xi32>
        %and3A_777 = arith.andi %xor3A_774, %and3A_776 : vector<16xi32>
        %or3A_778 = arith.constant 262144 : i32
        %or3A_779 = vector.broadcast %or3A_778 : i32 to vector<16xi32>
        %or3A_780 = arith.ori %and3A_777, %or3A_779 : vector<16xi32>
        %swap3A_781 = arith.constant 4 : i32
        %swap3A_782 = arith.index_cast %swap3A_781 : i32 to index
        %swap3A_783 = arith.constant 48 : index
        %swap3A_784 = tpu.vector_load %arg10[%swap3A_782, %swap3A_783] {strides = array<i32>} : memref<5x128xi32, #tpu.memory_space<vmem>>, vector<1x16xi32>,
        %swap3A_785 = vector.shape_cast %swap3A_784 : vector<1x16xi32> to vector<16xi32>
        %swap3A_786 = vector.shape_cast %or3A_780 : vector<16xi32> to vector<1x16xi32>
        tpu.vector_store %arg10[%swap3A_782, %swap3A_783], %swap3A_786 {strides = array<i32>} : memref<5x128xi32, #tpu.memory_space<vmem>>, vector<1x16xi32>,
        %xor3A_787 = arith.xori %add3A_730, %mul3A_718 : vector<16xi32>
        %xor3A_788 = arith.xori %xor3A_787, %mul3A_724 : vector<16xi32>
        %and3A_789 = arith.constant 65535 : i32
        %and3A_790 = vector.broadcast %and3A_789 : i32 to vector<16xi32>
        %and3A_791 = arith.andi %xor3A_788, %and3A_790 : vector<16xi32>
        %or3A_792 = arith.constant 262144 : i32
        %or3A_793 = vector.broadcast %or3A_792 : i32 to vector<16xi32>
        %or3A_794 = arith.ori %and3A_791, %or3A_793 : vector<16xi32>
        %swap3A_795 = arith.constant 4 : i32
        %swap3A_796 = arith.index_cast %swap3A_795 : i32 to index
        %swap3A_797 = arith.constant 64 : index
        %swap3A_798 = tpu.vector_load %arg10[%swap3A_796, %swap3A_797] {strides = array<i32>} : memref<5x128xi32, #tpu.memory_space<vmem>>, vector<1x16xi32>,
        %swap3A_799 = vector.shape_cast %swap3A_798 : vector<1x16xi32> to vector<16xi32>
        %swap3A_800 = vector.shape_cast %or3A_794 : vector<16xi32> to vector<1x16xi32>
        tpu.vector_store %arg10[%swap3A_796, %swap3A_797], %swap3A_800 {strides = array<i32>} : memref<5x128xi32, #tpu.memory_space<vmem>>, vector<1x16xi32>,
        %xor3A_801 = arith.xori %add3A_730, %mul3A_718 : vector<16xi32>
        %xor3A_802 = arith.xori %xor3A_801, %add3A_727 : vector<16xi32>
        %and3A_803 = arith.constant 65535 : i32
        %and3A_804 = vector.broadcast %and3A_803 : i32 to vector<16xi32>
        %and3A_805 = arith.andi %xor3A_802, %and3A_804 : vector<16xi32>
        %or3A_806 = arith.constant 262144 : i32
        %or3A_807 = vector.broadcast %or3A_806 : i32 to vector<16xi32>
        %or3A_808 = arith.ori %and3A_805, %or3A_807 : vector<16xi32>
        %swap3A_809 = arith.constant 4 : i32
        %swap3A_810 = arith.index_cast %swap3A_809 : i32 to index
        %swap3A_811 = arith.constant 80 : index
        %swap3A_812 = tpu.vector_load %arg10[%swap3A_810, %swap3A_811] {strides = array<i32>} : memref<5x128xi32, #tpu.memory_space<vmem>>, vector<1x16xi32>,
        %swap3A_813 = vector.shape_cast %swap3A_812 : vector<1x16xi32> to vector<16xi32>
        %swap3A_814 = vector.shape_cast %or3A_808 : vector<16xi32> to vector<1x16xi32>
        tpu.vector_store %arg10[%swap3A_810, %swap3A_811], %swap3A_814 {strides = array<i32>} : memref<5x128xi32, #tpu.memory_space<vmem>>, vector<1x16xi32>,
        %xor3A_815 = arith.xori %add3A_730, %add3A_721 : vector<16xi32>
        %xor3A_816 = arith.xori %xor3A_815, %mul3A_724 : vector<16xi32>
        %and3A_817 = arith.constant 65535 : i32
        %and3A_818 = vector.broadcast %and3A_817 : i32 to vector<16xi32>
        %and3A_819 = arith.andi %xor3A_816, %and3A_818 : vector<16xi32>
        %or3A_820 = arith.constant 262144 : i32
        %or3A_821 = vector.broadcast %or3A_820 : i32 to vector<16xi32>
        %or3A_822 = arith.ori %and3A_819, %or3A_821 : vector<16xi32>
        %swap3A_823 = arith.constant 4 : i32
        %swap3A_824 = arith.index_cast %swap3A_823 : i32 to index
        %swap3A_825 = arith.constant 96 : index
        %swap3A_826 = tpu.vector_load %arg10[%swap3A_824, %swap3A_825] {strides = array<i32>} : memref<5x128xi32, #tpu.memory_space<vmem>>, vector<1x16xi32>,
        %swap3A_827 = vector.shape_cast %swap3A_826 : vector<1x16xi32> to vector<16xi32>
        %swap3A_828 = vector.shape_cast %or3A_822 : vector<16xi32> to vector<1x16xi32>
        tpu.vector_store %arg10[%swap3A_824, %swap3A_825], %swap3A_828 {strides = array<i32>} : memref<5x128xi32, #tpu.memory_space<vmem>>, vector<1x16xi32>,
        %xor3A_829 = arith.xori %add3A_730, %add3A_721 : vector<16xi32>
        %xor3A_830 = arith.xori %xor3A_829, %add3A_727 : vector<16xi32>
        %and3A_831 = arith.constant 65535 : i32
        %and3A_832 = vector.broadcast %and3A_831 : i32 to vector<16xi32>
        %and3A_833 = arith.andi %xor3A_830, %and3A_832 : vector<16xi32>
        %or3A_834 = arith.constant 262144 : i32
        %or3A_835 = vector.broadcast %or3A_834 : i32 to vector<16xi32>
        %or3A_836 = arith.ori %and3A_833, %or3A_835 : vector<16xi32>
        %swap3A_837 = arith.constant 4 : i32
        %swap3A_838 = arith.index_cast %swap3A_837 : i32 to index
        %swap3A_839 = arith.constant 112 : index
        %swap3A_840 = tpu.vector_load %arg10[%swap3A_838, %swap3A_839] {strides = array<i32>} : memref<5x128xi32, #tpu.memory_space<vmem>>, vector<1x16xi32>,
        %swap3A_841 = vector.shape_cast %swap3A_840 : vector<1x16xi32> to vector<16xi32>
        %swap3A_842 = vector.shape_cast %or3A_836 : vector<16xi32> to vector<1x16xi32>
        tpu.vector_store %arg10[%swap3A_838, %swap3A_839], %swap3A_842 {strides = array<i32>} : memref<5x128xi32, #tpu.memory_space<vmem>>, vector<1x16xi32>,
        %dma_start3A_843 = arith.constant 4 : i32
        %dma_start3A_844 = arith.constant 8 : i32
        %dma_start3A_845 = arith.constant 0 : i32
        %dma_start3A_846 = tpu.memref_slice %arg11[%dma_start3A_844, %dma_start3A_845] : memref<10x128xi32, #tpu.memory_space<vmem>> -> memref<1x128xi32, #tpu.memory_space<vmem>>
        %dma_start3A_847 = tpu.memref_squeeze %dma_start3A_846 : memref<1x128xi32, #tpu.memory_space<vmem>> -> memref<128xi32, #tpu.memory_space<vmem>>
        %dma_start3A_848 = arith.constant 0 : i32
        %dma_start3A_849 = tpu.memref_slice %arg10[%dma_start3A_843, %dma_start3A_848] : memref<5x128xi32, #tpu.memory_space<vmem>> -> memref<1x128xi32, #tpu.memory_space<vmem>>
        %dma_start3A_850 = tpu.memref_squeeze %dma_start3A_849 : memref<1x128xi32, #tpu.memory_space<vmem>> -> memref<128xi32, #tpu.memory_space<vmem>>
        %dma_start3A_851 = arith.constant 0 : i32
        %dma_start3A_852 = tpu.memref_slice %arg15[%dma_start3A_851] : memref<327680xi32, #tpu.memory_space<vmem_shared>> -> memref<327680xi32, #tpu.memory_space<vmem_shared>>
        tpu.enqueue_indirect_dma source(%dma_start3A_852 : memref<327680xi32, #tpu.memory_space<vmem_shared>>) target(%dma_start3A_847 : memref<128xi32, #tpu.memory_space<vmem>>) offsets(%dma_start3A_850 : memref<128xi32, #tpu.memory_space<vmem>>) semaphore(%arg17 : memref<!tpu.dma_semaphore, #tpu.memory_space<semaphore_mem>>)
        %dma_start3A_853 = arith.constant 4 : i32
        %dma_start3A_854 = arith.constant 9 : i32
        %dma_start3A_855 = arith.constant 0 : i32
        %dma_start3A_856 = tpu.memref_slice %arg11[%dma_start3A_854, %dma_start3A_855] : memref<10x128xi32, #tpu.memory_space<vmem>> -> memref<1x128xi32, #tpu.memory_space<vmem>>
        %dma_start3A_857 = tpu.memref_squeeze %dma_start3A_856 : memref<1x128xi32, #tpu.memory_space<vmem>> -> memref<128xi32, #tpu.memory_space<vmem>>
        %dma_start3A_858 = arith.constant 0 : i32
        %dma_start3A_859 = tpu.memref_slice %arg10[%dma_start3A_853, %dma_start3A_858] : memref<5x128xi32, #tpu.memory_space<vmem>> -> memref<1x128xi32, #tpu.memory_space<vmem>>
        %dma_start3A_860 = tpu.memref_squeeze %dma_start3A_859 : memref<1x128xi32, #tpu.memory_space<vmem>> -> memref<128xi32, #tpu.memory_space<vmem>>
        %dma_start3A_861 = arith.constant 0 : i32
        %dma_start3A_862 = tpu.memref_slice %arg16[%dma_start3A_861] : memref<327680xi32, #tpu.memory_space<vmem_shared>> -> memref<327680xi32, #tpu.memory_space<vmem_shared>>
        tpu.enqueue_indirect_dma source(%dma_start3A_862 : memref<327680xi32, #tpu.memory_space<vmem_shared>>) target(%dma_start3A_857 : memref<128xi32, #tpu.memory_space<vmem>>) offsets(%dma_start3A_860 : memref<128xi32, #tpu.memory_space<vmem>>) semaphore(%arg17 : memref<!tpu.dma_semaphore, #tpu.memory_space<semaphore_mem>>)
        %dma_wait3A_863 = arith.constant 0 : i32
        %dma_wait3A_864 = arith.constant 0 : i32
        %dma_wait3A_865 = arith.constant 0 : i32
        %dma_wait3A_866 = tpu.memref_slice %arg11[%dma_wait3A_864, %dma_wait3A_865] : memref<10x128xi32, #tpu.memory_space<vmem>> -> memref<1x128xi32, #tpu.memory_space<vmem>>
        %dma_wait3A_867 = tpu.memref_squeeze %dma_wait3A_866 : memref<1x128xi32, #tpu.memory_space<vmem>> -> memref<128xi32, #tpu.memory_space<vmem>>
        %dma_wait3A_868 = arith.constant 0 : i32
        %dma_wait3A_869 = tpu.memref_slice %arg10[%dma_wait3A_863, %dma_wait3A_868] : memref<5x128xi32, #tpu.memory_space<vmem>> -> memref<1x128xi32, #tpu.memory_space<vmem>>
        %dma_wait3A_870 = tpu.memref_squeeze %dma_wait3A_869 : memref<1x128xi32, #tpu.memory_space<vmem>> -> memref<128xi32, #tpu.memory_space<vmem>>
        %dma_wait3A_871 = arith.constant 0 : i32
        %dma_wait3A_872 = tpu.memref_slice %arg15[%dma_wait3A_871] : memref<327680xi32, #tpu.memory_space<vmem_shared>> -> memref<327680xi32, #tpu.memory_space<vmem_shared>>
        tpu.wait_indirect_dma semaphore(%arg17 : memref<!tpu.dma_semaphore, #tpu.memory_space<semaphore_mem>>) src(%dma_wait3A_872 : memref<327680xi32, #tpu.memory_space<vmem_shared>>) dst(%dma_wait3A_867 : memref<128xi32, #tpu.memory_space<vmem>>)
        %dma_wait3A_873 = arith.constant 0 : i32
        %dma_wait3A_874 = arith.constant 1 : i32
        %dma_wait3A_875 = arith.constant 0 : i32
        %dma_wait3A_876 = tpu.memref_slice %arg11[%dma_wait3A_874, %dma_wait3A_875] : memref<10x128xi32, #tpu.memory_space<vmem>> -> memref<1x128xi32, #tpu.memory_space<vmem>>
        %dma_wait3A_877 = tpu.memref_squeeze %dma_wait3A_876 : memref<1x128xi32, #tpu.memory_space<vmem>> -> memref<128xi32, #tpu.memory_space<vmem>>
        %dma_wait3A_878 = arith.constant 0 : i32
        %dma_wait3A_879 = tpu.memref_slice %arg10[%dma_wait3A_873, %dma_wait3A_878] : memref<5x128xi32, #tpu.memory_space<vmem>> -> memref<1x128xi32, #tpu.memory_space<vmem>>
        %dma_wait3A_880 = tpu.memref_squeeze %dma_wait3A_879 : memref<1x128xi32, #tpu.memory_space<vmem>> -> memref<128xi32, #tpu.memory_space<vmem>>
        %dma_wait3A_881 = arith.constant 0 : i32
        %dma_wait3A_882 = tpu.memref_slice %arg16[%dma_wait3A_881] : memref<327680xi32, #tpu.memory_space<vmem_shared>> -> memref<327680xi32, #tpu.memory_space<vmem_shared>>
        tpu.wait_indirect_dma semaphore(%arg17 : memref<!tpu.dma_semaphore, #tpu.memory_space<semaphore_mem>>) src(%dma_wait3A_882 : memref<327680xi32, #tpu.memory_space<vmem_shared>>) dst(%dma_wait3A_877 : memref<128xi32, #tpu.memory_space<vmem>>)
        %dma_wait3A_883 = arith.constant 1 : i32
        %dma_wait3A_884 = arith.constant 2 : i32
        %dma_wait3A_885 = arith.constant 0 : i32
        %dma_wait3A_886 = tpu.memref_slice %arg11[%dma_wait3A_884, %dma_wait3A_885] : memref<10x128xi32, #tpu.memory_space<vmem>> -> memref<1x128xi32, #tpu.memory_space<vmem>>
        %dma_wait3A_887 = tpu.memref_squeeze %dma_wait3A_886 : memref<1x128xi32, #tpu.memory_space<vmem>> -> memref<128xi32, #tpu.memory_space<vmem>>
        %dma_wait3A_888 = arith.constant 0 : i32
        %dma_wait3A_889 = tpu.memref_slice %arg10[%dma_wait3A_883, %dma_wait3A_888] : memref<5x128xi32, #tpu.memory_space<vmem>> -> memref<1x128xi32, #tpu.memory_space<vmem>>
        %dma_wait3A_890 = tpu.memref_squeeze %dma_wait3A_889 : memref<1x128xi32, #tpu.memory_space<vmem>> -> memref<128xi32, #tpu.memory_space<vmem>>
        %dma_wait3A_891 = arith.constant 0 : i32
        %dma_wait3A_892 = tpu.memref_slice %arg15[%dma_wait3A_891] : memref<327680xi32, #tpu.memory_space<vmem_shared>> -> memref<327680xi32, #tpu.memory_space<vmem_shared>>
        tpu.wait_indirect_dma semaphore(%arg17 : memref<!tpu.dma_semaphore, #tpu.memory_space<semaphore_mem>>) src(%dma_wait3A_892 : memref<327680xi32, #tpu.memory_space<vmem_shared>>) dst(%dma_wait3A_887 : memref<128xi32, #tpu.memory_space<vmem>>)
        %dma_wait3A_893 = arith.constant 1 : i32
        %dma_wait3A_894 = arith.constant 3 : i32
        %dma_wait3A_895 = arith.constant 0 : i32
        %dma_wait3A_896 = tpu.memref_slice %arg11[%dma_wait3A_894, %dma_wait3A_895] : memref<10x128xi32, #tpu.memory_space<vmem>> -> memref<1x128xi32, #tpu.memory_space<vmem>>
        %dma_wait3A_897 = tpu.memref_squeeze %dma_wait3A_896 : memref<1x128xi32, #tpu.memory_space<vmem>> -> memref<128xi32, #tpu.memory_space<vmem>>
        %dma_wait3A_898 = arith.constant 0 : i32
        %dma_wait3A_899 = tpu.memref_slice %arg10[%dma_wait3A_893, %dma_wait3A_898] : memref<5x128xi32, #tpu.memory_space<vmem>> -> memref<1x128xi32, #tpu.memory_space<vmem>>
        %dma_wait3A_900 = tpu.memref_squeeze %dma_wait3A_899 : memref<1x128xi32, #tpu.memory_space<vmem>> -> memref<128xi32, #tpu.memory_space<vmem>>
        %dma_wait3A_901 = arith.constant 0 : i32
        %dma_wait3A_902 = tpu.memref_slice %arg16[%dma_wait3A_901] : memref<327680xi32, #tpu.memory_space<vmem_shared>> -> memref<327680xi32, #tpu.memory_space<vmem_shared>>
        tpu.wait_indirect_dma semaphore(%arg17 : memref<!tpu.dma_semaphore, #tpu.memory_space<semaphore_mem>>) src(%dma_wait3A_902 : memref<327680xi32, #tpu.memory_space<vmem_shared>>) dst(%dma_wait3A_897 : memref<128xi32, #tpu.memory_space<vmem>>)
        %dma_wait3A_903 = arith.constant 2 : i32
        %dma_wait3A_904 = arith.constant 4 : i32
        %dma_wait3A_905 = arith.constant 0 : i32
        %dma_wait3A_906 = tpu.memref_slice %arg11[%dma_wait3A_904, %dma_wait3A_905] : memref<10x128xi32, #tpu.memory_space<vmem>> -> memref<1x128xi32, #tpu.memory_space<vmem>>
        %dma_wait3A_907 = tpu.memref_squeeze %dma_wait3A_906 : memref<1x128xi32, #tpu.memory_space<vmem>> -> memref<128xi32, #tpu.memory_space<vmem>>
        %dma_wait3A_908 = arith.constant 0 : i32
        %dma_wait3A_909 = tpu.memref_slice %arg10[%dma_wait3A_903, %dma_wait3A_908] : memref<5x128xi32, #tpu.memory_space<vmem>> -> memref<1x128xi32, #tpu.memory_space<vmem>>
        %dma_wait3A_910 = tpu.memref_squeeze %dma_wait3A_909 : memref<1x128xi32, #tpu.memory_space<vmem>> -> memref<128xi32, #tpu.memory_space<vmem>>
        %dma_wait3A_911 = arith.constant 0 : i32
        %dma_wait3A_912 = tpu.memref_slice %arg15[%dma_wait3A_911] : memref<327680xi32, #tpu.memory_space<vmem_shared>> -> memref<327680xi32, #tpu.memory_space<vmem_shared>>
        tpu.wait_indirect_dma semaphore(%arg17 : memref<!tpu.dma_semaphore, #tpu.memory_space<semaphore_mem>>) src(%dma_wait3A_912 : memref<327680xi32, #tpu.memory_space<vmem_shared>>) dst(%dma_wait3A_907 : memref<128xi32, #tpu.memory_space<vmem>>)
        %dma_wait3A_913 = arith.constant 2 : i32
        %dma_wait3A_914 = arith.constant 5 : i32
        %dma_wait3A_915 = arith.constant 0 : i32
        %dma_wait3A_916 = tpu.memref_slice %arg11[%dma_wait3A_914, %dma_wait3A_915] : memref<10x128xi32, #tpu.memory_space<vmem>> -> memref<1x128xi32, #tpu.memory_space<vmem>>
        %dma_wait3A_917 = tpu.memref_squeeze %dma_wait3A_916 : memref<1x128xi32, #tpu.memory_space<vmem>> -> memref<128xi32, #tpu.memory_space<vmem>>
        %dma_wait3A_918 = arith.constant 0 : i32
        %dma_wait3A_919 = tpu.memref_slice %arg10[%dma_wait3A_913, %dma_wait3A_918] : memref<5x128xi32, #tpu.memory_space<vmem>> -> memref<1x128xi32, #tpu.memory_space<vmem>>
        %dma_wait3A_920 = tpu.memref_squeeze %dma_wait3A_919 : memref<1x128xi32, #tpu.memory_space<vmem>> -> memref<128xi32, #tpu.memory_space<vmem>>
        %dma_wait3A_921 = arith.constant 0 : i32
        %dma_wait3A_922 = tpu.memref_slice %arg16[%dma_wait3A_921] : memref<327680xi32, #tpu.memory_space<vmem_shared>> -> memref<327680xi32, #tpu.memory_space<vmem_shared>>
        tpu.wait_indirect_dma semaphore(%arg17 : memref<!tpu.dma_semaphore, #tpu.memory_space<semaphore_mem>>) src(%dma_wait3A_922 : memref<327680xi32, #tpu.memory_space<vmem_shared>>) dst(%dma_wait3A_917 : memref<128xi32, #tpu.memory_space<vmem>>)
        %dma_wait3A_923 = arith.constant 3 : i32
        %dma_wait3A_924 = arith.constant 6 : i32
        %dma_wait3A_925 = arith.constant 0 : i32
        %dma_wait3A_926 = tpu.memref_slice %arg11[%dma_wait3A_924, %dma_wait3A_925] : memref<10x128xi32, #tpu.memory_space<vmem>> -> memref<1x128xi32, #tpu.memory_space<vmem>>
        %dma_wait3A_927 = tpu.memref_squeeze %dma_wait3A_926 : memref<1x128xi32, #tpu.memory_space<vmem>> -> memref<128xi32, #tpu.memory_space<vmem>>
        %dma_wait3A_928 = arith.constant 0 : i32
        %dma_wait3A_929 = tpu.memref_slice %arg10[%dma_wait3A_923, %dma_wait3A_928] : memref<5x128xi32, #tpu.memory_space<vmem>> -> memref<1x128xi32, #tpu.memory_space<vmem>>
        %dma_wait3A_930 = tpu.memref_squeeze %dma_wait3A_929 : memref<1x128xi32, #tpu.memory_space<vmem>> -> memref<128xi32, #tpu.memory_space<vmem>>
        %dma_wait3A_931 = arith.constant 0 : i32
        %dma_wait3A_932 = tpu.memref_slice %arg15[%dma_wait3A_931] : memref<327680xi32, #tpu.memory_space<vmem_shared>> -> memref<327680xi32, #tpu.memory_space<vmem_shared>>
        tpu.wait_indirect_dma semaphore(%arg17 : memref<!tpu.dma_semaphore, #tpu.memory_space<semaphore_mem>>) src(%dma_wait3A_932 : memref<327680xi32, #tpu.memory_space<vmem_shared>>) dst(%dma_wait3A_927 : memref<128xi32, #tpu.memory_space<vmem>>)
        %dma_wait3A_933 = arith.constant 3 : i32
        %dma_wait3A_934 = arith.constant 7 : i32
        %dma_wait3A_935 = arith.constant 0 : i32
        %dma_wait3A_936 = tpu.memref_slice %arg11[%dma_wait3A_934, %dma_wait3A_935] : memref<10x128xi32, #tpu.memory_space<vmem>> -> memref<1x128xi32, #tpu.memory_space<vmem>>
        %dma_wait3A_937 = tpu.memref_squeeze %dma_wait3A_936 : memref<1x128xi32, #tpu.memory_space<vmem>> -> memref<128xi32, #tpu.memory_space<vmem>>
        %dma_wait3A_938 = arith.constant 0 : i32
        %dma_wait3A_939 = tpu.memref_slice %arg10[%dma_wait3A_933, %dma_wait3A_938] : memref<5x128xi32, #tpu.memory_space<vmem>> -> memref<1x128xi32, #tpu.memory_space<vmem>>
        %dma_wait3A_940 = tpu.memref_squeeze %dma_wait3A_939 : memref<1x128xi32, #tpu.memory_space<vmem>> -> memref<128xi32, #tpu.memory_space<vmem>>
        %dma_wait3A_941 = arith.constant 0 : i32
        %dma_wait3A_942 = tpu.memref_slice %arg16[%dma_wait3A_941] : memref<327680xi32, #tpu.memory_space<vmem_shared>> -> memref<327680xi32, #tpu.memory_space<vmem_shared>>
        tpu.wait_indirect_dma semaphore(%arg17 : memref<!tpu.dma_semaphore, #tpu.memory_space<semaphore_mem>>) src(%dma_wait3A_942 : memref<327680xi32, #tpu.memory_space<vmem_shared>>) dst(%dma_wait3A_937 : memref<128xi32, #tpu.memory_space<vmem>>)
        %dma_wait3A_943 = arith.constant 4 : i32
        %dma_wait3A_944 = arith.constant 8 : i32
        %dma_wait3A_945 = arith.constant 0 : i32
        %dma_wait3A_946 = tpu.memref_slice %arg11[%dma_wait3A_944, %dma_wait3A_945] : memref<10x128xi32, #tpu.memory_space<vmem>> -> memref<1x128xi32, #tpu.memory_space<vmem>>
        %dma_wait3A_947 = tpu.memref_squeeze %dma_wait3A_946 : memref<1x128xi32, #tpu.memory_space<vmem>> -> memref<128xi32, #tpu.memory_space<vmem>>
        %dma_wait3A_948 = arith.constant 0 : i32
        %dma_wait3A_949 = tpu.memref_slice %arg10[%dma_wait3A_943, %dma_wait3A_948] : memref<5x128xi32, #tpu.memory_space<vmem>> -> memref<1x128xi32, #tpu.memory_space<vmem>>
        %dma_wait3A_950 = tpu.memref_squeeze %dma_wait3A_949 : memref<1x128xi32, #tpu.memory_space<vmem>> -> memref<128xi32, #tpu.memory_space<vmem>>
        %dma_wait3A_951 = arith.constant 0 : i32
        %dma_wait3A_952 = tpu.memref_slice %arg15[%dma_wait3A_951] : memref<327680xi32, #tpu.memory_space<vmem_shared>> -> memref<327680xi32, #tpu.memory_space<vmem_shared>>
        tpu.wait_indirect_dma semaphore(%arg17 : memref<!tpu.dma_semaphore, #tpu.memory_space<semaphore_mem>>) src(%dma_wait3A_952 : memref<327680xi32, #tpu.memory_space<vmem_shared>>) dst(%dma_wait3A_947 : memref<128xi32, #tpu.memory_space<vmem>>)
        %dma_wait3A_953 = arith.constant 4 : i32
        %dma_wait3A_954 = arith.constant 9 : i32
        %dma_wait3A_955 = arith.constant 0 : i32
        %dma_wait3A_956 = tpu.memref_slice %arg11[%dma_wait3A_954, %dma_wait3A_955] : memref<10x128xi32, #tpu.memory_space<vmem>> -> memref<1x128xi32, #tpu.memory_space<vmem>>
        %dma_wait3A_957 = tpu.memref_squeeze %dma_wait3A_956 : memref<1x128xi32, #tpu.memory_space<vmem>> -> memref<128xi32, #tpu.memory_space<vmem>>
        %dma_wait3A_958 = arith.constant 0 : i32
        %dma_wait3A_959 = tpu.memref_slice %arg10[%dma_wait3A_953, %dma_wait3A_958] : memref<5x128xi32, #tpu.memory_space<vmem>> -> memref<1x128xi32, #tpu.memory_space<vmem>>
        %dma_wait3A_960 = tpu.memref_squeeze %dma_wait3A_959 : memref<1x128xi32, #tpu.memory_space<vmem>> -> memref<128xi32, #tpu.memory_space<vmem>>
        %dma_wait3A_961 = arith.constant 0 : i32
        %dma_wait3A_962 = tpu.memref_slice %arg16[%dma_wait3A_961] : memref<327680xi32, #tpu.memory_space<vmem_shared>> -> memref<327680xi32, #tpu.memory_space<vmem_shared>>
        tpu.wait_indirect_dma semaphore(%arg17 : memref<!tpu.dma_semaphore, #tpu.memory_space<semaphore_mem>>) src(%dma_wait3A_962 : memref<327680xi32, #tpu.memory_space<vmem_shared>>) dst(%dma_wait3A_957 : memref<128xi32, #tpu.memory_space<vmem>>)
        %convert_element_type3A_963 = arith.fptosi %mul3A_76 : vector<16xf32> to vector<16xi32>
        %convert_element_type3A_964 = arith.sitofp %convert_element_type3A_963 : vector<16xi32> to vector<16xf32>
        %sub3A = arith.subf %mul3A_76, %convert_element_type3A_964 : vector<16xf32>
        %convert_element_type3A_965 = arith.fptosi %mul3A_78 : vector<16xf32> to vector<16xi32>
        %convert_element_type3A_966 = arith.sitofp %convert_element_type3A_965 : vector<16xi32> to vector<16xf32>
        %sub3A_967 = arith.subf %mul3A_78, %convert_element_type3A_966 : vector<16xf32>
        %convert_element_type3A_968 = arith.fptosi %mul3A_80 : vector<16xf32> to vector<16xi32>
        %convert_element_type3A_969 = arith.sitofp %convert_element_type3A_968 : vector<16xi32> to vector<16xf32>
        %sub3A_970 = arith.subf %mul3A_80, %convert_element_type3A_969 : vector<16xf32>
        %sub3A_971 = arith.constant 1.000000e+00 : f32
        %sub3A_972 = vector.broadcast %sub3A_971 : f32 to vector<16xf32>
        %sub3A_973 = arith.subf %sub3A_972, %sub3A : vector<16xf32>
        %sub3A_974 = arith.constant 1.000000e+00 : f32
        %sub3A_975 = vector.broadcast %sub3A_974 : f32 to vector<16xf32>
        %sub3A_976 = arith.subf %sub3A_975, %sub3A_967 : vector<16xf32>
        %sub3A_977 = arith.constant 1.000000e+00 : f32
        %sub3A_978 = vector.broadcast %sub3A_977 : f32 to vector<16xf32>
        %sub3A_979 = arith.subf %sub3A_978, %sub3A_970 : vector<16xf32>
        %mul3A_980 = arith.mulf %sub3A_973, %sub3A_976 : vector<16xf32>
        %mul3A_981 = arith.mulf %mul3A_980, %sub3A_979 : vector<16xf32>
        %get3A_982 = arith.constant 0 : i32
        %get3A_983 = arith.index_cast %get3A_982 : i32 to index
        %get3A_984 = arith.constant 0 : index
        %get3A_985 = tpu.vector_load %arg11[%get3A_983, %get3A_984] {strides = array<i32>} : memref<10x128xi32, #tpu.memory_space<vmem>>, vector<1x16xi32>,
        %get3A_986 = vector.shape_cast %get3A_985 : vector<1x16xi32> to vector<16xi32>
        %shift_left3A = arith.constant 16 : i32
        %shift_left3A_987 = vector.broadcast %shift_left3A : i32 to vector<16xi32>
        %shift_left3A_988 = arith.shli %get3A_986, %shift_left3A_987 : vector<16xi32>
        %bitcast_convert_type3A = tpu.bitcast %shift_left3A_988 : vector<16xi32> -> vector<16xf32>
        %and3A_989 = arith.constant -65536 : i32
        %and3A_990 = vector.broadcast %and3A_989 : i32 to vector<16xi32>
        %and3A_991 = arith.andi %get3A_986, %and3A_990 : vector<16xi32>
        %bitcast_convert_type3A_992 = tpu.bitcast %and3A_991 : vector<16xi32> -> vector<16xf32>
        %mul3A_993 = arith.mulf %mul3A_981, %bitcast_convert_type3A : vector<16xf32>
        %mul3A_994 = arith.mulf %mul3A_981, %bitcast_convert_type3A_992 : vector<16xf32>
        %get3A_995 = arith.constant 1 : i32
        %get3A_996 = arith.index_cast %get3A_995 : i32 to index
        %get3A_997 = arith.constant 0 : index
        %get3A_998 = tpu.vector_load %arg11[%get3A_996, %get3A_997] {strides = array<i32>} : memref<10x128xi32, #tpu.memory_space<vmem>>, vector<1x16xi32>,
        %get3A_999 = vector.shape_cast %get3A_998 : vector<1x16xi32> to vector<16xi32>
        %shift_left3A_1000 = arith.constant 16 : i32
        %shift_left3A_1001 = vector.broadcast %shift_left3A_1000 : i32 to vector<16xi32>
        %shift_left3A_1002 = arith.shli %get3A_999, %shift_left3A_1001 : vector<16xi32>
        %bitcast_convert_type3A_1003 = tpu.bitcast %shift_left3A_1002 : vector<16xi32> -> vector<16xf32>
        %and3A_1004 = arith.constant -65536 : i32
        %and3A_1005 = vector.broadcast %and3A_1004 : i32 to vector<16xi32>
        %and3A_1006 = arith.andi %get3A_999, %and3A_1005 : vector<16xi32>
        %bitcast_convert_type3A_1007 = tpu.bitcast %and3A_1006 : vector<16xi32> -> vector<16xf32>
        %mul3A_1008 = arith.mulf %mul3A_981, %bitcast_convert_type3A_1003 : vector<16xf32>
        %mul3A_1009 = arith.mulf %mul3A_981, %bitcast_convert_type3A_1007 : vector<16xf32>
        %mul3A_1010 = arith.mulf %mul3A_980, %sub3A_970 : vector<16xf32>
        %get3A_1011 = arith.constant 0 : i32
        %get3A_1012 = arith.index_cast %get3A_1011 : i32 to index
        %get3A_1013 = arith.constant 16 : index
        %get3A_1014 = tpu.vector_load %arg11[%get3A_1012, %get3A_1013] {strides = array<i32>} : memref<10x128xi32, #tpu.memory_space<vmem>>, vector<1x16xi32>,
        %get3A_1015 = vector.shape_cast %get3A_1014 : vector<1x16xi32> to vector<16xi32>
        %shift_left3A_1016 = arith.constant 16 : i32
        %shift_left3A_1017 = vector.broadcast %shift_left3A_1016 : i32 to vector<16xi32>
        %shift_left3A_1018 = arith.shli %get3A_1015, %shift_left3A_1017 : vector<16xi32>
        %bitcast_convert_type3A_1019 = tpu.bitcast %shift_left3A_1018 : vector<16xi32> -> vector<16xf32>
        %and3A_1020 = arith.constant -65536 : i32
        %and3A_1021 = vector.broadcast %and3A_1020 : i32 to vector<16xi32>
        %and3A_1022 = arith.andi %get3A_1015, %and3A_1021 : vector<16xi32>
        %bitcast_convert_type3A_1023 = tpu.bitcast %and3A_1022 : vector<16xi32> -> vector<16xf32>
        %mul3A_1024 = arith.mulf %mul3A_1010, %bitcast_convert_type3A_1019 : vector<16xf32>
        %add3A_1025 = arith.addf %mul3A_993, %mul3A_1024 : vector<16xf32>
        %mul3A_1026 = arith.mulf %mul3A_1010, %bitcast_convert_type3A_1023 : vector<16xf32>
        %add3A_1027 = arith.addf %mul3A_994, %mul3A_1026 : vector<16xf32>
        %get3A_1028 = arith.constant 1 : i32
        %get3A_1029 = arith.index_cast %get3A_1028 : i32 to index
        %get3A_1030 = arith.constant 16 : index
        %get3A_1031 = tpu.vector_load %arg11[%get3A_1029, %get3A_1030] {strides = array<i32>} : memref<10x128xi32, #tpu.memory_space<vmem>>, vector<1x16xi32>,
        %get3A_1032 = vector.shape_cast %get3A_1031 : vector<1x16xi32> to vector<16xi32>
        %shift_left3A_1033 = arith.constant 16 : i32
        %shift_left3A_1034 = vector.broadcast %shift_left3A_1033 : i32 to vector<16xi32>
        %shift_left3A_1035 = arith.shli %get3A_1032, %shift_left3A_1034 : vector<16xi32>
        %bitcast_convert_type3A_1036 = tpu.bitcast %shift_left3A_1035 : vector<16xi32> -> vector<16xf32>
        %and3A_1037 = arith.constant -65536 : i32
        %and3A_1038 = vector.broadcast %and3A_1037 : i32 to vector<16xi32>
        %and3A_1039 = arith.andi %get3A_1032, %and3A_1038 : vector<16xi32>
        %bitcast_convert_type3A_1040 = tpu.bitcast %and3A_1039 : vector<16xi32> -> vector<16xf32>
        %mul3A_1041 = arith.mulf %mul3A_1010, %bitcast_convert_type3A_1036 : vector<16xf32>
        %add3A_1042 = arith.addf %mul3A_1008, %mul3A_1041 : vector<16xf32>
        %mul3A_1043 = arith.mulf %mul3A_1010, %bitcast_convert_type3A_1040 : vector<16xf32>
        %add3A_1044 = arith.addf %mul3A_1009, %mul3A_1043 : vector<16xf32>
        %mul3A_1045 = arith.mulf %sub3A_973, %sub3A_967 : vector<16xf32>
        %mul3A_1046 = arith.mulf %mul3A_1045, %sub3A_979 : vector<16xf32>
        %get3A_1047 = arith.constant 0 : i32
        %get3A_1048 = arith.index_cast %get3A_1047 : i32 to index
        %get3A_1049 = arith.constant 32 : index
        %get3A_1050 = tpu.vector_load %arg11[%get3A_1048, %get3A_1049] {strides = array<i32>} : memref<10x128xi32, #tpu.memory_space<vmem>>, vector<1x16xi32>,
        %get3A_1051 = vector.shape_cast %get3A_1050 : vector<1x16xi32> to vector<16xi32>
        %shift_left3A_1052 = arith.constant 16 : i32
        %shift_left3A_1053 = vector.broadcast %shift_left3A_1052 : i32 to vector<16xi32>
        %shift_left3A_1054 = arith.shli %get3A_1051, %shift_left3A_1053 : vector<16xi32>
        %bitcast_convert_type3A_1055 = tpu.bitcast %shift_left3A_1054 : vector<16xi32> -> vector<16xf32>
        %and3A_1056 = arith.constant -65536 : i32
        %and3A_1057 = vector.broadcast %and3A_1056 : i32 to vector<16xi32>
        %and3A_1058 = arith.andi %get3A_1051, %and3A_1057 : vector<16xi32>
        %bitcast_convert_type3A_1059 = tpu.bitcast %and3A_1058 : vector<16xi32> -> vector<16xf32>
        %mul3A_1060 = arith.mulf %mul3A_1046, %bitcast_convert_type3A_1055 : vector<16xf32>
        %add3A_1061 = arith.addf %add3A_1025, %mul3A_1060 : vector<16xf32>
        %mul3A_1062 = arith.mulf %mul3A_1046, %bitcast_convert_type3A_1059 : vector<16xf32>
        %add3A_1063 = arith.addf %add3A_1027, %mul3A_1062 : vector<16xf32>
        %get3A_1064 = arith.constant 1 : i32
        %get3A_1065 = arith.index_cast %get3A_1064 : i32 to index
        %get3A_1066 = arith.constant 32 : index
        %get3A_1067 = tpu.vector_load %arg11[%get3A_1065, %get3A_1066] {strides = array<i32>} : memref<10x128xi32, #tpu.memory_space<vmem>>, vector<1x16xi32>,
        %get3A_1068 = vector.shape_cast %get3A_1067 : vector<1x16xi32> to vector<16xi32>
        %shift_left3A_1069 = arith.constant 16 : i32
        %shift_left3A_1070 = vector.broadcast %shift_left3A_1069 : i32 to vector<16xi32>
        %shift_left3A_1071 = arith.shli %get3A_1068, %shift_left3A_1070 : vector<16xi32>
        %bitcast_convert_type3A_1072 = tpu.bitcast %shift_left3A_1071 : vector<16xi32> -> vector<16xf32>
        %and3A_1073 = arith.constant -65536 : i32
        %and3A_1074 = vector.broadcast %and3A_1073 : i32 to vector<16xi32>
        %and3A_1075 = arith.andi %get3A_1068, %and3A_1074 : vector<16xi32>
        %bitcast_convert_type3A_1076 = tpu.bitcast %and3A_1075 : vector<16xi32> -> vector<16xf32>
        %mul3A_1077 = arith.mulf %mul3A_1046, %bitcast_convert_type3A_1072 : vector<16xf32>
        %add3A_1078 = arith.addf %add3A_1042, %mul3A_1077 : vector<16xf32>
        %mul3A_1079 = arith.mulf %mul3A_1046, %bitcast_convert_type3A_1076 : vector<16xf32>
        %add3A_1080 = arith.addf %add3A_1044, %mul3A_1079 : vector<16xf32>
        %mul3A_1081 = arith.mulf %mul3A_1045, %sub3A_970 : vector<16xf32>
        %get3A_1082 = arith.constant 0 : i32
        %get3A_1083 = arith.index_cast %get3A_1082 : i32 to index
        %get3A_1084 = arith.constant 48 : index
        %get3A_1085 = tpu.vector_load %arg11[%get3A_1083, %get3A_1084] {strides = array<i32>} : memref<10x128xi32, #tpu.memory_space<vmem>>, vector<1x16xi32>,
        %get3A_1086 = vector.shape_cast %get3A_1085 : vector<1x16xi32> to vector<16xi32>
        %shift_left3A_1087 = arith.constant 16 : i32
        %shift_left3A_1088 = vector.broadcast %shift_left3A_1087 : i32 to vector<16xi32>
        %shift_left3A_1089 = arith.shli %get3A_1086, %shift_left3A_1088 : vector<16xi32>
        %bitcast_convert_type3A_1090 = tpu.bitcast %shift_left3A_1089 : vector<16xi32> -> vector<16xf32>
        %and3A_1091 = arith.constant -65536 : i32
        %and3A_1092 = vector.broadcast %and3A_1091 : i32 to vector<16xi32>
        %and3A_1093 = arith.andi %get3A_1086, %and3A_1092 : vector<16xi32>
        %bitcast_convert_type3A_1094 = tpu.bitcast %and3A_1093 : vector<16xi32> -> vector<16xf32>
        %mul3A_1095 = arith.mulf %mul3A_1081, %bitcast_convert_type3A_1090 : vector<16xf32>
        %add3A_1096 = arith.addf %add3A_1061, %mul3A_1095 : vector<16xf32>
        %mul3A_1097 = arith.mulf %mul3A_1081, %bitcast_convert_type3A_1094 : vector<16xf32>
        %add3A_1098 = arith.addf %add3A_1063, %mul3A_1097 : vector<16xf32>
        %get3A_1099 = arith.constant 1 : i32
        %get3A_1100 = arith.index_cast %get3A_1099 : i32 to index
        %get3A_1101 = arith.constant 48 : index
        %get3A_1102 = tpu.vector_load %arg11[%get3A_1100, %get3A_1101] {strides = array<i32>} : memref<10x128xi32, #tpu.memory_space<vmem>>, vector<1x16xi32>,
        %get3A_1103 = vector.shape_cast %get3A_1102 : vector<1x16xi32> to vector<16xi32>
        %shift_left3A_1104 = arith.constant 16 : i32
        %shift_left3A_1105 = vector.broadcast %shift_left3A_1104 : i32 to vector<16xi32>
        %shift_left3A_1106 = arith.shli %get3A_1103, %shift_left3A_1105 : vector<16xi32>
        %bitcast_convert_type3A_1107 = tpu.bitcast %shift_left3A_1106 : vector<16xi32> -> vector<16xf32>
        %and3A_1108 = arith.constant -65536 : i32
        %and3A_1109 = vector.broadcast %and3A_1108 : i32 to vector<16xi32>
        %and3A_1110 = arith.andi %get3A_1103, %and3A_1109 : vector<16xi32>
        %bitcast_convert_type3A_1111 = tpu.bitcast %and3A_1110 : vector<16xi32> -> vector<16xf32>
        %mul3A_1112 = arith.mulf %mul3A_1081, %bitcast_convert_type3A_1107 : vector<16xf32>
        %add3A_1113 = arith.addf %add3A_1078, %mul3A_1112 : vector<16xf32>
        %mul3A_1114 = arith.mulf %mul3A_1081, %bitcast_convert_type3A_1111 : vector<16xf32>
        %add3A_1115 = arith.addf %add3A_1080, %mul3A_1114 : vector<16xf32>
        %mul3A_1116 = arith.mulf %sub3A, %sub3A_976 : vector<16xf32>
        %mul3A_1117 = arith.mulf %mul3A_1116, %sub3A_979 : vector<16xf32>
        %get3A_1118 = arith.constant 0 : i32
        %get3A_1119 = arith.index_cast %get3A_1118 : i32 to index
        %get3A_1120 = arith.constant 64 : index
        %get3A_1121 = tpu.vector_load %arg11[%get3A_1119, %get3A_1120] {strides = array<i32>} : memref<10x128xi32, #tpu.memory_space<vmem>>, vector<1x16xi32>,
        %get3A_1122 = vector.shape_cast %get3A_1121 : vector<1x16xi32> to vector<16xi32>
        %shift_left3A_1123 = arith.constant 16 : i32
        %shift_left3A_1124 = vector.broadcast %shift_left3A_1123 : i32 to vector<16xi32>
        %shift_left3A_1125 = arith.shli %get3A_1122, %shift_left3A_1124 : vector<16xi32>
        %bitcast_convert_type3A_1126 = tpu.bitcast %shift_left3A_1125 : vector<16xi32> -> vector<16xf32>
        %and3A_1127 = arith.constant -65536 : i32
        %and3A_1128 = vector.broadcast %and3A_1127 : i32 to vector<16xi32>
        %and3A_1129 = arith.andi %get3A_1122, %and3A_1128 : vector<16xi32>
        %bitcast_convert_type3A_1130 = tpu.bitcast %and3A_1129 : vector<16xi32> -> vector<16xf32>
        %mul3A_1131 = arith.mulf %mul3A_1117, %bitcast_convert_type3A_1126 : vector<16xf32>
        %add3A_1132 = arith.addf %add3A_1096, %mul3A_1131 : vector<16xf32>
        %mul3A_1133 = arith.mulf %mul3A_1117, %bitcast_convert_type3A_1130 : vector<16xf32>
        %add3A_1134 = arith.addf %add3A_1098, %mul3A_1133 : vector<16xf32>
        %get3A_1135 = arith.constant 1 : i32
        %get3A_1136 = arith.index_cast %get3A_1135 : i32 to index
        %get3A_1137 = arith.constant 64 : index
        %get3A_1138 = tpu.vector_load %arg11[%get3A_1136, %get3A_1137] {strides = array<i32>} : memref<10x128xi32, #tpu.memory_space<vmem>>, vector<1x16xi32>,
        %get3A_1139 = vector.shape_cast %get3A_1138 : vector<1x16xi32> to vector<16xi32>
        %shift_left3A_1140 = arith.constant 16 : i32
        %shift_left3A_1141 = vector.broadcast %shift_left3A_1140 : i32 to vector<16xi32>
        %shift_left3A_1142 = arith.shli %get3A_1139, %shift_left3A_1141 : vector<16xi32>
        %bitcast_convert_type3A_1143 = tpu.bitcast %shift_left3A_1142 : vector<16xi32> -> vector<16xf32>
        %and3A_1144 = arith.constant -65536 : i32
        %and3A_1145 = vector.broadcast %and3A_1144 : i32 to vector<16xi32>
        %and3A_1146 = arith.andi %get3A_1139, %and3A_1145 : vector<16xi32>
        %bitcast_convert_type3A_1147 = tpu.bitcast %and3A_1146 : vector<16xi32> -> vector<16xf32>
        %mul3A_1148 = arith.mulf %mul3A_1117, %bitcast_convert_type3A_1143 : vector<16xf32>
        %add3A_1149 = arith.addf %add3A_1113, %mul3A_1148 : vector<16xf32>
        %mul3A_1150 = arith.mulf %mul3A_1117, %bitcast_convert_type3A_1147 : vector<16xf32>
        %add3A_1151 = arith.addf %add3A_1115, %mul3A_1150 : vector<16xf32>
        %mul3A_1152 = arith.mulf %mul3A_1116, %sub3A_970 : vector<16xf32>
        %get3A_1153 = arith.constant 0 : i32
        %get3A_1154 = arith.index_cast %get3A_1153 : i32 to index
        %get3A_1155 = arith.constant 80 : index
        %get3A_1156 = tpu.vector_load %arg11[%get3A_1154, %get3A_1155] {strides = array<i32>} : memref<10x128xi32, #tpu.memory_space<vmem>>, vector<1x16xi32>,
        %get3A_1157 = vector.shape_cast %get3A_1156 : vector<1x16xi32> to vector<16xi32>
        %shift_left3A_1158 = arith.constant 16 : i32
        %shift_left3A_1159 = vector.broadcast %shift_left3A_1158 : i32 to vector<16xi32>
        %shift_left3A_1160 = arith.shli %get3A_1157, %shift_left3A_1159 : vector<16xi32>
        %bitcast_convert_type3A_1161 = tpu.bitcast %shift_left3A_1160 : vector<16xi32> -> vector<16xf32>
        %and3A_1162 = arith.constant -65536 : i32
        %and3A_1163 = vector.broadcast %and3A_1162 : i32 to vector<16xi32>
        %and3A_1164 = arith.andi %get3A_1157, %and3A_1163 : vector<16xi32>
        %bitcast_convert_type3A_1165 = tpu.bitcast %and3A_1164 : vector<16xi32> -> vector<16xf32>
        %mul3A_1166 = arith.mulf %mul3A_1152, %bitcast_convert_type3A_1161 : vector<16xf32>
        %add3A_1167 = arith.addf %add3A_1132, %mul3A_1166 : vector<16xf32>
        %mul3A_1168 = arith.mulf %mul3A_1152, %bitcast_convert_type3A_1165 : vector<16xf32>
        %add3A_1169 = arith.addf %add3A_1134, %mul3A_1168 : vector<16xf32>
        %get3A_1170 = arith.constant 1 : i32
        %get3A_1171 = arith.index_cast %get3A_1170 : i32 to index
        %get3A_1172 = arith.constant 80 : index
        %get3A_1173 = tpu.vector_load %arg11[%get3A_1171, %get3A_1172] {strides = array<i32>} : memref<10x128xi32, #tpu.memory_space<vmem>>, vector<1x16xi32>,
        %get3A_1174 = vector.shape_cast %get3A_1173 : vector<1x16xi32> to vector<16xi32>
        %shift_left3A_1175 = arith.constant 16 : i32
        %shift_left3A_1176 = vector.broadcast %shift_left3A_1175 : i32 to vector<16xi32>
        %shift_left3A_1177 = arith.shli %get3A_1174, %shift_left3A_1176 : vector<16xi32>
        %bitcast_convert_type3A_1178 = tpu.bitcast %shift_left3A_1177 : vector<16xi32> -> vector<16xf32>
        %and3A_1179 = arith.constant -65536 : i32
        %and3A_1180 = vector.broadcast %and3A_1179 : i32 to vector<16xi32>
        %and3A_1181 = arith.andi %get3A_1174, %and3A_1180 : vector<16xi32>
        %bitcast_convert_type3A_1182 = tpu.bitcast %and3A_1181 : vector<16xi32> -> vector<16xf32>
        %mul3A_1183 = arith.mulf %mul3A_1152, %bitcast_convert_type3A_1178 : vector<16xf32>
        %add3A_1184 = arith.addf %add3A_1149, %mul3A_1183 : vector<16xf32>
        %mul3A_1185 = arith.mulf %mul3A_1152, %bitcast_convert_type3A_1182 : vector<16xf32>
        %add3A_1186 = arith.addf %add3A_1151, %mul3A_1185 : vector<16xf32>
        %mul3A_1187 = arith.mulf %sub3A, %sub3A_967 : vector<16xf32>
        %mul3A_1188 = arith.mulf %mul3A_1187, %sub3A_979 : vector<16xf32>
        %get3A_1189 = arith.constant 0 : i32
        %get3A_1190 = arith.index_cast %get3A_1189 : i32 to index
        %get3A_1191 = arith.constant 96 : index
        %get3A_1192 = tpu.vector_load %arg11[%get3A_1190, %get3A_1191] {strides = array<i32>} : memref<10x128xi32, #tpu.memory_space<vmem>>, vector<1x16xi32>,
        %get3A_1193 = vector.shape_cast %get3A_1192 : vector<1x16xi32> to vector<16xi32>
        %shift_left3A_1194 = arith.constant 16 : i32
        %shift_left3A_1195 = vector.broadcast %shift_left3A_1194 : i32 to vector<16xi32>
        %shift_left3A_1196 = arith.shli %get3A_1193, %shift_left3A_1195 : vector<16xi32>
        %bitcast_convert_type3A_1197 = tpu.bitcast %shift_left3A_1196 : vector<16xi32> -> vector<16xf32>
        %and3A_1198 = arith.constant -65536 : i32
        %and3A_1199 = vector.broadcast %and3A_1198 : i32 to vector<16xi32>
        %and3A_1200 = arith.andi %get3A_1193, %and3A_1199 : vector<16xi32>
        %bitcast_convert_type3A_1201 = tpu.bitcast %and3A_1200 : vector<16xi32> -> vector<16xf32>
        %mul3A_1202 = arith.mulf %mul3A_1188, %bitcast_convert_type3A_1197 : vector<16xf32>
        %add3A_1203 = arith.addf %add3A_1167, %mul3A_1202 : vector<16xf32>
        %mul3A_1204 = arith.mulf %mul3A_1188, %bitcast_convert_type3A_1201 : vector<16xf32>
        %add3A_1205 = arith.addf %add3A_1169, %mul3A_1204 : vector<16xf32>
        %get3A_1206 = arith.constant 1 : i32
        %get3A_1207 = arith.index_cast %get3A_1206 : i32 to index
        %get3A_1208 = arith.constant 96 : index
        %get3A_1209 = tpu.vector_load %arg11[%get3A_1207, %get3A_1208] {strides = array<i32>} : memref<10x128xi32, #tpu.memory_space<vmem>>, vector<1x16xi32>,
        %get3A_1210 = vector.shape_cast %get3A_1209 : vector<1x16xi32> to vector<16xi32>
        %shift_left3A_1211 = arith.constant 16 : i32
        %shift_left3A_1212 = vector.broadcast %shift_left3A_1211 : i32 to vector<16xi32>
        %shift_left3A_1213 = arith.shli %get3A_1210, %shift_left3A_1212 : vector<16xi32>
        %bitcast_convert_type3A_1214 = tpu.bitcast %shift_left3A_1213 : vector<16xi32> -> vector<16xf32>
        %and3A_1215 = arith.constant -65536 : i32
        %and3A_1216 = vector.broadcast %and3A_1215 : i32 to vector<16xi32>
        %and3A_1217 = arith.andi %get3A_1210, %and3A_1216 : vector<16xi32>
        %bitcast_convert_type3A_1218 = tpu.bitcast %and3A_1217 : vector<16xi32> -> vector<16xf32>
        %mul3A_1219 = arith.mulf %mul3A_1188, %bitcast_convert_type3A_1214 : vector<16xf32>
        %add3A_1220 = arith.addf %add3A_1184, %mul3A_1219 : vector<16xf32>
        %mul3A_1221 = arith.mulf %mul3A_1188, %bitcast_convert_type3A_1218 : vector<16xf32>
        %add3A_1222 = arith.addf %add3A_1186, %mul3A_1221 : vector<16xf32>
        %mul3A_1223 = arith.mulf %mul3A_1187, %sub3A_970 : vector<16xf32>
        %get3A_1224 = arith.constant 0 : i32
        %get3A_1225 = arith.index_cast %get3A_1224 : i32 to index
        %get3A_1226 = arith.constant 112 : index
        %get3A_1227 = tpu.vector_load %arg11[%get3A_1225, %get3A_1226] {strides = array<i32>} : memref<10x128xi32, #tpu.memory_space<vmem>>, vector<1x16xi32>,
        %get3A_1228 = vector.shape_cast %get3A_1227 : vector<1x16xi32> to vector<16xi32>
        %shift_left3A_1229 = arith.constant 16 : i32
        %shift_left3A_1230 = vector.broadcast %shift_left3A_1229 : i32 to vector<16xi32>
        %shift_left3A_1231 = arith.shli %get3A_1228, %shift_left3A_1230 : vector<16xi32>
        %bitcast_convert_type3A_1232 = tpu.bitcast %shift_left3A_1231 : vector<16xi32> -> vector<16xf32>
        %and3A_1233 = arith.constant -65536 : i32
        %and3A_1234 = vector.broadcast %and3A_1233 : i32 to vector<16xi32>
        %and3A_1235 = arith.andi %get3A_1228, %and3A_1234 : vector<16xi32>
        %bitcast_convert_type3A_1236 = tpu.bitcast %and3A_1235 : vector<16xi32> -> vector<16xf32>
        %mul3A_1237 = arith.mulf %mul3A_1223, %bitcast_convert_type3A_1232 : vector<16xf32>
        %add3A_1238 = arith.addf %add3A_1203, %mul3A_1237 : vector<16xf32>
        %mul3A_1239 = arith.mulf %mul3A_1223, %bitcast_convert_type3A_1236 : vector<16xf32>
        %add3A_1240 = arith.addf %add3A_1205, %mul3A_1239 : vector<16xf32>
        %get3A_1241 = arith.constant 1 : i32
        %get3A_1242 = arith.index_cast %get3A_1241 : i32 to index
        %get3A_1243 = arith.constant 112 : index
        %get3A_1244 = tpu.vector_load %arg11[%get3A_1242, %get3A_1243] {strides = array<i32>} : memref<10x128xi32, #tpu.memory_space<vmem>>, vector<1x16xi32>,
        %get3A_1245 = vector.shape_cast %get3A_1244 : vector<1x16xi32> to vector<16xi32>
        %shift_left3A_1246 = arith.constant 16 : i32
        %shift_left3A_1247 = vector.broadcast %shift_left3A_1246 : i32 to vector<16xi32>
        %shift_left3A_1248 = arith.shli %get3A_1245, %shift_left3A_1247 : vector<16xi32>
        %bitcast_convert_type3A_1249 = tpu.bitcast %shift_left3A_1248 : vector<16xi32> -> vector<16xf32>
        %and3A_1250 = arith.constant -65536 : i32
        %and3A_1251 = vector.broadcast %and3A_1250 : i32 to vector<16xi32>
        %and3A_1252 = arith.andi %get3A_1245, %and3A_1251 : vector<16xi32>
        %bitcast_convert_type3A_1253 = tpu.bitcast %and3A_1252 : vector<16xi32> -> vector<16xf32>
        %mul3A_1254 = arith.mulf %mul3A_1223, %bitcast_convert_type3A_1249 : vector<16xf32>
        %add3A_1255 = arith.addf %add3A_1220, %mul3A_1254 : vector<16xf32>
        %mul3A_1256 = arith.mulf %mul3A_1223, %bitcast_convert_type3A_1253 : vector<16xf32>
        %add3A_1257 = arith.addf %add3A_1222, %mul3A_1256 : vector<16xf32>
        %add3A_1258 = arith.addi %mul3A_43, %mul3A_61 : i32
        %swap3A_1259 = arith.constant 0 : i32
        %swap3A_1260 = arith.index_cast %swap3A_1259 : i32 to index
        %swap3A_1261 = arith.index_cast %add3A_1258 : i32 to index
        %swap3A_1262 = tpu.vector_load %arg9[%swap3A_1260, %swap3A_1261] {strides = array<i32>} : memref<20x2048xf32, #tpu.memory_space<vmem>>, vector<1x16xf32>,
        %swap3A_1263 = vector.shape_cast %swap3A_1262 : vector<1x16xf32> to vector<16xf32>
        %swap3A_1264 = vector.shape_cast %add3A_1238 : vector<16xf32> to vector<1x16xf32>
        tpu.vector_store %arg9[%swap3A_1260, %swap3A_1261], %swap3A_1264 {strides = array<i32>} : memref<20x2048xf32, #tpu.memory_space<vmem>>, vector<1x16xf32>,
        %add3A_1265 = arith.addi %mul3A_43, %mul3A_61 : i32
        %swap3A_1266 = arith.constant 1 : i32
        %swap3A_1267 = arith.index_cast %swap3A_1266 : i32 to index
        %swap3A_1268 = arith.index_cast %add3A_1265 : i32 to index
        %swap3A_1269 = tpu.vector_load %arg9[%swap3A_1267, %swap3A_1268] {strides = array<i32>} : memref<20x2048xf32, #tpu.memory_space<vmem>>, vector<1x16xf32>,
        %swap3A_1270 = vector.shape_cast %swap3A_1269 : vector<1x16xf32> to vector<16xf32>
        %swap3A_1271 = vector.shape_cast %add3A_1240 : vector<16xf32> to vector<1x16xf32>
        tpu.vector_store %arg9[%swap3A_1267, %swap3A_1268], %swap3A_1271 {strides = array<i32>} : memref<20x2048xf32, #tpu.memory_space<vmem>>, vector<1x16xf32>,
        %add3A_1272 = arith.addi %mul3A_43, %mul3A_61 : i32
        %swap3A_1273 = arith.constant 2 : i32
        %swap3A_1274 = arith.index_cast %swap3A_1273 : i32 to index
        %swap3A_1275 = arith.index_cast %add3A_1272 : i32 to index
        %swap3A_1276 = tpu.vector_load %arg9[%swap3A_1274, %swap3A_1275] {strides = array<i32>} : memref<20x2048xf32, #tpu.memory_space<vmem>>, vector<1x16xf32>,
        %swap3A_1277 = vector.shape_cast %swap3A_1276 : vector<1x16xf32> to vector<16xf32>
        %swap3A_1278 = vector.shape_cast %add3A_1255 : vector<16xf32> to vector<1x16xf32>
        tpu.vector_store %arg9[%swap3A_1274, %swap3A_1275], %swap3A_1278 {strides = array<i32>} : memref<20x2048xf32, #tpu.memory_space<vmem>>, vector<1x16xf32>,
        %add3A_1279 = arith.addi %mul3A_43, %mul3A_61 : i32
        %swap3A_1280 = arith.constant 3 : i32
        %swap3A_1281 = arith.index_cast %swap3A_1280 : i32 to index
        %swap3A_1282 = arith.index_cast %add3A_1279 : i32 to index
        %swap3A_1283 = tpu.vector_load %arg9[%swap3A_1281, %swap3A_1282] {strides = array<i32>} : memref<20x2048xf32, #tpu.memory_space<vmem>>, vector<1x16xf32>,
        %swap3A_1284 = vector.shape_cast %swap3A_1283 : vector<1x16xf32> to vector<16xf32>
        %swap3A_1285 = vector.shape_cast %add3A_1257 : vector<16xf32> to vector<1x16xf32>
        tpu.vector_store %arg9[%swap3A_1281, %swap3A_1282], %swap3A_1285 {strides = array<i32>} : memref<20x2048xf32, #tpu.memory_space<vmem>>, vector<1x16xf32>,
        %convert_element_type3A_1286 = arith.fptosi %mul3A_231 : vector<16xf32> to vector<16xi32>
        %convert_element_type3A_1287 = arith.sitofp %convert_element_type3A_1286 : vector<16xi32> to vector<16xf32>
        %sub3A_1288 = arith.subf %mul3A_231, %convert_element_type3A_1287 : vector<16xf32>
        %convert_element_type3A_1289 = arith.fptosi %mul3A_233 : vector<16xf32> to vector<16xi32>
        %convert_element_type3A_1290 = arith.sitofp %convert_element_type3A_1289 : vector<16xi32> to vector<16xf32>
        %sub3A_1291 = arith.subf %mul3A_233, %convert_element_type3A_1290 : vector<16xf32>
        %convert_element_type3A_1292 = arith.fptosi %mul3A_235 : vector<16xf32> to vector<16xi32>
        %convert_element_type3A_1293 = arith.sitofp %convert_element_type3A_1292 : vector<16xi32> to vector<16xf32>
        %sub3A_1294 = arith.subf %mul3A_235, %convert_element_type3A_1293 : vector<16xf32>
        %sub3A_1295 = arith.constant 1.000000e+00 : f32
        %sub3A_1296 = vector.broadcast %sub3A_1295 : f32 to vector<16xf32>
        %sub3A_1297 = arith.subf %sub3A_1296, %sub3A_1288 : vector<16xf32>
        %sub3A_1298 = arith.constant 1.000000e+00 : f32
        %sub3A_1299 = vector.broadcast %sub3A_1298 : f32 to vector<16xf32>
        %sub3A_1300 = arith.subf %sub3A_1299, %sub3A_1291 : vector<16xf32>
        %sub3A_1301 = arith.constant 1.000000e+00 : f32
        %sub3A_1302 = vector.broadcast %sub3A_1301 : f32 to vector<16xf32>
        %sub3A_1303 = arith.subf %sub3A_1302, %sub3A_1294 : vector<16xf32>
        %mul3A_1304 = arith.mulf %sub3A_1297, %sub3A_1300 : vector<16xf32>
        %mul3A_1305 = arith.mulf %mul3A_1304, %sub3A_1303 : vector<16xf32>
        %get3A_1306 = arith.constant 2 : i32
        %get3A_1307 = arith.index_cast %get3A_1306 : i32 to index
        %get3A_1308 = arith.constant 0 : index
        %get3A_1309 = tpu.vector_load %arg11[%get3A_1307, %get3A_1308] {strides = array<i32>} : memref<10x128xi32, #tpu.memory_space<vmem>>, vector<1x16xi32>,
        %get3A_1310 = vector.shape_cast %get3A_1309 : vector<1x16xi32> to vector<16xi32>
        %shift_left3A_1311 = arith.constant 16 : i32
        %shift_left3A_1312 = vector.broadcast %shift_left3A_1311 : i32 to vector<16xi32>
        %shift_left3A_1313 = arith.shli %get3A_1310, %shift_left3A_1312 : vector<16xi32>
        %bitcast_convert_type3A_1314 = tpu.bitcast %shift_left3A_1313 : vector<16xi32> -> vector<16xf32>
        %and3A_1315 = arith.constant -65536 : i32
        %and3A_1316 = vector.broadcast %and3A_1315 : i32 to vector<16xi32>
        %and3A_1317 = arith.andi %get3A_1310, %and3A_1316 : vector<16xi32>
        %bitcast_convert_type3A_1318 = tpu.bitcast %and3A_1317 : vector<16xi32> -> vector<16xf32>
        %mul3A_1319 = arith.mulf %mul3A_1305, %bitcast_convert_type3A_1314 : vector<16xf32>
        %mul3A_1320 = arith.mulf %mul3A_1305, %bitcast_convert_type3A_1318 : vector<16xf32>
        %get3A_1321 = arith.constant 3 : i32
        %get3A_1322 = arith.index_cast %get3A_1321 : i32 to index
        %get3A_1323 = arith.constant 0 : index
        %get3A_1324 = tpu.vector_load %arg11[%get3A_1322, %get3A_1323] {strides = array<i32>} : memref<10x128xi32, #tpu.memory_space<vmem>>, vector<1x16xi32>,
        %get3A_1325 = vector.shape_cast %get3A_1324 : vector<1x16xi32> to vector<16xi32>
        %shift_left3A_1326 = arith.constant 16 : i32
        %shift_left3A_1327 = vector.broadcast %shift_left3A_1326 : i32 to vector<16xi32>
        %shift_left3A_1328 = arith.shli %get3A_1325, %shift_left3A_1327 : vector<16xi32>
        %bitcast_convert_type3A_1329 = tpu.bitcast %shift_left3A_1328 : vector<16xi32> -> vector<16xf32>
        %and3A_1330 = arith.constant -65536 : i32
        %and3A_1331 = vector.broadcast %and3A_1330 : i32 to vector<16xi32>
        %and3A_1332 = arith.andi %get3A_1325, %and3A_1331 : vector<16xi32>
        %bitcast_convert_type3A_1333 = tpu.bitcast %and3A_1332 : vector<16xi32> -> vector<16xf32>
        %mul3A_1334 = arith.mulf %mul3A_1305, %bitcast_convert_type3A_1329 : vector<16xf32>
        %mul3A_1335 = arith.mulf %mul3A_1305, %bitcast_convert_type3A_1333 : vector<16xf32>
        %mul3A_1336 = arith.mulf %mul3A_1304, %sub3A_1294 : vector<16xf32>
        %get3A_1337 = arith.constant 2 : i32
        %get3A_1338 = arith.index_cast %get3A_1337 : i32 to index
        %get3A_1339 = arith.constant 16 : index
        %get3A_1340 = tpu.vector_load %arg11[%get3A_1338, %get3A_1339] {strides = array<i32>} : memref<10x128xi32, #tpu.memory_space<vmem>>, vector<1x16xi32>,
        %get3A_1341 = vector.shape_cast %get3A_1340 : vector<1x16xi32> to vector<16xi32>
        %shift_left3A_1342 = arith.constant 16 : i32
        %shift_left3A_1343 = vector.broadcast %shift_left3A_1342 : i32 to vector<16xi32>
        %shift_left3A_1344 = arith.shli %get3A_1341, %shift_left3A_1343 : vector<16xi32>
        %bitcast_convert_type3A_1345 = tpu.bitcast %shift_left3A_1344 : vector<16xi32> -> vector<16xf32>
        %and3A_1346 = arith.constant -65536 : i32
        %and3A_1347 = vector.broadcast %and3A_1346 : i32 to vector<16xi32>
        %and3A_1348 = arith.andi %get3A_1341, %and3A_1347 : vector<16xi32>
        %bitcast_convert_type3A_1349 = tpu.bitcast %and3A_1348 : vector<16xi32> -> vector<16xf32>
        %mul3A_1350 = arith.mulf %mul3A_1336, %bitcast_convert_type3A_1345 : vector<16xf32>
        %add3A_1351 = arith.addf %mul3A_1319, %mul3A_1350 : vector<16xf32>
        %mul3A_1352 = arith.mulf %mul3A_1336, %bitcast_convert_type3A_1349 : vector<16xf32>
        %add3A_1353 = arith.addf %mul3A_1320, %mul3A_1352 : vector<16xf32>
        %get3A_1354 = arith.constant 3 : i32
        %get3A_1355 = arith.index_cast %get3A_1354 : i32 to index
        %get3A_1356 = arith.constant 16 : index
        %get3A_1357 = tpu.vector_load %arg11[%get3A_1355, %get3A_1356] {strides = array<i32>} : memref<10x128xi32, #tpu.memory_space<vmem>>, vector<1x16xi32>,
        %get3A_1358 = vector.shape_cast %get3A_1357 : vector<1x16xi32> to vector<16xi32>
        %shift_left3A_1359 = arith.constant 16 : i32
        %shift_left3A_1360 = vector.broadcast %shift_left3A_1359 : i32 to vector<16xi32>
        %shift_left3A_1361 = arith.shli %get3A_1358, %shift_left3A_1360 : vector<16xi32>
        %bitcast_convert_type3A_1362 = tpu.bitcast %shift_left3A_1361 : vector<16xi32> -> vector<16xf32>
        %and3A_1363 = arith.constant -65536 : i32
        %and3A_1364 = vector.broadcast %and3A_1363 : i32 to vector<16xi32>
        %and3A_1365 = arith.andi %get3A_1358, %and3A_1364 : vector<16xi32>
        %bitcast_convert_type3A_1366 = tpu.bitcast %and3A_1365 : vector<16xi32> -> vector<16xf32>
        %mul3A_1367 = arith.mulf %mul3A_1336, %bitcast_convert_type3A_1362 : vector<16xf32>
        %add3A_1368 = arith.addf %mul3A_1334, %mul3A_1367 : vector<16xf32>
        %mul3A_1369 = arith.mulf %mul3A_1336, %bitcast_convert_type3A_1366 : vector<16xf32>
        %add3A_1370 = arith.addf %mul3A_1335, %mul3A_1369 : vector<16xf32>
        %mul3A_1371 = arith.mulf %sub3A_1297, %sub3A_1291 : vector<16xf32>
        %mul3A_1372 = arith.mulf %mul3A_1371, %sub3A_1303 : vector<16xf32>
        %get3A_1373 = arith.constant 2 : i32
        %get3A_1374 = arith.index_cast %get3A_1373 : i32 to index
        %get3A_1375 = arith.constant 32 : index
        %get3A_1376 = tpu.vector_load %arg11[%get3A_1374, %get3A_1375] {strides = array<i32>} : memref<10x128xi32, #tpu.memory_space<vmem>>, vector<1x16xi32>,
        %get3A_1377 = vector.shape_cast %get3A_1376 : vector<1x16xi32> to vector<16xi32>
        %shift_left3A_1378 = arith.constant 16 : i32
        %shift_left3A_1379 = vector.broadcast %shift_left3A_1378 : i32 to vector<16xi32>
        %shift_left3A_1380 = arith.shli %get3A_1377, %shift_left3A_1379 : vector<16xi32>
        %bitcast_convert_type3A_1381 = tpu.bitcast %shift_left3A_1380 : vector<16xi32> -> vector<16xf32>
        %and3A_1382 = arith.constant -65536 : i32
        %and3A_1383 = vector.broadcast %and3A_1382 : i32 to vector<16xi32>
        %and3A_1384 = arith.andi %get3A_1377, %and3A_1383 : vector<16xi32>
        %bitcast_convert_type3A_1385 = tpu.bitcast %and3A_1384 : vector<16xi32> -> vector<16xf32>
        %mul3A_1386 = arith.mulf %mul3A_1372, %bitcast_convert_type3A_1381 : vector<16xf32>
        %add3A_1387 = arith.addf %add3A_1351, %mul3A_1386 : vector<16xf32>
        %mul3A_1388 = arith.mulf %mul3A_1372, %bitcast_convert_type3A_1385 : vector<16xf32>
        %add3A_1389 = arith.addf %add3A_1353, %mul3A_1388 : vector<16xf32>
        %get3A_1390 = arith.constant 3 : i32
        %get3A_1391 = arith.index_cast %get3A_1390 : i32 to index
        %get3A_1392 = arith.constant 32 : index
        %get3A_1393 = tpu.vector_load %arg11[%get3A_1391, %get3A_1392] {strides = array<i32>} : memref<10x128xi32, #tpu.memory_space<vmem>>, vector<1x16xi32>,
        %get3A_1394 = vector.shape_cast %get3A_1393 : vector<1x16xi32> to vector<16xi32>
        %shift_left3A_1395 = arith.constant 16 : i32
        %shift_left3A_1396 = vector.broadcast %shift_left3A_1395 : i32 to vector<16xi32>
        %shift_left3A_1397 = arith.shli %get3A_1394, %shift_left3A_1396 : vector<16xi32>
        %bitcast_convert_type3A_1398 = tpu.bitcast %shift_left3A_1397 : vector<16xi32> -> vector<16xf32>
        %and3A_1399 = arith.constant -65536 : i32
        %and3A_1400 = vector.broadcast %and3A_1399 : i32 to vector<16xi32>
        %and3A_1401 = arith.andi %get3A_1394, %and3A_1400 : vector<16xi32>
        %bitcast_convert_type3A_1402 = tpu.bitcast %and3A_1401 : vector<16xi32> -> vector<16xf32>
        %mul3A_1403 = arith.mulf %mul3A_1372, %bitcast_convert_type3A_1398 : vector<16xf32>
        %add3A_1404 = arith.addf %add3A_1368, %mul3A_1403 : vector<16xf32>
        %mul3A_1405 = arith.mulf %mul3A_1372, %bitcast_convert_type3A_1402 : vector<16xf32>
        %add3A_1406 = arith.addf %add3A_1370, %mul3A_1405 : vector<16xf32>
        %mul3A_1407 = arith.mulf %mul3A_1371, %sub3A_1294 : vector<16xf32>
        %get3A_1408 = arith.constant 2 : i32
        %get3A_1409 = arith.index_cast %get3A_1408 : i32 to index
        %get3A_1410 = arith.constant 48 : index
        %get3A_1411 = tpu.vector_load %arg11[%get3A_1409, %get3A_1410] {strides = array<i32>} : memref<10x128xi32, #tpu.memory_space<vmem>>, vector<1x16xi32>,
        %get3A_1412 = vector.shape_cast %get3A_1411 : vector<1x16xi32> to vector<16xi32>
        %shift_left3A_1413 = arith.constant 16 : i32
        %shift_left3A_1414 = vector.broadcast %shift_left3A_1413 : i32 to vector<16xi32>
        %shift_left3A_1415 = arith.shli %get3A_1412, %shift_left3A_1414 : vector<16xi32>
        %bitcast_convert_type3A_1416 = tpu.bitcast %shift_left3A_1415 : vector<16xi32> -> vector<16xf32>
        %and3A_1417 = arith.constant -65536 : i32
        %and3A_1418 = vector.broadcast %and3A_1417 : i32 to vector<16xi32>
        %and3A_1419 = arith.andi %get3A_1412, %and3A_1418 : vector<16xi32>
        %bitcast_convert_type3A_1420 = tpu.bitcast %and3A_1419 : vector<16xi32> -> vector<16xf32>
        %mul3A_1421 = arith.mulf %mul3A_1407, %bitcast_convert_type3A_1416 : vector<16xf32>
        %add3A_1422 = arith.addf %add3A_1387, %mul3A_1421 : vector<16xf32>
        %mul3A_1423 = arith.mulf %mul3A_1407, %bitcast_convert_type3A_1420 : vector<16xf32>
        %add3A_1424 = arith.addf %add3A_1389, %mul3A_1423 : vector<16xf32>
        %get3A_1425 = arith.constant 3 : i32
        %get3A_1426 = arith.index_cast %get3A_1425 : i32 to index
        %get3A_1427 = arith.constant 48 : index
        %get3A_1428 = tpu.vector_load %arg11[%get3A_1426, %get3A_1427] {strides = array<i32>} : memref<10x128xi32, #tpu.memory_space<vmem>>, vector<1x16xi32>,
        %get3A_1429 = vector.shape_cast %get3A_1428 : vector<1x16xi32> to vector<16xi32>
        %shift_left3A_1430 = arith.constant 16 : i32
        %shift_left3A_1431 = vector.broadcast %shift_left3A_1430 : i32 to vector<16xi32>
        %shift_left3A_1432 = arith.shli %get3A_1429, %shift_left3A_1431 : vector<16xi32>
        %bitcast_convert_type3A_1433 = tpu.bitcast %shift_left3A_1432 : vector<16xi32> -> vector<16xf32>
        %and3A_1434 = arith.constant -65536 : i32
        %and3A_1435 = vector.broadcast %and3A_1434 : i32 to vector<16xi32>
        %and3A_1436 = arith.andi %get3A_1429, %and3A_1435 : vector<16xi32>
        %bitcast_convert_type3A_1437 = tpu.bitcast %and3A_1436 : vector<16xi32> -> vector<16xf32>
        %mul3A_1438 = arith.mulf %mul3A_1407, %bitcast_convert_type3A_1433 : vector<16xf32>
        %add3A_1439 = arith.addf %add3A_1404, %mul3A_1438 : vector<16xf32>
        %mul3A_1440 = arith.mulf %mul3A_1407, %bitcast_convert_type3A_1437 : vector<16xf32>
        %add3A_1441 = arith.addf %add3A_1406, %mul3A_1440 : vector<16xf32>
        %mul3A_1442 = arith.mulf %sub3A_1288, %sub3A_1300 : vector<16xf32>
        %mul3A_1443 = arith.mulf %mul3A_1442, %sub3A_1303 : vector<16xf32>
        %get3A_1444 = arith.constant 2 : i32
        %get3A_1445 = arith.index_cast %get3A_1444 : i32 to index
        %get3A_1446 = arith.constant 64 : index
        %get3A_1447 = tpu.vector_load %arg11[%get3A_1445, %get3A_1446] {strides = array<i32>} : memref<10x128xi32, #tpu.memory_space<vmem>>, vector<1x16xi32>,
        %get3A_1448 = vector.shape_cast %get3A_1447 : vector<1x16xi32> to vector<16xi32>
        %shift_left3A_1449 = arith.constant 16 : i32
        %shift_left3A_1450 = vector.broadcast %shift_left3A_1449 : i32 to vector<16xi32>
        %shift_left3A_1451 = arith.shli %get3A_1448, %shift_left3A_1450 : vector<16xi32>
        %bitcast_convert_type3A_1452 = tpu.bitcast %shift_left3A_1451 : vector<16xi32> -> vector<16xf32>
        %and3A_1453 = arith.constant -65536 : i32
        %and3A_1454 = vector.broadcast %and3A_1453 : i32 to vector<16xi32>
        %and3A_1455 = arith.andi %get3A_1448, %and3A_1454 : vector<16xi32>
        %bitcast_convert_type3A_1456 = tpu.bitcast %and3A_1455 : vector<16xi32> -> vector<16xf32>
        %mul3A_1457 = arith.mulf %mul3A_1443, %bitcast_convert_type3A_1452 : vector<16xf32>
        %add3A_1458 = arith.addf %add3A_1422, %mul3A_1457 : vector<16xf32>
        %mul3A_1459 = arith.mulf %mul3A_1443, %bitcast_convert_type3A_1456 : vector<16xf32>
        %add3A_1460 = arith.addf %add3A_1424, %mul3A_1459 : vector<16xf32>
        %get3A_1461 = arith.constant 3 : i32
        %get3A_1462 = arith.index_cast %get3A_1461 : i32 to index
        %get3A_1463 = arith.constant 64 : index
        %get3A_1464 = tpu.vector_load %arg11[%get3A_1462, %get3A_1463] {strides = array<i32>} : memref<10x128xi32, #tpu.memory_space<vmem>>, vector<1x16xi32>,
        %get3A_1465 = vector.shape_cast %get3A_1464 : vector<1x16xi32> to vector<16xi32>
        %shift_left3A_1466 = arith.constant 16 : i32
        %shift_left3A_1467 = vector.broadcast %shift_left3A_1466 : i32 to vector<16xi32>
        %shift_left3A_1468 = arith.shli %get3A_1465, %shift_left3A_1467 : vector<16xi32>
        %bitcast_convert_type3A_1469 = tpu.bitcast %shift_left3A_1468 : vector<16xi32> -> vector<16xf32>
        %and3A_1470 = arith.constant -65536 : i32
        %and3A_1471 = vector.broadcast %and3A_1470 : i32 to vector<16xi32>
        %and3A_1472 = arith.andi %get3A_1465, %and3A_1471 : vector<16xi32>
        %bitcast_convert_type3A_1473 = tpu.bitcast %and3A_1472 : vector<16xi32> -> vector<16xf32>
        %mul3A_1474 = arith.mulf %mul3A_1443, %bitcast_convert_type3A_1469 : vector<16xf32>
        %add3A_1475 = arith.addf %add3A_1439, %mul3A_1474 : vector<16xf32>
        %mul3A_1476 = arith.mulf %mul3A_1443, %bitcast_convert_type3A_1473 : vector<16xf32>
        %add3A_1477 = arith.addf %add3A_1441, %mul3A_1476 : vector<16xf32>
        %mul3A_1478 = arith.mulf %mul3A_1442, %sub3A_1294 : vector<16xf32>
        %get3A_1479 = arith.constant 2 : i32
        %get3A_1480 = arith.index_cast %get3A_1479 : i32 to index
        %get3A_1481 = arith.constant 80 : index
        %get3A_1482 = tpu.vector_load %arg11[%get3A_1480, %get3A_1481] {strides = array<i32>} : memref<10x128xi32, #tpu.memory_space<vmem>>, vector<1x16xi32>,
        %get3A_1483 = vector.shape_cast %get3A_1482 : vector<1x16xi32> to vector<16xi32>
        %shift_left3A_1484 = arith.constant 16 : i32
        %shift_left3A_1485 = vector.broadcast %shift_left3A_1484 : i32 to vector<16xi32>
        %shift_left3A_1486 = arith.shli %get3A_1483, %shift_left3A_1485 : vector<16xi32>
        %bitcast_convert_type3A_1487 = tpu.bitcast %shift_left3A_1486 : vector<16xi32> -> vector<16xf32>
        %and3A_1488 = arith.constant -65536 : i32
        %and3A_1489 = vector.broadcast %and3A_1488 : i32 to vector<16xi32>
        %and3A_1490 = arith.andi %get3A_1483, %and3A_1489 : vector<16xi32>
        %bitcast_convert_type3A_1491 = tpu.bitcast %and3A_1490 : vector<16xi32> -> vector<16xf32>
        %mul3A_1492 = arith.mulf %mul3A_1478, %bitcast_convert_type3A_1487 : vector<16xf32>
        %add3A_1493 = arith.addf %add3A_1458, %mul3A_1492 : vector<16xf32>
        %mul3A_1494 = arith.mulf %mul3A_1478, %bitcast_convert_type3A_1491 : vector<16xf32>
        %add3A_1495 = arith.addf %add3A_1460, %mul3A_1494 : vector<16xf32>
        %get3A_1496 = arith.constant 3 : i32
        %get3A_1497 = arith.index_cast %get3A_1496 : i32 to index
        %get3A_1498 = arith.constant 80 : index
        %get3A_1499 = tpu.vector_load %arg11[%get3A_1497, %get3A_1498] {strides = array<i32>} : memref<10x128xi32, #tpu.memory_space<vmem>>, vector<1x16xi32>,
        %get3A_1500 = vector.shape_cast %get3A_1499 : vector<1x16xi32> to vector<16xi32>
        %shift_left3A_1501 = arith.constant 16 : i32
        %shift_left3A_1502 = vector.broadcast %shift_left3A_1501 : i32 to vector<16xi32>
        %shift_left3A_1503 = arith.shli %get3A_1500, %shift_left3A_1502 : vector<16xi32>
        %bitcast_convert_type3A_1504 = tpu.bitcast %shift_left3A_1503 : vector<16xi32> -> vector<16xf32>
        %and3A_1505 = arith.constant -65536 : i32
        %and3A_1506 = vector.broadcast %and3A_1505 : i32 to vector<16xi32>
        %and3A_1507 = arith.andi %get3A_1500, %and3A_1506 : vector<16xi32>
        %bitcast_convert_type3A_1508 = tpu.bitcast %and3A_1507 : vector<16xi32> -> vector<16xf32>
        %mul3A_1509 = arith.mulf %mul3A_1478, %bitcast_convert_type3A_1504 : vector<16xf32>
        %add3A_1510 = arith.addf %add3A_1475, %mul3A_1509 : vector<16xf32>
        %mul3A_1511 = arith.mulf %mul3A_1478, %bitcast_convert_type3A_1508 : vector<16xf32>
        %add3A_1512 = arith.addf %add3A_1477, %mul3A_1511 : vector<16xf32>
        %mul3A_1513 = arith.mulf %sub3A_1288, %sub3A_1291 : vector<16xf32>
        %mul3A_1514 = arith.mulf %mul3A_1513, %sub3A_1303 : vector<16xf32>
        %get3A_1515 = arith.constant 2 : i32
        %get3A_1516 = arith.index_cast %get3A_1515 : i32 to index
        %get3A_1517 = arith.constant 96 : index
        %get3A_1518 = tpu.vector_load %arg11[%get3A_1516, %get3A_1517] {strides = array<i32>} : memref<10x128xi32, #tpu.memory_space<vmem>>, vector<1x16xi32>,
        %get3A_1519 = vector.shape_cast %get3A_1518 : vector<1x16xi32> to vector<16xi32>
        %shift_left3A_1520 = arith.constant 16 : i32
        %shift_left3A_1521 = vector.broadcast %shift_left3A_1520 : i32 to vector<16xi32>
        %shift_left3A_1522 = arith.shli %get3A_1519, %shift_left3A_1521 : vector<16xi32>
        %bitcast_convert_type3A_1523 = tpu.bitcast %shift_left3A_1522 : vector<16xi32> -> vector<16xf32>
        %and3A_1524 = arith.constant -65536 : i32
        %and3A_1525 = vector.broadcast %and3A_1524 : i32 to vector<16xi32>
        %and3A_1526 = arith.andi %get3A_1519, %and3A_1525 : vector<16xi32>
        %bitcast_convert_type3A_1527 = tpu.bitcast %and3A_1526 : vector<16xi32> -> vector<16xf32>
        %mul3A_1528 = arith.mulf %mul3A_1514, %bitcast_convert_type3A_1523 : vector<16xf32>
        %add3A_1529 = arith.addf %add3A_1493, %mul3A_1528 : vector<16xf32>
        %mul3A_1530 = arith.mulf %mul3A_1514, %bitcast_convert_type3A_1527 : vector<16xf32>
        %add3A_1531 = arith.addf %add3A_1495, %mul3A_1530 : vector<16xf32>
        %get3A_1532 = arith.constant 3 : i32
        %get3A_1533 = arith.index_cast %get3A_1532 : i32 to index
        %get3A_1534 = arith.constant 96 : index
        %get3A_1535 = tpu.vector_load %arg11[%get3A_1533, %get3A_1534] {strides = array<i32>} : memref<10x128xi32, #tpu.memory_space<vmem>>, vector<1x16xi32>,
        %get3A_1536 = vector.shape_cast %get3A_1535 : vector<1x16xi32> to vector<16xi32>
        %shift_left3A_1537 = arith.constant 16 : i32
        %shift_left3A_1538 = vector.broadcast %shift_left3A_1537 : i32 to vector<16xi32>
        %shift_left3A_1539 = arith.shli %get3A_1536, %shift_left3A_1538 : vector<16xi32>
        %bitcast_convert_type3A_1540 = tpu.bitcast %shift_left3A_1539 : vector<16xi32> -> vector<16xf32>
        %and3A_1541 = arith.constant -65536 : i32
        %and3A_1542 = vector.broadcast %and3A_1541 : i32 to vector<16xi32>
        %and3A_1543 = arith.andi %get3A_1536, %and3A_1542 : vector<16xi32>
        %bitcast_convert_type3A_1544 = tpu.bitcast %and3A_1543 : vector<16xi32> -> vector<16xf32>
        %mul3A_1545 = arith.mulf %mul3A_1514, %bitcast_convert_type3A_1540 : vector<16xf32>
        %add3A_1546 = arith.addf %add3A_1510, %mul3A_1545 : vector<16xf32>
        %mul3A_1547 = arith.mulf %mul3A_1514, %bitcast_convert_type3A_1544 : vector<16xf32>
        %add3A_1548 = arith.addf %add3A_1512, %mul3A_1547 : vector<16xf32>
        %mul3A_1549 = arith.mulf %mul3A_1513, %sub3A_1294 : vector<16xf32>
        %get3A_1550 = arith.constant 2 : i32
        %get3A_1551 = arith.index_cast %get3A_1550 : i32 to index
        %get3A_1552 = arith.constant 112 : index
        %get3A_1553 = tpu.vector_load %arg11[%get3A_1551, %get3A_1552] {strides = array<i32>} : memref<10x128xi32, #tpu.memory_space<vmem>>, vector<1x16xi32>,
        %get3A_1554 = vector.shape_cast %get3A_1553 : vector<1x16xi32> to vector<16xi32>
        %shift_left3A_1555 = arith.constant 16 : i32
        %shift_left3A_1556 = vector.broadcast %shift_left3A_1555 : i32 to vector<16xi32>
        %shift_left3A_1557 = arith.shli %get3A_1554, %shift_left3A_1556 : vector<16xi32>
        %bitcast_convert_type3A_1558 = tpu.bitcast %shift_left3A_1557 : vector<16xi32> -> vector<16xf32>
        %and3A_1559 = arith.constant -65536 : i32
        %and3A_1560 = vector.broadcast %and3A_1559 : i32 to vector<16xi32>
        %and3A_1561 = arith.andi %get3A_1554, %and3A_1560 : vector<16xi32>
        %bitcast_convert_type3A_1562 = tpu.bitcast %and3A_1561 : vector<16xi32> -> vector<16xf32>
        %mul3A_1563 = arith.mulf %mul3A_1549, %bitcast_convert_type3A_1558 : vector<16xf32>
        %add3A_1564 = arith.addf %add3A_1529, %mul3A_1563 : vector<16xf32>
        %mul3A_1565 = arith.mulf %mul3A_1549, %bitcast_convert_type3A_1562 : vector<16xf32>
        %add3A_1566 = arith.addf %add3A_1531, %mul3A_1565 : vector<16xf32>
        %get3A_1567 = arith.constant 3 : i32
        %get3A_1568 = arith.index_cast %get3A_1567 : i32 to index
        %get3A_1569 = arith.constant 112 : index
        %get3A_1570 = tpu.vector_load %arg11[%get3A_1568, %get3A_1569] {strides = array<i32>} : memref<10x128xi32, #tpu.memory_space<vmem>>, vector<1x16xi32>,
        %get3A_1571 = vector.shape_cast %get3A_1570 : vector<1x16xi32> to vector<16xi32>
        %shift_left3A_1572 = arith.constant 16 : i32
        %shift_left3A_1573 = vector.broadcast %shift_left3A_1572 : i32 to vector<16xi32>
        %shift_left3A_1574 = arith.shli %get3A_1571, %shift_left3A_1573 : vector<16xi32>
        %bitcast_convert_type3A_1575 = tpu.bitcast %shift_left3A_1574 : vector<16xi32> -> vector<16xf32>
        %and3A_1576 = arith.constant -65536 : i32
        %and3A_1577 = vector.broadcast %and3A_1576 : i32 to vector<16xi32>
        %and3A_1578 = arith.andi %get3A_1571, %and3A_1577 : vector<16xi32>
        %bitcast_convert_type3A_1579 = tpu.bitcast %and3A_1578 : vector<16xi32> -> vector<16xf32>
        %mul3A_1580 = arith.mulf %mul3A_1549, %bitcast_convert_type3A_1575 : vector<16xf32>
        %add3A_1581 = arith.addf %add3A_1546, %mul3A_1580 : vector<16xf32>
        %mul3A_1582 = arith.mulf %mul3A_1549, %bitcast_convert_type3A_1579 : vector<16xf32>
        %add3A_1583 = arith.addf %add3A_1548, %mul3A_1582 : vector<16xf32>
        %add3A_1584 = arith.addi %mul3A_43, %mul3A_61 : i32
        %swap3A_1585 = arith.constant 4 : i32
        %swap3A_1586 = arith.index_cast %swap3A_1585 : i32 to index
        %swap3A_1587 = arith.index_cast %add3A_1584 : i32 to index
        %swap3A_1588 = tpu.vector_load %arg9[%swap3A_1586, %swap3A_1587] {strides = array<i32>} : memref<20x2048xf32, #tpu.memory_space<vmem>>, vector<1x16xf32>,
        %swap3A_1589 = vector.shape_cast %swap3A_1588 : vector<1x16xf32> to vector<16xf32>
        %swap3A_1590 = vector.shape_cast %add3A_1564 : vector<16xf32> to vector<1x16xf32>
        tpu.vector_store %arg9[%swap3A_1586, %swap3A_1587], %swap3A_1590 {strides = array<i32>} : memref<20x2048xf32, #tpu.memory_space<vmem>>, vector<1x16xf32>,
        %add3A_1591 = arith.addi %mul3A_43, %mul3A_61 : i32
        %swap3A_1592 = arith.constant 5 : i32
        %swap3A_1593 = arith.index_cast %swap3A_1592 : i32 to index
        %swap3A_1594 = arith.index_cast %add3A_1591 : i32 to index
        %swap3A_1595 = tpu.vector_load %arg9[%swap3A_1593, %swap3A_1594] {strides = array<i32>} : memref<20x2048xf32, #tpu.memory_space<vmem>>, vector<1x16xf32>,
        %swap3A_1596 = vector.shape_cast %swap3A_1595 : vector<1x16xf32> to vector<16xf32>
        %swap3A_1597 = vector.shape_cast %add3A_1566 : vector<16xf32> to vector<1x16xf32>
        tpu.vector_store %arg9[%swap3A_1593, %swap3A_1594], %swap3A_1597 {strides = array<i32>} : memref<20x2048xf32, #tpu.memory_space<vmem>>, vector<1x16xf32>,
        %add3A_1598 = arith.addi %mul3A_43, %mul3A_61 : i32
        %swap3A_1599 = arith.constant 6 : i32
        %swap3A_1600 = arith.index_cast %swap3A_1599 : i32 to index
        %swap3A_1601 = arith.index_cast %add3A_1598 : i32 to index
        %swap3A_1602 = tpu.vector_load %arg9[%swap3A_1600, %swap3A_1601] {strides = array<i32>} : memref<20x2048xf32, #tpu.memory_space<vmem>>, vector<1x16xf32>,
        %swap3A_1603 = vector.shape_cast %swap3A_1602 : vector<1x16xf32> to vector<16xf32>
        %swap3A_1604 = vector.shape_cast %add3A_1581 : vector<16xf32> to vector<1x16xf32>
        tpu.vector_store %arg9[%swap3A_1600, %swap3A_1601], %swap3A_1604 {strides = array<i32>} : memref<20x2048xf32, #tpu.memory_space<vmem>>, vector<1x16xf32>,
        %add3A_1605 = arith.addi %mul3A_43, %mul3A_61 : i32
        %swap3A_1606 = arith.constant 7 : i32
        %swap3A_1607 = arith.index_cast %swap3A_1606 : i32 to index
        %swap3A_1608 = arith.index_cast %add3A_1605 : i32 to index
        %swap3A_1609 = tpu.vector_load %arg9[%swap3A_1607, %swap3A_1608] {strides = array<i32>} : memref<20x2048xf32, #tpu.memory_space<vmem>>, vector<1x16xf32>,
        %swap3A_1610 = vector.shape_cast %swap3A_1609 : vector<1x16xf32> to vector<16xf32>
        %swap3A_1611 = vector.shape_cast %add3A_1583 : vector<16xf32> to vector<1x16xf32>
        tpu.vector_store %arg9[%swap3A_1607, %swap3A_1608], %swap3A_1611 {strides = array<i32>} : memref<20x2048xf32, #tpu.memory_space<vmem>>, vector<1x16xf32>,
        %convert_element_type3A_1612 = arith.fptosi %mul3A_390 : vector<16xf32> to vector<16xi32>
        %convert_element_type3A_1613 = arith.sitofp %convert_element_type3A_1612 : vector<16xi32> to vector<16xf32>
        %sub3A_1614 = arith.subf %mul3A_390, %convert_element_type3A_1613 : vector<16xf32>
        %convert_element_type3A_1615 = arith.fptosi %mul3A_392 : vector<16xf32> to vector<16xi32>
        %convert_element_type3A_1616 = arith.sitofp %convert_element_type3A_1615 : vector<16xi32> to vector<16xf32>
        %sub3A_1617 = arith.subf %mul3A_392, %convert_element_type3A_1616 : vector<16xf32>
        %convert_element_type3A_1618 = arith.fptosi %mul3A_394 : vector<16xf32> to vector<16xi32>
        %convert_element_type3A_1619 = arith.sitofp %convert_element_type3A_1618 : vector<16xi32> to vector<16xf32>
        %sub3A_1620 = arith.subf %mul3A_394, %convert_element_type3A_1619 : vector<16xf32>
        %sub3A_1621 = arith.constant 1.000000e+00 : f32
        %sub3A_1622 = vector.broadcast %sub3A_1621 : f32 to vector<16xf32>
        %sub3A_1623 = arith.subf %sub3A_1622, %sub3A_1614 : vector<16xf32>
        %sub3A_1624 = arith.constant 1.000000e+00 : f32
        %sub3A_1625 = vector.broadcast %sub3A_1624 : f32 to vector<16xf32>
        %sub3A_1626 = arith.subf %sub3A_1625, %sub3A_1617 : vector<16xf32>
        %sub3A_1627 = arith.constant 1.000000e+00 : f32
        %sub3A_1628 = vector.broadcast %sub3A_1627 : f32 to vector<16xf32>
        %sub3A_1629 = arith.subf %sub3A_1628, %sub3A_1620 : vector<16xf32>
        %mul3A_1630 = arith.mulf %sub3A_1623, %sub3A_1626 : vector<16xf32>
        %mul3A_1631 = arith.mulf %mul3A_1630, %sub3A_1629 : vector<16xf32>
        %get3A_1632 = arith.constant 4 : i32
        %get3A_1633 = arith.index_cast %get3A_1632 : i32 to index
        %get3A_1634 = arith.constant 0 : index
        %get3A_1635 = tpu.vector_load %arg11[%get3A_1633, %get3A_1634] {strides = array<i32>} : memref<10x128xi32, #tpu.memory_space<vmem>>, vector<1x16xi32>,
        %get3A_1636 = vector.shape_cast %get3A_1635 : vector<1x16xi32> to vector<16xi32>
        %shift_left3A_1637 = arith.constant 16 : i32
        %shift_left3A_1638 = vector.broadcast %shift_left3A_1637 : i32 to vector<16xi32>
        %shift_left3A_1639 = arith.shli %get3A_1636, %shift_left3A_1638 : vector<16xi32>
        %bitcast_convert_type3A_1640 = tpu.bitcast %shift_left3A_1639 : vector<16xi32> -> vector<16xf32>
        %and3A_1641 = arith.constant -65536 : i32
        %and3A_1642 = vector.broadcast %and3A_1641 : i32 to vector<16xi32>
        %and3A_1643 = arith.andi %get3A_1636, %and3A_1642 : vector<16xi32>
        %bitcast_convert_type3A_1644 = tpu.bitcast %and3A_1643 : vector<16xi32> -> vector<16xf32>
        %mul3A_1645 = arith.mulf %mul3A_1631, %bitcast_convert_type3A_1640 : vector<16xf32>
        %mul3A_1646 = arith.mulf %mul3A_1631, %bitcast_convert_type3A_1644 : vector<16xf32>
        %get3A_1647 = arith.constant 5 : i32
        %get3A_1648 = arith.index_cast %get3A_1647 : i32 to index
        %get3A_1649 = arith.constant 0 : index
        %get3A_1650 = tpu.vector_load %arg11[%get3A_1648, %get3A_1649] {strides = array<i32>} : memref<10x128xi32, #tpu.memory_space<vmem>>, vector<1x16xi32>,
        %get3A_1651 = vector.shape_cast %get3A_1650 : vector<1x16xi32> to vector<16xi32>
        %shift_left3A_1652 = arith.constant 16 : i32
        %shift_left3A_1653 = vector.broadcast %shift_left3A_1652 : i32 to vector<16xi32>
        %shift_left3A_1654 = arith.shli %get3A_1651, %shift_left3A_1653 : vector<16xi32>
        %bitcast_convert_type3A_1655 = tpu.bitcast %shift_left3A_1654 : vector<16xi32> -> vector<16xf32>
        %and3A_1656 = arith.constant -65536 : i32
        %and3A_1657 = vector.broadcast %and3A_1656 : i32 to vector<16xi32>
        %and3A_1658 = arith.andi %get3A_1651, %and3A_1657 : vector<16xi32>
        %bitcast_convert_type3A_1659 = tpu.bitcast %and3A_1658 : vector<16xi32> -> vector<16xf32>
        %mul3A_1660 = arith.mulf %mul3A_1631, %bitcast_convert_type3A_1655 : vector<16xf32>
        %mul3A_1661 = arith.mulf %mul3A_1631, %bitcast_convert_type3A_1659 : vector<16xf32>
        %mul3A_1662 = arith.mulf %mul3A_1630, %sub3A_1620 : vector<16xf32>
        %get3A_1663 = arith.constant 4 : i32
        %get3A_1664 = arith.index_cast %get3A_1663 : i32 to index
        %get3A_1665 = arith.constant 16 : index
        %get3A_1666 = tpu.vector_load %arg11[%get3A_1664, %get3A_1665] {strides = array<i32>} : memref<10x128xi32, #tpu.memory_space<vmem>>, vector<1x16xi32>,
        %get3A_1667 = vector.shape_cast %get3A_1666 : vector<1x16xi32> to vector<16xi32>
        %shift_left3A_1668 = arith.constant 16 : i32
        %shift_left3A_1669 = vector.broadcast %shift_left3A_1668 : i32 to vector<16xi32>
        %shift_left3A_1670 = arith.shli %get3A_1667, %shift_left3A_1669 : vector<16xi32>
        %bitcast_convert_type3A_1671 = tpu.bitcast %shift_left3A_1670 : vector<16xi32> -> vector<16xf32>
        %and3A_1672 = arith.constant -65536 : i32
        %and3A_1673 = vector.broadcast %and3A_1672 : i32 to vector<16xi32>
        %and3A_1674 = arith.andi %get3A_1667, %and3A_1673 : vector<16xi32>
        %bitcast_convert_type3A_1675 = tpu.bitcast %and3A_1674 : vector<16xi32> -> vector<16xf32>
        %mul3A_1676 = arith.mulf %mul3A_1662, %bitcast_convert_type3A_1671 : vector<16xf32>
        %add3A_1677 = arith.addf %mul3A_1645, %mul3A_1676 : vector<16xf32>
        %mul3A_1678 = arith.mulf %mul3A_1662, %bitcast_convert_type3A_1675 : vector<16xf32>
        %add3A_1679 = arith.addf %mul3A_1646, %mul3A_1678 : vector<16xf32>
        %get3A_1680 = arith.constant 5 : i32
        %get3A_1681 = arith.index_cast %get3A_1680 : i32 to index
        %get3A_1682 = arith.constant 16 : index
        %get3A_1683 = tpu.vector_load %arg11[%get3A_1681, %get3A_1682] {strides = array<i32>} : memref<10x128xi32, #tpu.memory_space<vmem>>, vector<1x16xi32>,
        %get3A_1684 = vector.shape_cast %get3A_1683 : vector<1x16xi32> to vector<16xi32>
        %shift_left3A_1685 = arith.constant 16 : i32
        %shift_left3A_1686 = vector.broadcast %shift_left3A_1685 : i32 to vector<16xi32>
        %shift_left3A_1687 = arith.shli %get3A_1684, %shift_left3A_1686 : vector<16xi32>
        %bitcast_convert_type3A_1688 = tpu.bitcast %shift_left3A_1687 : vector<16xi32> -> vector<16xf32>
        %and3A_1689 = arith.constant -65536 : i32
        %and3A_1690 = vector.broadcast %and3A_1689 : i32 to vector<16xi32>
        %and3A_1691 = arith.andi %get3A_1684, %and3A_1690 : vector<16xi32>
        %bitcast_convert_type3A_1692 = tpu.bitcast %and3A_1691 : vector<16xi32> -> vector<16xf32>
        %mul3A_1693 = arith.mulf %mul3A_1662, %bitcast_convert_type3A_1688 : vector<16xf32>
        %add3A_1694 = arith.addf %mul3A_1660, %mul3A_1693 : vector<16xf32>
        %mul3A_1695 = arith.mulf %mul3A_1662, %bitcast_convert_type3A_1692 : vector<16xf32>
        %add3A_1696 = arith.addf %mul3A_1661, %mul3A_1695 : vector<16xf32>
        %mul3A_1697 = arith.mulf %sub3A_1623, %sub3A_1617 : vector<16xf32>
        %mul3A_1698 = arith.mulf %mul3A_1697, %sub3A_1629 : vector<16xf32>
        %get3A_1699 = arith.constant 4 : i32
        %get3A_1700 = arith.index_cast %get3A_1699 : i32 to index
        %get3A_1701 = arith.constant 32 : index
        %get3A_1702 = tpu.vector_load %arg11[%get3A_1700, %get3A_1701] {strides = array<i32>} : memref<10x128xi32, #tpu.memory_space<vmem>>, vector<1x16xi32>,
        %get3A_1703 = vector.shape_cast %get3A_1702 : vector<1x16xi32> to vector<16xi32>
        %shift_left3A_1704 = arith.constant 16 : i32
        %shift_left3A_1705 = vector.broadcast %shift_left3A_1704 : i32 to vector<16xi32>
        %shift_left3A_1706 = arith.shli %get3A_1703, %shift_left3A_1705 : vector<16xi32>
        %bitcast_convert_type3A_1707 = tpu.bitcast %shift_left3A_1706 : vector<16xi32> -> vector<16xf32>
        %and3A_1708 = arith.constant -65536 : i32
        %and3A_1709 = vector.broadcast %and3A_1708 : i32 to vector<16xi32>
        %and3A_1710 = arith.andi %get3A_1703, %and3A_1709 : vector<16xi32>
        %bitcast_convert_type3A_1711 = tpu.bitcast %and3A_1710 : vector<16xi32> -> vector<16xf32>
        %mul3A_1712 = arith.mulf %mul3A_1698, %bitcast_convert_type3A_1707 : vector<16xf32>
        %add3A_1713 = arith.addf %add3A_1677, %mul3A_1712 : vector<16xf32>
        %mul3A_1714 = arith.mulf %mul3A_1698, %bitcast_convert_type3A_1711 : vector<16xf32>
        %add3A_1715 = arith.addf %add3A_1679, %mul3A_1714 : vector<16xf32>
        %get3A_1716 = arith.constant 5 : i32
        %get3A_1717 = arith.index_cast %get3A_1716 : i32 to index
        %get3A_1718 = arith.constant 32 : index
        %get3A_1719 = tpu.vector_load %arg11[%get3A_1717, %get3A_1718] {strides = array<i32>} : memref<10x128xi32, #tpu.memory_space<vmem>>, vector<1x16xi32>,
        %get3A_1720 = vector.shape_cast %get3A_1719 : vector<1x16xi32> to vector<16xi32>
        %shift_left3A_1721 = arith.constant 16 : i32
        %shift_left3A_1722 = vector.broadcast %shift_left3A_1721 : i32 to vector<16xi32>
        %shift_left3A_1723 = arith.shli %get3A_1720, %shift_left3A_1722 : vector<16xi32>
        %bitcast_convert_type3A_1724 = tpu.bitcast %shift_left3A_1723 : vector<16xi32> -> vector<16xf32>
        %and3A_1725 = arith.constant -65536 : i32
        %and3A_1726 = vector.broadcast %and3A_1725 : i32 to vector<16xi32>
        %and3A_1727 = arith.andi %get3A_1720, %and3A_1726 : vector<16xi32>
        %bitcast_convert_type3A_1728 = tpu.bitcast %and3A_1727 : vector<16xi32> -> vector<16xf32>
        %mul3A_1729 = arith.mulf %mul3A_1698, %bitcast_convert_type3A_1724 : vector<16xf32>
        %add3A_1730 = arith.addf %add3A_1694, %mul3A_1729 : vector<16xf32>
        %mul3A_1731 = arith.mulf %mul3A_1698, %bitcast_convert_type3A_1728 : vector<16xf32>
        %add3A_1732 = arith.addf %add3A_1696, %mul3A_1731 : vector<16xf32>
        %mul3A_1733 = arith.mulf %mul3A_1697, %sub3A_1620 : vector<16xf32>
        %get3A_1734 = arith.constant 4 : i32
        %get3A_1735 = arith.index_cast %get3A_1734 : i32 to index
        %get3A_1736 = arith.constant 48 : index
        %get3A_1737 = tpu.vector_load %arg11[%get3A_1735, %get3A_1736] {strides = array<i32>} : memref<10x128xi32, #tpu.memory_space<vmem>>, vector<1x16xi32>,
        %get3A_1738 = vector.shape_cast %get3A_1737 : vector<1x16xi32> to vector<16xi32>
        %shift_left3A_1739 = arith.constant 16 : i32
        %shift_left3A_1740 = vector.broadcast %shift_left3A_1739 : i32 to vector<16xi32>
        %shift_left3A_1741 = arith.shli %get3A_1738, %shift_left3A_1740 : vector<16xi32>
        %bitcast_convert_type3A_1742 = tpu.bitcast %shift_left3A_1741 : vector<16xi32> -> vector<16xf32>
        %and3A_1743 = arith.constant -65536 : i32
        %and3A_1744 = vector.broadcast %and3A_1743 : i32 to vector<16xi32>
        %and3A_1745 = arith.andi %get3A_1738, %and3A_1744 : vector<16xi32>
        %bitcast_convert_type3A_1746 = tpu.bitcast %and3A_1745 : vector<16xi32> -> vector<16xf32>
        %mul3A_1747 = arith.mulf %mul3A_1733, %bitcast_convert_type3A_1742 : vector<16xf32>
        %add3A_1748 = arith.addf %add3A_1713, %mul3A_1747 : vector<16xf32>
        %mul3A_1749 = arith.mulf %mul3A_1733, %bitcast_convert_type3A_1746 : vector<16xf32>
        %add3A_1750 = arith.addf %add3A_1715, %mul3A_1749 : vector<16xf32>
        %get3A_1751 = arith.constant 5 : i32
        %get3A_1752 = arith.index_cast %get3A_1751 : i32 to index
        %get3A_1753 = arith.constant 48 : index
        %get3A_1754 = tpu.vector_load %arg11[%get3A_1752, %get3A_1753] {strides = array<i32>} : memref<10x128xi32, #tpu.memory_space<vmem>>, vector<1x16xi32>,
        %get3A_1755 = vector.shape_cast %get3A_1754 : vector<1x16xi32> to vector<16xi32>
        %shift_left3A_1756 = arith.constant 16 : i32
        %shift_left3A_1757 = vector.broadcast %shift_left3A_1756 : i32 to vector<16xi32>
        %shift_left3A_1758 = arith.shli %get3A_1755, %shift_left3A_1757 : vector<16xi32>
        %bitcast_convert_type3A_1759 = tpu.bitcast %shift_left3A_1758 : vector<16xi32> -> vector<16xf32>
        %and3A_1760 = arith.constant -65536 : i32
        %and3A_1761 = vector.broadcast %and3A_1760 : i32 to vector<16xi32>
        %and3A_1762 = arith.andi %get3A_1755, %and3A_1761 : vector<16xi32>
        %bitcast_convert_type3A_1763 = tpu.bitcast %and3A_1762 : vector<16xi32> -> vector<16xf32>
        %mul3A_1764 = arith.mulf %mul3A_1733, %bitcast_convert_type3A_1759 : vector<16xf32>
        %add3A_1765 = arith.addf %add3A_1730, %mul3A_1764 : vector<16xf32>
        %mul3A_1766 = arith.mulf %mul3A_1733, %bitcast_convert_type3A_1763 : vector<16xf32>
        %add3A_1767 = arith.addf %add3A_1732, %mul3A_1766 : vector<16xf32>
        %mul3A_1768 = arith.mulf %sub3A_1614, %sub3A_1626 : vector<16xf32>
        %mul3A_1769 = arith.mulf %mul3A_1768, %sub3A_1629 : vector<16xf32>
        %get3A_1770 = arith.constant 4 : i32
        %get3A_1771 = arith.index_cast %get3A_1770 : i32 to index
        %get3A_1772 = arith.constant 64 : index
        %get3A_1773 = tpu.vector_load %arg11[%get3A_1771, %get3A_1772] {strides = array<i32>} : memref<10x128xi32, #tpu.memory_space<vmem>>, vector<1x16xi32>,
        %get3A_1774 = vector.shape_cast %get3A_1773 : vector<1x16xi32> to vector<16xi32>
        %shift_left3A_1775 = arith.constant 16 : i32
        %shift_left3A_1776 = vector.broadcast %shift_left3A_1775 : i32 to vector<16xi32>
        %shift_left3A_1777 = arith.shli %get3A_1774, %shift_left3A_1776 : vector<16xi32>
        %bitcast_convert_type3A_1778 = tpu.bitcast %shift_left3A_1777 : vector<16xi32> -> vector<16xf32>
        %and3A_1779 = arith.constant -65536 : i32
        %and3A_1780 = vector.broadcast %and3A_1779 : i32 to vector<16xi32>
        %and3A_1781 = arith.andi %get3A_1774, %and3A_1780 : vector<16xi32>
        %bitcast_convert_type3A_1782 = tpu.bitcast %and3A_1781 : vector<16xi32> -> vector<16xf32>
        %mul3A_1783 = arith.mulf %mul3A_1769, %bitcast_convert_type3A_1778 : vector<16xf32>
        %add3A_1784 = arith.addf %add3A_1748, %mul3A_1783 : vector<16xf32>
        %mul3A_1785 = arith.mulf %mul3A_1769, %bitcast_convert_type3A_1782 : vector<16xf32>
        %add3A_1786 = arith.addf %add3A_1750, %mul3A_1785 : vector<16xf32>
        %get3A_1787 = arith.constant 5 : i32
        %get3A_1788 = arith.index_cast %get3A_1787 : i32 to index
        %get3A_1789 = arith.constant 64 : index
        %get3A_1790 = tpu.vector_load %arg11[%get3A_1788, %get3A_1789] {strides = array<i32>} : memref<10x128xi32, #tpu.memory_space<vmem>>, vector<1x16xi32>,
        %get3A_1791 = vector.shape_cast %get3A_1790 : vector<1x16xi32> to vector<16xi32>
        %shift_left3A_1792 = arith.constant 16 : i32
        %shift_left3A_1793 = vector.broadcast %shift_left3A_1792 : i32 to vector<16xi32>
        %shift_left3A_1794 = arith.shli %get3A_1791, %shift_left3A_1793 : vector<16xi32>
        %bitcast_convert_type3A_1795 = tpu.bitcast %shift_left3A_1794 : vector<16xi32> -> vector<16xf32>
        %and3A_1796 = arith.constant -65536 : i32
        %and3A_1797 = vector.broadcast %and3A_1796 : i32 to vector<16xi32>
        %and3A_1798 = arith.andi %get3A_1791, %and3A_1797 : vector<16xi32>
        %bitcast_convert_type3A_1799 = tpu.bitcast %and3A_1798 : vector<16xi32> -> vector<16xf32>
        %mul3A_1800 = arith.mulf %mul3A_1769, %bitcast_convert_type3A_1795 : vector<16xf32>
        %add3A_1801 = arith.addf %add3A_1765, %mul3A_1800 : vector<16xf32>
        %mul3A_1802 = arith.mulf %mul3A_1769, %bitcast_convert_type3A_1799 : vector<16xf32>
        %add3A_1803 = arith.addf %add3A_1767, %mul3A_1802 : vector<16xf32>
        %mul3A_1804 = arith.mulf %mul3A_1768, %sub3A_1620 : vector<16xf32>
        %get3A_1805 = arith.constant 4 : i32
        %get3A_1806 = arith.index_cast %get3A_1805 : i32 to index
        %get3A_1807 = arith.constant 80 : index
        %get3A_1808 = tpu.vector_load %arg11[%get3A_1806, %get3A_1807] {strides = array<i32>} : memref<10x128xi32, #tpu.memory_space<vmem>>, vector<1x16xi32>,
        %get3A_1809 = vector.shape_cast %get3A_1808 : vector<1x16xi32> to vector<16xi32>
        %shift_left3A_1810 = arith.constant 16 : i32
        %shift_left3A_1811 = vector.broadcast %shift_left3A_1810 : i32 to vector<16xi32>
        %shift_left3A_1812 = arith.shli %get3A_1809, %shift_left3A_1811 : vector<16xi32>
        %bitcast_convert_type3A_1813 = tpu.bitcast %shift_left3A_1812 : vector<16xi32> -> vector<16xf32>
        %and3A_1814 = arith.constant -65536 : i32
        %and3A_1815 = vector.broadcast %and3A_1814 : i32 to vector<16xi32>
        %and3A_1816 = arith.andi %get3A_1809, %and3A_1815 : vector<16xi32>
        %bitcast_convert_type3A_1817 = tpu.bitcast %and3A_1816 : vector<16xi32> -> vector<16xf32>
        %mul3A_1818 = arith.mulf %mul3A_1804, %bitcast_convert_type3A_1813 : vector<16xf32>
        %add3A_1819 = arith.addf %add3A_1784, %mul3A_1818 : vector<16xf32>
        %mul3A_1820 = arith.mulf %mul3A_1804, %bitcast_convert_type3A_1817 : vector<16xf32>
        %add3A_1821 = arith.addf %add3A_1786, %mul3A_1820 : vector<16xf32>
        %get3A_1822 = arith.constant 5 : i32
        %get3A_1823 = arith.index_cast %get3A_1822 : i32 to index
        %get3A_1824 = arith.constant 80 : index
        %get3A_1825 = tpu.vector_load %arg11[%get3A_1823, %get3A_1824] {strides = array<i32>} : memref<10x128xi32, #tpu.memory_space<vmem>>, vector<1x16xi32>,
        %get3A_1826 = vector.shape_cast %get3A_1825 : vector<1x16xi32> to vector<16xi32>
        %shift_left3A_1827 = arith.constant 16 : i32
        %shift_left3A_1828 = vector.broadcast %shift_left3A_1827 : i32 to vector<16xi32>
        %shift_left3A_1829 = arith.shli %get3A_1826, %shift_left3A_1828 : vector<16xi32>
        %bitcast_convert_type3A_1830 = tpu.bitcast %shift_left3A_1829 : vector<16xi32> -> vector<16xf32>
        %and3A_1831 = arith.constant -65536 : i32
        %and3A_1832 = vector.broadcast %and3A_1831 : i32 to vector<16xi32>
        %and3A_1833 = arith.andi %get3A_1826, %and3A_1832 : vector<16xi32>
        %bitcast_convert_type3A_1834 = tpu.bitcast %and3A_1833 : vector<16xi32> -> vector<16xf32>
        %mul3A_1835 = arith.mulf %mul3A_1804, %bitcast_convert_type3A_1830 : vector<16xf32>
        %add3A_1836 = arith.addf %add3A_1801, %mul3A_1835 : vector<16xf32>
        %mul3A_1837 = arith.mulf %mul3A_1804, %bitcast_convert_type3A_1834 : vector<16xf32>
        %add3A_1838 = arith.addf %add3A_1803, %mul3A_1837 : vector<16xf32>
        %mul3A_1839 = arith.mulf %sub3A_1614, %sub3A_1617 : vector<16xf32>
        %mul3A_1840 = arith.mulf %mul3A_1839, %sub3A_1629 : vector<16xf32>
        %get3A_1841 = arith.constant 4 : i32
        %get3A_1842 = arith.index_cast %get3A_1841 : i32 to index
        %get3A_1843 = arith.constant 96 : index
        %get3A_1844 = tpu.vector_load %arg11[%get3A_1842, %get3A_1843] {strides = array<i32>} : memref<10x128xi32, #tpu.memory_space<vmem>>, vector<1x16xi32>,
        %get3A_1845 = vector.shape_cast %get3A_1844 : vector<1x16xi32> to vector<16xi32>
        %shift_left3A_1846 = arith.constant 16 : i32
        %shift_left3A_1847 = vector.broadcast %shift_left3A_1846 : i32 to vector<16xi32>
        %shift_left3A_1848 = arith.shli %get3A_1845, %shift_left3A_1847 : vector<16xi32>
        %bitcast_convert_type3A_1849 = tpu.bitcast %shift_left3A_1848 : vector<16xi32> -> vector<16xf32>
        %and3A_1850 = arith.constant -65536 : i32
        %and3A_1851 = vector.broadcast %and3A_1850 : i32 to vector<16xi32>
        %and3A_1852 = arith.andi %get3A_1845, %and3A_1851 : vector<16xi32>
        %bitcast_convert_type3A_1853 = tpu.bitcast %and3A_1852 : vector<16xi32> -> vector<16xf32>
        %mul3A_1854 = arith.mulf %mul3A_1840, %bitcast_convert_type3A_1849 : vector<16xf32>
        %add3A_1855 = arith.addf %add3A_1819, %mul3A_1854 : vector<16xf32>
        %mul3A_1856 = arith.mulf %mul3A_1840, %bitcast_convert_type3A_1853 : vector<16xf32>
        %add3A_1857 = arith.addf %add3A_1821, %mul3A_1856 : vector<16xf32>
        %get3A_1858 = arith.constant 5 : i32
        %get3A_1859 = arith.index_cast %get3A_1858 : i32 to index
        %get3A_1860 = arith.constant 96 : index
        %get3A_1861 = tpu.vector_load %arg11[%get3A_1859, %get3A_1860] {strides = array<i32>} : memref<10x128xi32, #tpu.memory_space<vmem>>, vector<1x16xi32>,
        %get3A_1862 = vector.shape_cast %get3A_1861 : vector<1x16xi32> to vector<16xi32>
        %shift_left3A_1863 = arith.constant 16 : i32
        %shift_left3A_1864 = vector.broadcast %shift_left3A_1863 : i32 to vector<16xi32>
        %shift_left3A_1865 = arith.shli %get3A_1862, %shift_left3A_1864 : vector<16xi32>
        %bitcast_convert_type3A_1866 = tpu.bitcast %shift_left3A_1865 : vector<16xi32> -> vector<16xf32>
        %and3A_1867 = arith.constant -65536 : i32
        %and3A_1868 = vector.broadcast %and3A_1867 : i32 to vector<16xi32>
        %and3A_1869 = arith.andi %get3A_1862, %and3A_1868 : vector<16xi32>
        %bitcast_convert_type3A_1870 = tpu.bitcast %and3A_1869 : vector<16xi32> -> vector<16xf32>
        %mul3A_1871 = arith.mulf %mul3A_1840, %bitcast_convert_type3A_1866 : vector<16xf32>
        %add3A_1872 = arith.addf %add3A_1836, %mul3A_1871 : vector<16xf32>
        %mul3A_1873 = arith.mulf %mul3A_1840, %bitcast_convert_type3A_1870 : vector<16xf32>
        %add3A_1874 = arith.addf %add3A_1838, %mul3A_1873 : vector<16xf32>
        %mul3A_1875 = arith.mulf %mul3A_1839, %sub3A_1620 : vector<16xf32>
        %get3A_1876 = arith.constant 4 : i32
        %get3A_1877 = arith.index_cast %get3A_1876 : i32 to index
        %get3A_1878 = arith.constant 112 : index
        %get3A_1879 = tpu.vector_load %arg11[%get3A_1877, %get3A_1878] {strides = array<i32>} : memref<10x128xi32, #tpu.memory_space<vmem>>, vector<1x16xi32>,
        %get3A_1880 = vector.shape_cast %get3A_1879 : vector<1x16xi32> to vector<16xi32>
        %shift_left3A_1881 = arith.constant 16 : i32
        %shift_left3A_1882 = vector.broadcast %shift_left3A_1881 : i32 to vector<16xi32>
        %shift_left3A_1883 = arith.shli %get3A_1880, %shift_left3A_1882 : vector<16xi32>
        %bitcast_convert_type3A_1884 = tpu.bitcast %shift_left3A_1883 : vector<16xi32> -> vector<16xf32>
        %and3A_1885 = arith.constant -65536 : i32
        %and3A_1886 = vector.broadcast %and3A_1885 : i32 to vector<16xi32>
        %and3A_1887 = arith.andi %get3A_1880, %and3A_1886 : vector<16xi32>
        %bitcast_convert_type3A_1888 = tpu.bitcast %and3A_1887 : vector<16xi32> -> vector<16xf32>
        %mul3A_1889 = arith.mulf %mul3A_1875, %bitcast_convert_type3A_1884 : vector<16xf32>
        %add3A_1890 = arith.addf %add3A_1855, %mul3A_1889 : vector<16xf32>
        %mul3A_1891 = arith.mulf %mul3A_1875, %bitcast_convert_type3A_1888 : vector<16xf32>
        %add3A_1892 = arith.addf %add3A_1857, %mul3A_1891 : vector<16xf32>
        %get3A_1893 = arith.constant 5 : i32
        %get3A_1894 = arith.index_cast %get3A_1893 : i32 to index
        %get3A_1895 = arith.constant 112 : index
        %get3A_1896 = tpu.vector_load %arg11[%get3A_1894, %get3A_1895] {strides = array<i32>} : memref<10x128xi32, #tpu.memory_space<vmem>>, vector<1x16xi32>,
        %get3A_1897 = vector.shape_cast %get3A_1896 : vector<1x16xi32> to vector<16xi32>
        %shift_left3A_1898 = arith.constant 16 : i32
        %shift_left3A_1899 = vector.broadcast %shift_left3A_1898 : i32 to vector<16xi32>
        %shift_left3A_1900 = arith.shli %get3A_1897, %shift_left3A_1899 : vector<16xi32>
        %bitcast_convert_type3A_1901 = tpu.bitcast %shift_left3A_1900 : vector<16xi32> -> vector<16xf32>
        %and3A_1902 = arith.constant -65536 : i32
        %and3A_1903 = vector.broadcast %and3A_1902 : i32 to vector<16xi32>
        %and3A_1904 = arith.andi %get3A_1897, %and3A_1903 : vector<16xi32>
        %bitcast_convert_type3A_1905 = tpu.bitcast %and3A_1904 : vector<16xi32> -> vector<16xf32>
        %mul3A_1906 = arith.mulf %mul3A_1875, %bitcast_convert_type3A_1901 : vector<16xf32>
        %add3A_1907 = arith.addf %add3A_1872, %mul3A_1906 : vector<16xf32>
        %mul3A_1908 = arith.mulf %mul3A_1875, %bitcast_convert_type3A_1905 : vector<16xf32>
        %add3A_1909 = arith.addf %add3A_1874, %mul3A_1908 : vector<16xf32>
        %add3A_1910 = arith.addi %mul3A_43, %mul3A_61 : i32
        %swap3A_1911 = arith.constant 8 : i32
        %swap3A_1912 = arith.index_cast %swap3A_1911 : i32 to index
        %swap3A_1913 = arith.index_cast %add3A_1910 : i32 to index
        %swap3A_1914 = tpu.vector_load %arg9[%swap3A_1912, %swap3A_1913] {strides = array<i32>} : memref<20x2048xf32, #tpu.memory_space<vmem>>, vector<1x16xf32>,
        %swap3A_1915 = vector.shape_cast %swap3A_1914 : vector<1x16xf32> to vector<16xf32>
        %swap3A_1916 = vector.shape_cast %add3A_1890 : vector<16xf32> to vector<1x16xf32>
        tpu.vector_store %arg9[%swap3A_1912, %swap3A_1913], %swap3A_1916 {strides = array<i32>} : memref<20x2048xf32, #tpu.memory_space<vmem>>, vector<1x16xf32>,
        %add3A_1917 = arith.addi %mul3A_43, %mul3A_61 : i32
        %swap3A_1918 = arith.constant 9 : i32
        %swap3A_1919 = arith.index_cast %swap3A_1918 : i32 to index
        %swap3A_1920 = arith.index_cast %add3A_1917 : i32 to index
        %swap3A_1921 = tpu.vector_load %arg9[%swap3A_1919, %swap3A_1920] {strides = array<i32>} : memref<20x2048xf32, #tpu.memory_space<vmem>>, vector<1x16xf32>,
        %swap3A_1922 = vector.shape_cast %swap3A_1921 : vector<1x16xf32> to vector<16xf32>
        %swap3A_1923 = vector.shape_cast %add3A_1892 : vector<16xf32> to vector<1x16xf32>
        tpu.vector_store %arg9[%swap3A_1919, %swap3A_1920], %swap3A_1923 {strides = array<i32>} : memref<20x2048xf32, #tpu.memory_space<vmem>>, vector<1x16xf32>,
        %add3A_1924 = arith.addi %mul3A_43, %mul3A_61 : i32
        %swap3A_1925 = arith.constant 10 : i32
        %swap3A_1926 = arith.index_cast %swap3A_1925 : i32 to index
        %swap3A_1927 = arith.index_cast %add3A_1924 : i32 to index
        %swap3A_1928 = tpu.vector_load %arg9[%swap3A_1926, %swap3A_1927] {strides = array<i32>} : memref<20x2048xf32, #tpu.memory_space<vmem>>, vector<1x16xf32>,
        %swap3A_1929 = vector.shape_cast %swap3A_1928 : vector<1x16xf32> to vector<16xf32>
        %swap3A_1930 = vector.shape_cast %add3A_1907 : vector<16xf32> to vector<1x16xf32>
        tpu.vector_store %arg9[%swap3A_1926, %swap3A_1927], %swap3A_1930 {strides = array<i32>} : memref<20x2048xf32, #tpu.memory_space<vmem>>, vector<1x16xf32>,
        %add3A_1931 = arith.addi %mul3A_43, %mul3A_61 : i32
        %swap3A_1932 = arith.constant 11 : i32
        %swap3A_1933 = arith.index_cast %swap3A_1932 : i32 to index
        %swap3A_1934 = arith.index_cast %add3A_1931 : i32 to index
        %swap3A_1935 = tpu.vector_load %arg9[%swap3A_1933, %swap3A_1934] {strides = array<i32>} : memref<20x2048xf32, #tpu.memory_space<vmem>>, vector<1x16xf32>,
        %swap3A_1936 = vector.shape_cast %swap3A_1935 : vector<1x16xf32> to vector<16xf32>
        %swap3A_1937 = vector.shape_cast %add3A_1909 : vector<16xf32> to vector<1x16xf32>
        tpu.vector_store %arg9[%swap3A_1933, %swap3A_1934], %swap3A_1937 {strides = array<i32>} : memref<20x2048xf32, #tpu.memory_space<vmem>>, vector<1x16xf32>,
        %convert_element_type3A_1938 = arith.fptosi %mul3A_549 : vector<16xf32> to vector<16xi32>
        %convert_element_type3A_1939 = arith.sitofp %convert_element_type3A_1938 : vector<16xi32> to vector<16xf32>
        %sub3A_1940 = arith.subf %mul3A_549, %convert_element_type3A_1939 : vector<16xf32>
        %convert_element_type3A_1941 = arith.fptosi %mul3A_551 : vector<16xf32> to vector<16xi32>
        %convert_element_type3A_1942 = arith.sitofp %convert_element_type3A_1941 : vector<16xi32> to vector<16xf32>
        %sub3A_1943 = arith.subf %mul3A_551, %convert_element_type3A_1942 : vector<16xf32>
        %convert_element_type3A_1944 = arith.fptosi %mul3A_553 : vector<16xf32> to vector<16xi32>
        %convert_element_type3A_1945 = arith.sitofp %convert_element_type3A_1944 : vector<16xi32> to vector<16xf32>
        %sub3A_1946 = arith.subf %mul3A_553, %convert_element_type3A_1945 : vector<16xf32>
        %sub3A_1947 = arith.constant 1.000000e+00 : f32
        %sub3A_1948 = vector.broadcast %sub3A_1947 : f32 to vector<16xf32>
        %sub3A_1949 = arith.subf %sub3A_1948, %sub3A_1940 : vector<16xf32>
        %sub3A_1950 = arith.constant 1.000000e+00 : f32
        %sub3A_1951 = vector.broadcast %sub3A_1950 : f32 to vector<16xf32>
        %sub3A_1952 = arith.subf %sub3A_1951, %sub3A_1943 : vector<16xf32>
        %sub3A_1953 = arith.constant 1.000000e+00 : f32
        %sub3A_1954 = vector.broadcast %sub3A_1953 : f32 to vector<16xf32>
        %sub3A_1955 = arith.subf %sub3A_1954, %sub3A_1946 : vector<16xf32>
        %mul3A_1956 = arith.mulf %sub3A_1949, %sub3A_1952 : vector<16xf32>
        %mul3A_1957 = arith.mulf %mul3A_1956, %sub3A_1955 : vector<16xf32>
        %get3A_1958 = arith.constant 6 : i32
        %get3A_1959 = arith.index_cast %get3A_1958 : i32 to index
        %get3A_1960 = arith.constant 0 : index
        %get3A_1961 = tpu.vector_load %arg11[%get3A_1959, %get3A_1960] {strides = array<i32>} : memref<10x128xi32, #tpu.memory_space<vmem>>, vector<1x16xi32>,
        %get3A_1962 = vector.shape_cast %get3A_1961 : vector<1x16xi32> to vector<16xi32>
        %shift_left3A_1963 = arith.constant 16 : i32
        %shift_left3A_1964 = vector.broadcast %shift_left3A_1963 : i32 to vector<16xi32>
        %shift_left3A_1965 = arith.shli %get3A_1962, %shift_left3A_1964 : vector<16xi32>
        %bitcast_convert_type3A_1966 = tpu.bitcast %shift_left3A_1965 : vector<16xi32> -> vector<16xf32>
        %and3A_1967 = arith.constant -65536 : i32
        %and3A_1968 = vector.broadcast %and3A_1967 : i32 to vector<16xi32>
        %and3A_1969 = arith.andi %get3A_1962, %and3A_1968 : vector<16xi32>
        %bitcast_convert_type3A_1970 = tpu.bitcast %and3A_1969 : vector<16xi32> -> vector<16xf32>
        %mul3A_1971 = arith.mulf %mul3A_1957, %bitcast_convert_type3A_1966 : vector<16xf32>
        %mul3A_1972 = arith.mulf %mul3A_1957, %bitcast_convert_type3A_1970 : vector<16xf32>
        %get3A_1973 = arith.constant 7 : i32
        %get3A_1974 = arith.index_cast %get3A_1973 : i32 to index
        %get3A_1975 = arith.constant 0 : index
        %get3A_1976 = tpu.vector_load %arg11[%get3A_1974, %get3A_1975] {strides = array<i32>} : memref<10x128xi32, #tpu.memory_space<vmem>>, vector<1x16xi32>,
        %get3A_1977 = vector.shape_cast %get3A_1976 : vector<1x16xi32> to vector<16xi32>
        %shift_left3A_1978 = arith.constant 16 : i32
        %shift_left3A_1979 = vector.broadcast %shift_left3A_1978 : i32 to vector<16xi32>
        %shift_left3A_1980 = arith.shli %get3A_1977, %shift_left3A_1979 : vector<16xi32>
        %bitcast_convert_type3A_1981 = tpu.bitcast %shift_left3A_1980 : vector<16xi32> -> vector<16xf32>
        %and3A_1982 = arith.constant -65536 : i32
        %and3A_1983 = vector.broadcast %and3A_1982 : i32 to vector<16xi32>
        %and3A_1984 = arith.andi %get3A_1977, %and3A_1983 : vector<16xi32>
        %bitcast_convert_type3A_1985 = tpu.bitcast %and3A_1984 : vector<16xi32> -> vector<16xf32>
        %mul3A_1986 = arith.mulf %mul3A_1957, %bitcast_convert_type3A_1981 : vector<16xf32>
        %mul3A_1987 = arith.mulf %mul3A_1957, %bitcast_convert_type3A_1985 : vector<16xf32>
        %mul3A_1988 = arith.mulf %mul3A_1956, %sub3A_1946 : vector<16xf32>
        %get3A_1989 = arith.constant 6 : i32
        %get3A_1990 = arith.index_cast %get3A_1989 : i32 to index
        %get3A_1991 = arith.constant 16 : index
        %get3A_1992 = tpu.vector_load %arg11[%get3A_1990, %get3A_1991] {strides = array<i32>} : memref<10x128xi32, #tpu.memory_space<vmem>>, vector<1x16xi32>,
        %get3A_1993 = vector.shape_cast %get3A_1992 : vector<1x16xi32> to vector<16xi32>
        %shift_left3A_1994 = arith.constant 16 : i32
        %shift_left3A_1995 = vector.broadcast %shift_left3A_1994 : i32 to vector<16xi32>
        %shift_left3A_1996 = arith.shli %get3A_1993, %shift_left3A_1995 : vector<16xi32>
        %bitcast_convert_type3A_1997 = tpu.bitcast %shift_left3A_1996 : vector<16xi32> -> vector<16xf32>
        %and3A_1998 = arith.constant -65536 : i32
        %and3A_1999 = vector.broadcast %and3A_1998 : i32 to vector<16xi32>
        %and3A_2000 = arith.andi %get3A_1993, %and3A_1999 : vector<16xi32>
        %bitcast_convert_type3A_2001 = tpu.bitcast %and3A_2000 : vector<16xi32> -> vector<16xf32>
        %mul3A_2002 = arith.mulf %mul3A_1988, %bitcast_convert_type3A_1997 : vector<16xf32>
        %add3A_2003 = arith.addf %mul3A_1971, %mul3A_2002 : vector<16xf32>
        %mul3A_2004 = arith.mulf %mul3A_1988, %bitcast_convert_type3A_2001 : vector<16xf32>
        %add3A_2005 = arith.addf %mul3A_1972, %mul3A_2004 : vector<16xf32>
        %get3A_2006 = arith.constant 7 : i32
        %get3A_2007 = arith.index_cast %get3A_2006 : i32 to index
        %get3A_2008 = arith.constant 16 : index
        %get3A_2009 = tpu.vector_load %arg11[%get3A_2007, %get3A_2008] {strides = array<i32>} : memref<10x128xi32, #tpu.memory_space<vmem>>, vector<1x16xi32>,
        %get3A_2010 = vector.shape_cast %get3A_2009 : vector<1x16xi32> to vector<16xi32>
        %shift_left3A_2011 = arith.constant 16 : i32
        %shift_left3A_2012 = vector.broadcast %shift_left3A_2011 : i32 to vector<16xi32>
        %shift_left3A_2013 = arith.shli %get3A_2010, %shift_left3A_2012 : vector<16xi32>
        %bitcast_convert_type3A_2014 = tpu.bitcast %shift_left3A_2013 : vector<16xi32> -> vector<16xf32>
        %and3A_2015 = arith.constant -65536 : i32
        %and3A_2016 = vector.broadcast %and3A_2015 : i32 to vector<16xi32>
        %and3A_2017 = arith.andi %get3A_2010, %and3A_2016 : vector<16xi32>
        %bitcast_convert_type3A_2018 = tpu.bitcast %and3A_2017 : vector<16xi32> -> vector<16xf32>
        %mul3A_2019 = arith.mulf %mul3A_1988, %bitcast_convert_type3A_2014 : vector<16xf32>
        %add3A_2020 = arith.addf %mul3A_1986, %mul3A_2019 : vector<16xf32>
        %mul3A_2021 = arith.mulf %mul3A_1988, %bitcast_convert_type3A_2018 : vector<16xf32>
        %add3A_2022 = arith.addf %mul3A_1987, %mul3A_2021 : vector<16xf32>
        %mul3A_2023 = arith.mulf %sub3A_1949, %sub3A_1943 : vector<16xf32>
        %mul3A_2024 = arith.mulf %mul3A_2023, %sub3A_1955 : vector<16xf32>
        %get3A_2025 = arith.constant 6 : i32
        %get3A_2026 = arith.index_cast %get3A_2025 : i32 to index
        %get3A_2027 = arith.constant 32 : index
        %get3A_2028 = tpu.vector_load %arg11[%get3A_2026, %get3A_2027] {strides = array<i32>} : memref<10x128xi32, #tpu.memory_space<vmem>>, vector<1x16xi32>,
        %get3A_2029 = vector.shape_cast %get3A_2028 : vector<1x16xi32> to vector<16xi32>
        %shift_left3A_2030 = arith.constant 16 : i32
        %shift_left3A_2031 = vector.broadcast %shift_left3A_2030 : i32 to vector<16xi32>
        %shift_left3A_2032 = arith.shli %get3A_2029, %shift_left3A_2031 : vector<16xi32>
        %bitcast_convert_type3A_2033 = tpu.bitcast %shift_left3A_2032 : vector<16xi32> -> vector<16xf32>
        %and3A_2034 = arith.constant -65536 : i32
        %and3A_2035 = vector.broadcast %and3A_2034 : i32 to vector<16xi32>
        %and3A_2036 = arith.andi %get3A_2029, %and3A_2035 : vector<16xi32>
        %bitcast_convert_type3A_2037 = tpu.bitcast %and3A_2036 : vector<16xi32> -> vector<16xf32>
        %mul3A_2038 = arith.mulf %mul3A_2024, %bitcast_convert_type3A_2033 : vector<16xf32>
        %add3A_2039 = arith.addf %add3A_2003, %mul3A_2038 : vector<16xf32>
        %mul3A_2040 = arith.mulf %mul3A_2024, %bitcast_convert_type3A_2037 : vector<16xf32>
        %add3A_2041 = arith.addf %add3A_2005, %mul3A_2040 : vector<16xf32>
        %get3A_2042 = arith.constant 7 : i32
        %get3A_2043 = arith.index_cast %get3A_2042 : i32 to index
        %get3A_2044 = arith.constant 32 : index
        %get3A_2045 = tpu.vector_load %arg11[%get3A_2043, %get3A_2044] {strides = array<i32>} : memref<10x128xi32, #tpu.memory_space<vmem>>, vector<1x16xi32>,
        %get3A_2046 = vector.shape_cast %get3A_2045 : vector<1x16xi32> to vector<16xi32>
        %shift_left3A_2047 = arith.constant 16 : i32
        %shift_left3A_2048 = vector.broadcast %shift_left3A_2047 : i32 to vector<16xi32>
        %shift_left3A_2049 = arith.shli %get3A_2046, %shift_left3A_2048 : vector<16xi32>
        %bitcast_convert_type3A_2050 = tpu.bitcast %shift_left3A_2049 : vector<16xi32> -> vector<16xf32>
        %and3A_2051 = arith.constant -65536 : i32
        %and3A_2052 = vector.broadcast %and3A_2051 : i32 to vector<16xi32>
        %and3A_2053 = arith.andi %get3A_2046, %and3A_2052 : vector<16xi32>
        %bitcast_convert_type3A_2054 = tpu.bitcast %and3A_2053 : vector<16xi32> -> vector<16xf32>
        %mul3A_2055 = arith.mulf %mul3A_2024, %bitcast_convert_type3A_2050 : vector<16xf32>
        %add3A_2056 = arith.addf %add3A_2020, %mul3A_2055 : vector<16xf32>
        %mul3A_2057 = arith.mulf %mul3A_2024, %bitcast_convert_type3A_2054 : vector<16xf32>
        %add3A_2058 = arith.addf %add3A_2022, %mul3A_2057 : vector<16xf32>
        %mul3A_2059 = arith.mulf %mul3A_2023, %sub3A_1946 : vector<16xf32>
        %get3A_2060 = arith.constant 6 : i32
        %get3A_2061 = arith.index_cast %get3A_2060 : i32 to index
        %get3A_2062 = arith.constant 48 : index
        %get3A_2063 = tpu.vector_load %arg11[%get3A_2061, %get3A_2062] {strides = array<i32>} : memref<10x128xi32, #tpu.memory_space<vmem>>, vector<1x16xi32>,
        %get3A_2064 = vector.shape_cast %get3A_2063 : vector<1x16xi32> to vector<16xi32>
        %shift_left3A_2065 = arith.constant 16 : i32
        %shift_left3A_2066 = vector.broadcast %shift_left3A_2065 : i32 to vector<16xi32>
        %shift_left3A_2067 = arith.shli %get3A_2064, %shift_left3A_2066 : vector<16xi32>
        %bitcast_convert_type3A_2068 = tpu.bitcast %shift_left3A_2067 : vector<16xi32> -> vector<16xf32>
        %and3A_2069 = arith.constant -65536 : i32
        %and3A_2070 = vector.broadcast %and3A_2069 : i32 to vector<16xi32>
        %and3A_2071 = arith.andi %get3A_2064, %and3A_2070 : vector<16xi32>
        %bitcast_convert_type3A_2072 = tpu.bitcast %and3A_2071 : vector<16xi32> -> vector<16xf32>
        %mul3A_2073 = arith.mulf %mul3A_2059, %bitcast_convert_type3A_2068 : vector<16xf32>
        %add3A_2074 = arith.addf %add3A_2039, %mul3A_2073 : vector<16xf32>
        %mul3A_2075 = arith.mulf %mul3A_2059, %bitcast_convert_type3A_2072 : vector<16xf32>
        %add3A_2076 = arith.addf %add3A_2041, %mul3A_2075 : vector<16xf32>
        %get3A_2077 = arith.constant 7 : i32
        %get3A_2078 = arith.index_cast %get3A_2077 : i32 to index
        %get3A_2079 = arith.constant 48 : index
        %get3A_2080 = tpu.vector_load %arg11[%get3A_2078, %get3A_2079] {strides = array<i32>} : memref<10x128xi32, #tpu.memory_space<vmem>>, vector<1x16xi32>,
        %get3A_2081 = vector.shape_cast %get3A_2080 : vector<1x16xi32> to vector<16xi32>
        %shift_left3A_2082 = arith.constant 16 : i32
        %shift_left3A_2083 = vector.broadcast %shift_left3A_2082 : i32 to vector<16xi32>
        %shift_left3A_2084 = arith.shli %get3A_2081, %shift_left3A_2083 : vector<16xi32>
        %bitcast_convert_type3A_2085 = tpu.bitcast %shift_left3A_2084 : vector<16xi32> -> vector<16xf32>
        %and3A_2086 = arith.constant -65536 : i32
        %and3A_2087 = vector.broadcast %and3A_2086 : i32 to vector<16xi32>
        %and3A_2088 = arith.andi %get3A_2081, %and3A_2087 : vector<16xi32>
        %bitcast_convert_type3A_2089 = tpu.bitcast %and3A_2088 : vector<16xi32> -> vector<16xf32>
        %mul3A_2090 = arith.mulf %mul3A_2059, %bitcast_convert_type3A_2085 : vector<16xf32>
        %add3A_2091 = arith.addf %add3A_2056, %mul3A_2090 : vector<16xf32>
        %mul3A_2092 = arith.mulf %mul3A_2059, %bitcast_convert_type3A_2089 : vector<16xf32>
        %add3A_2093 = arith.addf %add3A_2058, %mul3A_2092 : vector<16xf32>
        %mul3A_2094 = arith.mulf %sub3A_1940, %sub3A_1952 : vector<16xf32>
        %mul3A_2095 = arith.mulf %mul3A_2094, %sub3A_1955 : vector<16xf32>
        %get3A_2096 = arith.constant 6 : i32
        %get3A_2097 = arith.index_cast %get3A_2096 : i32 to index
        %get3A_2098 = arith.constant 64 : index
        %get3A_2099 = tpu.vector_load %arg11[%get3A_2097, %get3A_2098] {strides = array<i32>} : memref<10x128xi32, #tpu.memory_space<vmem>>, vector<1x16xi32>,
        %get3A_2100 = vector.shape_cast %get3A_2099 : vector<1x16xi32> to vector<16xi32>
        %shift_left3A_2101 = arith.constant 16 : i32
        %shift_left3A_2102 = vector.broadcast %shift_left3A_2101 : i32 to vector<16xi32>
        %shift_left3A_2103 = arith.shli %get3A_2100, %shift_left3A_2102 : vector<16xi32>
        %bitcast_convert_type3A_2104 = tpu.bitcast %shift_left3A_2103 : vector<16xi32> -> vector<16xf32>
        %and3A_2105 = arith.constant -65536 : i32
        %and3A_2106 = vector.broadcast %and3A_2105 : i32 to vector<16xi32>
        %and3A_2107 = arith.andi %get3A_2100, %and3A_2106 : vector<16xi32>
        %bitcast_convert_type3A_2108 = tpu.bitcast %and3A_2107 : vector<16xi32> -> vector<16xf32>
        %mul3A_2109 = arith.mulf %mul3A_2095, %bitcast_convert_type3A_2104 : vector<16xf32>
        %add3A_2110 = arith.addf %add3A_2074, %mul3A_2109 : vector<16xf32>
        %mul3A_2111 = arith.mulf %mul3A_2095, %bitcast_convert_type3A_2108 : vector<16xf32>
        %add3A_2112 = arith.addf %add3A_2076, %mul3A_2111 : vector<16xf32>
        %get3A_2113 = arith.constant 7 : i32
        %get3A_2114 = arith.index_cast %get3A_2113 : i32 to index
        %get3A_2115 = arith.constant 64 : index
        %get3A_2116 = tpu.vector_load %arg11[%get3A_2114, %get3A_2115] {strides = array<i32>} : memref<10x128xi32, #tpu.memory_space<vmem>>, vector<1x16xi32>,
        %get3A_2117 = vector.shape_cast %get3A_2116 : vector<1x16xi32> to vector<16xi32>
        %shift_left3A_2118 = arith.constant 16 : i32
        %shift_left3A_2119 = vector.broadcast %shift_left3A_2118 : i32 to vector<16xi32>
        %shift_left3A_2120 = arith.shli %get3A_2117, %shift_left3A_2119 : vector<16xi32>
        %bitcast_convert_type3A_2121 = tpu.bitcast %shift_left3A_2120 : vector<16xi32> -> vector<16xf32>
        %and3A_2122 = arith.constant -65536 : i32
        %and3A_2123 = vector.broadcast %and3A_2122 : i32 to vector<16xi32>
        %and3A_2124 = arith.andi %get3A_2117, %and3A_2123 : vector<16xi32>
        %bitcast_convert_type3A_2125 = tpu.bitcast %and3A_2124 : vector<16xi32> -> vector<16xf32>
        %mul3A_2126 = arith.mulf %mul3A_2095, %bitcast_convert_type3A_2121 : vector<16xf32>
        %add3A_2127 = arith.addf %add3A_2091, %mul3A_2126 : vector<16xf32>
        %mul3A_2128 = arith.mulf %mul3A_2095, %bitcast_convert_type3A_2125 : vector<16xf32>
        %add3A_2129 = arith.addf %add3A_2093, %mul3A_2128 : vector<16xf32>
        %mul3A_2130 = arith.mulf %mul3A_2094, %sub3A_1946 : vector<16xf32>
        %get3A_2131 = arith.constant 6 : i32
        %get3A_2132 = arith.index_cast %get3A_2131 : i32 to index
        %get3A_2133 = arith.constant 80 : index
        %get3A_2134 = tpu.vector_load %arg11[%get3A_2132, %get3A_2133] {strides = array<i32>} : memref<10x128xi32, #tpu.memory_space<vmem>>, vector<1x16xi32>,
        %get3A_2135 = vector.shape_cast %get3A_2134 : vector<1x16xi32> to vector<16xi32>
        %shift_left3A_2136 = arith.constant 16 : i32
        %shift_left3A_2137 = vector.broadcast %shift_left3A_2136 : i32 to vector<16xi32>
        %shift_left3A_2138 = arith.shli %get3A_2135, %shift_left3A_2137 : vector<16xi32>
        %bitcast_convert_type3A_2139 = tpu.bitcast %shift_left3A_2138 : vector<16xi32> -> vector<16xf32>
        %and3A_2140 = arith.constant -65536 : i32
        %and3A_2141 = vector.broadcast %and3A_2140 : i32 to vector<16xi32>
        %and3A_2142 = arith.andi %get3A_2135, %and3A_2141 : vector<16xi32>
        %bitcast_convert_type3A_2143 = tpu.bitcast %and3A_2142 : vector<16xi32> -> vector<16xf32>
        %mul3A_2144 = arith.mulf %mul3A_2130, %bitcast_convert_type3A_2139 : vector<16xf32>
        %add3A_2145 = arith.addf %add3A_2110, %mul3A_2144 : vector<16xf32>
        %mul3A_2146 = arith.mulf %mul3A_2130, %bitcast_convert_type3A_2143 : vector<16xf32>
        %add3A_2147 = arith.addf %add3A_2112, %mul3A_2146 : vector<16xf32>
        %get3A_2148 = arith.constant 7 : i32
        %get3A_2149 = arith.index_cast %get3A_2148 : i32 to index
        %get3A_2150 = arith.constant 80 : index
        %get3A_2151 = tpu.vector_load %arg11[%get3A_2149, %get3A_2150] {strides = array<i32>} : memref<10x128xi32, #tpu.memory_space<vmem>>, vector<1x16xi32>,
        %get3A_2152 = vector.shape_cast %get3A_2151 : vector<1x16xi32> to vector<16xi32>
        %shift_left3A_2153 = arith.constant 16 : i32
        %shift_left3A_2154 = vector.broadcast %shift_left3A_2153 : i32 to vector<16xi32>
        %shift_left3A_2155 = arith.shli %get3A_2152, %shift_left3A_2154 : vector<16xi32>
        %bitcast_convert_type3A_2156 = tpu.bitcast %shift_left3A_2155 : vector<16xi32> -> vector<16xf32>
        %and3A_2157 = arith.constant -65536 : i32
        %and3A_2158 = vector.broadcast %and3A_2157 : i32 to vector<16xi32>
        %and3A_2159 = arith.andi %get3A_2152, %and3A_2158 : vector<16xi32>
        %bitcast_convert_type3A_2160 = tpu.bitcast %and3A_2159 : vector<16xi32> -> vector<16xf32>
        %mul3A_2161 = arith.mulf %mul3A_2130, %bitcast_convert_type3A_2156 : vector<16xf32>
        %add3A_2162 = arith.addf %add3A_2127, %mul3A_2161 : vector<16xf32>
        %mul3A_2163 = arith.mulf %mul3A_2130, %bitcast_convert_type3A_2160 : vector<16xf32>
        %add3A_2164 = arith.addf %add3A_2129, %mul3A_2163 : vector<16xf32>
        %mul3A_2165 = arith.mulf %sub3A_1940, %sub3A_1943 : vector<16xf32>
        %mul3A_2166 = arith.mulf %mul3A_2165, %sub3A_1955 : vector<16xf32>
        %get3A_2167 = arith.constant 6 : i32
        %get3A_2168 = arith.index_cast %get3A_2167 : i32 to index
        %get3A_2169 = arith.constant 96 : index
        %get3A_2170 = tpu.vector_load %arg11[%get3A_2168, %get3A_2169] {strides = array<i32>} : memref<10x128xi32, #tpu.memory_space<vmem>>, vector<1x16xi32>,
        %get3A_2171 = vector.shape_cast %get3A_2170 : vector<1x16xi32> to vector<16xi32>
        %shift_left3A_2172 = arith.constant 16 : i32
        %shift_left3A_2173 = vector.broadcast %shift_left3A_2172 : i32 to vector<16xi32>
        %shift_left3A_2174 = arith.shli %get3A_2171, %shift_left3A_2173 : vector<16xi32>
        %bitcast_convert_type3A_2175 = tpu.bitcast %shift_left3A_2174 : vector<16xi32> -> vector<16xf32>
        %and3A_2176 = arith.constant -65536 : i32
        %and3A_2177 = vector.broadcast %and3A_2176 : i32 to vector<16xi32>
        %and3A_2178 = arith.andi %get3A_2171, %and3A_2177 : vector<16xi32>
        %bitcast_convert_type3A_2179 = tpu.bitcast %and3A_2178 : vector<16xi32> -> vector<16xf32>
        %mul3A_2180 = arith.mulf %mul3A_2166, %bitcast_convert_type3A_2175 : vector<16xf32>
        %add3A_2181 = arith.addf %add3A_2145, %mul3A_2180 : vector<16xf32>
        %mul3A_2182 = arith.mulf %mul3A_2166, %bitcast_convert_type3A_2179 : vector<16xf32>
        %add3A_2183 = arith.addf %add3A_2147, %mul3A_2182 : vector<16xf32>
        %get3A_2184 = arith.constant 7 : i32
        %get3A_2185 = arith.index_cast %get3A_2184 : i32 to index
        %get3A_2186 = arith.constant 96 : index
        %get3A_2187 = tpu.vector_load %arg11[%get3A_2185, %get3A_2186] {strides = array<i32>} : memref<10x128xi32, #tpu.memory_space<vmem>>, vector<1x16xi32>,
        %get3A_2188 = vector.shape_cast %get3A_2187 : vector<1x16xi32> to vector<16xi32>
        %shift_left3A_2189 = arith.constant 16 : i32
        %shift_left3A_2190 = vector.broadcast %shift_left3A_2189 : i32 to vector<16xi32>
        %shift_left3A_2191 = arith.shli %get3A_2188, %shift_left3A_2190 : vector<16xi32>
        %bitcast_convert_type3A_2192 = tpu.bitcast %shift_left3A_2191 : vector<16xi32> -> vector<16xf32>
        %and3A_2193 = arith.constant -65536 : i32
        %and3A_2194 = vector.broadcast %and3A_2193 : i32 to vector<16xi32>
        %and3A_2195 = arith.andi %get3A_2188, %and3A_2194 : vector<16xi32>
        %bitcast_convert_type3A_2196 = tpu.bitcast %and3A_2195 : vector<16xi32> -> vector<16xf32>
        %mul3A_2197 = arith.mulf %mul3A_2166, %bitcast_convert_type3A_2192 : vector<16xf32>
        %add3A_2198 = arith.addf %add3A_2162, %mul3A_2197 : vector<16xf32>
        %mul3A_2199 = arith.mulf %mul3A_2166, %bitcast_convert_type3A_2196 : vector<16xf32>
        %add3A_2200 = arith.addf %add3A_2164, %mul3A_2199 : vector<16xf32>
        %mul3A_2201 = arith.mulf %mul3A_2165, %sub3A_1946 : vector<16xf32>
        %get3A_2202 = arith.constant 6 : i32
        %get3A_2203 = arith.index_cast %get3A_2202 : i32 to index
        %get3A_2204 = arith.constant 112 : index
        %get3A_2205 = tpu.vector_load %arg11[%get3A_2203, %get3A_2204] {strides = array<i32>} : memref<10x128xi32, #tpu.memory_space<vmem>>, vector<1x16xi32>,
        %get3A_2206 = vector.shape_cast %get3A_2205 : vector<1x16xi32> to vector<16xi32>
        %shift_left3A_2207 = arith.constant 16 : i32
        %shift_left3A_2208 = vector.broadcast %shift_left3A_2207 : i32 to vector<16xi32>
        %shift_left3A_2209 = arith.shli %get3A_2206, %shift_left3A_2208 : vector<16xi32>
        %bitcast_convert_type3A_2210 = tpu.bitcast %shift_left3A_2209 : vector<16xi32> -> vector<16xf32>
        %and3A_2211 = arith.constant -65536 : i32
        %and3A_2212 = vector.broadcast %and3A_2211 : i32 to vector<16xi32>
        %and3A_2213 = arith.andi %get3A_2206, %and3A_2212 : vector<16xi32>
        %bitcast_convert_type3A_2214 = tpu.bitcast %and3A_2213 : vector<16xi32> -> vector<16xf32>
        %mul3A_2215 = arith.mulf %mul3A_2201, %bitcast_convert_type3A_2210 : vector<16xf32>
        %add3A_2216 = arith.addf %add3A_2181, %mul3A_2215 : vector<16xf32>
        %mul3A_2217 = arith.mulf %mul3A_2201, %bitcast_convert_type3A_2214 : vector<16xf32>
        %add3A_2218 = arith.addf %add3A_2183, %mul3A_2217 : vector<16xf32>
        %get3A_2219 = arith.constant 7 : i32
        %get3A_2220 = arith.index_cast %get3A_2219 : i32 to index
        %get3A_2221 = arith.constant 112 : index
        %get3A_2222 = tpu.vector_load %arg11[%get3A_2220, %get3A_2221] {strides = array<i32>} : memref<10x128xi32, #tpu.memory_space<vmem>>, vector<1x16xi32>,
        %get3A_2223 = vector.shape_cast %get3A_2222 : vector<1x16xi32> to vector<16xi32>
        %shift_left3A_2224 = arith.constant 16 : i32
        %shift_left3A_2225 = vector.broadcast %shift_left3A_2224 : i32 to vector<16xi32>
        %shift_left3A_2226 = arith.shli %get3A_2223, %shift_left3A_2225 : vector<16xi32>
        %bitcast_convert_type3A_2227 = tpu.bitcast %shift_left3A_2226 : vector<16xi32> -> vector<16xf32>
        %and3A_2228 = arith.constant -65536 : i32
        %and3A_2229 = vector.broadcast %and3A_2228 : i32 to vector<16xi32>
        %and3A_2230 = arith.andi %get3A_2223, %and3A_2229 : vector<16xi32>
        %bitcast_convert_type3A_2231 = tpu.bitcast %and3A_2230 : vector<16xi32> -> vector<16xf32>
        %mul3A_2232 = arith.mulf %mul3A_2201, %bitcast_convert_type3A_2227 : vector<16xf32>
        %add3A_2233 = arith.addf %add3A_2198, %mul3A_2232 : vector<16xf32>
        %mul3A_2234 = arith.mulf %mul3A_2201, %bitcast_convert_type3A_2231 : vector<16xf32>
        %add3A_2235 = arith.addf %add3A_2200, %mul3A_2234 : vector<16xf32>
        %add3A_2236 = arith.addi %mul3A_43, %mul3A_61 : i32
        %swap3A_2237 = arith.constant 12 : i32
        %swap3A_2238 = arith.index_cast %swap3A_2237 : i32 to index
        %swap3A_2239 = arith.index_cast %add3A_2236 : i32 to index
        %swap3A_2240 = tpu.vector_load %arg9[%swap3A_2238, %swap3A_2239] {strides = array<i32>} : memref<20x2048xf32, #tpu.memory_space<vmem>>, vector<1x16xf32>,
        %swap3A_2241 = vector.shape_cast %swap3A_2240 : vector<1x16xf32> to vector<16xf32>
        %swap3A_2242 = vector.shape_cast %add3A_2216 : vector<16xf32> to vector<1x16xf32>
        tpu.vector_store %arg9[%swap3A_2238, %swap3A_2239], %swap3A_2242 {strides = array<i32>} : memref<20x2048xf32, #tpu.memory_space<vmem>>, vector<1x16xf32>,
        %add3A_2243 = arith.addi %mul3A_43, %mul3A_61 : i32
        %swap3A_2244 = arith.constant 13 : i32
        %swap3A_2245 = arith.index_cast %swap3A_2244 : i32 to index
        %swap3A_2246 = arith.index_cast %add3A_2243 : i32 to index
        %swap3A_2247 = tpu.vector_load %arg9[%swap3A_2245, %swap3A_2246] {strides = array<i32>} : memref<20x2048xf32, #tpu.memory_space<vmem>>, vector<1x16xf32>,
        %swap3A_2248 = vector.shape_cast %swap3A_2247 : vector<1x16xf32> to vector<16xf32>
        %swap3A_2249 = vector.shape_cast %add3A_2218 : vector<16xf32> to vector<1x16xf32>
        tpu.vector_store %arg9[%swap3A_2245, %swap3A_2246], %swap3A_2249 {strides = array<i32>} : memref<20x2048xf32, #tpu.memory_space<vmem>>, vector<1x16xf32>,
        %add3A_2250 = arith.addi %mul3A_43, %mul3A_61 : i32
        %swap3A_2251 = arith.constant 14 : i32
        %swap3A_2252 = arith.index_cast %swap3A_2251 : i32 to index
        %swap3A_2253 = arith.index_cast %add3A_2250 : i32 to index
        %swap3A_2254 = tpu.vector_load %arg9[%swap3A_2252, %swap3A_2253] {strides = array<i32>} : memref<20x2048xf32, #tpu.memory_space<vmem>>, vector<1x16xf32>,
        %swap3A_2255 = vector.shape_cast %swap3A_2254 : vector<1x16xf32> to vector<16xf32>
        %swap3A_2256 = vector.shape_cast %add3A_2233 : vector<16xf32> to vector<1x16xf32>
        tpu.vector_store %arg9[%swap3A_2252, %swap3A_2253], %swap3A_2256 {strides = array<i32>} : memref<20x2048xf32, #tpu.memory_space<vmem>>, vector<1x16xf32>,
        %add3A_2257 = arith.addi %mul3A_43, %mul3A_61 : i32
        %swap3A_2258 = arith.constant 15 : i32
        %swap3A_2259 = arith.index_cast %swap3A_2258 : i32 to index
        %swap3A_2260 = arith.index_cast %add3A_2257 : i32 to index
        %swap3A_2261 = tpu.vector_load %arg9[%swap3A_2259, %swap3A_2260] {strides = array<i32>} : memref<20x2048xf32, #tpu.memory_space<vmem>>, vector<1x16xf32>,
        %swap3A_2262 = vector.shape_cast %swap3A_2261 : vector<1x16xf32> to vector<16xf32>
        %swap3A_2263 = vector.shape_cast %add3A_2235 : vector<16xf32> to vector<1x16xf32>
        tpu.vector_store %arg9[%swap3A_2259, %swap3A_2260], %swap3A_2263 {strides = array<i32>} : memref<20x2048xf32, #tpu.memory_space<vmem>>, vector<1x16xf32>,
        %convert_element_type3A_2264 = arith.fptosi %mul3A_708 : vector<16xf32> to vector<16xi32>
        %convert_element_type3A_2265 = arith.sitofp %convert_element_type3A_2264 : vector<16xi32> to vector<16xf32>
        %sub3A_2266 = arith.subf %mul3A_708, %convert_element_type3A_2265 : vector<16xf32>
        %convert_element_type3A_2267 = arith.fptosi %mul3A_710 : vector<16xf32> to vector<16xi32>
        %convert_element_type3A_2268 = arith.sitofp %convert_element_type3A_2267 : vector<16xi32> to vector<16xf32>
        %sub3A_2269 = arith.subf %mul3A_710, %convert_element_type3A_2268 : vector<16xf32>
        %convert_element_type3A_2270 = arith.fptosi %mul3A_712 : vector<16xf32> to vector<16xi32>
        %convert_element_type3A_2271 = arith.sitofp %convert_element_type3A_2270 : vector<16xi32> to vector<16xf32>
        %sub3A_2272 = arith.subf %mul3A_712, %convert_element_type3A_2271 : vector<16xf32>
        %sub3A_2273 = arith.constant 1.000000e+00 : f32
        %sub3A_2274 = vector.broadcast %sub3A_2273 : f32 to vector<16xf32>
        %sub3A_2275 = arith.subf %sub3A_2274, %sub3A_2266 : vector<16xf32>
        %sub3A_2276 = arith.constant 1.000000e+00 : f32
        %sub3A_2277 = vector.broadcast %sub3A_2276 : f32 to vector<16xf32>
        %sub3A_2278 = arith.subf %sub3A_2277, %sub3A_2269 : vector<16xf32>
        %sub3A_2279 = arith.constant 1.000000e+00 : f32
        %sub3A_2280 = vector.broadcast %sub3A_2279 : f32 to vector<16xf32>
        %sub3A_2281 = arith.subf %sub3A_2280, %sub3A_2272 : vector<16xf32>
        %mul3A_2282 = arith.mulf %sub3A_2275, %sub3A_2278 : vector<16xf32>
        %mul3A_2283 = arith.mulf %mul3A_2282, %sub3A_2281 : vector<16xf32>
        %get3A_2284 = arith.constant 8 : i32
        %get3A_2285 = arith.index_cast %get3A_2284 : i32 to index
        %get3A_2286 = arith.constant 0 : index
        %get3A_2287 = tpu.vector_load %arg11[%get3A_2285, %get3A_2286] {strides = array<i32>} : memref<10x128xi32, #tpu.memory_space<vmem>>, vector<1x16xi32>,
        %get3A_2288 = vector.shape_cast %get3A_2287 : vector<1x16xi32> to vector<16xi32>
        %shift_left3A_2289 = arith.constant 16 : i32
        %shift_left3A_2290 = vector.broadcast %shift_left3A_2289 : i32 to vector<16xi32>
        %shift_left3A_2291 = arith.shli %get3A_2288, %shift_left3A_2290 : vector<16xi32>
        %bitcast_convert_type3A_2292 = tpu.bitcast %shift_left3A_2291 : vector<16xi32> -> vector<16xf32>
        %and3A_2293 = arith.constant -65536 : i32
        %and3A_2294 = vector.broadcast %and3A_2293 : i32 to vector<16xi32>
        %and3A_2295 = arith.andi %get3A_2288, %and3A_2294 : vector<16xi32>
        %bitcast_convert_type3A_2296 = tpu.bitcast %and3A_2295 : vector<16xi32> -> vector<16xf32>
        %mul3A_2297 = arith.mulf %mul3A_2283, %bitcast_convert_type3A_2292 : vector<16xf32>
        %mul3A_2298 = arith.mulf %mul3A_2283, %bitcast_convert_type3A_2296 : vector<16xf32>
        %get3A_2299 = arith.constant 9 : i32
        %get3A_2300 = arith.index_cast %get3A_2299 : i32 to index
        %get3A_2301 = arith.constant 0 : index
        %get3A_2302 = tpu.vector_load %arg11[%get3A_2300, %get3A_2301] {strides = array<i32>} : memref<10x128xi32, #tpu.memory_space<vmem>>, vector<1x16xi32>,
        %get3A_2303 = vector.shape_cast %get3A_2302 : vector<1x16xi32> to vector<16xi32>
        %shift_left3A_2304 = arith.constant 16 : i32
        %shift_left3A_2305 = vector.broadcast %shift_left3A_2304 : i32 to vector<16xi32>
        %shift_left3A_2306 = arith.shli %get3A_2303, %shift_left3A_2305 : vector<16xi32>
        %bitcast_convert_type3A_2307 = tpu.bitcast %shift_left3A_2306 : vector<16xi32> -> vector<16xf32>
        %and3A_2308 = arith.constant -65536 : i32
        %and3A_2309 = vector.broadcast %and3A_2308 : i32 to vector<16xi32>
        %and3A_2310 = arith.andi %get3A_2303, %and3A_2309 : vector<16xi32>
        %bitcast_convert_type3A_2311 = tpu.bitcast %and3A_2310 : vector<16xi32> -> vector<16xf32>
        %mul3A_2312 = arith.mulf %mul3A_2283, %bitcast_convert_type3A_2307 : vector<16xf32>
        %mul3A_2313 = arith.mulf %mul3A_2283, %bitcast_convert_type3A_2311 : vector<16xf32>
        %mul3A_2314 = arith.mulf %mul3A_2282, %sub3A_2272 : vector<16xf32>
        %get3A_2315 = arith.constant 8 : i32
        %get3A_2316 = arith.index_cast %get3A_2315 : i32 to index
        %get3A_2317 = arith.constant 16 : index
        %get3A_2318 = tpu.vector_load %arg11[%get3A_2316, %get3A_2317] {strides = array<i32>} : memref<10x128xi32, #tpu.memory_space<vmem>>, vector<1x16xi32>,
        %get3A_2319 = vector.shape_cast %get3A_2318 : vector<1x16xi32> to vector<16xi32>
        %shift_left3A_2320 = arith.constant 16 : i32
        %shift_left3A_2321 = vector.broadcast %shift_left3A_2320 : i32 to vector<16xi32>
        %shift_left3A_2322 = arith.shli %get3A_2319, %shift_left3A_2321 : vector<16xi32>
        %bitcast_convert_type3A_2323 = tpu.bitcast %shift_left3A_2322 : vector<16xi32> -> vector<16xf32>
        %and3A_2324 = arith.constant -65536 : i32
        %and3A_2325 = vector.broadcast %and3A_2324 : i32 to vector<16xi32>
        %and3A_2326 = arith.andi %get3A_2319, %and3A_2325 : vector<16xi32>
        %bitcast_convert_type3A_2327 = tpu.bitcast %and3A_2326 : vector<16xi32> -> vector<16xf32>
        %mul3A_2328 = arith.mulf %mul3A_2314, %bitcast_convert_type3A_2323 : vector<16xf32>
        %add3A_2329 = arith.addf %mul3A_2297, %mul3A_2328 : vector<16xf32>
        %mul3A_2330 = arith.mulf %mul3A_2314, %bitcast_convert_type3A_2327 : vector<16xf32>
        %add3A_2331 = arith.addf %mul3A_2298, %mul3A_2330 : vector<16xf32>
        %get3A_2332 = arith.constant 9 : i32
        %get3A_2333 = arith.index_cast %get3A_2332 : i32 to index
        %get3A_2334 = arith.constant 16 : index
        %get3A_2335 = tpu.vector_load %arg11[%get3A_2333, %get3A_2334] {strides = array<i32>} : memref<10x128xi32, #tpu.memory_space<vmem>>, vector<1x16xi32>,
        %get3A_2336 = vector.shape_cast %get3A_2335 : vector<1x16xi32> to vector<16xi32>
        %shift_left3A_2337 = arith.constant 16 : i32
        %shift_left3A_2338 = vector.broadcast %shift_left3A_2337 : i32 to vector<16xi32>
        %shift_left3A_2339 = arith.shli %get3A_2336, %shift_left3A_2338 : vector<16xi32>
        %bitcast_convert_type3A_2340 = tpu.bitcast %shift_left3A_2339 : vector<16xi32> -> vector<16xf32>
        %and3A_2341 = arith.constant -65536 : i32
        %and3A_2342 = vector.broadcast %and3A_2341 : i32 to vector<16xi32>
        %and3A_2343 = arith.andi %get3A_2336, %and3A_2342 : vector<16xi32>
        %bitcast_convert_type3A_2344 = tpu.bitcast %and3A_2343 : vector<16xi32> -> vector<16xf32>
        %mul3A_2345 = arith.mulf %mul3A_2314, %bitcast_convert_type3A_2340 : vector<16xf32>
        %add3A_2346 = arith.addf %mul3A_2312, %mul3A_2345 : vector<16xf32>
        %mul3A_2347 = arith.mulf %mul3A_2314, %bitcast_convert_type3A_2344 : vector<16xf32>
        %add3A_2348 = arith.addf %mul3A_2313, %mul3A_2347 : vector<16xf32>
        %mul3A_2349 = arith.mulf %sub3A_2275, %sub3A_2269 : vector<16xf32>
        %mul3A_2350 = arith.mulf %mul3A_2349, %sub3A_2281 : vector<16xf32>
        %get3A_2351 = arith.constant 8 : i32
        %get3A_2352 = arith.index_cast %get3A_2351 : i32 to index
        %get3A_2353 = arith.constant 32 : index
        %get3A_2354 = tpu.vector_load %arg11[%get3A_2352, %get3A_2353] {strides = array<i32>} : memref<10x128xi32, #tpu.memory_space<vmem>>, vector<1x16xi32>,
        %get3A_2355 = vector.shape_cast %get3A_2354 : vector<1x16xi32> to vector<16xi32>
        %shift_left3A_2356 = arith.constant 16 : i32
        %shift_left3A_2357 = vector.broadcast %shift_left3A_2356 : i32 to vector<16xi32>
        %shift_left3A_2358 = arith.shli %get3A_2355, %shift_left3A_2357 : vector<16xi32>
        %bitcast_convert_type3A_2359 = tpu.bitcast %shift_left3A_2358 : vector<16xi32> -> vector<16xf32>
        %and3A_2360 = arith.constant -65536 : i32
        %and3A_2361 = vector.broadcast %and3A_2360 : i32 to vector<16xi32>
        %and3A_2362 = arith.andi %get3A_2355, %and3A_2361 : vector<16xi32>
        %bitcast_convert_type3A_2363 = tpu.bitcast %and3A_2362 : vector<16xi32> -> vector<16xf32>
        %mul3A_2364 = arith.mulf %mul3A_2350, %bitcast_convert_type3A_2359 : vector<16xf32>
        %add3A_2365 = arith.addf %add3A_2329, %mul3A_2364 : vector<16xf32>
        %mul3A_2366 = arith.mulf %mul3A_2350, %bitcast_convert_type3A_2363 : vector<16xf32>
        %add3A_2367 = arith.addf %add3A_2331, %mul3A_2366 : vector<16xf32>
        %get3A_2368 = arith.constant 9 : i32
        %get3A_2369 = arith.index_cast %get3A_2368 : i32 to index
        %get3A_2370 = arith.constant 32 : index
        %get3A_2371 = tpu.vector_load %arg11[%get3A_2369, %get3A_2370] {strides = array<i32>} : memref<10x128xi32, #tpu.memory_space<vmem>>, vector<1x16xi32>,
        %get3A_2372 = vector.shape_cast %get3A_2371 : vector<1x16xi32> to vector<16xi32>
        %shift_left3A_2373 = arith.constant 16 : i32
        %shift_left3A_2374 = vector.broadcast %shift_left3A_2373 : i32 to vector<16xi32>
        %shift_left3A_2375 = arith.shli %get3A_2372, %shift_left3A_2374 : vector<16xi32>
        %bitcast_convert_type3A_2376 = tpu.bitcast %shift_left3A_2375 : vector<16xi32> -> vector<16xf32>
        %and3A_2377 = arith.constant -65536 : i32
        %and3A_2378 = vector.broadcast %and3A_2377 : i32 to vector<16xi32>
        %and3A_2379 = arith.andi %get3A_2372, %and3A_2378 : vector<16xi32>
        %bitcast_convert_type3A_2380 = tpu.bitcast %and3A_2379 : vector<16xi32> -> vector<16xf32>
        %mul3A_2381 = arith.mulf %mul3A_2350, %bitcast_convert_type3A_2376 : vector<16xf32>
        %add3A_2382 = arith.addf %add3A_2346, %mul3A_2381 : vector<16xf32>
        %mul3A_2383 = arith.mulf %mul3A_2350, %bitcast_convert_type3A_2380 : vector<16xf32>
        %add3A_2384 = arith.addf %add3A_2348, %mul3A_2383 : vector<16xf32>
        %mul3A_2385 = arith.mulf %mul3A_2349, %sub3A_2272 : vector<16xf32>
        %get3A_2386 = arith.constant 8 : i32
        %get3A_2387 = arith.index_cast %get3A_2386 : i32 to index
        %get3A_2388 = arith.constant 48 : index
        %get3A_2389 = tpu.vector_load %arg11[%get3A_2387, %get3A_2388] {strides = array<i32>} : memref<10x128xi32, #tpu.memory_space<vmem>>, vector<1x16xi32>,
        %get3A_2390 = vector.shape_cast %get3A_2389 : vector<1x16xi32> to vector<16xi32>
        %shift_left3A_2391 = arith.constant 16 : i32
        %shift_left3A_2392 = vector.broadcast %shift_left3A_2391 : i32 to vector<16xi32>
        %shift_left3A_2393 = arith.shli %get3A_2390, %shift_left3A_2392 : vector<16xi32>
        %bitcast_convert_type3A_2394 = tpu.bitcast %shift_left3A_2393 : vector<16xi32> -> vector<16xf32>
        %and3A_2395 = arith.constant -65536 : i32
        %and3A_2396 = vector.broadcast %and3A_2395 : i32 to vector<16xi32>
        %and3A_2397 = arith.andi %get3A_2390, %and3A_2396 : vector<16xi32>
        %bitcast_convert_type3A_2398 = tpu.bitcast %and3A_2397 : vector<16xi32> -> vector<16xf32>
        %mul3A_2399 = arith.mulf %mul3A_2385, %bitcast_convert_type3A_2394 : vector<16xf32>
        %add3A_2400 = arith.addf %add3A_2365, %mul3A_2399 : vector<16xf32>
        %mul3A_2401 = arith.mulf %mul3A_2385, %bitcast_convert_type3A_2398 : vector<16xf32>
        %add3A_2402 = arith.addf %add3A_2367, %mul3A_2401 : vector<16xf32>
        %get3A_2403 = arith.constant 9 : i32
        %get3A_2404 = arith.index_cast %get3A_2403 : i32 to index
        %get3A_2405 = arith.constant 48 : index
        %get3A_2406 = tpu.vector_load %arg11[%get3A_2404, %get3A_2405] {strides = array<i32>} : memref<10x128xi32, #tpu.memory_space<vmem>>, vector<1x16xi32>,
        %get3A_2407 = vector.shape_cast %get3A_2406 : vector<1x16xi32> to vector<16xi32>
        %shift_left3A_2408 = arith.constant 16 : i32
        %shift_left3A_2409 = vector.broadcast %shift_left3A_2408 : i32 to vector<16xi32>
        %shift_left3A_2410 = arith.shli %get3A_2407, %shift_left3A_2409 : vector<16xi32>
        %bitcast_convert_type3A_2411 = tpu.bitcast %shift_left3A_2410 : vector<16xi32> -> vector<16xf32>
        %and3A_2412 = arith.constant -65536 : i32
        %and3A_2413 = vector.broadcast %and3A_2412 : i32 to vector<16xi32>
        %and3A_2414 = arith.andi %get3A_2407, %and3A_2413 : vector<16xi32>
        %bitcast_convert_type3A_2415 = tpu.bitcast %and3A_2414 : vector<16xi32> -> vector<16xf32>
        %mul3A_2416 = arith.mulf %mul3A_2385, %bitcast_convert_type3A_2411 : vector<16xf32>
        %add3A_2417 = arith.addf %add3A_2382, %mul3A_2416 : vector<16xf32>
        %mul3A_2418 = arith.mulf %mul3A_2385, %bitcast_convert_type3A_2415 : vector<16xf32>
        %add3A_2419 = arith.addf %add3A_2384, %mul3A_2418 : vector<16xf32>
        %mul3A_2420 = arith.mulf %sub3A_2266, %sub3A_2278 : vector<16xf32>
        %mul3A_2421 = arith.mulf %mul3A_2420, %sub3A_2281 : vector<16xf32>
        %get3A_2422 = arith.constant 8 : i32
        %get3A_2423 = arith.index_cast %get3A_2422 : i32 to index
        %get3A_2424 = arith.constant 64 : index
        %get3A_2425 = tpu.vector_load %arg11[%get3A_2423, %get3A_2424] {strides = array<i32>} : memref<10x128xi32, #tpu.memory_space<vmem>>, vector<1x16xi32>,
        %get3A_2426 = vector.shape_cast %get3A_2425 : vector<1x16xi32> to vector<16xi32>
        %shift_left3A_2427 = arith.constant 16 : i32
        %shift_left3A_2428 = vector.broadcast %shift_left3A_2427 : i32 to vector<16xi32>
        %shift_left3A_2429 = arith.shli %get3A_2426, %shift_left3A_2428 : vector<16xi32>
        %bitcast_convert_type3A_2430 = tpu.bitcast %shift_left3A_2429 : vector<16xi32> -> vector<16xf32>
        %and3A_2431 = arith.constant -65536 : i32
        %and3A_2432 = vector.broadcast %and3A_2431 : i32 to vector<16xi32>
        %and3A_2433 = arith.andi %get3A_2426, %and3A_2432 : vector<16xi32>
        %bitcast_convert_type3A_2434 = tpu.bitcast %and3A_2433 : vector<16xi32> -> vector<16xf32>
        %mul3A_2435 = arith.mulf %mul3A_2421, %bitcast_convert_type3A_2430 : vector<16xf32>
        %add3A_2436 = arith.addf %add3A_2400, %mul3A_2435 : vector<16xf32>
        %mul3A_2437 = arith.mulf %mul3A_2421, %bitcast_convert_type3A_2434 : vector<16xf32>
        %add3A_2438 = arith.addf %add3A_2402, %mul3A_2437 : vector<16xf32>
        %get3A_2439 = arith.constant 9 : i32
        %get3A_2440 = arith.index_cast %get3A_2439 : i32 to index
        %get3A_2441 = arith.constant 64 : index
        %get3A_2442 = tpu.vector_load %arg11[%get3A_2440, %get3A_2441] {strides = array<i32>} : memref<10x128xi32, #tpu.memory_space<vmem>>, vector<1x16xi32>,
        %get3A_2443 = vector.shape_cast %get3A_2442 : vector<1x16xi32> to vector<16xi32>
        %shift_left3A_2444 = arith.constant 16 : i32
        %shift_left3A_2445 = vector.broadcast %shift_left3A_2444 : i32 to vector<16xi32>
        %shift_left3A_2446 = arith.shli %get3A_2443, %shift_left3A_2445 : vector<16xi32>
        %bitcast_convert_type3A_2447 = tpu.bitcast %shift_left3A_2446 : vector<16xi32> -> vector<16xf32>
        %and3A_2448 = arith.constant -65536 : i32
        %and3A_2449 = vector.broadcast %and3A_2448 : i32 to vector<16xi32>
        %and3A_2450 = arith.andi %get3A_2443, %and3A_2449 : vector<16xi32>
        %bitcast_convert_type3A_2451 = tpu.bitcast %and3A_2450 : vector<16xi32> -> vector<16xf32>
        %mul3A_2452 = arith.mulf %mul3A_2421, %bitcast_convert_type3A_2447 : vector<16xf32>
        %add3A_2453 = arith.addf %add3A_2417, %mul3A_2452 : vector<16xf32>
        %mul3A_2454 = arith.mulf %mul3A_2421, %bitcast_convert_type3A_2451 : vector<16xf32>
        %add3A_2455 = arith.addf %add3A_2419, %mul3A_2454 : vector<16xf32>
        %mul3A_2456 = arith.mulf %mul3A_2420, %sub3A_2272 : vector<16xf32>
        %get3A_2457 = arith.constant 8 : i32
        %get3A_2458 = arith.index_cast %get3A_2457 : i32 to index
        %get3A_2459 = arith.constant 80 : index
        %get3A_2460 = tpu.vector_load %arg11[%get3A_2458, %get3A_2459] {strides = array<i32>} : memref<10x128xi32, #tpu.memory_space<vmem>>, vector<1x16xi32>,
        %get3A_2461 = vector.shape_cast %get3A_2460 : vector<1x16xi32> to vector<16xi32>
        %shift_left3A_2462 = arith.constant 16 : i32
        %shift_left3A_2463 = vector.broadcast %shift_left3A_2462 : i32 to vector<16xi32>
        %shift_left3A_2464 = arith.shli %get3A_2461, %shift_left3A_2463 : vector<16xi32>
        %bitcast_convert_type3A_2465 = tpu.bitcast %shift_left3A_2464 : vector<16xi32> -> vector<16xf32>
        %and3A_2466 = arith.constant -65536 : i32
        %and3A_2467 = vector.broadcast %and3A_2466 : i32 to vector<16xi32>
        %and3A_2468 = arith.andi %get3A_2461, %and3A_2467 : vector<16xi32>
        %bitcast_convert_type3A_2469 = tpu.bitcast %and3A_2468 : vector<16xi32> -> vector<16xf32>
        %mul3A_2470 = arith.mulf %mul3A_2456, %bitcast_convert_type3A_2465 : vector<16xf32>
        %add3A_2471 = arith.addf %add3A_2436, %mul3A_2470 : vector<16xf32>
        %mul3A_2472 = arith.mulf %mul3A_2456, %bitcast_convert_type3A_2469 : vector<16xf32>
        %add3A_2473 = arith.addf %add3A_2438, %mul3A_2472 : vector<16xf32>
        %get3A_2474 = arith.constant 9 : i32
        %get3A_2475 = arith.index_cast %get3A_2474 : i32 to index
        %get3A_2476 = arith.constant 80 : index
        %get3A_2477 = tpu.vector_load %arg11[%get3A_2475, %get3A_2476] {strides = array<i32>} : memref<10x128xi32, #tpu.memory_space<vmem>>, vector<1x16xi32>,
        %get3A_2478 = vector.shape_cast %get3A_2477 : vector<1x16xi32> to vector<16xi32>
        %shift_left3A_2479 = arith.constant 16 : i32
        %shift_left3A_2480 = vector.broadcast %shift_left3A_2479 : i32 to vector<16xi32>
        %shift_left3A_2481 = arith.shli %get3A_2478, %shift_left3A_2480 : vector<16xi32>
        %bitcast_convert_type3A_2482 = tpu.bitcast %shift_left3A_2481 : vector<16xi32> -> vector<16xf32>
        %and3A_2483 = arith.constant -65536 : i32
        %and3A_2484 = vector.broadcast %and3A_2483 : i32 to vector<16xi32>
        %and3A_2485 = arith.andi %get3A_2478, %and3A_2484 : vector<16xi32>
        %bitcast_convert_type3A_2486 = tpu.bitcast %and3A_2485 : vector<16xi32> -> vector<16xf32>
        %mul3A_2487 = arith.mulf %mul3A_2456, %bitcast_convert_type3A_2482 : vector<16xf32>
        %add3A_2488 = arith.addf %add3A_2453, %mul3A_2487 : vector<16xf32>
        %mul3A_2489 = arith.mulf %mul3A_2456, %bitcast_convert_type3A_2486 : vector<16xf32>
        %add3A_2490 = arith.addf %add3A_2455, %mul3A_2489 : vector<16xf32>
        %mul3A_2491 = arith.mulf %sub3A_2266, %sub3A_2269 : vector<16xf32>
        %mul3A_2492 = arith.mulf %mul3A_2491, %sub3A_2281 : vector<16xf32>
        %get3A_2493 = arith.constant 8 : i32
        %get3A_2494 = arith.index_cast %get3A_2493 : i32 to index
        %get3A_2495 = arith.constant 96 : index
        %get3A_2496 = tpu.vector_load %arg11[%get3A_2494, %get3A_2495] {strides = array<i32>} : memref<10x128xi32, #tpu.memory_space<vmem>>, vector<1x16xi32>,
        %get3A_2497 = vector.shape_cast %get3A_2496 : vector<1x16xi32> to vector<16xi32>
        %shift_left3A_2498 = arith.constant 16 : i32
        %shift_left3A_2499 = vector.broadcast %shift_left3A_2498 : i32 to vector<16xi32>
        %shift_left3A_2500 = arith.shli %get3A_2497, %shift_left3A_2499 : vector<16xi32>
        %bitcast_convert_type3A_2501 = tpu.bitcast %shift_left3A_2500 : vector<16xi32> -> vector<16xf32>
        %and3A_2502 = arith.constant -65536 : i32
        %and3A_2503 = vector.broadcast %and3A_2502 : i32 to vector<16xi32>
        %and3A_2504 = arith.andi %get3A_2497, %and3A_2503 : vector<16xi32>
        %bitcast_convert_type3A_2505 = tpu.bitcast %and3A_2504 : vector<16xi32> -> vector<16xf32>
        %mul3A_2506 = arith.mulf %mul3A_2492, %bitcast_convert_type3A_2501 : vector<16xf32>
        %add3A_2507 = arith.addf %add3A_2471, %mul3A_2506 : vector<16xf32>
        %mul3A_2508 = arith.mulf %mul3A_2492, %bitcast_convert_type3A_2505 : vector<16xf32>
        %add3A_2509 = arith.addf %add3A_2473, %mul3A_2508 : vector<16xf32>
        %get3A_2510 = arith.constant 9 : i32
        %get3A_2511 = arith.index_cast %get3A_2510 : i32 to index
        %get3A_2512 = arith.constant 96 : index
        %get3A_2513 = tpu.vector_load %arg11[%get3A_2511, %get3A_2512] {strides = array<i32>} : memref<10x128xi32, #tpu.memory_space<vmem>>, vector<1x16xi32>,
        %get3A_2514 = vector.shape_cast %get3A_2513 : vector<1x16xi32> to vector<16xi32>
        %shift_left3A_2515 = arith.constant 16 : i32
        %shift_left3A_2516 = vector.broadcast %shift_left3A_2515 : i32 to vector<16xi32>
        %shift_left3A_2517 = arith.shli %get3A_2514, %shift_left3A_2516 : vector<16xi32>
        %bitcast_convert_type3A_2518 = tpu.bitcast %shift_left3A_2517 : vector<16xi32> -> vector<16xf32>
        %and3A_2519 = arith.constant -65536 : i32
        %and3A_2520 = vector.broadcast %and3A_2519 : i32 to vector<16xi32>
        %and3A_2521 = arith.andi %get3A_2514, %and3A_2520 : vector<16xi32>
        %bitcast_convert_type3A_2522 = tpu.bitcast %and3A_2521 : vector<16xi32> -> vector<16xf32>
        %mul3A_2523 = arith.mulf %mul3A_2492, %bitcast_convert_type3A_2518 : vector<16xf32>
        %add3A_2524 = arith.addf %add3A_2488, %mul3A_2523 : vector<16xf32>
        %mul3A_2525 = arith.mulf %mul3A_2492, %bitcast_convert_type3A_2522 : vector<16xf32>
        %add3A_2526 = arith.addf %add3A_2490, %mul3A_2525 : vector<16xf32>
        %mul3A_2527 = arith.mulf %mul3A_2491, %sub3A_2272 : vector<16xf32>
        %get3A_2528 = arith.constant 8 : i32
        %get3A_2529 = arith.index_cast %get3A_2528 : i32 to index
        %get3A_2530 = arith.constant 112 : index
        %get3A_2531 = tpu.vector_load %arg11[%get3A_2529, %get3A_2530] {strides = array<i32>} : memref<10x128xi32, #tpu.memory_space<vmem>>, vector<1x16xi32>,
        %get3A_2532 = vector.shape_cast %get3A_2531 : vector<1x16xi32> to vector<16xi32>
        %shift_left3A_2533 = arith.constant 16 : i32
        %shift_left3A_2534 = vector.broadcast %shift_left3A_2533 : i32 to vector<16xi32>
        %shift_left3A_2535 = arith.shli %get3A_2532, %shift_left3A_2534 : vector<16xi32>
        %bitcast_convert_type3A_2536 = tpu.bitcast %shift_left3A_2535 : vector<16xi32> -> vector<16xf32>
        %and3A_2537 = arith.constant -65536 : i32
        %and3A_2538 = vector.broadcast %and3A_2537 : i32 to vector<16xi32>
        %and3A_2539 = arith.andi %get3A_2532, %and3A_2538 : vector<16xi32>
        %bitcast_convert_type3A_2540 = tpu.bitcast %and3A_2539 : vector<16xi32> -> vector<16xf32>
        %mul3A_2541 = arith.mulf %mul3A_2527, %bitcast_convert_type3A_2536 : vector<16xf32>
        %add3A_2542 = arith.addf %add3A_2507, %mul3A_2541 : vector<16xf32>
        %mul3A_2543 = arith.mulf %mul3A_2527, %bitcast_convert_type3A_2540 : vector<16xf32>
        %add3A_2544 = arith.addf %add3A_2509, %mul3A_2543 : vector<16xf32>
        %get3A_2545 = arith.constant 9 : i32
        %get3A_2546 = arith.index_cast %get3A_2545 : i32 to index
        %get3A_2547 = arith.constant 112 : index
        %get3A_2548 = tpu.vector_load %arg11[%get3A_2546, %get3A_2547] {strides = array<i32>} : memref<10x128xi32, #tpu.memory_space<vmem>>, vector<1x16xi32>,
        %get3A_2549 = vector.shape_cast %get3A_2548 : vector<1x16xi32> to vector<16xi32>
        %shift_left3A_2550 = arith.constant 16 : i32
        %shift_left3A_2551 = vector.broadcast %shift_left3A_2550 : i32 to vector<16xi32>
        %shift_left3A_2552 = arith.shli %get3A_2549, %shift_left3A_2551 : vector<16xi32>
        %bitcast_convert_type3A_2553 = tpu.bitcast %shift_left3A_2552 : vector<16xi32> -> vector<16xf32>
        %and3A_2554 = arith.constant -65536 : i32
        %and3A_2555 = vector.broadcast %and3A_2554 : i32 to vector<16xi32>
        %and3A_2556 = arith.andi %get3A_2549, %and3A_2555 : vector<16xi32>
        %bitcast_convert_type3A_2557 = tpu.bitcast %and3A_2556 : vector<16xi32> -> vector<16xf32>
        %mul3A_2558 = arith.mulf %mul3A_2527, %bitcast_convert_type3A_2553 : vector<16xf32>
        %add3A_2559 = arith.addf %add3A_2524, %mul3A_2558 : vector<16xf32>
        %mul3A_2560 = arith.mulf %mul3A_2527, %bitcast_convert_type3A_2557 : vector<16xf32>
        %add3A_2561 = arith.addf %add3A_2526, %mul3A_2560 : vector<16xf32>
        %add3A_2562 = arith.addi %mul3A_43, %mul3A_61 : i32
        %swap3A_2563 = arith.constant 16 : i32
        %swap3A_2564 = arith.index_cast %swap3A_2563 : i32 to index
        %swap3A_2565 = arith.index_cast %add3A_2562 : i32 to index
        %swap3A_2566 = tpu.vector_load %arg9[%swap3A_2564, %swap3A_2565] {strides = array<i32>} : memref<20x2048xf32, #tpu.memory_space<vmem>>, vector<1x16xf32>,
        %swap3A_2567 = vector.shape_cast %swap3A_2566 : vector<1x16xf32> to vector<16xf32>
        %swap3A_2568 = vector.shape_cast %add3A_2542 : vector<16xf32> to vector<1x16xf32>
        tpu.vector_store %arg9[%swap3A_2564, %swap3A_2565], %swap3A_2568 {strides = array<i32>} : memref<20x2048xf32, #tpu.memory_space<vmem>>, vector<1x16xf32>,
        %add3A_2569 = arith.addi %mul3A_43, %mul3A_61 : i32
        %swap3A_2570 = arith.constant 17 : i32
        %swap3A_2571 = arith.index_cast %swap3A_2570 : i32 to index
        %swap3A_2572 = arith.index_cast %add3A_2569 : i32 to index
        %swap3A_2573 = tpu.vector_load %arg9[%swap3A_2571, %swap3A_2572] {strides = array<i32>} : memref<20x2048xf32, #tpu.memory_space<vmem>>, vector<1x16xf32>,
        %swap3A_2574 = vector.shape_cast %swap3A_2573 : vector<1x16xf32> to vector<16xf32>
        %swap3A_2575 = vector.shape_cast %add3A_2544 : vector<16xf32> to vector<1x16xf32>
        tpu.vector_store %arg9[%swap3A_2571, %swap3A_2572], %swap3A_2575 {strides = array<i32>} : memref<20x2048xf32, #tpu.memory_space<vmem>>, vector<1x16xf32>,
        %add3A_2576 = arith.addi %mul3A_43, %mul3A_61 : i32
        %swap3A_2577 = arith.constant 18 : i32
        %swap3A_2578 = arith.index_cast %swap3A_2577 : i32 to index
        %swap3A_2579 = arith.index_cast %add3A_2576 : i32 to index
        %swap3A_2580 = tpu.vector_load %arg9[%swap3A_2578, %swap3A_2579] {strides = array<i32>} : memref<20x2048xf32, #tpu.memory_space<vmem>>, vector<1x16xf32>,
        %swap3A_2581 = vector.shape_cast %swap3A_2580 : vector<1x16xf32> to vector<16xf32>
        %swap3A_2582 = vector.shape_cast %add3A_2559 : vector<16xf32> to vector<1x16xf32>
        tpu.vector_store %arg9[%swap3A_2578, %swap3A_2579], %swap3A_2582 {strides = array<i32>} : memref<20x2048xf32, #tpu.memory_space<vmem>>, vector<1x16xf32>,
        %add3A_2583 = arith.addi %mul3A_43, %mul3A_61 : i32
        %swap3A_2584 = arith.constant 19 : i32
        %swap3A_2585 = arith.index_cast %swap3A_2584 : i32 to index
        %swap3A_2586 = arith.index_cast %add3A_2583 : i32 to index
        %swap3A_2587 = tpu.vector_load %arg9[%swap3A_2585, %swap3A_2586] {strides = array<i32>} : memref<20x2048xf32, #tpu.memory_space<vmem>>, vector<1x16xf32>,
        %swap3A_2588 = vector.shape_cast %swap3A_2587 : vector<1x16xf32> to vector<16xf32>
        %swap3A_2589 = vector.shape_cast %add3A_2561 : vector<16xf32> to vector<1x16xf32>
        tpu.vector_store %arg9[%swap3A_2585, %swap3A_2586], %swap3A_2589 {strides = array<i32>} : memref<20x2048xf32, #tpu.memory_space<vmem>>, vector<1x16xf32>,
      }
      %scan3A_51 = arith.constant 64 : i32
      %convert_element_type3A_52 = arith.extui %eq3A_0 : i1 to i32
      %cond3A_53 = arith.constant 0 : i32
      %cond3A_54 = arith.cmpi ne, %convert_element_type3A_52, %cond3A_53 : i32
      scf.if %cond3A_54 {
        %dma_start3A = arith.constant 0 : i32
        %dma_start3A_59 = tpu.memref_slice %arg9[%dma_start3A, %mul3A_43] : memref<20x2048xf32, #tpu.memory_space<vmem>> -> memref<20x1024xf32, #tpu.memory_space<vmem>>
        %dma_start3A_60 = arith.constant 0 : i32
        %dma_start3A_61 = tpu.memref_slice %arg6[%dma_start3A_60, %add3A] : memref<20x524288xf32, #tpu.memory_space<hbm>> -> memref<20x1024xf32, #tpu.memory_space<hbm>>
        %dma_start3A_62 = arith.constant 0 : i32
        %dma_start3A_63 = tpu.memref_slice %arg6[%dma_start3A_62, %add3A] : memref<20x524288xf32, #tpu.memory_space<hbm>> -> memref<20x1024xf32, #tpu.memory_space<hbm>>
        %dma_start3A_64 = arith.constant 0 : i32
        %dma_start3A_65 = tpu.memref_slice %arg9[%dma_start3A_64, %mul3A_43] : memref<20x2048xf32, #tpu.memory_space<vmem>> -> memref<20x1024xf32, #tpu.memory_space<vmem>>
        tpu.enqueue_dma source(%dma_start3A_65 : memref<20x1024xf32, #tpu.memory_space<vmem>>) target(%dma_start3A_63 : memref<20x1024xf32, #tpu.memory_space<hbm>>) target_semaphore(%arg18 : memref<!tpu.dma_semaphore, #tpu.memory_space<semaphore_mem>>)
      } else {
      }
      %not3A = arith.constant true
      %not3A_55 = arith.xori %eq3A_0, %not3A : i1
      %convert_element_type3A_56 = arith.extui %not3A_55 : i1 to i32
      %cond3A_57 = arith.constant 0 : i32
      %cond3A_58 = arith.cmpi ne, %convert_element_type3A_56, %cond3A_57 : i32
      scf.if %cond3A_58 {
        %dma_start3A = arith.constant 0 : i32
        %dma_start3A_59 = tpu.memref_slice %arg9[%dma_start3A, %mul3A_43] : memref<20x2048xf32, #tpu.memory_space<vmem>> -> memref<20x1024xf32, #tpu.memory_space<vmem>>
        %dma_start3A_60 = arith.constant 0 : i32
        %dma_start3A_61 = tpu.memref_slice %arg7[%dma_start3A_60, %add3A] : memref<20x524288xf32, #tpu.memory_space<hbm>> -> memref<20x1024xf32, #tpu.memory_space<hbm>>
        %dma_start3A_62 = arith.constant 0 : i32
        %dma_start3A_63 = tpu.memref_slice %arg7[%dma_start3A_62, %add3A] : memref<20x524288xf32, #tpu.memory_space<hbm>> -> memref<20x1024xf32, #tpu.memory_space<hbm>>
        %dma_start3A_64 = arith.constant 0 : i32
        %dma_start3A_65 = tpu.memref_slice %arg9[%dma_start3A_64, %mul3A_43] : memref<20x2048xf32, #tpu.memory_space<vmem>> -> memref<20x1024xf32, #tpu.memory_space<vmem>>
        tpu.enqueue_dma source(%dma_start3A_65 : memref<20x1024xf32, #tpu.memory_space<vmem>>) target(%dma_start3A_63 : memref<20x1024xf32, #tpu.memory_space<hbm>>) target_semaphore(%arg18 : memref<!tpu.dma_semaphore, #tpu.memory_space<semaphore_mem>>)
      } else {
      }
    }
    %scan3A_14 = arith.constant 32 : i32
    %dma_wait3A = arith.constant 0 : i32
    %dma_wait3A_15 = arith.constant 0 : i32
    %dma_wait3A_16 = tpu.memref_slice %arg9[%dma_wait3A, %dma_wait3A_15] : memref<20x2048xf32, #tpu.memory_space<vmem>> -> memref<20x1024xf32, #tpu.memory_space<vmem>>
    %dma_wait3A_17 = arith.constant 0 : i32
    %dma_wait3A_18 = arith.constant 0 : i32
    %dma_wait3A_19 = tpu.memref_slice %arg6[%dma_wait3A_17, %dma_wait3A_18] : memref<20x524288xf32, #tpu.memory_space<hbm>> -> memref<20x1024xf32, #tpu.memory_space<hbm>>
    %dma_wait3A_20 = arith.constant 0 : i32
    %dma_wait3A_21 = arith.constant 0 : i32
    %dma_wait3A_22 = tpu.memref_slice %arg6[%dma_wait3A_20, %dma_wait3A_21] : memref<20x524288xf32, #tpu.memory_space<hbm>> -> memref<20x1024xf32, #tpu.memory_space<hbm>>
    %dma_wait3A_23 = arith.constant 0 : i32
    %dma_wait3A_24 = arith.constant 0 : i32
    %dma_wait3A_25 = tpu.memref_slice %arg9[%dma_wait3A_23, %dma_wait3A_24] : memref<20x2048xf32, #tpu.memory_space<vmem>> -> memref<20x1024xf32, #tpu.memory_space<vmem>>
    tpu.wait_dma2 semaphore(%arg18 : memref<!tpu.dma_semaphore, #tpu.memory_space<semaphore_mem>>) src(%dma_wait3A_25 : memref<20x1024xf32, #tpu.memory_space<vmem>>) dst(%dma_wait3A_22 : memref<20x1024xf32, #tpu.memory_space<hbm>>)
    %dma_wait3A_26 = arith.constant 0 : i32
    %dma_wait3A_27 = arith.constant 0 : i32
    %dma_wait3A_28 = tpu.memref_slice %arg9[%dma_wait3A_26, %dma_wait3A_27] : memref<20x2048xf32, #tpu.memory_space<vmem>> -> memref<20x1024xf32, #tpu.memory_space<vmem>>
    %dma_wait3A_29 = arith.constant 0 : i32
    %dma_wait3A_30 = arith.constant 0 : i32
    %dma_wait3A_31 = tpu.memref_slice %arg6[%dma_wait3A_29, %dma_wait3A_30] : memref<20x524288xf32, #tpu.memory_space<hbm>> -> memref<20x1024xf32, #tpu.memory_space<hbm>>
    %dma_wait3A_32 = arith.constant 0 : i32
    %dma_wait3A_33 = arith.constant 0 : i32
    %dma_wait3A_34 = tpu.memref_slice %arg6[%dma_wait3A_32, %dma_wait3A_33] : memref<20x524288xf32, #tpu.memory_space<hbm>> -> memref<20x1024xf32, #tpu.memory_space<hbm>>
    %dma_wait3A_35 = arith.constant 0 : i32
    %dma_wait3A_36 = arith.constant 0 : i32
    %dma_wait3A_37 = tpu.memref_slice %arg9[%dma_wait3A_35, %dma_wait3A_36] : memref<20x2048xf32, #tpu.memory_space<vmem>> -> memref<20x1024xf32, #tpu.memory_space<vmem>>
    tpu.wait_dma2 semaphore(%arg18 : memref<!tpu.dma_semaphore, #tpu.memory_space<semaphore_mem>>) src(%dma_wait3A_37 : memref<20x1024xf32, #tpu.memory_space<vmem>>) dst(%dma_wait3A_34 : memref<20x1024xf32, #tpu.memory_space<hbm>>)
    return
  }
}

module attributes {stable_mosaic.version = 14 : i64} {
  func.func @body(%arg0: i32, %arg1: memref<20x2048xf32, #tpu.memory_space<vmem>>, %arg2: memref<20x2048xf32, #tpu.memory_space<vmem>>, %arg3: memref<1x2048xf32, #tpu.memory_space<vmem>>, %arg4: memref<40x64xf32, #tpu.memory_space<vmem>>, %arg5: memref<1x64xf32, #tpu.memory_space<vmem>>, %arg6: memref<64x64xf32, #tpu.memory_space<vmem>>, %arg7: memref<1x64xf32, #tpu.memory_space<vmem>>, %arg8: memref<64x13xf32, #tpu.memory_space<vmem>>, %arg9: memref<1x13xf32, #tpu.memory_space<vmem>>, %arg10: memref<13x2048xf32, #tpu.memory_space<vmem>>) attributes {dimension_semantics = [#tpu.dimension_semantics<arbitrary>], iteration_bounds = array<i64: 256>, scalar_prefetch = 0 : i64, scratch_operands = 0 : i64, tpu.core_type = #tpu.core_type<tc>, window_params = [{transform_indices = @transform_0, window_bounds = array<i64: 20, 2048>}, {transform_indices = @transform_1, window_bounds = array<i64: 20, 2048>}, {transform_indices = @transform_2, window_bounds = array<i64: 1, 2048>}, {pipeline_mode = #tpu.pipeline_mode<synchronous>, transform_indices = @transform_3, window_bounds = array<i64: 40, 64>}, {pipeline_mode = #tpu.pipeline_mode<synchronous>, transform_indices = @transform_4, window_bounds = array<i64: 1, 64>}, {pipeline_mode = #tpu.pipeline_mode<synchronous>, transform_indices = @transform_5, window_bounds = array<i64: 64, 64>}, {pipeline_mode = #tpu.pipeline_mode<synchronous>, transform_indices = @transform_6, window_bounds = array<i64: 1, 64>}, {pipeline_mode = #tpu.pipeline_mode<synchronous>, transform_indices = @transform_7, window_bounds = array<i64: 64, 13>}, {pipeline_mode = #tpu.pipeline_mode<synchronous>, transform_indices = @transform_8, window_bounds = array<i64: 1, 13>}, {transform_indices = @transform_9, window_bounds = array<i64: 13, 2048>}]} {
    %get3A = arith.constant 0 : index
    %get3A_0 = arith.constant 0 : index
    %get3A_1 = vector.load %arg3[%get3A, %get3A_0] : memref<1x2048xf32, #tpu.memory_space<vmem>>, vector<1x2048xf32>
    %iota3A = tpu.iota {dimensions = array<i32: 0>} : vector<20x2048xi32>
    %jit3A = arith.constant 10 : i32
    %eq3A = arith.constant 0 : i32
    %eq3A_2 = arith.cmpi eq, %jit3A, %eq3A : i32
    %jit3A_3 = arith.constant 1 : i32
    %select_n3A = arith.select %eq3A_2, %jit3A_3, %jit3A : i32
    %rem3A = vector.broadcast %select_n3A : i32 to vector<20x2048xi32>
    %rem3A_4 = arith.remsi %iota3A, %rem3A : vector<20x2048xi32>
    %ne3A = arith.constant 0 : i32
    %ne3A_5 = vector.broadcast %ne3A : i32 to vector<20x2048xi32>
    %ne3A_6 = arith.cmpi ne, %rem3A_4, %ne3A_5 : vector<20x2048xi32>
    %lt3A = arith.constant 0 : i32
    %lt3A_7 = vector.broadcast %lt3A : i32 to vector<20x2048xi32>
    %lt3A_8 = arith.cmpi slt, %rem3A_4, %lt3A_7 : vector<20x2048xi32>
    %lt3A_9 = arith.constant 0 : i32
    %lt3A_10 = arith.cmpi slt, %select_n3A, %lt3A_9 : i32
    %ne3A_11 = vector.broadcast %lt3A_10 : i1 to vector<20x2048xi1>
    %ne3A_12 = vector.broadcast %ne3A_11 : vector<20x2048xi1> to vector<20x2048xi1>
    %ne3A_13 = arith.xori %lt3A_8, %ne3A_12 : vector<20x2048xi1>
    %and3A = arith.andi %ne3A_13, %ne3A_6 : vector<20x2048xi1>
    %add3A = vector.broadcast %select_n3A : i32 to vector<20x2048xi32>
    %add3A_14 = arith.addi %rem3A_4, %add3A : vector<20x2048xi32>
    %select_n3A_15 = arith.select %and3A, %add3A_14, %rem3A_4 : vector<20x2048xi1>, vector<20x2048xi32>
    %convert_element_type3A = arith.sitofp %select_n3A_15 : vector<20x2048xi32> to vector<20x2048xf32>
    %mul3A = arith.constant 5.000000e-01 : f32
    %mul3A_16 = vector.broadcast %mul3A : f32 to vector<1x2048xf32>
    %mul3A_17 = arith.mulf %get3A_1, %mul3A_16 : vector<1x2048xf32>
    %mul3A_18 = arith.constant 8.000000e+00 : f32
    %mul3A_19 = vector.broadcast %mul3A_18 : f32 to vector<20x2048xf32>
    %mul3A_20 = arith.mulf %mul3A_19, %convert_element_type3A : vector<20x2048xf32>
    %mul3A_21 = vector.broadcast %mul3A_17 : vector<1x2048xf32> to vector<20x2048xf32>
    %mul3A_22 = arith.mulf %mul3A_20, %mul3A_21 : vector<20x2048xf32>
    %max3A = arith.constant 9.99999996E-13 : f32
    %max3A_23 = vector.broadcast %max3A : f32 to vector<20x2048xf32>
    %max3A_24 = arith.maximumf %mul3A_22, %max3A_23 : vector<20x2048xf32>
    %sqrt3A = math.sqrt %max3A_24 : vector<20x2048xf32>
    %max3A_25 = arith.constant 9.99999996E-13 : f32
    %max3A_26 = vector.broadcast %max3A_25 : f32 to vector<20x2048xf32>
    %max3A_27 = arith.maximumf %sqrt3A, %max3A_26 : vector<20x2048xf32>
    %div3A = arith.constant 1.000000e+00 : f32
    %div3A_28 = vector.broadcast %div3A : f32 to vector<20x2048xf32>
    %div3A_29 = arith.divf %div3A_28, %max3A_27 : vector<20x2048xf32>
    %erf3A = math.erf %div3A_29 : vector<20x2048xf32>
    %get3A_30 = arith.constant 0 : index
    %get3A_31 = arith.constant 0 : index
    %get3A_32 = vector.load %arg4[%get3A_30, %get3A_31] : memref<40x64xf32, #tpu.memory_space<vmem>>, vector<40x64xf32>
    %get3A_33 = arith.constant 0 : index
    %get3A_34 = arith.constant 0 : index
    %get3A_35 = vector.load %arg1[%get3A_33, %get3A_34] : memref<20x2048xf32, #tpu.memory_space<vmem>>, vector<20x2048xf32>
    %mul3A_36 = arith.mulf %get3A_35, %erf3A : vector<20x2048xf32>
    %slice3A = vector.extract_strided_slice %get3A_32 {offsets = [0, 0], sizes = [20, 64], strides = [1, 1]} : vector<40x64xf32> to vector<20x64xf32>
    %dot_general3A = arith.constant dense<0.000000e+00> : vector<2048x64xf32>
    %dot_general3A_37 = tpu.matmul %mul3A_36, %slice3A, %dot_general3A {dimension_numbers = #tpu.dot_dimension_numbers<[0], [0], [1], [1], [0, 1, 1, 1], [], []>, transpose_lhs_hint = false} : vector<20x2048xf32>, vector<20x64xf32>, vector<2048x64xf32> -> vector<2048x64xf32>
    %get3A_38 = arith.constant 0 : index
    %get3A_39 = arith.constant 0 : index
    %get3A_40 = vector.load %arg2[%get3A_38, %get3A_39] : memref<20x2048xf32, #tpu.memory_space<vmem>>, vector<20x2048xf32>
    %mul3A_41 = arith.mulf %get3A_40, %erf3A : vector<20x2048xf32>
    %slice3A_42 = vector.extract_strided_slice %get3A_32 {offsets = [20, 0], sizes = [20, 64], strides = [1, 1]} : vector<40x64xf32> to vector<20x64xf32>
    %dot_general3A_43 = arith.constant dense<0.000000e+00> : vector<2048x64xf32>
    %dot_general3A_44 = tpu.matmul %mul3A_41, %slice3A_42, %dot_general3A_43 {dimension_numbers = #tpu.dot_dimension_numbers<[0], [0], [1], [1], [0, 1, 1, 1], [], []>, transpose_lhs_hint = false} : vector<20x2048xf32>, vector<20x64xf32>, vector<2048x64xf32> -> vector<2048x64xf32>
    %add3A_45 = arith.addf %dot_general3A_37, %dot_general3A_44 : vector<2048x64xf32>
    %get3A_46 = arith.constant 0 : index
    %get3A_47 = arith.constant 0 : index
    %get3A_48 = vector.load %arg5[%get3A_46, %get3A_47] : memref<1x64xf32, #tpu.memory_space<vmem>>, vector<1x64xf32>
    %add3A_49 = vector.broadcast %get3A_48 : vector<1x64xf32> to vector<2048x64xf32>
    %add3A_50 = arith.addf %add3A_45, %add3A_49 : vector<2048x64xf32>
    %gt3A = arith.constant 0.000000e+00 : f32
    %gt3A_51 = vector.broadcast %gt3A : f32 to vector<2048x64xf32>
    %gt3A_52 = arith.cmpf ogt, %add3A_50, %gt3A_51 : vector<2048x64xf32>
    %exp3A = math.exp %add3A_50 : vector<2048x64xf32>
    %sub3A = arith.constant 1.000000e+00 : f32
    %sub3A_53 = vector.broadcast %sub3A : f32 to vector<2048x64xf32>
    %sub3A_54 = arith.subf %exp3A, %sub3A_53 : vector<2048x64xf32>
    %mul3A_55 = arith.constant 1.67326319 : f32
    %mul3A_56 = vector.broadcast %mul3A_55 : f32 to vector<2048x64xf32>
    %mul3A_57 = arith.mulf %mul3A_56, %sub3A_54 : vector<2048x64xf32>
    %select_n3A_58 = arith.select %gt3A_52, %add3A_50, %mul3A_57 : vector<2048x64xi1>, vector<2048x64xf32>
    %mul3A_59 = arith.constant 1.05070102 : f32
    %mul3A_60 = vector.broadcast %mul3A_59 : f32 to vector<2048x64xf32>
    %mul3A_61 = arith.mulf %mul3A_60, %select_n3A_58 : vector<2048x64xf32>
    %get3A_62 = arith.constant 0 : index
    %get3A_63 = arith.constant 0 : index
    %get3A_64 = vector.load %arg6[%get3A_62, %get3A_63] : memref<64x64xf32, #tpu.memory_space<vmem>>, vector<64x64xf32>
    %dot_general3A_65 = arith.constant dense<0.000000e+00> : vector<2048x64xf32>
    %dot_general3A_66 = tpu.matmul %mul3A_61, %get3A_64, %dot_general3A_65 {dimension_numbers = #tpu.dot_dimension_numbers<[1], [0], [0], [1], [0, 0, 1, 1], [], []>, transpose_lhs_hint = false} : vector<2048x64xf32>, vector<64x64xf32>, vector<2048x64xf32> -> vector<2048x64xf32>
    %get3A_67 = arith.constant 0 : index
    %get3A_68 = arith.constant 0 : index
    %get3A_69 = vector.load %arg7[%get3A_67, %get3A_68] : memref<1x64xf32, #tpu.memory_space<vmem>>, vector<1x64xf32>
    %add3A_70 = vector.broadcast %get3A_69 : vector<1x64xf32> to vector<2048x64xf32>
    %add3A_71 = arith.addf %dot_general3A_66, %add3A_70 : vector<2048x64xf32>
    %gt3A_72 = arith.constant 0.000000e+00 : f32
    %gt3A_73 = vector.broadcast %gt3A_72 : f32 to vector<2048x64xf32>
    %gt3A_74 = arith.cmpf ogt, %add3A_71, %gt3A_73 : vector<2048x64xf32>
    %exp3A_75 = math.exp %add3A_71 : vector<2048x64xf32>
    %sub3A_76 = arith.constant 1.000000e+00 : f32
    %sub3A_77 = vector.broadcast %sub3A_76 : f32 to vector<2048x64xf32>
    %sub3A_78 = arith.subf %exp3A_75, %sub3A_77 : vector<2048x64xf32>
    %mul3A_79 = arith.constant 1.67326319 : f32
    %mul3A_80 = vector.broadcast %mul3A_79 : f32 to vector<2048x64xf32>
    %mul3A_81 = arith.mulf %mul3A_80, %sub3A_78 : vector<2048x64xf32>
    %select_n3A_82 = arith.select %gt3A_74, %add3A_71, %mul3A_81 : vector<2048x64xi1>, vector<2048x64xf32>
    %mul3A_83 = arith.constant 1.05070102 : f32
    %mul3A_84 = vector.broadcast %mul3A_83 : f32 to vector<2048x64xf32>
    %mul3A_85 = arith.mulf %mul3A_84, %select_n3A_82 : vector<2048x64xf32>
    %get3A_86 = arith.constant 0 : index
    %get3A_87 = arith.constant 0 : index
    %get3A_88 = vector.load %arg8[%get3A_86, %get3A_87] : memref<64x13xf32, #tpu.memory_space<vmem>>, vector<64x13xf32>
    %dot_general3A_89 = arith.constant dense<0.000000e+00> : vector<13x2048xf32>
    %dot_general3A_90 = tpu.matmul %get3A_88, %mul3A_85, %dot_general3A_89 {dimension_numbers = #tpu.dot_dimension_numbers<[0], [1], [1], [0], [0, 1, 1, 0], [], []>, transpose_lhs_hint = false} : vector<64x13xf32>, vector<2048x64xf32>, vector<13x2048xf32> -> vector<13x2048xf32>
    %get3A_91 = arith.constant 0 : index
    %get3A_92 = arith.constant 0 : index
    %get3A_93 = vector.load %arg9[%get3A_91, %get3A_92] : memref<1x13xf32, #tpu.memory_space<vmem>>, vector<1x13xf32>
    %reshape3A = vector.shape_cast %get3A_93 : vector<1x13xf32> to vector<13x1xf32>
    %add3A_94 = vector.broadcast %reshape3A : vector<13x1xf32> to vector<13x2048xf32>
    %add3A_95 = arith.addf %dot_general3A_90, %add3A_94 : vector<13x2048xf32>
    %swap3A = arith.constant 0 : index
    %swap3A_96 = arith.constant 0 : index
    %swap3A_97 = vector.load %arg10[%swap3A, %swap3A_96] : memref<13x2048xf32, #tpu.memory_space<vmem>>, vector<13x2048xf32>
    tpu.vector_store %arg10[%swap3A, %swap3A_96], %add3A_95 {strides = array<i32>} : memref<13x2048xf32, #tpu.memory_space<vmem>>, vector<13x2048xf32>,
    return
  }
  func.func @transform_0(%arg0: i32) -> (i32, i32) {
    %c0_i32 = arith.constant 0 : i32
    %c0_i32_0 = arith.constant 0 : i32
    return %c0_i32, %arg0 : i32, i32
  }
  func.func @transform_1(%arg0: i32) -> (i32, i32) {
    %c0_i32 = arith.constant 0 : i32
    %c0_i32_0 = arith.constant 0 : i32
    return %c0_i32, %arg0 : i32, i32
  }
  func.func @transform_2(%arg0: i32) -> (i32, i32) {
    %c0_i32 = arith.constant 0 : i32
    %c0_i32_0 = arith.constant 0 : i32
    return %c0_i32, %arg0 : i32, i32
  }
  func.func @transform_3(%arg0: i32) -> (i32, i32) {
    %c0_i32 = arith.constant 0 : i32
    %c0_i32_0 = arith.constant 0 : i32
    %c0_i32_1 = arith.constant 0 : i32
    return %c0_i32, %c0_i32_0 : i32, i32
  }
  func.func @transform_4(%arg0: i32) -> (i32, i32) {
    %c0_i32 = arith.constant 0 : i32
    %c0_i32_0 = arith.constant 0 : i32
    %c0_i32_1 = arith.constant 0 : i32
    return %c0_i32, %c0_i32_0 : i32, i32
  }
  func.func @transform_5(%arg0: i32) -> (i32, i32) {
    %c0_i32 = arith.constant 0 : i32
    %c0_i32_0 = arith.constant 0 : i32
    %c0_i32_1 = arith.constant 0 : i32
    return %c0_i32, %c0_i32_0 : i32, i32
  }
  func.func @transform_6(%arg0: i32) -> (i32, i32) {
    %c0_i32 = arith.constant 0 : i32
    %c0_i32_0 = arith.constant 0 : i32
    %c0_i32_1 = arith.constant 0 : i32
    return %c0_i32, %c0_i32_0 : i32, i32
  }
  func.func @transform_7(%arg0: i32) -> (i32, i32) {
    %c0_i32 = arith.constant 0 : i32
    %c0_i32_0 = arith.constant 0 : i32
    %c0_i32_1 = arith.constant 0 : i32
    return %c0_i32, %c0_i32_0 : i32, i32
  }
  func.func @transform_8(%arg0: i32) -> (i32, i32) {
    %c0_i32 = arith.constant 0 : i32
    %c0_i32_0 = arith.constant 0 : i32
    %c0_i32_1 = arith.constant 0 : i32
    return %c0_i32, %c0_i32_0 : i32, i32
  }
  func.func @transform_9(%arg0: i32) -> (i32, i32) {
    %c0_i32 = arith.constant 0 : i32
    %c0_i32_0 = arith.constant 0 : i32
    return %c0_i32, %arg0 : i32, i32
  }
}

</mosaic_0001>

<sc_bundles>
// kernel: kernel.4.cloned.1.call-start
scs
__scs_entry_jumppad:
0x0: {  	(pc) =	sbr.rel $0x88, $3  }
0x1: {  	(tag) =	ssettag $0x0;
	lr =	simm.s32 $0x1  }
0x2: {  	[smem:$0x3F98] =	sst lr;
	_ =	strace $0xD0000000  }
0x3: {  	_ = 	snop  }
0x4: {  	_ = 	snop  }
0x5: {  	_ = 	snop  }
0x6: {  	_ = 	snop  }
0x7: {  	_ = 	snop  }
__scs_overlays_trampoline_lowered:
0x8: {  	[smem:$0x3FA7] =	sst s0  }
0x9: {  	[smem:$0x3FA8] =	sst s1  }
0xa: {  	[smem:$0x3FA9] =	sst s2  }
0xb: {  	[smem:$0x3FAA] =	sst s3  }
0xc: {  	[smem:$0x3FAB] =	sst s4  }
0xd: {  	[smem:$0x3FAC] =	sst s5  }
0xe: {  	[smem:$0x3FAD] =	sst s6  }
0xf: {  	[smem:$0x3FAE] =	sst s7  }
0x10: {  	[smem:$0x3FAF] =	sst s8  }
0x11: {  	[smem:$0x3FB0] =	sst s9;
	s0 =	simm.s32 @!p0 $0x0  }
0x12: {  	s1 =	sld [smem:$0x3F96];
	s0 =	simm.s32 @p0 $0x1  }
0x13: {  	[smem:$0x3FB1] =	sst s0;
	s0 =	simm.s32 @!p1 $0x0  }
0x14: {  	s2 =	sld [smem:$0x3F95];
	s0 =	simm.s32 @p1 $0x1  }
0x15: {  	[smem:$0x3FB2] =	sst s0;
	s0 =	simm.s32 @!p2 $0x0  }
0x16: {  	s3 =	sld [smem:$0x3FDB];
	s0 =	simm.s32 @p2 $0x1  }
0x17: {  	s4 =	simm.s32 $0x1BF5;
	[smem:$0x3FB4] =	sst s0  }
0x18: {  	s0 =	sld [smem:$0x3F97];
	_ =	swait.ge [sflag:s4], $0x0  }
0x19: {  	s7 =	sld [smem:$0x3F98]  }
0x1a: {  	s8 =	sadd.s32 $0xFFFFE003, lr  }
0x1b: {  	s9 =	sadd.s32 $0xFFFFFEF7, lr;
	s5 =	simm.s32 $0xFFFFFFFF;
	p2 =	slt.u32 s8, $0xFFFFF086  }
0x1c: {  	p1 =	slt.u32 s9, $0xF7A;
	s5 =	simm.s32 @!p2 $0x0  }
0x1d: {  	s5 =	simm.s32 @p1 $0x1;
	p0 =	seq.s32 s7, s2  }
0x1e: {  	s7 =	smul.u32 @!p0 $0xF7A, s2;
	p2 =	seq.s32 @!p0 s5, $0x0  }
0x1f: {  	s9 =	smul.u32 $0xF7A, s1;
	s8 =	simm.s32 @!p0 $0x1BF5;
	p2 =	por !p2, p0  }
0x20: {  	[sflag:s8] =	ssyncset.s32 @!p0 $0xFFFFF086;
	s6 =	sadd.s32 @!p0 s3, s7;
	s7 =	simm.s32 @!p0 $0x108  }
0x21: {  	s3 =	sadd.s32 s3, s9;
	s6 =	sadd.s32 @!p0 $0x88, s6;
	s7 =	simm.s32 @p2 $0x1082  }
0x22: {  	[simem:s7], [sflag:s8] =	dma.local @!p0 [hbm:s6], $0xF7A  }
0x23: {  	s9 =	sor.u32 $0xD0000000, s2;
	s6 =	simm.s32 $0x108;
	_ =	swait.ge @!p0 [sflag:s8], $0x0  }
0x24: {  	s3 =	sadd.s32 $0x88, s3;
	s6 =	simm.s32 @!p1 $0x1082;
	[sflag:s4] =	ssyncset.s32 $0xFFFFF086  }
0x25: {  	[simem:s6], [sflag:s4] =	dma.local [hbm:s3], $0xF7A  }
0x26: {  	[smem:$0x3F98] =	sst s1;
	(tag) =	ssettag s2;
	_ =	strace s9  }
0x27: {  	s1 =	sld [smem:$0x3FA8]  }
0x28: {  	s2 =	sld [smem:$0x3FA9]  }
0x29: {  	s4 =	sld [smem:$0x3FAB]  }
0x2a: {  	p0 =	seq.s32 s5, $0x0;
	s5 =	sld [smem:$0x3FAC]  }
0x2b: {  	s6 =	sld [smem:$0x3FAD]  }
0x2c: {  	s7 =	sld [smem:$0x3FAE]  }
0x2d: {  	s3 =	simm.s32 $0x108;
	s8 =	sld [smem:$0x3FAF]  }
0x2e: {  	s3 =	simm.s32 @!p0 $0x1082;
	s9 =	sld [smem:$0x3FB0]  }
0x2f: {  	lr =	sadd.s32 s0, s3;
	s0 =	sld [smem:$0x3FA7]  }
0x30: {  	s3 =	sld [smem:$0x3FAA]  }
0x31: {  	[smem:$0x3FB3] =	sst s10  }
0x32: {  	s10 =	sld [smem:$0x3FB1];
	_ =	sdelay $0x3  }
0x33: {  	p0 =	seq.s32 s10, $0x1;
	s10 =	sld [smem:$0x3FB3];
	_ =	sdelay $0x3  }
0x34: {  	[smem:$0x3FB3] =	sst s10  }
0x35: {  	s10 =	sld [smem:$0x3FB2];
	_ =	sdelay $0x3  }
0x36: {  	p1 =	seq.s32 s10, $0x1;
	s10 =	sld [smem:$0x3FB3];
	_ =	sdelay $0x3  }
0x37: {  	[smem:$0x3FB3] =	sst s10  }
0x38: {  	s10 =	sld [smem:$0x3FB4]  }
0x39: {  	_ = 	snop;
	(pc) =	sbr.ind lr, $3  }
0x3a: {  	_ = 	snop  }
0x3b: {  	_ = 	snop  }
0x3c: {  	p2 =	seq.s32 s10, $0x1;
	s10 =	sld [smem:$0x3FB3]  }
0x3d: {  	_ =	shalt  }
0x3e: {  	_ =	shalt  }
0x3f: {  	_ =	shalt  }
0x40: {  	_ =	shalt  }
0x41: {  	_ =	shalt  }
0x42: {  	_ =	shalt  }
0x43: {  	_ =	shalt  }
0x44: {  	_ =	shalt  }
0x45: {  	_ =	shalt  }
0x46: {  	_ =	shalt  }
0x47: {  	_ =	shalt  }
0x48: {  	_ =	shalt  }
0x49: {  	_ =	shalt  }
0x4a: {  	_ =	shalt  }
0x4b: {  	_ =	shalt  }
0x4c: {  	_ =	shalt  }
0x4d: {  	_ =	shalt  }
0x4e: {  	_ =	shalt  }
0x4f: {  	_ =	shalt  }
0x50: {  	_ =	shalt  }
0x51: {  	_ =	shalt  }
0x52: {  	_ =	shalt  }
0x53: {  	_ =	shalt  }
0x54: {  	_ =	shalt  }
0x55: {  	_ =	shalt  }
0x56: {  	_ =	shalt  }
0x57: {  	_ =	shalt  }
0x58: {  	_ =	shalt  }
0x59: {  	_ =	shalt  }
0x5a: {  	_ =	shalt  }
0x5b: {  	_ =	shalt  }
0x5c: {  	_ =	shalt  }
0x5d: {  	_ =	shalt  }
0x5e: {  	_ =	shalt  }
0x5f: {  	_ =	shalt  }
0x60: {  	_ =	shalt  }
0x61: {  	_ =	shalt  }
0x62: {  	_ =	shalt  }
0x63: {  	_ =	shalt  }
0x64: {  	_ =	shalt  }
0x65: {  	_ =	shalt  }
0x66: {  	_ =	shalt  }
0x67: {  	_ =	shalt  }
0x68: {  	_ =	shalt  }
0x69: {  	_ =	shalt  }
0x6a: {  	_ =	shalt  }
0x6b: {  	_ =	shalt  }
0x6c: {  	_ =	shalt  }
0x6d: {  	_ =	shalt  }
0x6e: {  	_ =	shalt  }
0x6f: {  	_ =	shalt  }
0x70: {  	_ =	shalt  }
0x71: {  	_ =	shalt  }
0x72: {  	_ =	shalt  }
0x73: {  	_ =	shalt  }
0x74: {  	_ =	shalt  }
0x75: {  	_ =	shalt  }
0x76: {  	_ =	shalt  }
0x77: {  	_ =	shalt  }
0x78: {  	_ =	shalt  }
0x79: {  	_ =	shalt  }
0x7a: {  	_ =	shalt  }
0x7b: {  	_ =	shalt  }
0x7c: {  	_ =	shalt  }
0x7d: {  	_ =	shalt  }
0x7e: {  	_ =	shalt  }
0x7f: {  	_ =	shalt  }
0x80: {  	_ =	shalt  }
0x81: {  	_ =	shalt  }
0x82: {  	_ =	shalt  }
0x83: {  	_ =	shalt  }
0x84: {  	_ =	shalt  }
0x85: {  	_ =	shalt  }
0x86: {  	_ =	shalt  }
0x87: {  	_ =	shalt  }
.Lfunc_end0:
.L_simem_size_0:
called_computation_lowered:
.L_overlay_start_0:
0x88: {  	s2 =	sld [smem:$0x3FD9]  }
0x89: {  	s3 =	sld [smem:$0x3FFE];
	_ =	sdelay $0x1  }
0x8a: {  	s1 =	srdreg.scid  }
0x8b: {  	s0 =	sand.u32 $0x1, s1  }
0x8c: {  	s17 =	sshll.u32 s0, $0xA;
	s2 =	sadd.s32 s3, s2  }
0x8d: {  	s2 =	sadd.s32 s2, s17  }
0x8e: {  	[smem:$0x3FBF] =	sst s2  }
0x8f: {  	_ = 	snop  }
0x90: {  	s2 =	sld [smem:$0x3FC7]  }
0x91: {  	s18 =	sld [smem:$0x3FD0];
	(tm) =	ssettm $0x1  }
0x92: {  	s4 =	sld [smem:$0x3FFB];
	_ =	sdelay $0x3  }
0x93: {  	_ =	strace s4  }
0x94: {  	s4 =	sld [smem:$0x3FFC];
	_ =	sdelay $0x3  }
0x95: {  	_ =	strace s4  }
0x96: {  	s4 =	sld [smem:$0x3FFD];
	_ =	sdelay $0x3  }
0x97: {  	_ =	strace s4  }
0x98: {  	_ =	strace $0x8FFFFFFF  }
0x99: {  	s19 =	sld [smem:$0x3FDB];
	_ =	sdelay $0x1  }
0x9a: {  	s5 =	simm.s32 $_scs_section_size  }
0x9b: {  	s6 =	simm.s32 $_size__tile_overlayer_lowered;
	s7 =	simm.s32 $_tile_overlayer_lowered  }
0x9c: {  	s22 =	simm.s32 $0x1BFF;
	s21 =	sshll.u32 s7, $0x1;
	s4 =	sadd.s32 s5, s19  }
0x9d: {  	s8 =	simm.s32 $0x0;
	s20 =	sshll.u32 s6, $0x1;
	s6 =	sadd.s32 s21, s4  }
0x9e: {  	[timem:s8], [sflag:s22] =	dma.local [hbm:s6], s20  }
0x9f: {  	_ =	swait.ge [sflag:s22], s20  }
0xa0: {  	s5 =	ssub.s32 $0x0, s20;
	[sflag:s22] =	ssyncset.done $0x0  }
0xa1: {  	[sflag:s22] =	ssyncadd.s32 s5;
	_ =	sdelay $0x1  }
0xa2: {  	s23 =	simm.s32 $0x1B8B  }
0xa3: {  	_ =	swait.ge [sflag:s23], $0x1  }
0xa4: {  	[sflag:s23] =	ssyncset.done $0x0  }
0xa5: {  	s25 =	simm.s32 $0x1B8E;
	s24 =	sld [smem:$0x3FFE];
	[sflag:s23] =	ssyncadd.s32 $0xFFFFFFFF  }
0xa6: {  	s26 =	simm.s32 $execute0_lowered;
	[smem:$0x3FD2] =	sst s25  }
0xa7: {  	s6 =	sshll.u32 s26, $0x1;
	_ =	strace $0x80000046;
	[dreg:$0x1] =	wrdreg $0xFFFFFFFF  }
0xa8: {  	s28 =	simm.s32 $_size_execute0_lowered;
	s4 =	sadd.s32 s4, s6;
	[dreg:$0x0] =	wrdreg $0x0  }
0xa9: {  	s6 =	sshll.u32 s28, $0x1;
	[dreg:$0x2] =	wrdreg s4  }
0xaa: {  	[dreg:$0x3] =	wrdreg s6  }
0xab: {  	[dreg:$0x4] =	wrdreg $0xC0  }
0xac: {  	_ =	task [dreg:s8], $0x5FFFF  }
0xad: {  	[dreg:$0x1] =	wrdreg $0xFFFFFFFF  }
0xae: {  	[dreg:$0x0] =	wrdreg $0x60  }
0xaf: {  	[dreg:$0x2] =	wrdreg s24  }
0xb0: {  	[dreg:$0x3] =	wrdreg s18  }
0xb1: {  	[dreg:$0x4] =	wrdreg s2  }
0xb2: {  	[dreg:$0x5] =	wrdreg $0xDB000  }
0xb3: {  	[dreg:$0x6] =	wrdreg $0x12B000  }
0xb4: {  	[dreg:$0x7] =	wrdreg $0x9  }
0xb5: {  	_ =	task.clear_ibuf [dreg:s8], $0x8FFFF;
	_ =	strace $0x90000046  }
0xb6: {  	s29 =	simm.s32 $0x9;
	_ =	strace $0x80000048  }
0xb7: {  	_ =	swait.ge [sflag:s29], $0x1  }
0xb8: {  	[sflag:s29] =	ssyncadd.s32 $0xFFFFFFFF  }
0xb9: {  	_ =	strace $0x90000048  }
0xba: {  	_ =	sfence  }
0xbb: {  	s30 =	sld [smem:$0x0];
	_ =	sdelay $0x2  }
0xbc: {  	s31 =	sshll.u32 s1, $0xD;
	s1 =	sshrl.u32 s1, $0x2  }
0xbd: {  	s3 =	sand.u32 $0x4000, s31;
	s1 =	sadd.s32 s1, s30  }
0xbe: {  	s0 =	sor.u32 s3, s0;
	s1 =	sshll.u32 s1, $0x11  }
0xbf: {  	s0 =	sor.u32 s1, s0  }
0xc0: {  	s0 =	sadd.s32 $0x8F2B, s0  }
0xc1: {  	[sflag:s0] =	ssyncadd.remote.s32 $0x1  }
0xc2: {  	_ =	sfence.sel $0xFFFF  }
0xc3: {  	[dreg:$0x0] =	wrdreg $0xFFFFFFFF;
	(pc) =	sbr.abs _section_cstart, $3  }
0xc4: {  	[dreg:$0x1] =	wrdreg $0xFFFFFFFF  }
0xc5: {  	_ =	task.clear_ibuf [dreg:s8], $0x2FFFF;
	_ =	strace $0x9FFFFFFF  }
0xc6: {  	(tm) =	ssettm $0x7FFFFFFF  }
0xc7: {  	_ =	shalt  }
tec
execute0_lowered:
.L_overlay_start_1:
0x0: {  	(tag) =	ssettag $0x1  }
0x1: {  	s0 =	rddreg [dreg:$0x0]  }
0x2: {  	s1 =	rddreg [dreg:$0x2]  }
0x3: {  	s2 =	rddreg [dreg:$0x3]  }
0x4: {  	s3 =	rddreg [dreg:$0x4]  }
0x5: {  	s4 =	simm.s32 $0x0;
	s5 =	srdreg.scid;
	s10 =	stileid.u32  }
0x6: {  	s9 =	simm.f32 $7.400000000e+01;
	s14 =	simm.f32 $1.610000000e+02;
	s16 =	simm.f32 $3.480000000e+02  }
0x7: {  	s19 =	simm.s32 $0xD800;
	s15 =	simm.s32 $0x3;
	s20 =	simm.s32 $0xDA00  }
0x8: {  	s18 =	simm.s32 $0x1;
	s21 =	simm.s32 $0x80;
	s22 =	simm.s32 $0xCC00  }
0x9: {  	s28 =	simm.s32 $0xD180;
	s29 =	simm.s32 $0xCD00;
	s30 =	simm.s32 $0xD200  }
0xa: {  	s31 =	simm.s32 $0xD280;
	s11 =	simm.s32 $0xCE00;
	[smem:$0x7FF] =	sst s4  }
0xb: {  	s6 =	sadd.s32 $0x11800, s0;
	s5 =	sand.u32 $0x1, s5;
	s23 =	sadd.s32 $0x1800, s0  }
0xc: {  	s13 =	sadd.s32 $0x1A1800, s0;
	_ =	strace $0x80000047;
	[dreg:$0x6] =	wrdreg s6  }
0xd: {  	s8 =	sshll.u32 s10, $0xF;
	s10 =	smul.u32 $0x14000, s10;
	[dreg:$0x7] =	wrdreg s23  }
0xe: {  	s6 =	sadd.s32 $0x21800, s0;
	s7 =	ssub.s32 $0x2, s5;
	p0 =	seq.s32 s5, $0x0  }
0xf: {  	s5 =	smul.u32 $0x140000, s5;
	[dreg:$0x8] =	wrdreg s8;
	s8 =	simm.f32 $3.400000000e+01  }
0x10: {  	s23 =	simm.s32 $0xD000;
	s24 =	sshrl.u32 s7, $0x1;
	s8 =	simm.s32 @!p0 $0x44CB2000  }
0x11: {  	s9 =	simm.s32 @!p0 $0x455B7000;
	s14 =	simm.s32 @!p0 $0x45ED0000;
	s16 =	simm.s32 @!p0 $0x467FFC00  }
0x12: {  	s13 =	smov.u32 @p0 s6;
	s26 =	sshrl.u32 s10, $0x2;
	s6 =	simm.s32 $0xD300  }
0x13: {  	s0 =	ssub.s32 s7, s24;
	s7 =	simm.f32 $1.600000000e+01;
	s5 =	sadd.s32 s10, s5  }
0x14: {  	s12 =	sadd.s32 s26, s2;
	s17 =	sadd.s32 s26, s3;
	s24 =	simm.s32 $0xD080  }
0x15: {  	s26 =	simm.s32 $0xD100;
	s10 =	simm.s32 $0xD380;
	v3 =	vmov s14;
	s14 =	simm.s32 $0xD480  }
0x16: {  	v1 =	vmov s8;
	s8 =	simm.s32 $0x0;
	s7 =	simm.s32 @!p0 $0x443C0000;
	[dreg:$0xb] =	wrdreg s12  }
0x17: {  	s0 =	smax.u32 s0, $0x1;
	s25 =	sshrl.u32 s5, $0x3;
	[dreg:$0xc] =	wrdreg s17  }
0x18: {  	[dreg:$0x9] =	wrdreg s0;
	s0 =	sadd.s32 s25, s1;
	s25 =	simm.s32 $0xCC80  }
0x19: {  	v2 =	vmov s9;
	v4 =	vmov s16;
	v0 =	vmov s7;
	s1 =	simm.s32 $0xD400;
	[dreg:$0xa] =	wrdreg s0;
	s0 =	simm.s32 $0xCD80  }
.LBB2_1:
0x1a: {  	[dreg:$0xd] =	wrdreg s8  }
0x1b: {  	s5 =	rddreg [dreg:$0xa];
	s7 =	simm.s32 $0x0;
	s16 =	simm.s32 $0xDA80  }
.LBB2_2:
0x1c: {  	[tilespmem:s19], [sflag:$0x3] =	stream.linear.gather [hbm4b:s5+s4], $0x200, $0x38;
	[tilespmem:$0x17B00] =	vst v63  }
0x1d: {  	_ =	swait.ge [sflag:s15], $0x200  }
0x1e: {  	[sflag:s15] =	ssyncset.done $0x0  }
0x1f: {  	[sflag:s15] =	ssyncadd.s32 $0xFFFFFE00  }
0x20: {  	v5 =	vld [tilespmem:$0xD800]  }
0x21: {  	v6 =	vld [tilespmem:$0xD880]  }
0x22: {  	v7 =	vld [tilespmem:$0xD900]  }
0x23: {  	v8 =	vld [tilespmem:$0xD980]  }
0x24: {  	v10 =	vld [tilespmem:$0xD810]  }
0x25: {  	v12 =	vld [tilespmem:$0xD890]  }
0x26: {  	v35 =	vld [tilespmem:$0xD910]  }
0x27: {  	v36 =	vld [tilespmem:$0xD990]  }
0x28: {  	v14 =	vld [tilespmem:$0xD820]  }
0x29: {  	v40 =	vld [tilespmem:$0xD8A0]  }
0x2a: {  	v43 =	vld [tilespmem:$0xD920]  }
0x2b: {  	v44 =	vld [tilespmem:$0xD9A0]  }
0x2c: {  	v47 =	vld [tilespmem:$0xD830]  }
0x2d: {  	v16 =	vld [tilespmem:$0xD8B0]  }
0x2e: {  	v17 =	vld [tilespmem:$0xD930]  }
0x2f: {  	v54 =	vld [tilespmem:$0xD9B0]  }
0x30: {  	v58 =	vld [tilespmem:$0xD840]  }
0x31: {  	v18 =	vld [tilespmem:$0xD8C0]  }
0x32: {  	v61 =	vld [tilespmem:$0xD940];
	v9 =	vshrl.u32 v5, $0x10  }
0x33: {  	v63 =	vld [tilespmem:$0xD9C0];
	v32 =	vshrl.u32 v6, $0x10;
	v11 =	vshrl.u32 v7, $0x10;
	v34 =	vshrl.u32 v8, $0x10  }
0x34: {  	v20 =	vld [tilespmem:$0xD850];
	v37 =	vshrl.u32 v10, $0x10;
	v13 =	vshrl.u32 v12, $0x10;
	v39 =	vshrl.u32 v35, $0x10  }
0x35: {  	v42 =	vshrl.u32 v36, $0x10;
	v15 =	vshrl.u32 v14, $0x10;
	v46 =	vshrl.u32 v40, $0x10  }
0x36: {  	v50 =	vshrl.u32 v43, $0x10;
	v51 =	vshrl.u32 v44, $0x10;
	v55 =	vshrl.u32 v47, $0x10  }
0x37: {  	v57 =	vshrl.u32 v16, $0x10;
	v59 =	vshrl.u32 v17, $0x10;
	v60 =	vshrl.u32 v54, $0x10  }
0x38: {  	v24 =	vshrl.u32 v58, $0x10;
	v19 =	vshrl.u32 v18, $0x10;
	v27 =	vshrl.u32 v61, $0x10  }
0x39: {  	v30 =	vshrl.u32 v63, $0x10;
	v21 =	vshrl.u32 v20, $0x10;
	v9 =	vand.u32 $0x1, v9  }
0x3a: {  	v33 =	vand.u32 $0x1, v11;
	v13 =	vand.u32 $0x1, v13;
	v45 =	vand.u32 $0x1, v15  }
0x3b: {  	v28 =	vld [tilespmem:$0xD8D0];
	v15 =	vand.u32 $0x1, v59;
	v19 =	vand.u32 $0x1, v19;
	v5 =	vadd.s32 v9, v5  }
0x3c: {  	v23 =	vld [tilespmem:$0xD960];
	v9 =	vand.u32 $0x1, v32;
	v7 =	vadd.s32 v33, v7;
	v38 =	vadd.s32 v13, v12  }
0x3d: {  	v12 =	vand.u32 $0x1, v50;
	v13 =	vand.u32 $0x1, v55;
	v15 =	vadd.s32 v15, v17  }
0x3e: {  	v26 =	vadd.s32 v19, v18;
	v33 =	vand.u32 $0x1, v21;
	v5 =	vadd.s32 $0x7FFF, v5  }
0x3f: {  	v6 =	vadd.s32 v9, v6;
	v7 =	vadd.s32 $0x7FFF, v7;
	v9 =	vand.u32 $0x1, v34  }
0x40: {  	v52 =	vadd.s32 v12, v43;
	v56 =	vadd.s32 v13, v47;
	v13 =	vand.u32 $0x1, v57  }
0x41: {  	v15 =	vadd.s32 $0x7FFF, v15;
	v34 =	vshrl.u32 v28, $0x10;
	v47 =	vshrl.u32 v23, $0x10  }
0x42: {  	v5 =	vshrl.u32 v5, $0x10;
	v6 =	vadd.s32 $0x7FFF, v6;
	v13 =	vadd.s32 v13, v16  }
0x43: {  	v16 =	vand.u32 $0x1, v60;
	v62 =	vshrl.u32 v15, $0x10;
	v6 =	vand.u32 $0xFFFF0000, v6  }
0x44: {  	v13 =	vadd.s32 $0x7FFF, v13;
	v12 =	vadd.s32 v16, v54;
	v16 =	vand.u32 $0x1, v24  }
0x45: {  	v5 =	vor.u32 v5, v6;
	v6 =	vshrl.u32 v7, $0x10;
	v7 =	vadd.s32 v9, v8  }
0x46: {  	v9 =	vand.u32 $0x1, v37;
	v13 =	vand.u32 $0xFFFF0000, v13;
	v12 =	vadd.s32 $0x7FFF, v12  }
0x47: {  	v31 =	vld [tilespmem:$0xD950];
	v25 =	vadd.s32 v16, v58;
	v16 =	vand.u32 $0x1, v27;
	v7 =	vadd.s32 $0x7FFF, v7  }
0x48: {  	v32 =	vld [tilespmem:$0xD9D0];
	v12 =	vand.u32 $0xFFFF0000, v12;
	v29 =	vadd.s32 v16, v61;
	v16 =	vand.u32 $0x1, v30  }
0x49: {  	v7 =	vand.u32 $0xFFFF0000, v7;
	v12 =	vor.u32 v62, v12;
	v15 =	vadd.s32 v16, v63  }
0x4a: {  	v16 =	vadd.s32 v33, v20;
	v20 =	vand.u32 $0x1, v34;
	v6 =	vor.u32 v6, v7  }
0x4b: {  	v54 =	vld [tilespmem:$0xD970];
	v7 =	vadd.s32 v9, v10;
	v9 =	vadd.s32 $0x7FFF, v38;
	v10 =	vand.u32 $0x1, v39  }
0x4c: {  	v15 =	vadd.s32 $0x7FFF, v15;
	v16 =	vadd.s32 $0x7FFF, v16;
	v37 =	vadd.s32 v20, v28  }
0x4d: {  	v22 =	vld [tilespmem:$0xD8E0];
	v38 =	vshrl.u32 v31, $0x10;
	v39 =	vshrl.u32 v32, $0x10;
	v7 =	vadd.s32 $0x7FFF, v7  }
0x4e: {  	v9 =	vand.u32 $0xFFFF0000, v9;
	v41 =	vadd.s32 v10, v35;
	v10 =	vand.u32 $0x1, v42  }
0x4f: {  	v15 =	vand.u32 $0xFFFF0000, v15;
	v18 =	vand.u32 $0x1, v38;
	v20 =	vand.u32 $0x1, v39  }
0x50: {  	v61 =	vshrl.u32 v54, $0x10;
	v7 =	vshrl.u32 v7, $0x10;
	v8 =	vadd.s32 v10, v36  }
0x51: {  	v10 =	vadd.s32 v45, v14;
	v14 =	vand.u32 $0x1, v46;
	v36 =	vshrl.u32 v16, $0x10  }
0x52: {  	v16 =	vadd.s32 $0x7FFF, v37;
	v45 =	vshrl.u32 v22, $0x10;
	v7 =	vor.u32 v7, v9  }
0x53: {  	v9 =	vadd.s32 $0x7FFF, v41;
	v8 =	vadd.s32 $0x7FFF, v8;
	v10 =	vadd.s32 $0x7FFF, v10  }
0x54: {  	v49 =	vadd.s32 v14, v40;
	v14 =	vand.u32 $0x1, v51;
	v16 =	vand.u32 $0xFFFF0000, v16  }
0x55: {  	v40 =	vadd.s32 v18, v31;
	v41 =	vadd.s32 v20, v32;
	v46 =	vand.u32 $0x1, v45  }
0x56: {  	v35 =	vld [tilespmem:$0xD860];
	v9 =	vshrl.u32 v9, $0x10;
	v8 =	vand.u32 $0xFFFF0000, v8;
	v48 =	vshrl.u32 v10, $0x10  }
0x57: {  	v42 =	vld [tilespmem:$0xD9E0];
	v10 =	vadd.s32 $0x7FFF, v49;
	v53 =	vadd.s32 v14, v44;
	v14 =	vadd.s32 $0x7FFF, v26  }
0x58: {  	v17 =	vadd.s32 $0x7FFF, v41;
	[tilespmem:$0xDA10] =	vst v7;
	v7 =	vadd.s32 v46, v22;
	v49 =	vand.u32 $0x1, v47  }
0x59: {  	v8 =	vor.u32 v9, v8;
	v10 =	vand.u32 $0xFFFF0000, v10;
	v11 =	vadd.s32 $0x7FFF, v53  }
0x5a: {  	v51 =	vld [tilespmem:$0xD8F0];
	v14 =	vand.u32 $0xFFFF0000, v14;
	v17 =	vand.u32 $0xFFFF0000, v17;
	v7 =	vadd.s32 $0x7FFF, v7  }
0x5b: {  	v9 =	vor.u32 v48, v10;
	v10 =	vadd.s32 $0x7FFF, v52;
	v11 =	vand.u32 $0xFFFF0000, v11  }
0x5c: {  	v43 =	vshrl.u32 v35, $0x10;
	v50 =	vshrl.u32 v42, $0x10;
	v52 =	vadd.s32 v49, v23  }
0x5d: {  	v7 =	vand.u32 $0xFFFF0000, v7;
	v10 =	vshrl.u32 v10, $0x10;
	v19 =	vand.u32 $0x1, v43  }
0x5e: {  	v53 =	vand.u32 $0x1, v50;
	v10 =	vor.u32 v10, v11;
	v11 =	vadd.s32 $0x7FFF, v56  }
0x5f: {  	[tilespmem:$0xDA80] =	vst v6;
	v48 =	vld [tilespmem:$0xD870];
	v44 =	vadd.s32 v19, v35;
	v55 =	vadd.s32 v53, v42;
	v60 =	vshrl.u32 v51, $0x10  }
0x60: {  	[tilespmem:$0xDA20] =	vst v9;
	v11 =	vshrl.u32 v11, $0x10;
	v6 =	vadd.s32 $0x7FFF, v44;
	v57 =	vadd.s32 $0x7FFF, v55  }
0x61: {  	[tilespmem:$0xDAA0] =	vst v10;
	v9 =	vand.u32 $0x1, v60;
	v10 =	vand.u32 $0x1, v61;
	v11 =	vor.u32 v11, v13  }
0x62: {  	[tilespmem:$0xDA90] =	vst v8;
	v13 =	vadd.s32 $0x7FFF, v25;
	v6 =	vshrl.u32 v6, $0x10;
	v8 =	vand.u32 $0xFFFF0000, v57  }
0x63: {  	v56 =	vld [tilespmem:$0xD9F0];
	v9 =	vadd.s32 v9, v51;
	v10 =	vadd.s32 v10, v54;
	v13 =	vshrl.u32 v13, $0x10  }
0x64: {  	[tilespmem:$0xDA00] =	vst v5;
	v6 =	vor.u32 v6, v7;
	v7 =	vadd.s32 $0x7FFF, v52;
	v58 =	vshrl.u32 v48, $0x10  }
0x65: {  	[tilespmem:$0xDAB0] =	vst v12;
	v9 =	vadd.s32 $0x7FFF, v9;
	v13 =	vor.u32 v13, v14;
	v14 =	vadd.s32 $0x7FFF, v29  }
0x66: {  	[tilespmem:$0xDA30] =	vst v11;
	v7 =	vshrl.u32 v7, $0x10;
	v59 =	vand.u32 $0x1, v58;
	v14 =	vshrl.u32 v14, $0x10  }
0x67: {  	[tilespmem:$0xDA60] =	vst v6;
	v14 =	vor.u32 v14, v15;
	v15 =	vor.u32 v36, v16;
	v16 =	vadd.s32 $0x7FFF, v40  }
0x68: {  	v7 =	vor.u32 v7, v8;
	[tilespmem:$0xDA40] =	vst v13;
	v62 =	vshrl.u32 v56, $0x10;
	v16 =	vshrl.u32 v16, $0x10  }
0x69: {  	v8 =	vadd.s32 v59, v48;
	v11 =	vand.u32 $0x1, v62;
	[tilespmem:$0xDAE0] =	vst v7;
	v5 =	vor.u32 v16, v17  }
0x6a: {  	v63 =	vadd.s32 $0x7FFF, v10;
	v8 =	vadd.s32 $0x7FFF, v8;
	[tilespmem:$0xDAD0] =	vst v5;
	v5 =	vadd.s32 v11, v56  }
0x6b: {  	v6 =	vand.u32 $0xFFFF0000, v9;
	[tilespmem:$0xDAC0] =	vst v14;
	v8 =	vshrl.u32 v8, $0x10;
	v5 =	vadd.s32 $0x7FFF, v5  }
0x6c: {  	v7 =	vshrl.u32 v63, $0x10;
	[tilespmem:$0xDA50] =	vst v15;
	v6 =	vor.u32 v8, v6;
	v5 =	vand.u32 $0xFFFF0000, v5  }
0x6d: {  	s8 =	sshra.s32 s7, $0x2;
	[tilespmem:$0xDA70] =	vst v6;
	v5 =	vor.u32 v7, v5  }
0x6e: {  	s9 =	sadd.s32 s8, s12;
	[tilespmem:$0xDAF0] =	vst v5  }
0x6f: {  	[spmem:s9] =	stream.linear.scatter [tilespmem:s20], [sflag:$0x3], $0x80, $0x38;
	[tilespmem:$0x17B00] =	vst v63  }
0x70: {  	_ =	swait.ge [sflag:s15], $0x80  }
0x71: {  	p0 =	sne.s32 s7, $0x13E00;
	[sflag:s15] =	ssyncset.done $0x0  }
.Ltmp0:
0x72: {  	s8 =	sadd.s32 s8, s17;
	[sflag:s15] =	ssyncadd.s32 $0xFFFFFF80;
	(pc) =	sbr.rel @p0 .LBB2_2-.Ltmp0, $4  }
0x73: {  	[spmem:s8] =	stream.linear.scatter [tilespmem:s16], [sflag:$0x3], $0x80, $0x38;
	[tilespmem:$0x17B00] =	vst v63  }
0x74: {  	_ =	swait.ge [sflag:s15], $0x80  }
0x75: {  	[sflag:s15] =	ssyncset.done $0x0  }
0x76: {  	s5 =	sadd.s32 $0x40, s5;
	s7 =	sadd.s32 $0x200, s7;
	[sflag:s15] =	ssyncadd.s32 $0xFFFFFF80  }
0x77: {  	[bflag:$0x0] =	sbarrier.arrive $0xFFFF  }
0x78: {  	s16 =	simm.s32 $0x0;
	p0 =	por $0x0, $0x0;
	s17 =	simm.s32 $0x0  }
.LBB2_4:
0x79: {  	p1 =	slt.u32 s17, $0x2  }
0x7a: {  	s7 =	sshll.u32 s17, $0xA;
	s8 =	rddreg [dreg:$0x8];
	s5 =	simm.s32 @!p1 $0x2  }
0x7b: {  	s19 =	sadd.s32 s8, s7;
	_ =	swait.ge @!p1 [sflag:s5], $0x6000  }
0x7c: {  	s8 =	sshrl.u32 s19, $0x3;
	[sflag:s5] =	ssyncset.done @!p1 $0x0;
	s20 =	rddreg [dreg:$0x6]  }
0x7d: {  	[sflag:s5] =	ssyncadd.s32 @!p1 $0xFFFFA000;
	s5 =	sadd.s32 s20, s8  }
0x7e: {  	[tilespmem:s16], [sflag:$0x3] =	stream.linear.gather [hbm4b:s5+s16], $0x400, $0x38;
	[tilespmem:$0x17B00] =	vst v63  }
0x7f: {  	_ =	swait.ge [sflag:s15], $0x400  }
0x80: {  	[sflag:s15] =	ssyncset.done $0x0;
	s9 =	rddreg [dreg:$0x7]  }
0x81: {  	[sflag:s15] =	ssyncadd.s32 $0xFFFFFC00;
	s5 =	sadd.s32 s9, s8;
	s9 =	simm.s32 $0x400  }
0x82: {  	[tilespmem:s9], [sflag:$0x3] =	stream.linear.gather [hbm4b:s5+s16], $0x400, $0x38;
	[tilespmem:$0x17B00] =	vst v63  }
0x83: {  	_ =	swait.ge [sflag:s15], $0x400  }
0x84: {  	[sflag:s15] =	ssyncset.done $0x0  }
0x85: {  	[sflag:s15] =	ssyncadd.s32 $0xFFFFFC00  }
0x86: {  	s12 =	rddreg [dreg:$0x1]  }
0x87: {  	s20 =	simm.s32 $0x800;
	s5 =	simm.s32 $0x1;
	s8 =	sadd.s32 s12, s8  }
0x88: {  	[tilespmem:s20], [sflag:$0x3] =	stream.linear.gather [hbm4b:s8+s16], $0x400, $0x38;
	[tilespmem:$0x17B00] =	vst v63  }
0x89: {  	s5 =	simm.s32 @!p0 $0x0;
	_ =	swait.ge [sflag:s15], $0x400  }
0x8a: {  	s5 =	sshll.u32 s5, $0xD;
	s20 =	sand.u32 $0x400, s7;
	[sflag:s15] =	ssyncset.done $0x0  }
0x8b: {  	s7 =	simm.s32 $0x0;
	s8 =	simm.s32 $0x0;
	[sflag:s15] =	ssyncadd.s32 $0xFFFFFC00  }
.LBB2_5:
0x8c: {  	s9 =	sand.u32 $0x3F0, s8;
	v7 =	vld [tilespmem:s7+$0x0]  }
0x8d: {  	v5 =	vld [tilespmem:s9+$0x400]  }
0x8e: {  	v6 =	vld [tilespmem:s9+$0x800];
	_ =	sdelay $0x2  }
0x8f: {  	v31 =	vmul.f32 v7, v0  }
0x90: {  	v25 =	vmul.f32 v7, v1;
	v30 =	vmul.f32 v5, v0  }
0x91: {  	v29 =	vmul.f32 v6, v0;
	v23 =	vmul.f32 v5, v1  }
0x92: {  	v24 =	vmul.f32 v6, v1;
	v47 =	vtrunc.f32 v31  }
0x93: {  	v50 =	vtrunc.f32 v25;
	v8 =	vtrunc.f32 v30  }
0x94: {  	v9 =	vtrunc.f32 v29;
	v34 =	vcvt.f32.s32 v47  }
0x95: {  	v18 =	vtrunc.f32 v23;
	v49 =	vtrunc.f32 v24  }
0x96: {  	v33 =	vcvt.f32.s32 v8;
	v32 =	vcvt.f32.s32 v9  }
0x97: {  	v28 =	vcvt.f32.s32 v50;
	v26 =	vcvt.f32.s32 v18  }
0x98: {  	v27 =	vcvt.f32.s32 v49;
	v48 =	vmul.u32 $0x9E3779B1, v33;
	v9 =	vmul.u32 $0x30025795, v32  }
0x99: {  	v13 =	vadd.s32 $0x1, v34;
	v20 =	vadd.s32 $0x1, v28;
	v51 =	vmul.u32 $0x9E3779B1, v26  }
0x9a: {  	v52 =	vmul.u32 $0x30025795, v27;
	v10 =	vadd.s32 $0x9E3779B1, v48;
	v11 =	vadd.s32 $0x30025795, v9  }
0x9b: {  	v12 =	vxor.u32 v34, v48;
	v8 =	vxor.u32 v13, v48;
	v19 =	vadd.s32 $0x9E3779B1, v51  }
0x9c: {  	v53 =	vxor.u32 v28, v51;
	v22 =	vadd.s32 $0x30025795, v52;
	v14 =	vxor.u32 v9, v12  }
0x9d: {  	v15 =	vxor.u32 v34, v10;
	v12 =	vxor.u32 v12, v11;
	v17 =	vxor.u32 v9, v8  }
0x9e: {  	v8 =	vxor.u32 v8, v11;
	v10 =	vxor.u32 v13, v10;
	v21 =	vxor.u32 v52, v53  }
0x9f: {  	v18 =	vxor.u32 v53, v22;
	v35 =	vxor.u32 v28, v19;
	v13 =	vxor.u32 v20, v51  }
0xa0: {  	v40 =	vxor.u32 v20, v19;
	v19 =	vmul.f32 v7, v2;
	v14 =	vand.u32 $0xFFFF, v14  }
0xa1: {  	v16 =	vxor.u32 v9, v15;
	v12 =	vand.u32 $0xFFFF, v12;
	v15 =	vxor.u32 v11, v15  }
0xa2: {  	v17 =	vand.u32 $0xFFFF, v17;
	v8 =	vand.u32 $0xFFFF, v8;
	v9 =	vxor.u32 v9, v10  }
0xa3: {  	v10 =	vxor.u32 v11, v10;
	v21 =	vand.u32 $0xFFFF, v21;
	v18 =	vand.u32 $0xFFFF, v18  }
0xa4: {  	v55 =	vxor.u32 v52, v35;
	v58 =	vxor.u32 v22, v35;
	v62 =	vxor.u32 v52, v13;
	[tilespmem:$0xCC00] =	vst v14  }
0xa5: {  	v13 =	vxor.u32 v13, v22;
	v42 =	vxor.u32 v52, v40;
	v16 =	vand.u32 $0xFFFF, v16;
	[tilespmem:$0xCC10] =	vst v12  }
0xa6: {  	v15 =	vand.u32 $0xFFFF, v15;
	v9 =	vand.u32 $0xFFFF, v9;
	v10 =	vand.u32 $0xFFFF, v10;
	[tilespmem:$0xCC40] =	vst v17  }
0xa7: {  	v54 =	vor.u32 $0x10000, v21;
	v56 =	vor.u32 $0x10000, v18;
	v57 =	vand.u32 $0xFFFF, v55;
	[tilespmem:$0xCC50] =	vst v8  }
0xa8: {  	v60 =	vand.u32 $0xFFFF, v58;
	v18 =	vand.u32 $0xFFFF, v62;
	v13 =	vand.u32 $0xFFFF, v13;
	[tilespmem:$0xCC20] =	vst v16  }
0xa9: {  	v17 =	vmul.f32 v5, v2;
	v44 =	vtrunc.f32 v19;
	v59 =	vor.u32 $0x10000, v57;
	[tilespmem:$0xCC30] =	vst v15  }
0xaa: {  	v61 =	vor.u32 $0x10000, v60;
	v63 =	vor.u32 $0x10000, v18;
	v13 =	vor.u32 $0x10000, v13;
	[tilespmem:$0xCC60] =	vst v9  }
0xab: {  	v18 =	vmul.f32 v6, v2;
	[tilespmem:$0xCC70] =	vst v10;
	v10 =	vand.u32 $0xFFFF, v42;
	v41 =	vtrunc.f32 v17  }
0xac: {  	v9 =	vxor.u32 v22, v40;
	v22 =	vcvt.f32.s32 v44;
	[tilespmem:s23], [sflag:$0x1] =	stream.indirect.gather [spmem:s2], $0x1, s22, s21, $0xb8;
	v20 =	vcvt.f32.s32 v41;
	[tilespmem:$0x17B00] =	vst v63  }
0xad: {  	v10 =	vor.u32 $0x10000, v10;
	v9 =	vand.u32 $0xFFFF, v9;
	v43 =	vtrunc.f32 v18  }
0xae: {  	v9 =	vor.u32 $0x10000, v9;
	v21 =	vcvt.f32.s32 v43;
	[tilespmem:s24], [sflag:$0x1] =	stream.indirect.gather [spmem:s3], $0x1, s22, s21, $0xb8;
	v45 =	vmul.u32 $0x9E3779B1, v20;
	[tilespmem:$0x17B00] =	vst v63  }
0xaf: {  	v38 =	vadd.s32 $0x1, v22;
	[tilespmem:$0xCCD0] =	vst v13;
	v13 =	vmul.f32 v7, v3;
	v7 =	vmul.f32 v7, v4  }
0xb0: {  	[tilespmem:$0xCC80] =	vst v54;
	v46 =	vmul.u32 $0x30025795, v21;
	v47 =	vadd.s32 $0x9E3779B1, v45;
	v36 =	vxor.u32 v22, v45  }
0xb1: {  	[tilespmem:$0xCC90] =	vst v56;
	v11 =	vxor.u32 v38, v45;
	v40 =	vtrunc.f32 v13;
	v43 =	vtrunc.f32 v7  }
0xb2: {  	[tilespmem:$0xCCA0] =	vst v59;
	v37 =	vadd.s32 $0x30025795, v46;
	v48 =	vxor.u32 v46, v36;
	v50 =	vxor.u32 v22, v47  }
0xb3: {  	[tilespmem:$0xCCC0] =	vst v63;
	v60 =	vxor.u32 v46, v11;
	v63 =	vxor.u32 v38, v47;
	v16 =	vcvt.f32.s32 v40  }
0xb4: {  	[tilespmem:$0xCCB0] =	vst v61;
	v12 =	vand.u32 $0xFFFF, v48;
	v49 =	vxor.u32 v36, v37;
	v53 =	vxor.u32 v46, v50  }
0xb5: {  	[tilespmem:$0xCCE0] =	vst v10;
	v56 =	vxor.u32 v37, v50;
	v11 =	vxor.u32 v11, v37;
	v61 =	vand.u32 $0xFFFF, v60  }
0xb6: {  	[tilespmem:$0xCCF0] =	vst v9;
	v35 =	vxor.u32 v46, v63;
	v46 =	vxor.u32 v37, v63;
	v51 =	vor.u32 $0x20000, v12  }
0xb7: {  	[tilespmem:s26], [sflag:$0x1] =	stream.indirect.gather [spmem:s2], $0x1, s25, s21, $0xb8;
	v52 =	vand.u32 $0xFFFF, v49;
	v55 =	vand.u32 $0xFFFF, v53;
	v58 =	vand.u32 $0xFFFF, v56;
	[tilespmem:$0x17B00] =	vst v63  }
0xb8: {  	v62 =	vand.u32 $0xFFFF, v11;
	v11 =	vmul.f32 v5, v3;
	v9 =	vor.u32 $0x20000, v61  }
0xb9: {  	[tilespmem:s28], [sflag:$0x1] =	stream.indirect.gather [spmem:s3], $0x1, s25, s21, $0xb8;
	v12 =	vmul.f32 v6, v3;
	v35 =	vand.u32 $0xFFFF, v35;
	v8 =	vand.u32 $0xFFFF, v46;
	[tilespmem:$0x17B00] =	vst v63  }
0xba: {  	v5 =	vmul.f32 v5, v4;
	v6 =	vmul.f32 v6, v4;
	v54 =	vor.u32 $0x20000, v52;
	[tilespmem:$0xCD00] =	vst v51  }
0xbb: {  	v57 =	vor.u32 $0x20000, v55;
	v59 =	vor.u32 $0x20000, v58;
	[tilespmem:$0xCD40] =	vst v9;
	v44 =	vtrunc.f32 v11  }
0xbc: {  	v39 =	vor.u32 $0x20000, v62;
	v45 =	vtrunc.f32 v12;
	[tilespmem:$0xCD10] =	vst v54;
	v14 =	vcvt.f32.s32 v44  }
0xbd: {  	v8 =	vor.u32 $0x20000, v8;
	[tilespmem:$0xCD20] =	vst v57;
	v62 =	vtrunc.f32 v5;
	v15 =	vcvt.f32.s32 v45  }
0xbe: {  	v35 =	vor.u32 $0x20000, v35;
	[tilespmem:$0xCD70] =	vst v8;
	v8 =	vcvt.f32.s32 v62;
	v47 =	vmul.u32 $0x9E3779B1, v14  }
0xbf: {  	v52 =	vadd.s32 $0x1, v16;
	[tilespmem:$0xCD30] =	vst v59;
	v63 =	vtrunc.f32 v6;
	v48 =	vmul.u32 $0x30025795, v15  }
0xc0: {  	[tilespmem:$0xCD50] =	vst v39;
	v45 =	vmul.u32 $0x9E3779B1, v8;
	v49 =	vadd.s32 $0x9E3779B1, v47;
	v50 =	vxor.u32 v16, v47  }
0xc1: {  	[tilespmem:$0xCD60] =	vst v35;
	v51 =	vadd.s32 $0x30025795, v48;
	v37 =	vxor.u32 v52, v47;
	v41 =	vxor.u32 v48, v50  }
0xc2: {  	[tilespmem:s30], [sflag:$0x1] =	stream.indirect.gather [spmem:s2], $0x1, s29, s21, $0xb8;
	v38 =	vxor.u32 v50, v51;
	v54 =	vxor.u32 v16, v49;
	v60 =	vxor.u32 v48, v37;
	[tilespmem:$0x17B00] =	vst v63  }
0xc3: {  	v37 =	vxor.u32 v37, v51;
	v10 =	vxor.u32 v52, v49;
	v53 =	vand.u32 $0xFFFF, v41  }
0xc4: {  	[tilespmem:s31], [sflag:$0x1] =	stream.indirect.gather [spmem:s3], $0x1, s29, s21, $0xb8;
	v38 =	vand.u32 $0xFFFF, v38;
	v56 =	vxor.u32 v48, v54;
	v55 =	vor.u32 $0x30000, v53;
	[tilespmem:$0x17B00] =	vst v63  }
0xc5: {  	v59 =	vxor.u32 v51, v54;
	v41 =	vand.u32 $0xFFFF, v60;
	v57 =	vor.u32 $0x30000, v38;
	[tilespmem:$0xCD80] =	vst v55  }
0xc6: {  	v37 =	vand.u32 $0xFFFF, v37;
	v9 =	vxor.u32 v48, v10;
	v61 =	vor.u32 $0x30000, v41;
	[tilespmem:$0xCD90] =	vst v57  }
0xc7: {  	v44 =	vxor.u32 v51, v10;
	v58 =	vand.u32 $0xFFFF, v56;
	v37 =	vor.u32 $0x30000, v37;
	[tilespmem:$0xCDC0] =	vst v61  }
0xc8: {  	v10 =	vcvt.f32.s32 v43;
	v39 =	vand.u32 $0xFFFF, v59;
	v38 =	vor.u32 $0x30000, v58;
	[tilespmem:$0xCDD0] =	vst v37  }
0xc9: {  	v42 =	vand.u32 $0xFFFF, v9;
	v9 =	vcvt.f32.s32 v63;
	v39 =	vor.u32 $0x30000, v39;
	[tilespmem:$0xCDA0] =	vst v38  }
0xca: {  	v49 =	vadd.s32 $0x9E3779B1, v45;
	v35 =	vand.u32 $0xFFFF, v44;
	v46 =	vor.u32 $0x30000, v42;
	[tilespmem:$0xCDB0] =	vst v39  }
0xcb: {  	v35 =	vor.u32 $0x30000, v35;
	v52 =	vadd.s32 $0x1, v10;
	v47 =	vmul.u32 $0x30025795, v9;
	[tilespmem:$0xCDE0] =	vst v46  }
0xcc: {  	v48 =	vxor.u32 v10, v45;
	v42 =	vxor.u32 v10, v49;
	[tilespmem:$0xCDF0] =	vst v35;
	v36 =	vxor.u32 v52, v45  }
0xcd: {  	v35 =	vxor.u32 v52, v49;
	[tilespmem:s6], [sflag:$0x1] =	stream.indirect.gather [spmem:s2], $0x1, s0, s21, $0xb8;
	v50 =	vadd.s32 $0x30025795, v47;
	v51 =	vxor.u32 v47, v48;
	[tilespmem:$0x17B00] =	vst v63  }
0xce: {  	v43 =	vxor.u32 v47, v42;
	v56 =	vxor.u32 v47, v36;
	v40 =	vand.u32 $0xFFFF, v51  }
0xcf: {  	v38 =	vxor.u32 v47, v35;
	[tilespmem:s10], [sflag:$0x1] =	stream.indirect.gather [spmem:s3], $0x1, s0, s21, $0xb8;
	v53 =	vand.u32 $0xFFFF, v43;
	v40 =	vor.u32 $0x40000, v40;
	[tilespmem:$0x17B00] =	vst v63  }
0xd0: {  	v37 =	vxor.u32 v48, v50;
	v58 =	vand.u32 $0xFFFF, v38;
	v54 =	vor.u32 $0x40000, v53;
	[tilespmem:$0xCE00] =	vst v40  }
0xd1: {  	v42 =	vxor.u32 v50, v42;
	v37 =	vand.u32 $0xFFFF, v37;
	v59 =	vor.u32 $0x40000, v58;
	[tilespmem:$0xCE20] =	vst v54  }
0xd2: {  	v36 =	vxor.u32 v36, v50;
	v42 =	vand.u32 $0xFFFF, v42;
	v37 =	vor.u32 $0x40000, v37;
	[tilespmem:$0xCE60] =	vst v59  }
0xd3: {  	v35 =	vxor.u32 v50, v35;
	v36 =	vand.u32 $0xFFFF, v36;
	v55 =	vor.u32 $0x40000, v42;
	[tilespmem:$0xCE10] =	vst v37  }
0xd4: {  	v35 =	vand.u32 $0xFFFF, v35;
	v36 =	vor.u32 $0x40000, v36;
	[tilespmem:$0xCE30] =	vst v55  }
0xd5: {  	v57 =	vand.u32 $0xFFFF, v56;
	v35 =	vor.u32 $0x40000, v35;
	[tilespmem:$0xCE50] =	vst v36  }
0xd6: {  	v37 =	vor.u32 $0x40000, v57;
	[tilespmem:$0xCE70] =	vst v35  }
0xd7: {  	[tilespmem:$0xCE40] =	vst v37  }
0xd8: {  	[tilespmem:s1], [sflag:$0x1] =	stream.indirect.gather [spmem:s2], $0x1, s11, s21, $0xb8;
	[tilespmem:$0x17B00] =	vst v63  }
0xd9: {  	_ = 	snop  }
0xda: {  	[tilespmem:s14], [sflag:$0x1] =	stream.indirect.gather [spmem:s3], $0x1, s11, s21, $0xb8;
	[tilespmem:$0x17B00] =	vst v63  }
0xdb: {  	_ =	swait.ge [sflag:s18], $0x80  }
0xdc: {  	[sflag:s18] =	ssyncset.done $0x0  }
0xdd: {  	[sflag:s18] =	ssyncadd.s32 $0xFFFFFF80  }
0xde: {  	_ =	swait.ge [sflag:s18], $0x80  }
0xdf: {  	[sflag:s18] =	ssyncset.done $0x0  }
0xe0: {  	[sflag:s18] =	ssyncadd.s32 $0xFFFFFF80  }
0xe1: {  	_ =	swait.ge [sflag:s18], $0x80  }
0xe2: {  	[sflag:s18] =	ssyncset.done $0x0  }
0xe3: {  	[sflag:s18] =	ssyncadd.s32 $0xFFFFFF80  }
0xe4: {  	_ =	swait.ge [sflag:s18], $0x80  }
0xe5: {  	[sflag:s18] =	ssyncset.done $0x0  }
0xe6: {  	[sflag:s18] =	ssyncadd.s32 $0xFFFFFF80  }
0xe7: {  	_ =	swait.ge [sflag:s18], $0x80  }
0xe8: {  	[sflag:s18] =	ssyncset.done $0x0  }
0xe9: {  	[sflag:s18] =	ssyncadd.s32 $0xFFFFFF80  }
0xea: {  	_ =	swait.ge [sflag:s18], $0x80  }
0xeb: {  	[sflag:s18] =	ssyncset.done $0x0  }
0xec: {  	[sflag:s18] =	ssyncadd.s32 $0xFFFFFF80  }
0xed: {  	_ =	swait.ge [sflag:s18], $0x80  }
0xee: {  	[sflag:s18] =	ssyncset.done $0x0  }
0xef: {  	[sflag:s18] =	ssyncadd.s32 $0xFFFFFF80  }
0xf0: {  	_ =	swait.ge [sflag:s18], $0x80  }
0xf1: {  	[sflag:s18] =	ssyncset.done $0x0  }
0xf2: {  	[sflag:s18] =	ssyncadd.s32 $0xFFFFFF80  }
0xf3: {  	_ =	swait.ge [sflag:s18], $0x80  }
0xf4: {  	[sflag:s18] =	ssyncset.done $0x0  }
0xf5: {  	[sflag:s18] =	ssyncadd.s32 $0xFFFFFF80  }
0xf6: {  	v33 =	vcvt.s32.f32 v33;
	v34 =	vcvt.s32.f32 v34;
	_ =	swait.ge [sflag:s18], $0x80  }
0xf7: {  	v32 =	vcvt.s32.f32 v32;
	[sflag:s18] =	ssyncset.done $0x0  }
0xf8: {  	v30 =	vsub.f32 v30, v33;
	v31 =	vsub.f32 v31, v34;
	[sflag:s18] =	ssyncadd.s32 $0xFFFFFF80  }
0xf9: {  	v29 =	vsub.f32 v29, v32;
	v61 =	vld [tilespmem:$0xD000]  }
0xfa: {  	v33 =	vsub.f32 $1.000000000e+00, v30;
	v60 =	vsub.f32 $1.000000000e+00, v31;
	v63 =	vld [tilespmem:$0xD080]  }
0xfb: {  	v48 =	vld [tilespmem:$0xD010]  }
0xfc: {  	v62 =	vmul.f32 v33, v60;
	v32 =	vmul.f32 v30, v60;
	v35 =	vsub.f32 $1.000000000e+00, v29;
	v51 =	vld [tilespmem:$0xD090]  }
0xfd: {  	v33 =	vmul.f32 v33, v31;
	v30 =	vmul.f32 v30, v31;
	v44 =	vld [tilespmem:$0xD020]  }
0xfe: {  	v36 =	vmul.f32 v62, v29;
	v49 =	vmul.f32 v35, v62;
	v45 =	vld [tilespmem:$0xD0A0]  }
0xff: {  	v57 =	vmul.f32 v35, v32;
	v32 =	vmul.f32 v29, v32;
	v50 =	vshll.u32 v61, $0x10  }
0x100: {  	v60 =	vld [tilespmem:$0xD030];
	v34 =	vand.u32 $0xFFFF0000, v61;
	v52 =	vshll.u32 v63, $0x10;
	v53 =	vshll.u32 v48, $0x10  }
0x101: {  	v38 =	vand.u32 $0xFFFF0000, v48;
	v37 =	vand.u32 $0xFFFF0000, v63;
	v55 =	vshll.u32 v51, $0x10  }
0x102: {  	v56 =	vand.u32 $0xFFFF0000, v51;
	v58 =	vshll.u32 v44, $0x10;
	v59 =	vand.u32 $0xFFFF0000, v44  }
0x103: {  	v46 =	vshll.u32 v45, $0x10;
	v40 =	vmul.f32 v50, v49;
	v34 =	vmul.f32 v34, v49  }
0x104: {  	v47 =	vld [tilespmem:$0xD0B0];
	v62 =	vand.u32 $0xFFFF0000, v45;
	v42 =	vmul.f32 v52, v49;
	v43 =	vmul.f32 v53, v36  }
0x105: {  	v48 =	vshll.u32 v60, $0x10;
	v38 =	vmul.f32 v38, v36;
	v37 =	vmul.f32 v37, v49  }
0x106: {  	v61 =	vmul.f32 v46, v57;
	v63 =	vmul.f32 v62, v57;
	v49 =	vand.u32 $0xFFFF0000, v60  }
0x107: {  	v41 =	vmul.f32 v49, v32;
	v34 =	vadd.f32 v38, v34;
	v38 =	vmul.f32 v55, v36  }
0x108: {  	v50 =	vld [tilespmem:$0xD040];
	v54 =	vadd.f32 v43, v40;
	v36 =	vmul.f32 v56, v36;
	v40 =	vmul.f32 v58, v57  }
0x109: {  	v51 =	vshll.u32 v47, $0x10;
	v52 =	vld [tilespmem:$0xD0C0];
	v43 =	vmul.f32 v59, v57;
	v56 =	vmul.f32 v35, v33  }
0x10a: {  	v53 =	vand.u32 $0xFFFF0000, v47;
	v60 =	vld [tilespmem:$0xD0D0];
	v33 =	vmul.f32 v33, v29;
	v35 =	vmul.f32 v35, v30  }
0x10b: {  	v29 =	vmul.f32 v29, v30;
	v38 =	vadd.f32 v38, v42;
	v36 =	vadd.f32 v36, v37  }
0x10c: {  	v49 =	vld [tilespmem:$0xD0E0];
	v39 =	vadd.f32 v40, v54;
	v34 =	vadd.f32 v43, v34;
	v40 =	vmul.f32 v48, v32  }
0x10d: {  	v55 =	vld [tilespmem:$0xD050];
	v43 =	vmul.f32 v51, v32;
	v32 =	vmul.f32 v53, v32;
	v57 =	vshll.u32 v50, $0x10  }
0x10e: {  	v58 =	vand.u32 $0xFFFF0000, v50;
	v59 =	vshll.u32 v52, $0x10;
	v44 =	vand.u32 $0xFFFF0000, v52  }
0x10f: {  	v50 =	vshll.u32 v60, $0x10;
	v51 =	vand.u32 $0xFFFF0000, v60;
	v37 =	vadd.f32 v61, v38  }
0x110: {  	v36 =	vadd.f32 v63, v36;
	v34 =	vadd.f32 v41, v34;
	v41 =	vmul.f32 v58, v56  }
0x111: {  	v54 =	vadd.f32 v40, v39;
	v42 =	vmul.f32 v59, v56;
	v61 =	vmul.f32 v44, v56  }
0x112: {  	v52 =	vld [tilespmem:$0xD070];
	v39 =	vmul.f32 v50, v33;
	v31 =	vand.u32 $0xFFFF0000, v49;
	v62 =	vshll.u32 v55, $0x10  }
0x113: {  	v63 =	vld [tilespmem:$0xD060];
	v48 =	vand.u32 $0xFFFF0000, v55;
	v31 =	vmul.f32 v31, v35;
	v37 =	vadd.f32 v43, v37  }
0x114: {  	v32 =	vadd.f32 v32, v36;
	v36 =	vmul.f32 v57, v56;
	v40 =	vmul.f32 v62, v33  }
0x115: {  	v34 =	vadd.f32 v41, v34;
	v38 =	vmul.f32 v48, v33;
	v33 =	vmul.f32 v51, v33  }
0x116: {  	v57 =	vshll.u32 v49, $0x10;
	v36 =	vadd.f32 v36, v54;
	v37 =	vadd.f32 v42, v37  }
0x117: {  	v55 =	vld [tilespmem:$0xD0F0];
	v58 =	vmul.f32 v57, v35;
	v32 =	vadd.f32 v61, v32;
	v34 =	vadd.f32 v38, v34  }
0x118: {  	v60 =	vshll.u32 v52, $0x10;
	v62 =	vand.u32 $0xFFFF0000, v52;
	v53 =	vshll.u32 v63, $0x10  }
0x119: {  	v54 =	vand.u32 $0xFFFF0000, v63;
	v36 =	vadd.f32 v40, v36;
	v38 =	vmul.f32 v53, v35  }
0x11a: {  	v63 =	vmul.f32 v62, v29;
	v37 =	vadd.f32 v39, v37;
	v56 =	vmul.f32 v54, v35  }
0x11b: {  	v32 =	vadd.f32 v33, v32;
	v33 =	vmul.f32 v60, v29;
	v36 =	vadd.f32 v38, v36  }
0x11c: {  	v41 =	vshll.u32 v55, $0x10;
	v42 =	vand.u32 $0xFFFF0000, v55;
	v59 =	vadd.f32 v56, v34  }
0x11d: {  	s12 =	sand.u32 $0x3C00, s5;
	s9 =	sand.u32 $0x70, s8;
	v61 =	vadd.f32 v58, v37;
	v37 =	vmul.f32 v41, v29;
	v33 =	vadd.f32 v33, v36  }
0x11e: {  	s9 =	sor.u32 s9, s12;
	v31 =	vadd.f32 v31, v32;
	v29 =	vmul.f32 v42, v29;
	v30 =	vadd.f32 v63, v59  }
0x11f: {  	v43 =	vadd.f32 v37, v61;
	[tilespmem:s9+$0xC00] =	vst v33  }
0x120: {  	v26 =	vcvt.s32.f32 v26;
	v28 =	vcvt.s32.f32 v28;
	v29 =	vadd.f32 v29, v31;
	[tilespmem:s9+$0xC80] =	vst v30  }
0x121: {  	v27 =	vcvt.s32.f32 v27;
	[tilespmem:s9+$0xD00] =	vst v43  }
0x122: {  	v23 =	vsub.f32 v23, v26;
	v25 =	vsub.f32 v25, v28;
	[tilespmem:s9+$0xD80] =	vst v29  }
0x123: {  	v24 =	vsub.f32 v24, v27;
	v45 =	vld [tilespmem:$0xD100]  }
0x124: {  	v27 =	vsub.f32 $1.000000000e+00, v23;
	v44 =	vsub.f32 $1.000000000e+00, v25;
	v47 =	vld [tilespmem:$0xD180]  }
0x125: {  	v20 =	vcvt.s32.f32 v20;
	v22 =	vcvt.s32.f32 v22;
	v32 =	vld [tilespmem:$0xD110]  }
0x126: {  	v46 =	vmul.f32 v27, v44;
	v26 =	vmul.f32 v23, v44;
	v29 =	vsub.f32 $1.000000000e+00, v24;
	v50 =	vld [tilespmem:$0xD190]  }
0x127: {  	v27 =	vmul.f32 v27, v25;
	v23 =	vmul.f32 v23, v25;
	v53 =	vld [tilespmem:$0xD120]  }
0x128: {  	v30 =	vmul.f32 v46, v24;
	v54 =	vld [tilespmem:$0xD1A0];
	v48 =	vmul.f32 v29, v46  }
0x129: {  	v61 =	vld [tilespmem:$0xD130];
	v58 =	vmul.f32 v29, v26;
	v26 =	vmul.f32 v24, v26;
	v49 =	vshll.u32 v45, $0x10  }
0x12a: {  	v63 =	vld [tilespmem:$0xD1B0];
	v28 =	vand.u32 $0xFFFF0000, v45;
	v51 =	vshll.u32 v47, $0x10;
	v52 =	vshll.u32 v32, $0x10  }
0x12b: {  	v32 =	vand.u32 $0xFFFF0000, v32;
	v31 =	vand.u32 $0xFFFF0000, v47;
	v56 =	vshll.u32 v50, $0x10  }
0x12c: {  	v57 =	vand.u32 $0xFFFF0000, v50;
	v59 =	vshll.u32 v53, $0x10;
	v60 =	vand.u32 $0xFFFF0000, v53  }
0x12d: {  	v62 =	vshll.u32 v54, $0x10;
	v45 =	vand.u32 $0xFFFF0000, v54;
	v34 =	vmul.f32 v49, v48  }
0x12e: {  	v47 =	vshll.u32 v61, $0x10;
	v28 =	vmul.f32 v28, v48;
	v36 =	vmul.f32 v51, v48  }
0x12f: {  	v50 =	vshll.u32 v63, $0x10;
	v37 =	vmul.f32 v52, v30;
	v32 =	vmul.f32 v32, v30  }
0x130: {  	v31 =	vmul.f32 v31, v48;
	v44 =	vmul.f32 v62, v58;
	v48 =	vand.u32 $0xFFFF0000, v61  }
0x131: {  	v54 =	vld [tilespmem:$0xD150];
	v46 =	vmul.f32 v45, v58;
	v35 =	vmul.f32 v48, v26;
	v55 =	vadd.f32 v37, v34  }
0x132: {  	v49 =	vld [tilespmem:$0xD140];
	v28 =	vadd.f32 v32, v28;
	v32 =	vmul.f32 v56, v30;
	v34 =	vmul.f32 v59, v58  }
0x133: {  	v51 =	vld [tilespmem:$0xD1C0];
	v52 =	vand.u32 $0xFFFF0000, v63;
	v30 =	vmul.f32 v57, v30;
	v37 =	vmul.f32 v60, v58  }
0x134: {  	v62 =	vld [tilespmem:$0xD160];
	v32 =	vadd.f32 v32, v36;
	v33 =	vadd.f32 v34, v55;
	v34 =	vmul.f32 v47, v26  }
0x135: {  	v41 =	vld [tilespmem:$0xD170];
	v28 =	vadd.f32 v37, v28;
	v37 =	vmul.f32 v50, v26;
	v26 =	vmul.f32 v52, v26  }
0x136: {  	v30 =	vadd.f32 v30, v31;
	v55 =	vmul.f32 v29, v27;
	v27 =	vmul.f32 v27, v24  }
0x137: {  	v61 =	vshll.u32 v54, $0x10;
	v63 =	vand.u32 $0xFFFF0000, v54;
	v29 =	vmul.f32 v29, v23  }
0x138: {  	v23 =	vmul.f32 v24, v23;
	v56 =	vshll.u32 v49, $0x10;
	v57 =	vand.u32 $0xFFFF0000, v49  }
0x139: {  	v58 =	vshll.u32 v51, $0x10;
	v38 =	vand.u32 $0xFFFF0000, v51;
	v42 =	vshll.u32 v62, $0x10  }
0x13a: {  	v43 =	vand.u32 $0xFFFF0000, v62;
	v51 =	vand.u32 $0xFFFF0000, v41;
	v31 =	vadd.f32 v44, v32  }
0x13b: {  	v59 =	vld [tilespmem:$0xD1D0];
	v30 =	vadd.f32 v46, v30;
	v28 =	vadd.f32 v35, v28;
	v35 =	vmul.f32 v57, v55  }
0x13c: {  	v53 =	vadd.f32 v34, v33;
	v36 =	vmul.f32 v58, v55;
	v60 =	vmul.f32 v38, v55  }
0x13d: {  	v34 =	vmul.f32 v61, v27;
	v32 =	vmul.f32 v63, v27;
	v31 =	vadd.f32 v37, v31  }
0x13e: {  	v49 =	vshll.u32 v41, $0x10;
	v44 =	vld [tilespmem:$0xD1F0];
	v45 =	vmul.f32 v43, v29;
	v52 =	vmul.f32 v51, v23  }
0x13f: {  	v26 =	vadd.f32 v26, v30;
	v30 =	vmul.f32 v56, v55;
	v31 =	vadd.f32 v36, v31;
	v36 =	vld [tilespmem:$0xD1E0]  }
0x140: {  	v39 =	vshll.u32 v59, $0x10;
	v40 =	vand.u32 $0xFFFF0000, v59;
	v28 =	vadd.f32 v35, v28  }
0x141: {  	v33 =	vmul.f32 v39, v27;
	v27 =	vmul.f32 v40, v27;
	v30 =	vadd.f32 v30, v53  }
0x142: {  	v26 =	vadd.f32 v60, v26;
	v28 =	vadd.f32 v32, v28;
	v32 =	vmul.f32 v42, v29  }
0x143: {  	v53 =	vshll.u32 v44, $0x10;
	v54 =	vand.u32 $0xFFFF0000, v44;
	v30 =	vadd.f32 v34, v30  }
0x144: {  	v31 =	vadd.f32 v33, v31;
	v26 =	vadd.f32 v27, v26;
	v46 =	vshll.u32 v36, $0x10  }
0x145: {  	v48 =	vadd.f32 v45, v28;
	v25 =	vand.u32 $0xFFFF0000, v36;
	v47 =	vmul.f32 v46, v29  }
0x146: {  	v27 =	vmul.f32 v49, v23;
	v30 =	vadd.f32 v32, v30;
	v25 =	vmul.f32 v25, v29  }
0x147: {  	v24 =	vadd.f32 v52, v48;
	v50 =	vadd.f32 v47, v31;
	v31 =	vmul.f32 v53, v23  }
0x148: {  	v27 =	vadd.f32 v27, v30;
	v25 =	vadd.f32 v25, v26;
	v23 =	vmul.f32 v54, v23  }
0x149: {  	v21 =	vcvt.s32.f32 v21;
	v17 =	vsub.f32 v17, v20;
	[tilespmem:s9+$0xE80] =	vst v24;
	v55 =	vadd.f32 v31, v50  }
0x14a: {  	s12 =	sor.u32 s5, s8;
	v19 =	vsub.f32 v19, v22;
	[tilespmem:s9+$0xE00] =	vst v27;
	v23 =	vadd.f32 v23, v25  }
0x14b: {  	s12 =	sor.u32 $0x380, s12;
	v18 =	vsub.f32 v18, v21;
	[tilespmem:s9+$0xF00] =	vst v55  }
0x14c: {  	v57 =	vsub.f32 $1.000000000e+00, v17;
	v56 =	vsub.f32 $1.000000000e+00, v19;
	[tilespmem:s12+$0xC00] =	vst v23  }
0x14d: {  	v58 =	vld [tilespmem:$0xD200]  }
0x14e: {  	v21 =	vmul.f32 v57, v19;
	v59 =	vmul.f32 v57, v56;
	v23 =	vsub.f32 $1.000000000e+00, v18;
	v60 =	vld [tilespmem:$0xD280]  }
0x14f: {  	v20 =	vmul.f32 v17, v56;
	v17 =	vmul.f32 v17, v19;
	v26 =	vld [tilespmem:$0xD210]  }
0x150: {  	v24 =	vmul.f32 v59, v18;
	v63 =	vld [tilespmem:$0xD290];
	v61 =	vmul.f32 v23, v59  }
0x151: {  	v37 =	vld [tilespmem:$0xD220];
	v42 =	vmul.f32 v23, v20;
	v20 =	vmul.f32 v18, v20  }
0x152: {  	v38 =	vld [tilespmem:$0xD2A0];
	v59 =	vmul.f32 v23, v21;
	v21 =	vmul.f32 v21, v18  }
0x153: {  	v45 =	vld [tilespmem:$0xD230];
	v23 =	vmul.f32 v23, v17;
	v17 =	vmul.f32 v18, v17  }
0x154: {  	v47 =	vld [tilespmem:$0xD2B0];
	v62 =	vshll.u32 v58, $0x10;
	v22 =	vand.u32 $0xFFFF0000, v58;
	v35 =	vshll.u32 v60, $0x10  }
0x155: {  	v36 =	vshll.u32 v26, $0x10;
	v26 =	vand.u32 $0xFFFF0000, v26;
	v25 =	vand.u32 $0xFFFF0000, v60  }
0x156: {  	v53 =	vld [tilespmem:$0xD240];
	v40 =	vshll.u32 v63, $0x10;
	v41 =	vand.u32 $0xFFFF0000, v63;
	v43 =	vshll.u32 v37, $0x10  }
0x157: {  	v55 =	vld [tilespmem:$0xD2C0];
	v44 =	vand.u32 $0xFFFF0000, v37;
	v46 =	vshll.u32 v38, $0x10;
	v49 =	vand.u32 $0xFFFF0000, v38  }
0x158: {  	v51 =	vshll.u32 v45, $0x10;
	v52 =	vand.u32 $0xFFFF0000, v45;
	v28 =	vmul.f32 v62, v61  }
0x159: {  	v54 =	vshll.u32 v47, $0x10;
	v22 =	vmul.f32 v22, v61;
	v30 =	vmul.f32 v35, v61  }
0x15a: {  	v56 =	vand.u32 $0xFFFF0000, v47;
	v31 =	vmul.f32 v36, v24;
	v26 =	vmul.f32 v26, v24  }
0x15b: {  	v60 =	vshll.u32 v53, $0x10;
	v25 =	vmul.f32 v25, v61;
	v48 =	vmul.f32 v46, v42  }
0x15c: {  	v58 =	vld [tilespmem:$0xD250];
	v32 =	vand.u32 $0xFFFF0000, v55;
	v50 =	vmul.f32 v49, v42;
	v29 =	vmul.f32 v52, v20  }
0x15d: {  	v63 =	vld [tilespmem:$0xD2D0];
	v61 =	vand.u32 $0xFFFF0000, v53;
	v22 =	vadd.f32 v26, v22;
	v26 =	vmul.f32 v40, v24  }
0x15e: {  	v38 =	vld [tilespmem:$0xD260];
	v39 =	vadd.f32 v31, v28;
	v24 =	vmul.f32 v41, v24;
	v28 =	vmul.f32 v43, v42  }
0x15f: {  	v62 =	vshll.u32 v55, $0x10;
	v31 =	vmul.f32 v44, v42;
	v26 =	vadd.f32 v26, v30  }
0x160: {  	v36 =	vmul.f32 v32, v59;
	v46 =	vld [tilespmem:$0xD2F0];
	v24 =	vadd.f32 v24, v25;
	v27 =	vadd.f32 v28, v39  }
0x161: {  	v22 =	vadd.f32 v31, v22;
	v28 =	vmul.f32 v51, v20;
	v31 =	vmul.f32 v54, v20  }
0x162: {  	v20 =	vmul.f32 v56, v20;
	v30 =	vmul.f32 v62, v59;
	v37 =	vshll.u32 v58, $0x10  }
0x163: {  	v40 =	vld [tilespmem:$0xD2E0];
	v39 =	vand.u32 $0xFFFF0000, v58;
	v41 =	vshll.u32 v63, $0x10;
	v45 =	vand.u32 $0xFFFF0000, v38  }
0x164: {  	v42 =	vand.u32 $0xFFFF0000, v63;
	v44 =	vshll.u32 v38, $0x10;
	v47 =	vmul.f32 v45, v23  }
0x165: {  	v43 =	vld [tilespmem:$0xD270];
	v55 =	vshll.u32 v46, $0x10;
	v56 =	vand.u32 $0xFFFF0000, v46;
	v25 =	vadd.f32 v48, v26  }
0x166: {  	v24 =	vadd.f32 v50, v24;
	v22 =	vadd.f32 v29, v22;
	v29 =	vmul.f32 v61, v59  }
0x167: {  	v57 =	vadd.f32 v28, v27;
	v28 =	vmul.f32 v37, v21;
	v26 =	vmul.f32 v39, v21  }
0x168: {  	v27 =	vmul.f32 v41, v21;
	v21 =	vmul.f32 v42, v21;
	v48 =	vshll.u32 v40, $0x10  }
0x169: {  	v19 =	vand.u32 $0xFFFF0000, v40;
	v20 =	vadd.f32 v20, v24;
	v24 =	vmul.f32 v60, v59  }
0x16a: {  	v51 =	vshll.u32 v43, $0x10;
	v25 =	vadd.f32 v31, v25;
	v22 =	vadd.f32 v29, v22  }
0x16b: {  	v53 =	vand.u32 $0xFFFF0000, v43;
	v49 =	vmul.f32 v48, v23;
	v24 =	vadd.f32 v24, v57  }
0x16c: {  	v19 =	vmul.f32 v19, v23;
	v25 =	vadd.f32 v30, v25;
	v22 =	vadd.f32 v26, v22  }
0x16d: {  	v20 =	vadd.f32 v36, v20;
	v26 =	vmul.f32 v44, v23;
	v24 =	vadd.f32 v28, v24  }
0x16e: {  	v54 =	vmul.f32 v53, v17;
	v25 =	vadd.f32 v27, v25;
	v50 =	vadd.f32 v47, v22  }
0x16f: {  	v20 =	vadd.f32 v21, v20;
	v21 =	vmul.f32 v51, v17;
	v24 =	vadd.f32 v26, v24  }
0x170: {  	v52 =	vadd.f32 v49, v25;
	v25 =	vmul.f32 v55, v17;
	v18 =	vadd.f32 v54, v50  }
0x171: {  	v19 =	vadd.f32 v19, v20;
	v17 =	vmul.f32 v56, v17;
	v21 =	vadd.f32 v21, v24  }
0x172: {  	v14 =	vcvt.s32.f32 v14;
	v16 =	vcvt.s32.f32 v16;
	v57 =	vadd.f32 v25, v52;
	[tilespmem:s9+$0x4C80] =	vst v18  }
0x173: {  	v15 =	vcvt.s32.f32 v15;
	v17 =	vadd.f32 v17, v19;
	[tilespmem:s9+$0x4C00] =	vst v21  }
0x174: {  	v11 =	vsub.f32 v11, v14;
	v13 =	vsub.f32 v13, v16;
	[tilespmem:s9+$0x4D00] =	vst v57  }
0x175: {  	v12 =	vsub.f32 v12, v15;
	[tilespmem:s9+$0x4D80] =	vst v17  }
0x176: {  	v58 =	vsub.f32 $1.000000000e+00, v13;
	v59 =	vsub.f32 $1.000000000e+00, v11;
	v60 =	vld [tilespmem:$0xD300]  }
0x177: {  	v62 =	vld [tilespmem:$0xD380]  }
0x178: {  	v14 =	vmul.f32 v11, v58;
	v61 =	vmul.f32 v59, v58;
	v17 =	vsub.f32 $1.000000000e+00, v12;
	v20 =	vld [tilespmem:$0xD310]  }
0x179: {  	v11 =	vmul.f32 v11, v13;
	v15 =	vmul.f32 v59, v13;
	v31 =	vld [tilespmem:$0xD390]  }
0x17a: {  	v18 =	vmul.f32 v61, v12;
	v34 =	vld [tilespmem:$0xD320];
	v63 =	vmul.f32 v17, v61  }
0x17b: {  	v35 =	vld [tilespmem:$0xD3A0];
	v39 =	vmul.f32 v17, v14;
	v14 =	vmul.f32 v12, v14  }
0x17c: {  	v42 =	vld [tilespmem:$0xD330];
	v56 =	vmul.f32 v17, v15;
	v15 =	vmul.f32 v15, v12  }
0x17d: {  	v44 =	vld [tilespmem:$0xD3B0];
	v17 =	vmul.f32 v17, v11;
	v11 =	vmul.f32 v12, v11  }
0x17e: {  	v50 =	vld [tilespmem:$0xD340];
	v30 =	vshll.u32 v60, $0x10;
	v16 =	vand.u32 $0xFFFF0000, v60;
	v32 =	vshll.u32 v62, $0x10  }
0x17f: {  	v52 =	vld [tilespmem:$0xD3C0];
	v33 =	vshll.u32 v20, $0x10;
	v20 =	vand.u32 $0xFFFF0000, v20;
	v19 =	vand.u32 $0xFFFF0000, v62  }
0x180: {  	v37 =	vshll.u32 v31, $0x10;
	v38 =	vand.u32 $0xFFFF0000, v31;
	v40 =	vshll.u32 v34, $0x10  }
0x181: {  	v55 =	vld [tilespmem:$0xD350];
	v41 =	vand.u32 $0xFFFF0000, v34;
	v43 =	vshll.u32 v35, $0x10;
	v46 =	vand.u32 $0xFFFF0000, v35  }
0x182: {  	v48 =	vshll.u32 v42, $0x10;
	v49 =	vand.u32 $0xFFFF0000, v42;
	v51 =	vshll.u32 v44, $0x10  }
0x183: {  	v29 =	vld [tilespmem:$0xD3E0];
	v53 =	vand.u32 $0xFFFF0000, v44;
	v57 =	vshll.u32 v50, $0x10;
	v58 =	vand.u32 $0xFFFF0000, v50  }
0x184: {  	v59 =	vshll.u32 v52, $0x10;
	v22 =	vmul.f32 v30, v63;
	v16 =	vmul.f32 v16, v63  }
0x185: {  	v26 =	vand.u32 $0xFFFF0000, v52;
	v24 =	vmul.f32 v32, v63;
	v25 =	vmul.f32 v33, v18  }
0x186: {  	v62 =	vshll.u32 v55, $0x10;
	v20 =	vmul.f32 v20, v18;
	v19 =	vmul.f32 v19, v63  }
0x187: {  	v28 =	vand.u32 $0xFFFF0000, v55;
	v45 =	vmul.f32 v43, v39;
	v47 =	vmul.f32 v46, v39  }
0x188: {  	v60 =	vld [tilespmem:$0xD3D0];
	v13 =	vand.u32 $0xFFFF0000, v29;
	v23 =	vmul.f32 v49, v14;
	v61 =	vmul.f32 v26, v56  }
0x189: {  	v35 =	vld [tilespmem:$0xD3F0];
	v13 =	vmul.f32 v13, v17;
	v16 =	vadd.f32 v20, v16;
	v20 =	vmul.f32 v37, v18  }
0x18a: {  	v63 =	vld [tilespmem:$0xD360];
	v36 =	vadd.f32 v25, v22;
	v18 =	vmul.f32 v38, v18;
	v22 =	vmul.f32 v40, v39  }
0x18b: {  	v32 =	vld [tilespmem:$0xD370];
	v25 =	vmul.f32 v41, v39;
	v37 =	vshll.u32 v29, $0x10;
	v20 =	vadd.f32 v20, v24  }
0x18c: {  	v38 =	vmul.f32 v37, v17;
	v18 =	vadd.f32 v18, v19;
	v21 =	vadd.f32 v22, v36  }
0x18d: {  	v16 =	vadd.f32 v25, v16;
	v22 =	vmul.f32 v48, v14;
	v25 =	vmul.f32 v51, v14  }
0x18e: {  	v14 =	vmul.f32 v53, v14;
	v24 =	vmul.f32 v59, v56;
	v30 =	vshll.u32 v60, $0x10  }
0x18f: {  	v31 =	vand.u32 $0xFFFF0000, v60;
	v44 =	vshll.u32 v35, $0x10;
	v33 =	vshll.u32 v63, $0x10  }
0x190: {  	v34 =	vand.u32 $0xFFFF0000, v63;
	v40 =	vshll.u32 v32, $0x10;
	v19 =	vadd.f32 v45, v20  }
0x191: {  	v42 =	vand.u32 $0xFFFF0000, v32;
	v18 =	vadd.f32 v47, v18;
	v54 =	vadd.f32 v22, v21  }
0x192: {  	v16 =	vadd.f32 v23, v16;
	v23 =	vmul.f32 v58, v56;
	v22 =	vmul.f32 v62, v15  }
0x193: {  	v20 =	vmul.f32 v28, v15;
	v14 =	vadd.f32 v14, v18;
	v18 =	vmul.f32 v57, v56  }
0x194: {  	v21 =	vmul.f32 v30, v15;
	v19 =	vadd.f32 v25, v19;
	v16 =	vadd.f32 v23, v16  }
0x195: {  	v15 =	vmul.f32 v31, v15;
	v36 =	vmul.f32 v34, v17;
	v18 =	vadd.f32 v18, v54  }
0x196: {  	v43 =	vmul.f32 v42, v11;
	v19 =	vadd.f32 v24, v19;
	v16 =	vadd.f32 v20, v16  }
0x197: {  	v14 =	vadd.f32 v61, v14;
	v20 =	vmul.f32 v33, v17;
	v18 =	vadd.f32 v22, v18  }
0x198: {  	v45 =	vand.u32 $0xFFFF0000, v35;
	v19 =	vadd.f32 v21, v19;
	v39 =	vadd.f32 v36, v16  }
0x199: {  	v14 =	vadd.f32 v15, v14;
	v15 =	vmul.f32 v40, v11;
	v18 =	vadd.f32 v20, v18  }
0x19a: {  	v41 =	vadd.f32 v38, v19;
	v19 =	vmul.f32 v44, v11;
	v12 =	vadd.f32 v43, v39  }
0x19b: {  	v13 =	vadd.f32 v13, v14;
	v11 =	vmul.f32 v45, v11;
	v15 =	vadd.f32 v15, v18  }
0x19c: {  	v46 =	vadd.f32 v19, v41;
	[tilespmem:s9+$0x4E80] =	vst v12  }
0x19d: {  	v8 =	vcvt.s32.f32 v8;
	v10 =	vcvt.s32.f32 v10;
	v11 =	vadd.f32 v11, v13;
	[tilespmem:s9+$0x4E00] =	vst v15  }
0x19e: {  	v9 =	vcvt.s32.f32 v9;
	[tilespmem:s9+$0x4F00] =	vst v46  }
0x19f: {  	v5 =	vsub.f32 v5, v8;
	v7 =	vsub.f32 v7, v10;
	[tilespmem:s9+$0x4F80] =	vst v11  }
0x1a0: {  	v6 =	vsub.f32 v6, v9;
	v49 =	vld [tilespmem:$0xD400]  }
0x1a1: {  	v48 =	vsub.f32 $1.000000000e+00, v5;
	v47 =	vsub.f32 $1.000000000e+00, v7;
	v51 =	vld [tilespmem:$0xD480]  }
0x1a2: {  	v14 =	vld [tilespmem:$0xD410]  }
0x1a3: {  	v9 =	vmul.f32 v48, v7;
	v50 =	vmul.f32 v48, v47;
	v11 =	vsub.f32 $1.000000000e+00, v6;
	v54 =	vld [tilespmem:$0xD490]  }
0x1a4: {  	v8 =	vmul.f32 v5, v47;
	v5 =	vmul.f32 v5, v7;
	v57 =	vld [tilespmem:$0xD420]  }
0x1a5: {  	v12 =	vmul.f32 v50, v6;
	v58 =	vld [tilespmem:$0xD4A0];
	v52 =	vmul.f32 v11, v50  }
0x1a6: {  	v25 =	vld [tilespmem:$0xD430];
	v62 =	vmul.f32 v11, v8;
	v8 =	vmul.f32 v6, v8  }
0x1a7: {  	v27 =	vld [tilespmem:$0xD4B0];
	v39 =	vmul.f32 v11, v9;
	v9 =	vmul.f32 v9, v6  }
0x1a8: {  	v33 =	vld [tilespmem:$0xD440];
	v11 =	vmul.f32 v11, v5;
	v5 =	vmul.f32 v6, v5  }
0x1a9: {  	v35 =	vld [tilespmem:$0xD4C0];
	v53 =	vshll.u32 v49, $0x10;
	v10 =	vand.u32 $0xFFFF0000, v49;
	v55 =	vshll.u32 v51, $0x10  }
0x1aa: {  	v38 =	vld [tilespmem:$0xD450];
	v56 =	vshll.u32 v14, $0x10;
	v14 =	vand.u32 $0xFFFF0000, v14;
	v13 =	vand.u32 $0xFFFF0000, v51  }
0x1ab: {  	v60 =	vshll.u32 v54, $0x10;
	v61 =	vand.u32 $0xFFFF0000, v54;
	v63 =	vshll.u32 v57, $0x10  }
0x1ac: {  	v43 =	vld [tilespmem:$0xD4D0];
	v24 =	vand.u32 $0xFFFF0000, v57;
	v26 =	vshll.u32 v58, $0x10;
	v29 =	vand.u32 $0xFFFF0000, v58  }
0x1ad: {  	v31 =	vshll.u32 v25, $0x10;
	v32 =	vand.u32 $0xFFFF0000, v25;
	v34 =	vshll.u32 v27, $0x10  }
0x1ae: {  	v46 =	vld [tilespmem:$0xD460];
	v36 =	vand.u32 $0xFFFF0000, v27;
	v40 =	vshll.u32 v33, $0x10;
	v41 =	vand.u32 $0xFFFF0000, v33  }
0x1af: {  	v7 =	vld [tilespmem:$0xD4E0];
	v42 =	vshll.u32 v35, $0x10;
	v20 =	vand.u32 $0xFFFF0000, v35;
	v45 =	vshll.u32 v38, $0x10  }
0x1b0: {  	v50 =	vld [tilespmem:$0xD470];
	v47 =	vand.u32 $0xFFFF0000, v38;
	v16 =	vmul.f32 v53, v52;
	v10 =	vmul.f32 v10, v52  }
0x1b1: {  	v48 =	vshll.u32 v43, $0x10;
	v18 =	vmul.f32 v55, v52;
	v19 =	vmul.f32 v56, v12  }
0x1b2: {  	v49 =	vand.u32 $0xFFFF0000, v43;
	v14 =	vmul.f32 v14, v12;
	v13 =	vmul.f32 v13, v52  }
0x1b3: {  	v51 =	vshll.u32 v46, $0x10;
	v28 =	vmul.f32 v26, v62;
	v30 =	vmul.f32 v29, v62  }
0x1b4: {  	v17 =	vmul.f32 v32, v8;
	v44 =	vmul.f32 v20, v39;
	v52 =	vand.u32 $0xFFFF0000, v46  }
0x1b5: {  	v55 =	vshll.u32 v7, $0x10;
	v7 =	vand.u32 $0xFFFF0000, v7;
	v57 =	vshll.u32 v50, $0x10  }
0x1b6: {  	v54 =	vmul.f32 v52, v11;
	v10 =	vadd.f32 v14, v10;
	v14 =	vmul.f32 v60, v12  }
0x1b7: {  	v53 =	vld [tilespmem:$0xD4F0];
	v59 =	vadd.f32 v19, v16;
	v12 =	vmul.f32 v61, v12;
	v16 =	vmul.f32 v63, v62  }
0x1b8: {  	v56 =	vmul.f32 v55, v11;
	v19 =	vmul.f32 v24, v62;
	v14 =	vadd.f32 v14, v18  }
0x1b9: {  	v7 =	vmul.f32 v7, v11;
	v12 =	vadd.f32 v12, v13;
	v15 =	vadd.f32 v16, v59  }
0x1ba: {  	v10 =	vadd.f32 v19, v10;
	v16 =	vmul.f32 v31, v8;
	v19 =	vmul.f32 v34, v8  }
0x1bb: {  	v8 =	vmul.f32 v36, v8;
	v18 =	vmul.f32 v42, v39;
	v59 =	vand.u32 $0xFFFF0000, v50  }
0x1bc: {  	v60 =	vmul.f32 v59, v5;
	v61 =	vshll.u32 v53, $0x10;
	v12 =	vadd.f32 v30, v12  }
0x1bd: {  	v13 =	vadd.f32 v28, v14;
	v10 =	vadd.f32 v17, v10;
	v17 =	vmul.f32 v41, v39  }
0x1be: {  	v37 =	vadd.f32 v16, v15;
	v8 =	vadd.f32 v8, v12;
	v12 =	vmul.f32 v40, v39  }
0x1bf: {  	v14 =	vmul.f32 v47, v9;
	v13 =	vadd.f32 v19, v13;
	v10 =	vadd.f32 v17, v10  }
0x1c0: {  	v16 =	vmul.f32 v45, v9;
	v15 =	vmul.f32 v48, v9;
	v12 =	vadd.f32 v12, v37  }
0x1c1: {  	v9 =	vmul.f32 v49, v9;
	v13 =	vadd.f32 v18, v13;
	v10 =	vadd.f32 v14, v10  }
0x1c2: {  	v8 =	vadd.f32 v44, v8;
	v14 =	vmul.f32 v51, v11;
	v12 =	vadd.f32 v16, v12  }
0x1c3: {  	v62 =	vand.u32 $0xFFFF0000, v53;
	v13 =	vadd.f32 v15, v13;
	v6 =	vadd.f32 v54, v10  }
0x1c4: {  	v8 =	vadd.f32 v9, v8;
	v9 =	vmul.f32 v57, v5;
	v12 =	vadd.f32 v14, v12  }
0x1c5: {  	p1 =	sne.s32 s8, $0x3F0;
	v58 =	vadd.f32 v56, v13;
	v13 =	vmul.f32 v61, v5;
	v6 =	vadd.f32 v60, v6  }
.Ltmp1:
0x1c6: {  	v7 =	vadd.f32 v7, v8;
	v5 =	vmul.f32 v62, v5;
	v9 =	vadd.f32 v9, v12;
	(pc) =	sbr.rel @p1 .LBB2_5-.Ltmp1, $4  }
0x1c7: {  	v63 =	vadd.f32 v13, v58;
	[tilespmem:s9+$0x8C80] =	vst v6  }
0x1c8: {  	v5 =	vadd.f32 v5, v7;
	[tilespmem:s9+$0x8C00] =	vst v9  }
0x1c9: {  	[tilespmem:s9+$0x8D00] =	vst v63  }
0x1ca: {  	s7 =	sadd.s32 $0x10, s7;
	s5 =	sadd.s32 $0x80, s5;
	s8 =	sadd.s32 $0x10, s8;
	[tilespmem:s9+$0x8D80] =	vst v5  }
0x1cb: {  	s5 =	sshll.u32 s20, $0x3;
	s17 =	sadd.s32 $0x1, s17  }
0x1cc: {  	s8 =	sadd.s32 s13, s19;
	s7 =	sadd.s32 $0xC00, s5;
	p1 =	sne.s32 s17, $0x20  }
0x1cd: {  	[hbm4b:s8+s4] =	stream.linear.scatter [tilespmem:s7], [sflag:$0x2], $0x2000, $0x38;
	[tilespmem:$0x17B00] =	vst v63  }
.Ltmp2:
0x1ce: {  	_ = 	snop;
	(pc) =	sbr.rel @p1 .LBB2_4-.Ltmp2, $4  }
0x1cf: {  	s19 =	sadd.s32 $0x4C00, s5;
	s9 =	sadd.s32 $0x80000, s8  }
0x1d0: {  	[hbm4b:s9+s4] =	stream.linear.scatter [tilespmem:s19], [sflag:$0x2], $0x2000, $0x38;
	[tilespmem:$0x17B00] =	vst v63  }
0x1d1: {  	p0 =	por !p0, !p0;
	s5 =	sadd.s32 $0x8C00, s5;
	s20 =	sadd.s32 $0x100000, s8  }
0x1d2: {  	[hbm4b:s20+s4] =	stream.linear.scatter [tilespmem:s5], [sflag:$0x2], $0x2000, $0x38;
	[tilespmem:$0x17B00] =	vst v63  }
0x1d3: {  	s7 =	simm.s32 $0x2  }
0x1d4: {  	_ =	swait.ge [sflag:s7], $0x6000  }
0x1d5: {  	[sflag:s7] =	ssyncset.done $0x0  }
0x1d6: {  	[sflag:s7] =	ssyncadd.s32 $0xFFFFA000  }
0x1d7: {  	_ =	swait.ge [sflag:s7], $0x6000  }
0x1d8: {  	s8 =	rddreg [dreg:$0xd]  }
0x1d9: {  	s5 =	rddreg [dreg:$0x9];
	s8 =	sadd.s32 $0x1, s8  }
0x1da: {  	p0 =	sne.s32 s8, s5  }
.Ltmp3:
0x1db: {  	_ = 	snop;
	(pc) =	sbr.rel @p0 .LBB2_1-.Ltmp3, $3  }
0x1dc: {  	_ =	sdelay $0x1  }
0x1dd: {  	s19 =	simm.s32 $0xD800;
	[sflag:s7] =	ssyncset.done $0x0;
	s12 =	rddreg [dreg:$0xb]  }
0x1de: {  	s20 =	simm.s32 $0xDA00;
	s17 =	rddreg [dreg:$0xc];
	[sflag:s7] =	ssyncadd.s32 $0xFFFFA000  }
0x1df: {  	_ =	sfence.sel $0x180000  }
0x1e0: {  	[bflag:$0x0] =	sbarrier.arrive $0xFFFF  }
0x1e1: {  	_ =	strace $0x90000047  }
0x1e2: {  	s0 =	stileid.u32;
	[bflag:$0x2] =	sbarrier.arrive $0xFFFF  }
0x1e3: {  	p0 =	sne.s32 s0, $0x0;
	s0 =	rddreg [dreg:$0x5]  }
0x1e4: {  	s0 =	sadd.s32 @!p0 $0x100000, s0  }
0x1e5: {  	[sflag:s0] =	ssyncadd.tile.s32 @!p0 $0x1;
	_ =	shalt  }
.Lfunc_end2:
_tile_overlayer_lowered:
.L_overlay_start_2:
0x1e6: {  	(tag) =	ssettag $0x2  }
0x1e7: {  	s0 =	rddreg [dreg:$0x0];
	s2 =	stileid.u32  }
0x1e8: {  	s1 =	rddreg [dreg:$0x1];
	p0 =	sne.s32 s2, $0x0  }
0x1e9: {  	s3 =	rddreg [dreg:$0x2];
	[bflag:$0x3] =	sbarrier.arrive $0xFFFF;
	s2 =	simm.s32 @!p0 $0x1C03  }
0x1ea: {  	[timem:s3], [sflag:s2] =	dma.local @!p0 [hbm:s0], s1  }
0x1eb: {  	s0 =	simm.s32 @!p0 $0x3  }
0x1ec: {  	_ =	swait.ge @!p0 [sflag:s0], s1  }
0x1ed: {  	s1 =	ssub.s32 @!p0 $0x0, s1;
	[sflag:s0] =	ssyncset.done @!p0 $0x0  }
0x1ee: {  	[sflag:s0] =	ssyncadd.s32 @!p0 s1  }
0x1ef: {  	[bflag:$0x3] =	sbarrier.arrive $0xFFFF  }
0x1f0: {  	_ =	shalt  }

</sc_bundles>
